<compile_context>
chip_gen: v7x
topology: tpu7x:2x2x1
jax: 0.10.2.dev20260603
libtpu: 0.0.44.dev20260713+nightly
codegen_flags: <defaults>
</compile_context>

<pallas_src>
import functools

import jax
import jax.numpy as jnp
from jax import lax
from jax.experimental import pallas as pl
from jax.experimental.pallas import tpu as pltpu
from jax.experimental.pallas import tpu_sc as plsc

_NC = 2
_NS = 16

_D = 128
_K = 10

_C = 32


def _sum_k_rows(nr, nsum_v, chunk):

    @pl.loop(0, chunk)
    def _node_loop(i):
        r0 = i * _K
        for cc in range(_D // 16):
            sl = pl.ds(cc * 16, 16)
            acc = nr[r0, sl]
            for j in range(1, _K):
                acc = acc + nr[r0 + j, sl]
            nsum_v[i, sl] = acc


def _build_sc_gather(b: int, m0: int, m1: int):
    assert _NS * (m0 + m1) * _C >= b
    assert m0 % 2 == 0 and m1 % 2 == 0
    assert b % 16 == 0 and b >= _C
    core0_len = _NS * m0 * _C

    mesh = plsc.VectorSubcoreMesh(core_axis_name="c", subcore_axis_name="s")

    @functools.partial(
        pl.kernel,
        mesh=mesh,
        compiler_params=pltpu.CompilerParams(use_tc_tiling_on_sc=True),
        out_type=(
            jax.ShapeDtypeStruct((b, _D), jnp.float32),
            jax.ShapeDtypeStruct((b, _D), jnp.float32),
        ),
        scratch_types=[
            pltpu.VMEM((_C,), jnp.int32),
            pltpu.VMEM((_C,), jnp.int32),
            pltpu.VMEM((_C * _K,), jnp.int32),
            pltpu.VMEM((_C * _K,), jnp.int32),
            pltpu.VMEM((_C, _D), jnp.float32),
            pltpu.VMEM((_C, _D), jnp.float32),
            pltpu.VMEM((_C * _K, _D), jnp.float32),
            pltpu.VMEM((_C * _K, _D), jnp.float32),
            pltpu.VMEM((_C, _D), jnp.float32),
            pltpu.SemaphoreType.DMA,
            pltpu.SemaphoreType.DMA,
            pltpu.SemaphoreType.DMA,
            pltpu.SemaphoreType.DMA,
            pltpu.SemaphoreType.DMA,
            pltpu.SemaphoreType.DMA,
        ],
    )
    def sc_gather(nodes_hbm, neigh_hbm, table_hbm, self_out, nsum_out,
                  sidx0, sidx1, nidx0, nidx1, srows0, srows1, nrows0, nrows1,
                  nsum_v, isem0, isem1, ssem0, ssem1, nsem0, nsem1):
        c = lax.axis_index("c")
        s = lax.axis_index("s")

        is0 = c == 0
        mw = jnp.where(is0, m0, m1)
        base = jnp.where(is0, s * (m0 * _C), core0_len + s * (m1 * _C))
        sidx = (sidx0, sidx1)
        nidx = (nidx0, nidx1)
        srows = (srows0, srows1)
        nrows = (nrows0, nrows1)
        isem = (isem0, isem1)
        ssem = (ssem0, ssem1)
        nsem = (nsem0, nsem1)

        def chunk_off(g):
            off = jnp.minimum(base + g * _C, b - _C)
            return pl.multiple_of(off, 16)

        def idx_load(g, p):
            off = chunk_off(g)
            pltpu.async_copy(nodes_hbm.at[pl.ds(off, _C)], sidx[p], isem[p])
            pltpu.async_copy(neigh_hbm.at[pl.ds(off * _K, _C * _K)],
                             nidx[p], isem[p])

        def gather(g, p):
            pltpu.make_async_copy(nodes_hbm.at[pl.ds(0, _C)], sidx[p],
                                  isem[p]).wait()
            pltpu.make_async_copy(neigh_hbm.at[pl.ds(0, _C * _K)], nidx[p],
                                  isem[p]).wait()
            pltpu.async_copy(table_hbm.at[sidx[p]], srows[p], ssem[p])
            pltpu.async_copy(table_hbm.at[nidx[p]], nrows[p], nsem[p])

        def gather_wait(p):
            pltpu.make_async_copy(table_hbm.at[sidx[p]], srows[p],
                                  ssem[p]).wait()
            pltpu.make_async_copy(table_hbm.at[nidx[p]], nrows[p],
                                  nsem[p]).wait()

        def compute(g, p):
            off = chunk_off(g)
            pltpu.sync_copy(srows[p], self_out.at[pl.ds(off, _C)])
            _sum_k_rows(nrows[p], nsum_v, _C)
            pltpu.sync_copy(nsum_v, nsum_out.at[pl.ds(off, _C)])

        idx_load(0, 0)
        idx_load(1, 1)
        gather(0, 0)

        @pl.loop(0, mw - 2, step=2)
        def _chunk_loop(g):
            gather(g + 1, 1)
            gather_wait(0)
            idx_load(g + 2, 0)
            compute(g, 0)
            gather(g + 2, 0)
            gather_wait(1)
            idx_load(g + 3, 1)
            compute(g + 1, 1)

        gather(mw - 1, 1)
        gather_wait(0)
        compute(mw - 2, 0)
        gather_wait(1)
        compute(mw - 1, 1)

    return sc_gather


def _tc_matmul_body(s_ref, n_ref, w_ref, o_ref):
    s = s_ref[...]
    n = n_ref[...] * (1.0 / _K)
    acc = jnp.dot(s, w_ref[0:_D, :], preferred_element_type=jnp.float32)
    acc = acc + jnp.dot(n, w_ref[_D:2 * _D, :], preferred_element_type=jnp.float32)
    o_ref[...] = jnp.maximum(acc, 0.0)


def _tc_matmul(self_rows, nsum, w, bm: int):
    b_pad = self_rows.shape[0]
    grid = (b_pad // bm,)
    return pl.pallas_call(
        _tc_matmul_body,
        grid=grid,
        in_specs=[
            pl.BlockSpec((bm, _D), lambda i: (i, 0)),
            pl.BlockSpec((bm, _D), lambda i: (i, 0)),
            pl.BlockSpec((2 * _D, _D), lambda i: (0, 0)),
        ],
        out_specs=pl.BlockSpec((bm, _D), lambda i: (i, 0)),
        out_shape=jax.ShapeDtypeStruct((b_pad, _D), jnp.float32),
    )(self_rows, nsum, w)


def kernel(nodes, neigh_idx, feat_table, W):
    b = nodes.shape[0]

    share0 = 0.54
    m0 = max(2, 2 * round(share0 * b / (_NS * _C * 2)))
    rem = b - _NS * m0 * _C
    m1 = max(2, 2 * (-(-rem // (_NS * _C * 2))))

    neigh_flat = neigh_idx.reshape(-1)

    sc = _build_sc_gather(b, m0, m1)
    self_rows, nsum = sc(nodes, neigh_flat, feat_table)

    bm = 8
    for cand in (2000, 1024, 512, 1000, 400, 256, 200, 128, 80, 16):
        if b % cand == 0:
            bm = cand
            break
    out = _tc_matmul(self_rows, nsum, W, bm=bm)
    return out

# --- scband reference (transcript-rebuilt; emitter-appended) ---
"""Pipeline reference for scband-encoder-49598282334814 (READ-ONLY COPY).

The authoritative reference and input builder live on the scoring server;
editing this copy changes nothing except your own understanding.
"""

import jax, jax.numpy as jnp
import numpy as np

N_NODES = 100000
D_FEAT = 128
EMBED_DIM = 128
NUM_SAMPLE = 10
B = 50000


def setup_inputs(seed: int = 0) -> dict:
    key = jax.random.key(seed)
    k1, k2, k3, k4 = jax.random.split(key, 4)
    nodes = jax.random.randint(k1, (B,), 0, N_NODES, dtype=jnp.int64 if jax.config.jax_enable_x64 else jnp.int32).astype(jnp.int32)
    neigh_idx = jax.random.randint(k2, (B, NUM_SAMPLE), 0, N_NODES).astype(jnp.int32)
    feat_table = jax.random.normal(k3, (N_NODES, D_FEAT), dtype=jnp.float32)
    W = jax.random.normal(k4, (2 * D_FEAT, EMBED_DIM), dtype=jnp.float32) * (1.0 / np.sqrt(2 * D_FEAT))
    return {"nodes": nodes, "neigh_idx": neigh_idx, "feat_table": feat_table, "W": W}


def reference(nodes, neigh_idx, feat_table, W):
    # MeanAggregator: gather sampled neighbor features and average (num_sample neighbors per node)
    neigh_feats = jnp.take(feat_table, neigh_idx, axis=0).mean(axis=1)  # [B, D_FEAT]
    # self features via embedding lookup (self.features(LongTensor(nodes)))
    self_feats = jnp.take(feat_table, nodes, axis=0)  # [B, D_FEAT]
    # gcn=False branch: concat self + neighbor feats
    combined = jnp.concatenate([self_feats, neigh_feats], axis=1)  # [B, 2*D_FEAT]
    # relu(combined.mm(weight))
    return jax.nn.relu(combined @ W)  # [B, EMBED_DIM]

if __name__ == "__main__":
    import jax
    _d = setup_inputs()
    print(jax.jit(kernel)(*tuple(_d.values())))

</pallas_src>

<mosaic_0001>
#map = affine_map<(d0, d1) -> (0)>
#map1 = affine_map<(d0, d1) -> (0, 0)>
module attributes {stable_mosaic.version = 14 : i64} {
  func.func @sc_gather(%arg0: i32, %arg1: i32, %arg2: memref<50000xi32, #tpu.memory_space<hbm>>, %arg3: memref<500000xi32, #tpu.memory_space<hbm>>, %arg4: memref<100000x128xf32, #tpu.memory_space<hbm>>, %arg5: memref<50000x128xf32, #tpu.memory_space<hbm>>, %arg6: memref<50000x128xf32, #tpu.memory_space<hbm>>, %arg7: memref<32xi32, #tpu.memory_space<vmem>>, %arg8: memref<32xi32, #tpu.memory_space<vmem>>, %arg9: memref<320xi32, #tpu.memory_space<vmem>>, %arg10: memref<320xi32, #tpu.memory_space<vmem>>, %arg11: memref<32x128xf32, #tpu.memory_space<vmem>>, %arg12: memref<32x128xf32, #tpu.memory_space<vmem>>, %arg13: memref<320x128xf32, #tpu.memory_space<vmem>>, %arg14: memref<320x128xf32, #tpu.memory_space<vmem>>, %arg15: memref<32x128xf32, #tpu.memory_space<vmem>>, %arg16: memref<!tpu.dma_semaphore, #tpu.memory_space<semaphore_mem>>, %arg17: memref<!tpu.dma_semaphore, #tpu.memory_space<semaphore_mem>>, %arg18: memref<!tpu.dma_semaphore, #tpu.memory_space<semaphore_mem>>, %arg19: memref<!tpu.dma_semaphore, #tpu.memory_space<semaphore_mem>>, %arg20: memref<!tpu.dma_semaphore, #tpu.memory_space<semaphore_mem>>, %arg21: memref<!tpu.dma_semaphore, #tpu.memory_space<semaphore_mem>>) attributes {dimension_semantics = [#tpu.dimension_semantics<core_parallel>, #tpu.dimension_semantics<subcore_parallel>], iteration_bounds = array<i64: 2, 16>, scalar_prefetch = 0 : i64, scratch_operands = 15 : i64, tpu.core_type = #tpu.core_type<sc_vector_subcore>, window_params = [{transform_indices = #map}, {transform_indices = #map}, {transform_indices = #map1}, {transform_indices = #map1}, {transform_indices = #map1}]} {
    %eq3A = arith.constant 0 : i32
    %eq3A_0 = arith.cmpi eq, %arg0, %eq3A : i32
    %jit3A = arith.constant 52 : i32
    %jit3A_1 = arith.constant 46 : i32
    %select_n3A = arith.select %eq3A_0, %jit3A, %jit3A_1 : i32
    %mul3A = arith.constant 1664 : i32
    %mul3A_2 = arith.muli %arg1, %mul3A : i32
    %mul3A_3 = arith.constant 1472 : i32
    %mul3A_4 = arith.muli %arg1, %mul3A_3 : i32
    %add3A = arith.constant 26624 : i32
    %add3A_5 = arith.addi %add3A, %mul3A_4 : i32
    %select_n3A_6 = arith.select %eq3A_0, %mul3A_2, %add3A_5 : i32
    %add3A_7 = arith.constant 0 : i32
    %add3A_8 = arith.addi %select_n3A_6, %add3A_7 : i32
    %min3A = arith.constant 49968 : i32
    %min3A_9 = arith.minsi %add3A_8, %min3A : i32
    %multiple_of3A = tpu.assume_multiple %min3A_9, 16 : i32
    %dma_start3A = tpu.memref_slice %arg2[%multiple_of3A] : memref<50000xi32, #tpu.memory_space<hbm>> -> memref<32xi32, #tpu.memory_space<hbm>>
    %dma_start3A_10 = tpu.memref_slice %arg2[%multiple_of3A] : memref<50000xi32, #tpu.memory_space<hbm>> -> memref<32xi32, #tpu.memory_space<hbm>>
    tpu.enqueue_dma source(%dma_start3A_10 : memref<32xi32, #tpu.memory_space<hbm>>) target(%arg7 : memref<32xi32, #tpu.memory_space<vmem>>) target_semaphore(%arg16 : memref<!tpu.dma_semaphore, #tpu.memory_space<semaphore_mem>>)
    %mul3A_11 = arith.constant 10 : i32
    %mul3A_12 = arith.muli %multiple_of3A, %mul3A_11 : i32
    %dma_start3A_13 = tpu.memref_slice %arg3[%mul3A_12] : memref<500000xi32, #tpu.memory_space<hbm>> -> memref<320xi32, #tpu.memory_space<hbm>>
    %dma_start3A_14 = tpu.memref_slice %arg3[%mul3A_12] : memref<500000xi32, #tpu.memory_space<hbm>> -> memref<320xi32, #tpu.memory_space<hbm>>
    tpu.enqueue_dma source(%dma_start3A_14 : memref<320xi32, #tpu.memory_space<hbm>>) target(%arg9 : memref<320xi32, #tpu.memory_space<vmem>>) target_semaphore(%arg16 : memref<!tpu.dma_semaphore, #tpu.memory_space<semaphore_mem>>)
    %add3A_15 = arith.constant 32 : i32
    %add3A_16 = arith.addi %select_n3A_6, %add3A_15 : i32
    %min3A_17 = arith.constant 49968 : i32
    %min3A_18 = arith.minsi %add3A_16, %min3A_17 : i32
    %multiple_of3A_19 = tpu.assume_multiple %min3A_18, 16 : i32
    %dma_start3A_20 = tpu.memref_slice %arg2[%multiple_of3A_19] : memref<50000xi32, #tpu.memory_space<hbm>> -> memref<32xi32, #tpu.memory_space<hbm>>
    %dma_start3A_21 = tpu.memref_slice %arg2[%multiple_of3A_19] : memref<50000xi32, #tpu.memory_space<hbm>> -> memref<32xi32, #tpu.memory_space<hbm>>
    tpu.enqueue_dma source(%dma_start3A_21 : memref<32xi32, #tpu.memory_space<hbm>>) target(%arg8 : memref<32xi32, #tpu.memory_space<vmem>>) target_semaphore(%arg17 : memref<!tpu.dma_semaphore, #tpu.memory_space<semaphore_mem>>)
    %mul3A_22 = arith.constant 10 : i32
    %mul3A_23 = arith.muli %multiple_of3A_19, %mul3A_22 : i32
    %dma_start3A_24 = tpu.memref_slice %arg3[%mul3A_23] : memref<500000xi32, #tpu.memory_space<hbm>> -> memref<320xi32, #tpu.memory_space<hbm>>
    %dma_start3A_25 = tpu.memref_slice %arg3[%mul3A_23] : memref<500000xi32, #tpu.memory_space<hbm>> -> memref<320xi32, #tpu.memory_space<hbm>>
    tpu.enqueue_dma source(%dma_start3A_25 : memref<320xi32, #tpu.memory_space<hbm>>) target(%arg10 : memref<320xi32, #tpu.memory_space<vmem>>) target_semaphore(%arg17 : memref<!tpu.dma_semaphore, #tpu.memory_space<semaphore_mem>>)
    %dma_wait3A = arith.constant 0 : i32
    %dma_wait3A_26 = tpu.memref_slice %arg2[%dma_wait3A] : memref<50000xi32, #tpu.memory_space<hbm>> -> memref<32xi32, #tpu.memory_space<hbm>>
    %dma_wait3A_27 = arith.constant 0 : i32
    %dma_wait3A_28 = tpu.memref_slice %arg2[%dma_wait3A_27] : memref<50000xi32, #tpu.memory_space<hbm>> -> memref<32xi32, #tpu.memory_space<hbm>>
    tpu.wait_dma2 semaphore(%arg16 : memref<!tpu.dma_semaphore, #tpu.memory_space<semaphore_mem>>) src(%dma_wait3A_28 : memref<32xi32, #tpu.memory_space<hbm>>) dst(%arg7 : memref<32xi32, #tpu.memory_space<vmem>>)
    %dma_wait3A_29 = arith.constant 0 : i32
    %dma_wait3A_30 = tpu.memref_slice %arg3[%dma_wait3A_29] : memref<500000xi32, #tpu.memory_space<hbm>> -> memref<320xi32, #tpu.memory_space<hbm>>
    %dma_wait3A_31 = arith.constant 0 : i32
    %dma_wait3A_32 = tpu.memref_slice %arg3[%dma_wait3A_31] : memref<500000xi32, #tpu.memory_space<hbm>> -> memref<320xi32, #tpu.memory_space<hbm>>
    tpu.wait_dma2 semaphore(%arg16 : memref<!tpu.dma_semaphore, #tpu.memory_space<semaphore_mem>>) src(%dma_wait3A_32 : memref<320xi32, #tpu.memory_space<hbm>>) dst(%arg9 : memref<320xi32, #tpu.memory_space<vmem>>)
    %dma_start3A_33 = arith.constant 0 : i32
    %dma_start3A_34 = arith.constant 0 : i32
    %dma_start3A_35 = tpu.memref_slice %arg4[%dma_start3A_33, %dma_start3A_34] : memref<100000x128xf32, #tpu.memory_space<hbm>> -> memref<100000x128xf32, #tpu.memory_space<hbm>>
    tpu.enqueue_indirect_dma source(%dma_start3A_35 : memref<100000x128xf32, #tpu.memory_space<hbm>>) target(%arg11 : memref<32x128xf32, #tpu.memory_space<vmem>>) offsets(%arg7 : memref<32xi32, #tpu.memory_space<vmem>>) semaphore(%arg18 : memref<!tpu.dma_semaphore, #tpu.memory_space<semaphore_mem>>)
    %dma_start3A_36 = arith.constant 0 : i32
    %dma_start3A_37 = arith.constant 0 : i32
    %dma_start3A_38 = tpu.memref_slice %arg4[%dma_start3A_36, %dma_start3A_37] : memref<100000x128xf32, #tpu.memory_space<hbm>> -> memref<100000x128xf32, #tpu.memory_space<hbm>>
    tpu.enqueue_indirect_dma source(%dma_start3A_38 : memref<100000x128xf32, #tpu.memory_space<hbm>>) target(%arg13 : memref<320x128xf32, #tpu.memory_space<vmem>>) offsets(%arg9 : memref<320xi32, #tpu.memory_space<vmem>>) semaphore(%arg20 : memref<!tpu.dma_semaphore, #tpu.memory_space<semaphore_mem>>)
    %sub3A = arith.constant 2 : i32
    %sub3A_39 = arith.subi %select_n3A, %sub3A : i32
    %sub3A_40 = arith.constant 0 : i32
    %sub3A_41 = arith.subi %sub3A_39, %sub3A_40 : i32
    %sub3A_42 = arith.constant 2 : i32
    %sub3A_43 = arith.constant 1 : i32
    %sub3A_44 = arith.subi %sub3A_42, %sub3A_43 : i32
    %add3A_45 = arith.addi %sub3A_41, %sub3A_44 : i32
    %div3A = arith.constant 2 : i32
    %div3A_46 = arith.divsi %add3A_45, %div3A : i32
    %while3A = arith.constant 2 : i32
    %while3A_47 = arith.constant 0 : i32
    %while3A_48 = arith.constant 0 : i32
    %while3A_49 = arith.subi %div3A_46, %while3A_48 : i32
    %while3A_50 = arith.addi %while3A_48, %while3A_49 : i32
    %while3A_51 = arith.constant 1 : i32
    %while3A_52 = arith.divsi %while3A_49, %while3A_51 : i32
    %while3A_53 = arith.muli %while3A_52, %while3A_51 : i32
    %while3A_54 = arith.addi %while3A_48, %while3A_53 : i32
    %while3A_55 = arith.constant 1 : i32
    scf.for %while3A_110 = %while3A_48 to %while3A_54 step %while3A_55  : i32 {
      %mul3A_111 = arith.muli %while3A_110, %while3A : i32
      %add3A_112 = arith.addi %while3A_47, %mul3A_111 : i32
      %add3A_113 = arith.constant 1 : i32
      %add3A_114 = arith.addi %add3A_112, %add3A_113 : i32
      %dma_wait3A_115 = arith.constant 0 : i32
      %dma_wait3A_116 = tpu.memref_slice %arg2[%dma_wait3A_115] : memref<50000xi32, #tpu.memory_space<hbm>> -> memref<32xi32, #tpu.memory_space<hbm>>
      %dma_wait3A_117 = arith.constant 0 : i32
      %dma_wait3A_118 = tpu.memref_slice %arg2[%dma_wait3A_117] : memref<50000xi32, #tpu.memory_space<hbm>> -> memref<32xi32, #tpu.memory_space<hbm>>
      tpu.wait_dma2 semaphore(%arg17 : memref<!tpu.dma_semaphore, #tpu.memory_space<semaphore_mem>>) src(%dma_wait3A_118 : memref<32xi32, #tpu.memory_space<hbm>>) dst(%arg8 : memref<32xi32, #tpu.memory_space<vmem>>)
      %dma_wait3A_119 = arith.constant 0 : i32
      %dma_wait3A_120 = tpu.memref_slice %arg3[%dma_wait3A_119] : memref<500000xi32, #tpu.memory_space<hbm>> -> memref<320xi32, #tpu.memory_space<hbm>>
      %dma_wait3A_121 = arith.constant 0 : i32
      %dma_wait3A_122 = tpu.memref_slice %arg3[%dma_wait3A_121] : memref<500000xi32, #tpu.memory_space<hbm>> -> memref<320xi32, #tpu.memory_space<hbm>>
      tpu.wait_dma2 semaphore(%arg17 : memref<!tpu.dma_semaphore, #tpu.memory_space<semaphore_mem>>) src(%dma_wait3A_122 : memref<320xi32, #tpu.memory_space<hbm>>) dst(%arg10 : memref<320xi32, #tpu.memory_space<vmem>>)
      %dma_start3A_123 = arith.constant 0 : i32
      %dma_start3A_124 = arith.constant 0 : i32
      %dma_start3A_125 = tpu.memref_slice %arg4[%dma_start3A_123, %dma_start3A_124] : memref<100000x128xf32, #tpu.memory_space<hbm>> -> memref<100000x128xf32, #tpu.memory_space<hbm>>
      tpu.enqueue_indirect_dma source(%dma_start3A_125 : memref<100000x128xf32, #tpu.memory_space<hbm>>) target(%arg12 : memref<32x128xf32, #tpu.memory_space<vmem>>) offsets(%arg8 : memref<32xi32, #tpu.memory_space<vmem>>) semaphore(%arg19 : memref<!tpu.dma_semaphore, #tpu.memory_space<semaphore_mem>>)
      %dma_start3A_126 = arith.constant 0 : i32
      %dma_start3A_127 = arith.constant 0 : i32
      %dma_start3A_128 = tpu.memref_slice %arg4[%dma_start3A_126, %dma_start3A_127] : memref<100000x128xf32, #tpu.memory_space<hbm>> -> memref<100000x128xf32, #tpu.memory_space<hbm>>
      tpu.enqueue_indirect_dma source(%dma_start3A_128 : memref<100000x128xf32, #tpu.memory_space<hbm>>) target(%arg14 : memref<320x128xf32, #tpu.memory_space<vmem>>) offsets(%arg10 : memref<320xi32, #tpu.memory_space<vmem>>) semaphore(%arg21 : memref<!tpu.dma_semaphore, #tpu.memory_space<semaphore_mem>>)
      %dma_wait3A_129 = arith.constant 0 : i32
      %dma_wait3A_130 = arith.constant 0 : i32
      %dma_wait3A_131 = tpu.memref_slice %arg4[%dma_wait3A_129, %dma_wait3A_130] : memref<100000x128xf32, #tpu.memory_space<hbm>> -> memref<100000x128xf32, #tpu.memory_space<hbm>>
      tpu.wait_indirect_dma semaphore(%arg18 : memref<!tpu.dma_semaphore, #tpu.memory_space<semaphore_mem>>) src(%dma_wait3A_131 : memref<100000x128xf32, #tpu.memory_space<hbm>>) dst(%arg11 : memref<32x128xf32, #tpu.memory_space<vmem>>)
      %dma_wait3A_132 = arith.constant 0 : i32
      %dma_wait3A_133 = arith.constant 0 : i32
      %dma_wait3A_134 = tpu.memref_slice %arg4[%dma_wait3A_132, %dma_wait3A_133] : memref<100000x128xf32, #tpu.memory_space<hbm>> -> memref<100000x128xf32, #tpu.memory_space<hbm>>
      tpu.wait_indirect_dma semaphore(%arg20 : memref<!tpu.dma_semaphore, #tpu.memory_space<semaphore_mem>>) src(%dma_wait3A_134 : memref<100000x128xf32, #tpu.memory_space<hbm>>) dst(%arg13 : memref<320x128xf32, #tpu.memory_space<vmem>>)
      %add3A_135 = arith.constant 2 : i32
      %add3A_136 = arith.addi %add3A_112, %add3A_135 : i32
      %mul3A_137 = arith.constant 32 : i32
      %mul3A_138 = arith.muli %add3A_136, %mul3A_137 : i32
      %add3A_139 = arith.addi %select_n3A_6, %mul3A_138 : i32
      %min3A_140 = arith.constant 49968 : i32
      %min3A_141 = arith.minsi %add3A_139, %min3A_140 : i32
      %multiple_of3A_142 = tpu.assume_multiple %min3A_141, 16 : i32
      %dma_start3A_143 = tpu.memref_slice %arg2[%multiple_of3A_142] : memref<50000xi32, #tpu.memory_space<hbm>> -> memref<32xi32, #tpu.memory_space<hbm>>
      %dma_start3A_144 = tpu.memref_slice %arg2[%multiple_of3A_142] : memref<50000xi32, #tpu.memory_space<hbm>> -> memref<32xi32, #tpu.memory_space<hbm>>
      tpu.enqueue_dma source(%dma_start3A_144 : memref<32xi32, #tpu.memory_space<hbm>>) target(%arg7 : memref<32xi32, #tpu.memory_space<vmem>>) target_semaphore(%arg16 : memref<!tpu.dma_semaphore, #tpu.memory_space<semaphore_mem>>)
      %mul3A_145 = arith.constant 10 : i32
      %mul3A_146 = arith.muli %multiple_of3A_142, %mul3A_145 : i32
      %dma_start3A_147 = tpu.memref_slice %arg3[%mul3A_146] : memref<500000xi32, #tpu.memory_space<hbm>> -> memref<320xi32, #tpu.memory_space<hbm>>
      %dma_start3A_148 = tpu.memref_slice %arg3[%mul3A_146] : memref<500000xi32, #tpu.memory_space<hbm>> -> memref<320xi32, #tpu.memory_space<hbm>>
      tpu.enqueue_dma source(%dma_start3A_148 : memref<320xi32, #tpu.memory_space<hbm>>) target(%arg9 : memref<320xi32, #tpu.memory_space<vmem>>) target_semaphore(%arg16 : memref<!tpu.dma_semaphore, #tpu.memory_space<semaphore_mem>>)
      %mul3A_149 = arith.constant 32 : i32
      %mul3A_150 = arith.muli %add3A_112, %mul3A_149 : i32
      %add3A_151 = arith.addi %select_n3A_6, %mul3A_150 : i32
      %min3A_152 = arith.constant 49968 : i32
      %min3A_153 = arith.minsi %add3A_151, %min3A_152 : i32
      %multiple_of3A_154 = tpu.assume_multiple %min3A_153, 16 : i32
      "tpu.region"() ({
        %run_scoped3A = tpu.sem_alloc : memref<!tpu.dma_semaphore, #tpu.memory_space<semaphore_mem>>
        %dma_start3A_209 = arith.constant 0 : i32
        %dma_start3A_210 = tpu.memref_slice %arg5[%multiple_of3A_154, %dma_start3A_209] : memref<50000x128xf32, #tpu.memory_space<hbm>> -> memref<32x128xf32, #tpu.memory_space<hbm>>
        %dma_start3A_211 = arith.constant 0 : i32
        %dma_start3A_212 = tpu.memref_slice %arg5[%multiple_of3A_154, %dma_start3A_211] : memref<50000x128xf32, #tpu.memory_space<hbm>> -> memref<32x128xf32, #tpu.memory_space<hbm>>
        tpu.enqueue_dma source(%arg11 : memref<32x128xf32, #tpu.memory_space<vmem>>) target(%dma_start3A_212 : memref<32x128xf32, #tpu.memory_space<hbm>>) target_semaphore(%run_scoped3A : memref<!tpu.dma_semaphore, #tpu.memory_space<semaphore_mem>>)
        %dma_wait3A_213 = arith.constant 0 : i32
        %dma_wait3A_214 = tpu.memref_slice %arg5[%multiple_of3A_154, %dma_wait3A_213] : memref<50000x128xf32, #tpu.memory_space<hbm>> -> memref<32x128xf32, #tpu.memory_space<hbm>>
        %dma_wait3A_215 = arith.constant 0 : i32
        %dma_wait3A_216 = tpu.memref_slice %arg5[%multiple_of3A_154, %dma_wait3A_215] : memref<50000x128xf32, #tpu.memory_space<hbm>> -> memref<32x128xf32, #tpu.memory_space<hbm>>
        tpu.wait_dma2 semaphore(%run_scoped3A : memref<!tpu.dma_semaphore, #tpu.memory_space<semaphore_mem>>) src(%arg11 : memref<32x128xf32, #tpu.memory_space<vmem>>) dst(%dma_wait3A_216 : memref<32x128xf32, #tpu.memory_space<hbm>>)
        tpu.yield
      }) : () -> ()
      %scan3A_155 = arith.constant 0 : i32
      %scan3A_156 = arith.constant 32 : i32
      %scan3A_157 = arith.addi %scan3A_155, %scan3A_156 : i32
      %scan3A_158 = arith.constant 1 : i32
      scf.for %scan3A_209 = %scan3A_155 to %scan3A_157 step %scan3A_158  : i32 {
        %mul3A_210 = arith.constant 1 : i32
        %mul3A_211 = arith.muli %scan3A_209, %mul3A_210 : i32
        %add3A_212 = arith.constant 0 : i32
        %add3A_213 = arith.addi %add3A_212, %mul3A_211 : i32
        %mul3A_214 = arith.constant 10 : i32
        %mul3A_215 = arith.muli %add3A_213, %mul3A_214 : i32
        %get3A = arith.index_cast %mul3A_215 : i32 to index
        %get3A_216 = arith.constant 0 : index
        %get3A_217 = tpu.vector_load %arg13[%get3A, %get3A_216] {strides = array<i32>} : memref<320x128xf32, #tpu.memory_space<vmem>>, vector<1x16xf32>,
        %get3A_218 = vector.shape_cast %get3A_217 : vector<1x16xf32> to vector<16xf32>
        %add3A_219 = arith.constant 1 : i32
        %add3A_220 = arith.addi %mul3A_215, %add3A_219 : i32
        %get3A_221 = arith.index_cast %add3A_220 : i32 to index
        %get3A_222 = arith.constant 0 : index
        %get3A_223 = tpu.vector_load %arg13[%get3A_221, %get3A_222] {strides = array<i32>} : memref<320x128xf32, #tpu.memory_space<vmem>>, vector<1x16xf32>,
        %get3A_224 = vector.shape_cast %get3A_223 : vector<1x16xf32> to vector<16xf32>
        %add3A_225 = arith.addf %get3A_218, %get3A_224 : vector<16xf32>
        %add3A_226 = arith.constant 2 : i32
        %add3A_227 = arith.addi %mul3A_215, %add3A_226 : i32
        %get3A_228 = arith.index_cast %add3A_227 : i32 to index
        %get3A_229 = arith.constant 0 : index
        %get3A_230 = tpu.vector_load %arg13[%get3A_228, %get3A_229] {strides = array<i32>} : memref<320x128xf32, #tpu.memory_space<vmem>>, vector<1x16xf32>,
        %get3A_231 = vector.shape_cast %get3A_230 : vector<1x16xf32> to vector<16xf32>
        %add3A_232 = arith.addf %add3A_225, %get3A_231 : vector<16xf32>
        %add3A_233 = arith.constant 3 : i32
        %add3A_234 = arith.addi %mul3A_215, %add3A_233 : i32
        %get3A_235 = arith.index_cast %add3A_234 : i32 to index
        %get3A_236 = arith.constant 0 : index
        %get3A_237 = tpu.vector_load %arg13[%get3A_235, %get3A_236] {strides = array<i32>} : memref<320x128xf32, #tpu.memory_space<vmem>>, vector<1x16xf32>,
        %get3A_238 = vector.shape_cast %get3A_237 : vector<1x16xf32> to vector<16xf32>
        %add3A_239 = arith.addf %add3A_232, %get3A_238 : vector<16xf32>
        %add3A_240 = arith.constant 4 : i32
        %add3A_241 = arith.addi %mul3A_215, %add3A_240 : i32
        %get3A_242 = arith.index_cast %add3A_241 : i32 to index
        %get3A_243 = arith.constant 0 : index
        %get3A_244 = tpu.vector_load %arg13[%get3A_242, %get3A_243] {strides = array<i32>} : memref<320x128xf32, #tpu.memory_space<vmem>>, vector<1x16xf32>,
        %get3A_245 = vector.shape_cast %get3A_244 : vector<1x16xf32> to vector<16xf32>
        %add3A_246 = arith.addf %add3A_239, %get3A_245 : vector<16xf32>
        %add3A_247 = arith.constant 5 : i32
        %add3A_248 = arith.addi %mul3A_215, %add3A_247 : i32
        %get3A_249 = arith.index_cast %add3A_248 : i32 to index
        %get3A_250 = arith.constant 0 : index
        %get3A_251 = tpu.vector_load %arg13[%get3A_249, %get3A_250] {strides = array<i32>} : memref<320x128xf32, #tpu.memory_space<vmem>>, vector<1x16xf32>,
        %get3A_252 = vector.shape_cast %get3A_251 : vector<1x16xf32> to vector<16xf32>
        %add3A_253 = arith.addf %add3A_246, %get3A_252 : vector<16xf32>
        %add3A_254 = arith.constant 6 : i32
        %add3A_255 = arith.addi %mul3A_215, %add3A_254 : i32
        %get3A_256 = arith.index_cast %add3A_255 : i32 to index
        %get3A_257 = arith.constant 0 : index
        %get3A_258 = tpu.vector_load %arg13[%get3A_256, %get3A_257] {strides = array<i32>} : memref<320x128xf32, #tpu.memory_space<vmem>>, vector<1x16xf32>,
        %get3A_259 = vector.shape_cast %get3A_258 : vector<1x16xf32> to vector<16xf32>
        %add3A_260 = arith.addf %add3A_253, %get3A_259 : vector<16xf32>
        %add3A_261 = arith.constant 7 : i32
        %add3A_262 = arith.addi %mul3A_215, %add3A_261 : i32
        %get3A_263 = arith.index_cast %add3A_262 : i32 to index
        %get3A_264 = arith.constant 0 : index
        %get3A_265 = tpu.vector_load %arg13[%get3A_263, %get3A_264] {strides = array<i32>} : memref<320x128xf32, #tpu.memory_space<vmem>>, vector<1x16xf32>,
        %get3A_266 = vector.shape_cast %get3A_265 : vector<1x16xf32> to vector<16xf32>
        %add3A_267 = arith.addf %add3A_260, %get3A_266 : vector<16xf32>
        %add3A_268 = arith.constant 8 : i32
        %add3A_269 = arith.addi %mul3A_215, %add3A_268 : i32
        %get3A_270 = arith.index_cast %add3A_269 : i32 to index
        %get3A_271 = arith.constant 0 : index
        %get3A_272 = tpu.vector_load %arg13[%get3A_270, %get3A_271] {strides = array<i32>} : memref<320x128xf32, #tpu.memory_space<vmem>>, vector<1x16xf32>,
        %get3A_273 = vector.shape_cast %get3A_272 : vector<1x16xf32> to vector<16xf32>
        %add3A_274 = arith.addf %add3A_267, %get3A_273 : vector<16xf32>
        %add3A_275 = arith.constant 9 : i32
        %add3A_276 = arith.addi %mul3A_215, %add3A_275 : i32
        %get3A_277 = arith.index_cast %add3A_276 : i32 to index
        %get3A_278 = arith.constant 0 : index
        %get3A_279 = tpu.vector_load %arg13[%get3A_277, %get3A_278] {strides = array<i32>} : memref<320x128xf32, #tpu.memory_space<vmem>>, vector<1x16xf32>,
        %get3A_280 = vector.shape_cast %get3A_279 : vector<1x16xf32> to vector<16xf32>
        %add3A_281 = arith.addf %add3A_274, %get3A_280 : vector<16xf32>
        %swap3A = arith.index_cast %add3A_213 : i32 to index
        %swap3A_282 = arith.constant 0 : index
        %swap3A_283 = tpu.vector_load %arg15[%swap3A, %swap3A_282] {strides = array<i32>} : memref<32x128xf32, #tpu.memory_space<vmem>>, vector<1x16xf32>,
        %swap3A_284 = vector.shape_cast %swap3A_283 : vector<1x16xf32> to vector<16xf32>
        %swap3A_285 = vector.shape_cast %add3A_281 : vector<16xf32> to vector<1x16xf32>
        tpu.vector_store %arg15[%swap3A, %swap3A_282], %swap3A_285 {strides = array<i32>} : memref<32x128xf32, #tpu.memory_space<vmem>>, vector<1x16xf32>,
        %get3A_286 = arith.index_cast %mul3A_215 : i32 to index
        %get3A_287 = arith.constant 16 : index
        %get3A_288 = tpu.vector_load %arg13[%get3A_286, %get3A_287] {strides = array<i32>} : memref<320x128xf32, #tpu.memory_space<vmem>>, vector<1x16xf32>,
        %get3A_289 = vector.shape_cast %get3A_288 : vector<1x16xf32> to vector<16xf32>
        %add3A_290 = arith.constant 1 : i32
        %add3A_291 = arith.addi %mul3A_215, %add3A_290 : i32
        %get3A_292 = arith.index_cast %add3A_291 : i32 to index
        %get3A_293 = arith.constant 16 : index
        %get3A_294 = tpu.vector_load %arg13[%get3A_292, %get3A_293] {strides = array<i32>} : memref<320x128xf32, #tpu.memory_space<vmem>>, vector<1x16xf32>,
        %get3A_295 = vector.shape_cast %get3A_294 : vector<1x16xf32> to vector<16xf32>
        %add3A_296 = arith.addf %get3A_289, %get3A_295 : vector<16xf32>
        %add3A_297 = arith.constant 2 : i32
        %add3A_298 = arith.addi %mul3A_215, %add3A_297 : i32
        %get3A_299 = arith.index_cast %add3A_298 : i32 to index
        %get3A_300 = arith.constant 16 : index
        %get3A_301 = tpu.vector_load %arg13[%get3A_299, %get3A_300] {strides = array<i32>} : memref<320x128xf32, #tpu.memory_space<vmem>>, vector<1x16xf32>,
        %get3A_302 = vector.shape_cast %get3A_301 : vector<1x16xf32> to vector<16xf32>
        %add3A_303 = arith.addf %add3A_296, %get3A_302 : vector<16xf32>
        %add3A_304 = arith.constant 3 : i32
        %add3A_305 = arith.addi %mul3A_215, %add3A_304 : i32
        %get3A_306 = arith.index_cast %add3A_305 : i32 to index
        %get3A_307 = arith.constant 16 : index
        %get3A_308 = tpu.vector_load %arg13[%get3A_306, %get3A_307] {strides = array<i32>} : memref<320x128xf32, #tpu.memory_space<vmem>>, vector<1x16xf32>,
        %get3A_309 = vector.shape_cast %get3A_308 : vector<1x16xf32> to vector<16xf32>
        %add3A_310 = arith.addf %add3A_303, %get3A_309 : vector<16xf32>
        %add3A_311 = arith.constant 4 : i32
        %add3A_312 = arith.addi %mul3A_215, %add3A_311 : i32
        %get3A_313 = arith.index_cast %add3A_312 : i32 to index
        %get3A_314 = arith.constant 16 : index
        %get3A_315 = tpu.vector_load %arg13[%get3A_313, %get3A_314] {strides = array<i32>} : memref<320x128xf32, #tpu.memory_space<vmem>>, vector<1x16xf32>,
        %get3A_316 = vector.shape_cast %get3A_315 : vector<1x16xf32> to vector<16xf32>
        %add3A_317 = arith.addf %add3A_310, %get3A_316 : vector<16xf32>
        %add3A_318 = arith.constant 5 : i32
        %add3A_319 = arith.addi %mul3A_215, %add3A_318 : i32
        %get3A_320 = arith.index_cast %add3A_319 : i32 to index
        %get3A_321 = arith.constant 16 : index
        %get3A_322 = tpu.vector_load %arg13[%get3A_320, %get3A_321] {strides = array<i32>} : memref<320x128xf32, #tpu.memory_space<vmem>>, vector<1x16xf32>,
        %get3A_323 = vector.shape_cast %get3A_322 : vector<1x16xf32> to vector<16xf32>
        %add3A_324 = arith.addf %add3A_317, %get3A_323 : vector<16xf32>
        %add3A_325 = arith.constant 6 : i32
        %add3A_326 = arith.addi %mul3A_215, %add3A_325 : i32
        %get3A_327 = arith.index_cast %add3A_326 : i32 to index
        %get3A_328 = arith.constant 16 : index
        %get3A_329 = tpu.vector_load %arg13[%get3A_327, %get3A_328] {strides = array<i32>} : memref<320x128xf32, #tpu.memory_space<vmem>>, vector<1x16xf32>,
        %get3A_330 = vector.shape_cast %get3A_329 : vector<1x16xf32> to vector<16xf32>
        %add3A_331 = arith.addf %add3A_324, %get3A_330 : vector<16xf32>
        %add3A_332 = arith.constant 7 : i32
        %add3A_333 = arith.addi %mul3A_215, %add3A_332 : i32
        %get3A_334 = arith.index_cast %add3A_333 : i32 to index
        %get3A_335 = arith.constant 16 : index
        %get3A_336 = tpu.vector_load %arg13[%get3A_334, %get3A_335] {strides = array<i32>} : memref<320x128xf32, #tpu.memory_space<vmem>>, vector<1x16xf32>,
        %get3A_337 = vector.shape_cast %get3A_336 : vector<1x16xf32> to vector<16xf32>
        %add3A_338 = arith.addf %add3A_331, %get3A_337 : vector<16xf32>
        %add3A_339 = arith.constant 8 : i32
        %add3A_340 = arith.addi %mul3A_215, %add3A_339 : i32
        %get3A_341 = arith.index_cast %add3A_340 : i32 to index
        %get3A_342 = arith.constant 16 : index
        %get3A_343 = tpu.vector_load %arg13[%get3A_341, %get3A_342] {strides = array<i32>} : memref<320x128xf32, #tpu.memory_space<vmem>>, vector<1x16xf32>,
        %get3A_344 = vector.shape_cast %get3A_343 : vector<1x16xf32> to vector<16xf32>
        %add3A_345 = arith.addf %add3A_338, %get3A_344 : vector<16xf32>
        %add3A_346 = arith.constant 9 : i32
        %add3A_347 = arith.addi %mul3A_215, %add3A_346 : i32
        %get3A_348 = arith.index_cast %add3A_347 : i32 to index
        %get3A_349 = arith.constant 16 : index
        %get3A_350 = tpu.vector_load %arg13[%get3A_348, %get3A_349] {strides = array<i32>} : memref<320x128xf32, #tpu.memory_space<vmem>>, vector<1x16xf32>,
        %get3A_351 = vector.shape_cast %get3A_350 : vector<1x16xf32> to vector<16xf32>
        %add3A_352 = arith.addf %add3A_345, %get3A_351 : vector<16xf32>
        %swap3A_353 = arith.index_cast %add3A_213 : i32 to index
        %swap3A_354 = arith.constant 16 : index
        %swap3A_355 = tpu.vector_load %arg15[%swap3A_353, %swap3A_354] {strides = array<i32>} : memref<32x128xf32, #tpu.memory_space<vmem>>, vector<1x16xf32>,
        %swap3A_356 = vector.shape_cast %swap3A_355 : vector<1x16xf32> to vector<16xf32>
        %swap3A_357 = vector.shape_cast %add3A_352 : vector<16xf32> to vector<1x16xf32>
        tpu.vector_store %arg15[%swap3A_353, %swap3A_354], %swap3A_357 {strides = array<i32>} : memref<32x128xf32, #tpu.memory_space<vmem>>, vector<1x16xf32>,
        %get3A_358 = arith.index_cast %mul3A_215 : i32 to index
        %get3A_359 = arith.constant 32 : index
        %get3A_360 = tpu.vector_load %arg13[%get3A_358, %get3A_359] {strides = array<i32>} : memref<320x128xf32, #tpu.memory_space<vmem>>, vector<1x16xf32>,
        %get3A_361 = vector.shape_cast %get3A_360 : vector<1x16xf32> to vector<16xf32>
        %add3A_362 = arith.constant 1 : i32
        %add3A_363 = arith.addi %mul3A_215, %add3A_362 : i32
        %get3A_364 = arith.index_cast %add3A_363 : i32 to index
        %get3A_365 = arith.constant 32 : index
        %get3A_366 = tpu.vector_load %arg13[%get3A_364, %get3A_365] {strides = array<i32>} : memref<320x128xf32, #tpu.memory_space<vmem>>, vector<1x16xf32>,
        %get3A_367 = vector.shape_cast %get3A_366 : vector<1x16xf32> to vector<16xf32>
        %add3A_368 = arith.addf %get3A_361, %get3A_367 : vector<16xf32>
        %add3A_369 = arith.constant 2 : i32
        %add3A_370 = arith.addi %mul3A_215, %add3A_369 : i32
        %get3A_371 = arith.index_cast %add3A_370 : i32 to index
        %get3A_372 = arith.constant 32 : index
        %get3A_373 = tpu.vector_load %arg13[%get3A_371, %get3A_372] {strides = array<i32>} : memref<320x128xf32, #tpu.memory_space<vmem>>, vector<1x16xf32>,
        %get3A_374 = vector.shape_cast %get3A_373 : vector<1x16xf32> to vector<16xf32>
        %add3A_375 = arith.addf %add3A_368, %get3A_374 : vector<16xf32>
        %add3A_376 = arith.constant 3 : i32
        %add3A_377 = arith.addi %mul3A_215, %add3A_376 : i32
        %get3A_378 = arith.index_cast %add3A_377 : i32 to index
        %get3A_379 = arith.constant 32 : index
        %get3A_380 = tpu.vector_load %arg13[%get3A_378, %get3A_379] {strides = array<i32>} : memref<320x128xf32, #tpu.memory_space<vmem>>, vector<1x16xf32>,
        %get3A_381 = vector.shape_cast %get3A_380 : vector<1x16xf32> to vector<16xf32>
        %add3A_382 = arith.addf %add3A_375, %get3A_381 : vector<16xf32>
        %add3A_383 = arith.constant 4 : i32
        %add3A_384 = arith.addi %mul3A_215, %add3A_383 : i32
        %get3A_385 = arith.index_cast %add3A_384 : i32 to index
        %get3A_386 = arith.constant 32 : index
        %get3A_387 = tpu.vector_load %arg13[%get3A_385, %get3A_386] {strides = array<i32>} : memref<320x128xf32, #tpu.memory_space<vmem>>, vector<1x16xf32>,
        %get3A_388 = vector.shape_cast %get3A_387 : vector<1x16xf32> to vector<16xf32>
        %add3A_389 = arith.addf %add3A_382, %get3A_388 : vector<16xf32>
        %add3A_390 = arith.constant 5 : i32
        %add3A_391 = arith.addi %mul3A_215, %add3A_390 : i32
        %get3A_392 = arith.index_cast %add3A_391 : i32 to index
        %get3A_393 = arith.constant 32 : index
        %get3A_394 = tpu.vector_load %arg13[%get3A_392, %get3A_393] {strides = array<i32>} : memref<320x128xf32, #tpu.memory_space<vmem>>, vector<1x16xf32>,
        %get3A_395 = vector.shape_cast %get3A_394 : vector<1x16xf32> to vector<16xf32>
        %add3A_396 = arith.addf %add3A_389, %get3A_395 : vector<16xf32>
        %add3A_397 = arith.constant 6 : i32
        %add3A_398 = arith.addi %mul3A_215, %add3A_397 : i32
        %get3A_399 = arith.index_cast %add3A_398 : i32 to index
        %get3A_400 = arith.constant 32 : index
        %get3A_401 = tpu.vector_load %arg13[%get3A_399, %get3A_400] {strides = array<i32>} : memref<320x128xf32, #tpu.memory_space<vmem>>, vector<1x16xf32>,
        %get3A_402 = vector.shape_cast %get3A_401 : vector<1x16xf32> to vector<16xf32>
        %add3A_403 = arith.addf %add3A_396, %get3A_402 : vector<16xf32>
        %add3A_404 = arith.constant 7 : i32
        %add3A_405 = arith.addi %mul3A_215, %add3A_404 : i32
        %get3A_406 = arith.index_cast %add3A_405 : i32 to index
        %get3A_407 = arith.constant 32 : index
        %get3A_408 = tpu.vector_load %arg13[%get3A_406, %get3A_407] {strides = array<i32>} : memref<320x128xf32, #tpu.memory_space<vmem>>, vector<1x16xf32>,
        %get3A_409 = vector.shape_cast %get3A_408 : vector<1x16xf32> to vector<16xf32>
        %add3A_410 = arith.addf %add3A_403, %get3A_409 : vector<16xf32>
        %add3A_411 = arith.constant 8 : i32
        %add3A_412 = arith.addi %mul3A_215, %add3A_411 : i32
        %get3A_413 = arith.index_cast %add3A_412 : i32 to index
        %get3A_414 = arith.constant 32 : index
        %get3A_415 = tpu.vector_load %arg13[%get3A_413, %get3A_414] {strides = array<i32>} : memref<320x128xf32, #tpu.memory_space<vmem>>, vector<1x16xf32>,
        %get3A_416 = vector.shape_cast %get3A_415 : vector<1x16xf32> to vector<16xf32>
        %add3A_417 = arith.addf %add3A_410, %get3A_416 : vector<16xf32>
        %add3A_418 = arith.constant 9 : i32
        %add3A_419 = arith.addi %mul3A_215, %add3A_418 : i32
        %get3A_420 = arith.index_cast %add3A_419 : i32 to index
        %get3A_421 = arith.constant 32 : index
        %get3A_422 = tpu.vector_load %arg13[%get3A_420, %get3A_421] {strides = array<i32>} : memref<320x128xf32, #tpu.memory_space<vmem>>, vector<1x16xf32>,
        %get3A_423 = vector.shape_cast %get3A_422 : vector<1x16xf32> to vector<16xf32>
        %add3A_424 = arith.addf %add3A_417, %get3A_423 : vector<16xf32>
        %swap3A_425 = arith.index_cast %add3A_213 : i32 to index
        %swap3A_426 = arith.constant 32 : index
        %swap3A_427 = tpu.vector_load %arg15[%swap3A_425, %swap3A_426] {strides = array<i32>} : memref<32x128xf32, #tpu.memory_space<vmem>>, vector<1x16xf32>,
        %swap3A_428 = vector.shape_cast %swap3A_427 : vector<1x16xf32> to vector<16xf32>
        %swap3A_429 = vector.shape_cast %add3A_424 : vector<16xf32> to vector<1x16xf32>
        tpu.vector_store %arg15[%swap3A_425, %swap3A_426], %swap3A_429 {strides = array<i32>} : memref<32x128xf32, #tpu.memory_space<vmem>>, vector<1x16xf32>,
        %get3A_430 = arith.index_cast %mul3A_215 : i32 to index
        %get3A_431 = arith.constant 48 : index
        %get3A_432 = tpu.vector_load %arg13[%get3A_430, %get3A_431] {strides = array<i32>} : memref<320x128xf32, #tpu.memory_space<vmem>>, vector<1x16xf32>,
        %get3A_433 = vector.shape_cast %get3A_432 : vector<1x16xf32> to vector<16xf32>
        %add3A_434 = arith.constant 1 : i32
        %add3A_435 = arith.addi %mul3A_215, %add3A_434 : i32
        %get3A_436 = arith.index_cast %add3A_435 : i32 to index
        %get3A_437 = arith.constant 48 : index
        %get3A_438 = tpu.vector_load %arg13[%get3A_436, %get3A_437] {strides = array<i32>} : memref<320x128xf32, #tpu.memory_space<vmem>>, vector<1x16xf32>,
        %get3A_439 = vector.shape_cast %get3A_438 : vector<1x16xf32> to vector<16xf32>
        %add3A_440 = arith.addf %get3A_433, %get3A_439 : vector<16xf32>
        %add3A_441 = arith.constant 2 : i32
        %add3A_442 = arith.addi %mul3A_215, %add3A_441 : i32
        %get3A_443 = arith.index_cast %add3A_442 : i32 to index
        %get3A_444 = arith.constant 48 : index
        %get3A_445 = tpu.vector_load %arg13[%get3A_443, %get3A_444] {strides = array<i32>} : memref<320x128xf32, #tpu.memory_space<vmem>>, vector<1x16xf32>,
        %get3A_446 = vector.shape_cast %get3A_445 : vector<1x16xf32> to vector<16xf32>
        %add3A_447 = arith.addf %add3A_440, %get3A_446 : vector<16xf32>
        %add3A_448 = arith.constant 3 : i32
        %add3A_449 = arith.addi %mul3A_215, %add3A_448 : i32
        %get3A_450 = arith.index_cast %add3A_449 : i32 to index
        %get3A_451 = arith.constant 48 : index
        %get3A_452 = tpu.vector_load %arg13[%get3A_450, %get3A_451] {strides = array<i32>} : memref<320x128xf32, #tpu.memory_space<vmem>>, vector<1x16xf32>,
        %get3A_453 = vector.shape_cast %get3A_452 : vector<1x16xf32> to vector<16xf32>
        %add3A_454 = arith.addf %add3A_447, %get3A_453 : vector<16xf32>
        %add3A_455 = arith.constant 4 : i32
        %add3A_456 = arith.addi %mul3A_215, %add3A_455 : i32
        %get3A_457 = arith.index_cast %add3A_456 : i32 to index
        %get3A_458 = arith.constant 48 : index
        %get3A_459 = tpu.vector_load %arg13[%get3A_457, %get3A_458] {strides = array<i32>} : memref<320x128xf32, #tpu.memory_space<vmem>>, vector<1x16xf32>,
        %get3A_460 = vector.shape_cast %get3A_459 : vector<1x16xf32> to vector<16xf32>
        %add3A_461 = arith.addf %add3A_454, %get3A_460 : vector<16xf32>
        %add3A_462 = arith.constant 5 : i32
        %add3A_463 = arith.addi %mul3A_215, %add3A_462 : i32
        %get3A_464 = arith.index_cast %add3A_463 : i32 to index
        %get3A_465 = arith.constant 48 : index
        %get3A_466 = tpu.vector_load %arg13[%get3A_464, %get3A_465] {strides = array<i32>} : memref<320x128xf32, #tpu.memory_space<vmem>>, vector<1x16xf32>,
        %get3A_467 = vector.shape_cast %get3A_466 : vector<1x16xf32> to vector<16xf32>
        %add3A_468 = arith.addf %add3A_461, %get3A_467 : vector<16xf32>
        %add3A_469 = arith.constant 6 : i32
        %add3A_470 = arith.addi %mul3A_215, %add3A_469 : i32
        %get3A_471 = arith.index_cast %add3A_470 : i32 to index
        %get3A_472 = arith.constant 48 : index
        %get3A_473 = tpu.vector_load %arg13[%get3A_471, %get3A_472] {strides = array<i32>} : memref<320x128xf32, #tpu.memory_space<vmem>>, vector<1x16xf32>,
        %get3A_474 = vector.shape_cast %get3A_473 : vector<1x16xf32> to vector<16xf32>
        %add3A_475 = arith.addf %add3A_468, %get3A_474 : vector<16xf32>
        %add3A_476 = arith.constant 7 : i32
        %add3A_477 = arith.addi %mul3A_215, %add3A_476 : i32
        %get3A_478 = arith.index_cast %add3A_477 : i32 to index
        %get3A_479 = arith.constant 48 : index
        %get3A_480 = tpu.vector_load %arg13[%get3A_478, %get3A_479] {strides = array<i32>} : memref<320x128xf32, #tpu.memory_space<vmem>>, vector<1x16xf32>,
        %get3A_481 = vector.shape_cast %get3A_480 : vector<1x16xf32> to vector<16xf32>
        %add3A_482 = arith.addf %add3A_475, %get3A_481 : vector<16xf32>
        %add3A_483 = arith.constant 8 : i32
        %add3A_484 = arith.addi %mul3A_215, %add3A_483 : i32
        %get3A_485 = arith.index_cast %add3A_484 : i32 to index
        %get3A_486 = arith.constant 48 : index
        %get3A_487 = tpu.vector_load %arg13[%get3A_485, %get3A_486] {strides = array<i32>} : memref<320x128xf32, #tpu.memory_space<vmem>>, vector<1x16xf32>,
        %get3A_488 = vector.shape_cast %get3A_487 : vector<1x16xf32> to vector<16xf32>
        %add3A_489 = arith.addf %add3A_482, %get3A_488 : vector<16xf32>
        %add3A_490 = arith.constant 9 : i32
        %add3A_491 = arith.addi %mul3A_215, %add3A_490 : i32
        %get3A_492 = arith.index_cast %add3A_491 : i32 to index
        %get3A_493 = arith.constant 48 : index
        %get3A_494 = tpu.vector_load %arg13[%get3A_492, %get3A_493] {strides = array<i32>} : memref<320x128xf32, #tpu.memory_space<vmem>>, vector<1x16xf32>,
        %get3A_495 = vector.shape_cast %get3A_494 : vector<1x16xf32> to vector<16xf32>
        %add3A_496 = arith.addf %add3A_489, %get3A_495 : vector<16xf32>
        %swap3A_497 = arith.index_cast %add3A_213 : i32 to index
        %swap3A_498 = arith.constant 48 : index
        %swap3A_499 = tpu.vector_load %arg15[%swap3A_497, %swap3A_498] {strides = array<i32>} : memref<32x128xf32, #tpu.memory_space<vmem>>, vector<1x16xf32>,
        %swap3A_500 = vector.shape_cast %swap3A_499 : vector<1x16xf32> to vector<16xf32>
        %swap3A_501 = vector.shape_cast %add3A_496 : vector<16xf32> to vector<1x16xf32>
        tpu.vector_store %arg15[%swap3A_497, %swap3A_498], %swap3A_501 {strides = array<i32>} : memref<32x128xf32, #tpu.memory_space<vmem>>, vector<1x16xf32>,
        %get3A_502 = arith.index_cast %mul3A_215 : i32 to index
        %get3A_503 = arith.constant 64 : index
        %get3A_504 = tpu.vector_load %arg13[%get3A_502, %get3A_503] {strides = array<i32>} : memref<320x128xf32, #tpu.memory_space<vmem>>, vector<1x16xf32>,
        %get3A_505 = vector.shape_cast %get3A_504 : vector<1x16xf32> to vector<16xf32>
        %add3A_506 = arith.constant 1 : i32
        %add3A_507 = arith.addi %mul3A_215, %add3A_506 : i32
        %get3A_508 = arith.index_cast %add3A_507 : i32 to index
        %get3A_509 = arith.constant 64 : index
        %get3A_510 = tpu.vector_load %arg13[%get3A_508, %get3A_509] {strides = array<i32>} : memref<320x128xf32, #tpu.memory_space<vmem>>, vector<1x16xf32>,
        %get3A_511 = vector.shape_cast %get3A_510 : vector<1x16xf32> to vector<16xf32>
        %add3A_512 = arith.addf %get3A_505, %get3A_511 : vector<16xf32>
        %add3A_513 = arith.constant 2 : i32
        %add3A_514 = arith.addi %mul3A_215, %add3A_513 : i32
        %get3A_515 = arith.index_cast %add3A_514 : i32 to index
        %get3A_516 = arith.constant 64 : index
        %get3A_517 = tpu.vector_load %arg13[%get3A_515, %get3A_516] {strides = array<i32>} : memref<320x128xf32, #tpu.memory_space<vmem>>, vector<1x16xf32>,
        %get3A_518 = vector.shape_cast %get3A_517 : vector<1x16xf32> to vector<16xf32>
        %add3A_519 = arith.addf %add3A_512, %get3A_518 : vector<16xf32>
        %add3A_520 = arith.constant 3 : i32
        %add3A_521 = arith.addi %mul3A_215, %add3A_520 : i32
        %get3A_522 = arith.index_cast %add3A_521 : i32 to index
        %get3A_523 = arith.constant 64 : index
        %get3A_524 = tpu.vector_load %arg13[%get3A_522, %get3A_523] {strides = array<i32>} : memref<320x128xf32, #tpu.memory_space<vmem>>, vector<1x16xf32>,
        %get3A_525 = vector.shape_cast %get3A_524 : vector<1x16xf32> to vector<16xf32>
        %add3A_526 = arith.addf %add3A_519, %get3A_525 : vector<16xf32>
        %add3A_527 = arith.constant 4 : i32
        %add3A_528 = arith.addi %mul3A_215, %add3A_527 : i32
        %get3A_529 = arith.index_cast %add3A_528 : i32 to index
        %get3A_530 = arith.constant 64 : index
        %get3A_531 = tpu.vector_load %arg13[%get3A_529, %get3A_530] {strides = array<i32>} : memref<320x128xf32, #tpu.memory_space<vmem>>, vector<1x16xf32>,
        %get3A_532 = vector.shape_cast %get3A_531 : vector<1x16xf32> to vector<16xf32>
        %add3A_533 = arith.addf %add3A_526, %get3A_532 : vector<16xf32>
        %add3A_534 = arith.constant 5 : i32
        %add3A_535 = arith.addi %mul3A_215, %add3A_534 : i32
        %get3A_536 = arith.index_cast %add3A_535 : i32 to index
        %get3A_537 = arith.constant 64 : index
        %get3A_538 = tpu.vector_load %arg13[%get3A_536, %get3A_537] {strides = array<i32>} : memref<320x128xf32, #tpu.memory_space<vmem>>, vector<1x16xf32>,
        %get3A_539 = vector.shape_cast %get3A_538 : vector<1x16xf32> to vector<16xf32>
        %add3A_540 = arith.addf %add3A_533, %get3A_539 : vector<16xf32>
        %add3A_541 = arith.constant 6 : i32
        %add3A_542 = arith.addi %mul3A_215, %add3A_541 : i32
        %get3A_543 = arith.index_cast %add3A_542 : i32 to index
        %get3A_544 = arith.constant 64 : index
        %get3A_545 = tpu.vector_load %arg13[%get3A_543, %get3A_544] {strides = array<i32>} : memref<320x128xf32, #tpu.memory_space<vmem>>, vector<1x16xf32>,
        %get3A_546 = vector.shape_cast %get3A_545 : vector<1x16xf32> to vector<16xf32>
        %add3A_547 = arith.addf %add3A_540, %get3A_546 : vector<16xf32>
        %add3A_548 = arith.constant 7 : i32
        %add3A_549 = arith.addi %mul3A_215, %add3A_548 : i32
        %get3A_550 = arith.index_cast %add3A_549 : i32 to index
        %get3A_551 = arith.constant 64 : index
        %get3A_552 = tpu.vector_load %arg13[%get3A_550, %get3A_551] {strides = array<i32>} : memref<320x128xf32, #tpu.memory_space<vmem>>, vector<1x16xf32>,
        %get3A_553 = vector.shape_cast %get3A_552 : vector<1x16xf32> to vector<16xf32>
        %add3A_554 = arith.addf %add3A_547, %get3A_553 : vector<16xf32>
        %add3A_555 = arith.constant 8 : i32
        %add3A_556 = arith.addi %mul3A_215, %add3A_555 : i32
        %get3A_557 = arith.index_cast %add3A_556 : i32 to index
        %get3A_558 = arith.constant 64 : index
        %get3A_559 = tpu.vector_load %arg13[%get3A_557, %get3A_558] {strides = array<i32>} : memref<320x128xf32, #tpu.memory_space<vmem>>, vector<1x16xf32>,
        %get3A_560 = vector.shape_cast %get3A_559 : vector<1x16xf32> to vector<16xf32>
        %add3A_561 = arith.addf %add3A_554, %get3A_560 : vector<16xf32>
        %add3A_562 = arith.constant 9 : i32
        %add3A_563 = arith.addi %mul3A_215, %add3A_562 : i32
        %get3A_564 = arith.index_cast %add3A_563 : i32 to index
        %get3A_565 = arith.constant 64 : index
        %get3A_566 = tpu.vector_load %arg13[%get3A_564, %get3A_565] {strides = array<i32>} : memref<320x128xf32, #tpu.memory_space<vmem>>, vector<1x16xf32>,
        %get3A_567 = vector.shape_cast %get3A_566 : vector<1x16xf32> to vector<16xf32>
        %add3A_568 = arith.addf %add3A_561, %get3A_567 : vector<16xf32>
        %swap3A_569 = arith.index_cast %add3A_213 : i32 to index
        %swap3A_570 = arith.constant 64 : index
        %swap3A_571 = tpu.vector_load %arg15[%swap3A_569, %swap3A_570] {strides = array<i32>} : memref<32x128xf32, #tpu.memory_space<vmem>>, vector<1x16xf32>,
        %swap3A_572 = vector.shape_cast %swap3A_571 : vector<1x16xf32> to vector<16xf32>
        %swap3A_573 = vector.shape_cast %add3A_568 : vector<16xf32> to vector<1x16xf32>
        tpu.vector_store %arg15[%swap3A_569, %swap3A_570], %swap3A_573 {strides = array<i32>} : memref<32x128xf32, #tpu.memory_space<vmem>>, vector<1x16xf32>,
        %get3A_574 = arith.index_cast %mul3A_215 : i32 to index
        %get3A_575 = arith.constant 80 : index
        %get3A_576 = tpu.vector_load %arg13[%get3A_574, %get3A_575] {strides = array<i32>} : memref<320x128xf32, #tpu.memory_space<vmem>>, vector<1x16xf32>,
        %get3A_577 = vector.shape_cast %get3A_576 : vector<1x16xf32> to vector<16xf32>
        %add3A_578 = arith.constant 1 : i32
        %add3A_579 = arith.addi %mul3A_215, %add3A_578 : i32
        %get3A_580 = arith.index_cast %add3A_579 : i32 to index
        %get3A_581 = arith.constant 80 : index
        %get3A_582 = tpu.vector_load %arg13[%get3A_580, %get3A_581] {strides = array<i32>} : memref<320x128xf32, #tpu.memory_space<vmem>>, vector<1x16xf32>,
        %get3A_583 = vector.shape_cast %get3A_582 : vector<1x16xf32> to vector<16xf32>
        %add3A_584 = arith.addf %get3A_577, %get3A_583 : vector<16xf32>
        %add3A_585 = arith.constant 2 : i32
        %add3A_586 = arith.addi %mul3A_215, %add3A_585 : i32
        %get3A_587 = arith.index_cast %add3A_586 : i32 to index
        %get3A_588 = arith.constant 80 : index
        %get3A_589 = tpu.vector_load %arg13[%get3A_587, %get3A_588] {strides = array<i32>} : memref<320x128xf32, #tpu.memory_space<vmem>>, vector<1x16xf32>,
        %get3A_590 = vector.shape_cast %get3A_589 : vector<1x16xf32> to vector<16xf32>
        %add3A_591 = arith.addf %add3A_584, %get3A_590 : vector<16xf32>
        %add3A_592 = arith.constant 3 : i32
        %add3A_593 = arith.addi %mul3A_215, %add3A_592 : i32
        %get3A_594 = arith.index_cast %add3A_593 : i32 to index
        %get3A_595 = arith.constant 80 : index
        %get3A_596 = tpu.vector_load %arg13[%get3A_594, %get3A_595] {strides = array<i32>} : memref<320x128xf32, #tpu.memory_space<vmem>>, vector<1x16xf32>,
        %get3A_597 = vector.shape_cast %get3A_596 : vector<1x16xf32> to vector<16xf32>
        %add3A_598 = arith.addf %add3A_591, %get3A_597 : vector<16xf32>
        %add3A_599 = arith.constant 4 : i32
        %add3A_600 = arith.addi %mul3A_215, %add3A_599 : i32
        %get3A_601 = arith.index_cast %add3A_600 : i32 to index
        %get3A_602 = arith.constant 80 : index
        %get3A_603 = tpu.vector_load %arg13[%get3A_601, %get3A_602] {strides = array<i32>} : memref<320x128xf32, #tpu.memory_space<vmem>>, vector<1x16xf32>,
        %get3A_604 = vector.shape_cast %get3A_603 : vector<1x16xf32> to vector<16xf32>
        %add3A_605 = arith.addf %add3A_598, %get3A_604 : vector<16xf32>
        %add3A_606 = arith.constant 5 : i32
        %add3A_607 = arith.addi %mul3A_215, %add3A_606 : i32
        %get3A_608 = arith.index_cast %add3A_607 : i32 to index
        %get3A_609 = arith.constant 80 : index
        %get3A_610 = tpu.vector_load %arg13[%get3A_608, %get3A_609] {strides = array<i32>} : memref<320x128xf32, #tpu.memory_space<vmem>>, vector<1x16xf32>,
        %get3A_611 = vector.shape_cast %get3A_610 : vector<1x16xf32> to vector<16xf32>
        %add3A_612 = arith.addf %add3A_605, %get3A_611 : vector<16xf32>
        %add3A_613 = arith.constant 6 : i32
        %add3A_614 = arith.addi %mul3A_215, %add3A_613 : i32
        %get3A_615 = arith.index_cast %add3A_614 : i32 to index
        %get3A_616 = arith.constant 80 : index
        %get3A_617 = tpu.vector_load %arg13[%get3A_615, %get3A_616] {strides = array<i32>} : memref<320x128xf32, #tpu.memory_space<vmem>>, vector<1x16xf32>,
        %get3A_618 = vector.shape_cast %get3A_617 : vector<1x16xf32> to vector<16xf32>
        %add3A_619 = arith.addf %add3A_612, %get3A_618 : vector<16xf32>
        %add3A_620 = arith.constant 7 : i32
        %add3A_621 = arith.addi %mul3A_215, %add3A_620 : i32
        %get3A_622 = arith.index_cast %add3A_621 : i32 to index
        %get3A_623 = arith.constant 80 : index
        %get3A_624 = tpu.vector_load %arg13[%get3A_622, %get3A_623] {strides = array<i32>} : memref<320x128xf32, #tpu.memory_space<vmem>>, vector<1x16xf32>,
        %get3A_625 = vector.shape_cast %get3A_624 : vector<1x16xf32> to vector<16xf32>
        %add3A_626 = arith.addf %add3A_619, %get3A_625 : vector<16xf32>
        %add3A_627 = arith.constant 8 : i32
        %add3A_628 = arith.addi %mul3A_215, %add3A_627 : i32
        %get3A_629 = arith.index_cast %add3A_628 : i32 to index
        %get3A_630 = arith.constant 80 : index
        %get3A_631 = tpu.vector_load %arg13[%get3A_629, %get3A_630] {strides = array<i32>} : memref<320x128xf32, #tpu.memory_space<vmem>>, vector<1x16xf32>,
        %get3A_632 = vector.shape_cast %get3A_631 : vector<1x16xf32> to vector<16xf32>
        %add3A_633 = arith.addf %add3A_626, %get3A_632 : vector<16xf32>
        %add3A_634 = arith.constant 9 : i32
        %add3A_635 = arith.addi %mul3A_215, %add3A_634 : i32
        %get3A_636 = arith.index_cast %add3A_635 : i32 to index
        %get3A_637 = arith.constant 80 : index
        %get3A_638 = tpu.vector_load %arg13[%get3A_636, %get3A_637] {strides = array<i32>} : memref<320x128xf32, #tpu.memory_space<vmem>>, vector<1x16xf32>,
        %get3A_639 = vector.shape_cast %get3A_638 : vector<1x16xf32> to vector<16xf32>
        %add3A_640 = arith.addf %add3A_633, %get3A_639 : vector<16xf32>
        %swap3A_641 = arith.index_cast %add3A_213 : i32 to index
        %swap3A_642 = arith.constant 80 : index
        %swap3A_643 = tpu.vector_load %arg15[%swap3A_641, %swap3A_642] {strides = array<i32>} : memref<32x128xf32, #tpu.memory_space<vmem>>, vector<1x16xf32>,
        %swap3A_644 = vector.shape_cast %swap3A_643 : vector<1x16xf32> to vector<16xf32>
        %swap3A_645 = vector.shape_cast %add3A_640 : vector<16xf32> to vector<1x16xf32>
        tpu.vector_store %arg15[%swap3A_641, %swap3A_642], %swap3A_645 {strides = array<i32>} : memref<32x128xf32, #tpu.memory_space<vmem>>, vector<1x16xf32>,
        %get3A_646 = arith.index_cast %mul3A_215 : i32 to index
        %get3A_647 = arith.constant 96 : index
        %get3A_648 = tpu.vector_load %arg13[%get3A_646, %get3A_647] {strides = array<i32>} : memref<320x128xf32, #tpu.memory_space<vmem>>, vector<1x16xf32>,
        %get3A_649 = vector.shape_cast %get3A_648 : vector<1x16xf32> to vector<16xf32>
        %add3A_650 = arith.constant 1 : i32
        %add3A_651 = arith.addi %mul3A_215, %add3A_650 : i32
        %get3A_652 = arith.index_cast %add3A_651 : i32 to index
        %get3A_653 = arith.constant 96 : index
        %get3A_654 = tpu.vector_load %arg13[%get3A_652, %get3A_653] {strides = array<i32>} : memref<320x128xf32, #tpu.memory_space<vmem>>, vector<1x16xf32>,
        %get3A_655 = vector.shape_cast %get3A_654 : vector<1x16xf32> to vector<16xf32>
        %add3A_656 = arith.addf %get3A_649, %get3A_655 : vector<16xf32>
        %add3A_657 = arith.constant 2 : i32
        %add3A_658 = arith.addi %mul3A_215, %add3A_657 : i32
        %get3A_659 = arith.index_cast %add3A_658 : i32 to index
        %get3A_660 = arith.constant 96 : index
        %get3A_661 = tpu.vector_load %arg13[%get3A_659, %get3A_660] {strides = array<i32>} : memref<320x128xf32, #tpu.memory_space<vmem>>, vector<1x16xf32>,
        %get3A_662 = vector.shape_cast %get3A_661 : vector<1x16xf32> to vector<16xf32>
        %add3A_663 = arith.addf %add3A_656, %get3A_662 : vector<16xf32>
        %add3A_664 = arith.constant 3 : i32
        %add3A_665 = arith.addi %mul3A_215, %add3A_664 : i32
        %get3A_666 = arith.index_cast %add3A_665 : i32 to index
        %get3A_667 = arith.constant 96 : index
        %get3A_668 = tpu.vector_load %arg13[%get3A_666, %get3A_667] {strides = array<i32>} : memref<320x128xf32, #tpu.memory_space<vmem>>, vector<1x16xf32>,
        %get3A_669 = vector.shape_cast %get3A_668 : vector<1x16xf32> to vector<16xf32>
        %add3A_670 = arith.addf %add3A_663, %get3A_669 : vector<16xf32>
        %add3A_671 = arith.constant 4 : i32
        %add3A_672 = arith.addi %mul3A_215, %add3A_671 : i32
        %get3A_673 = arith.index_cast %add3A_672 : i32 to index
        %get3A_674 = arith.constant 96 : index
        %get3A_675 = tpu.vector_load %arg13[%get3A_673, %get3A_674] {strides = array<i32>} : memref<320x128xf32, #tpu.memory_space<vmem>>, vector<1x16xf32>,
        %get3A_676 = vector.shape_cast %get3A_675 : vector<1x16xf32> to vector<16xf32>
        %add3A_677 = arith.addf %add3A_670, %get3A_676 : vector<16xf32>
        %add3A_678 = arith.constant 5 : i32
        %add3A_679 = arith.addi %mul3A_215, %add3A_678 : i32
        %get3A_680 = arith.index_cast %add3A_679 : i32 to index
        %get3A_681 = arith.constant 96 : index
        %get3A_682 = tpu.vector_load %arg13[%get3A_680, %get3A_681] {strides = array<i32>} : memref<320x128xf32, #tpu.memory_space<vmem>>, vector<1x16xf32>,
        %get3A_683 = vector.shape_cast %get3A_682 : vector<1x16xf32> to vector<16xf32>
        %add3A_684 = arith.addf %add3A_677, %get3A_683 : vector<16xf32>
        %add3A_685 = arith.constant 6 : i32
        %add3A_686 = arith.addi %mul3A_215, %add3A_685 : i32
        %get3A_687 = arith.index_cast %add3A_686 : i32 to index
        %get3A_688 = arith.constant 96 : index
        %get3A_689 = tpu.vector_load %arg13[%get3A_687, %get3A_688] {strides = array<i32>} : memref<320x128xf32, #tpu.memory_space<vmem>>, vector<1x16xf32>,
        %get3A_690 = vector.shape_cast %get3A_689 : vector<1x16xf32> to vector<16xf32>
        %add3A_691 = arith.addf %add3A_684, %get3A_690 : vector<16xf32>
        %add3A_692 = arith.constant 7 : i32
        %add3A_693 = arith.addi %mul3A_215, %add3A_692 : i32
        %get3A_694 = arith.index_cast %add3A_693 : i32 to index
        %get3A_695 = arith.constant 96 : index
        %get3A_696 = tpu.vector_load %arg13[%get3A_694, %get3A_695] {strides = array<i32>} : memref<320x128xf32, #tpu.memory_space<vmem>>, vector<1x16xf32>,
        %get3A_697 = vector.shape_cast %get3A_696 : vector<1x16xf32> to vector<16xf32>
        %add3A_698 = arith.addf %add3A_691, %get3A_697 : vector<16xf32>
        %add3A_699 = arith.constant 8 : i32
        %add3A_700 = arith.addi %mul3A_215, %add3A_699 : i32
        %get3A_701 = arith.index_cast %add3A_700 : i32 to index
        %get3A_702 = arith.constant 96 : index
        %get3A_703 = tpu.vector_load %arg13[%get3A_701, %get3A_702] {strides = array<i32>} : memref<320x128xf32, #tpu.memory_space<vmem>>, vector<1x16xf32>,
        %get3A_704 = vector.shape_cast %get3A_703 : vector<1x16xf32> to vector<16xf32>
        %add3A_705 = arith.addf %add3A_698, %get3A_704 : vector<16xf32>
        %add3A_706 = arith.constant 9 : i32
        %add3A_707 = arith.addi %mul3A_215, %add3A_706 : i32
        %get3A_708 = arith.index_cast %add3A_707 : i32 to index
        %get3A_709 = arith.constant 96 : index
        %get3A_710 = tpu.vector_load %arg13[%get3A_708, %get3A_709] {strides = array<i32>} : memref<320x128xf32, #tpu.memory_space<vmem>>, vector<1x16xf32>,
        %get3A_711 = vector.shape_cast %get3A_710 : vector<1x16xf32> to vector<16xf32>
        %add3A_712 = arith.addf %add3A_705, %get3A_711 : vector<16xf32>
        %swap3A_713 = arith.index_cast %add3A_213 : i32 to index
        %swap3A_714 = arith.constant 96 : index
        %swap3A_715 = tpu.vector_load %arg15[%swap3A_713, %swap3A_714] {strides = array<i32>} : memref<32x128xf32, #tpu.memory_space<vmem>>, vector<1x16xf32>,
        %swap3A_716 = vector.shape_cast %swap3A_715 : vector<1x16xf32> to vector<16xf32>
        %swap3A_717 = vector.shape_cast %add3A_712 : vector<16xf32> to vector<1x16xf32>
        tpu.vector_store %arg15[%swap3A_713, %swap3A_714], %swap3A_717 {strides = array<i32>} : memref<32x128xf32, #tpu.memory_space<vmem>>, vector<1x16xf32>,
        %get3A_718 = arith.index_cast %mul3A_215 : i32 to index
        %get3A_719 = arith.constant 112 : index
        %get3A_720 = tpu.vector_load %arg13[%get3A_718, %get3A_719] {strides = array<i32>} : memref<320x128xf32, #tpu.memory_space<vmem>>, vector<1x16xf32>,
        %get3A_721 = vector.shape_cast %get3A_720 : vector<1x16xf32> to vector<16xf32>
        %add3A_722 = arith.constant 1 : i32
        %add3A_723 = arith.addi %mul3A_215, %add3A_722 : i32
        %get3A_724 = arith.index_cast %add3A_723 : i32 to index
        %get3A_725 = arith.constant 112 : index
        %get3A_726 = tpu.vector_load %arg13[%get3A_724, %get3A_725] {strides = array<i32>} : memref<320x128xf32, #tpu.memory_space<vmem>>, vector<1x16xf32>,
        %get3A_727 = vector.shape_cast %get3A_726 : vector<1x16xf32> to vector<16xf32>
        %add3A_728 = arith.addf %get3A_721, %get3A_727 : vector<16xf32>
        %add3A_729 = arith.constant 2 : i32
        %add3A_730 = arith.addi %mul3A_215, %add3A_729 : i32
        %get3A_731 = arith.index_cast %add3A_730 : i32 to index
        %get3A_732 = arith.constant 112 : index
        %get3A_733 = tpu.vector_load %arg13[%get3A_731, %get3A_732] {strides = array<i32>} : memref<320x128xf32, #tpu.memory_space<vmem>>, vector<1x16xf32>,
        %get3A_734 = vector.shape_cast %get3A_733 : vector<1x16xf32> to vector<16xf32>
        %add3A_735 = arith.addf %add3A_728, %get3A_734 : vector<16xf32>
        %add3A_736 = arith.constant 3 : i32
        %add3A_737 = arith.addi %mul3A_215, %add3A_736 : i32
        %get3A_738 = arith.index_cast %add3A_737 : i32 to index
        %get3A_739 = arith.constant 112 : index
        %get3A_740 = tpu.vector_load %arg13[%get3A_738, %get3A_739] {strides = array<i32>} : memref<320x128xf32, #tpu.memory_space<vmem>>, vector<1x16xf32>,
        %get3A_741 = vector.shape_cast %get3A_740 : vector<1x16xf32> to vector<16xf32>
        %add3A_742 = arith.addf %add3A_735, %get3A_741 : vector<16xf32>
        %add3A_743 = arith.constant 4 : i32
        %add3A_744 = arith.addi %mul3A_215, %add3A_743 : i32
        %get3A_745 = arith.index_cast %add3A_744 : i32 to index
        %get3A_746 = arith.constant 112 : index
        %get3A_747 = tpu.vector_load %arg13[%get3A_745, %get3A_746] {strides = array<i32>} : memref<320x128xf32, #tpu.memory_space<vmem>>, vector<1x16xf32>,
        %get3A_748 = vector.shape_cast %get3A_747 : vector<1x16xf32> to vector<16xf32>
        %add3A_749 = arith.addf %add3A_742, %get3A_748 : vector<16xf32>
        %add3A_750 = arith.constant 5 : i32
        %add3A_751 = arith.addi %mul3A_215, %add3A_750 : i32
        %get3A_752 = arith.index_cast %add3A_751 : i32 to index
        %get3A_753 = arith.constant 112 : index
        %get3A_754 = tpu.vector_load %arg13[%get3A_752, %get3A_753] {strides = array<i32>} : memref<320x128xf32, #tpu.memory_space<vmem>>, vector<1x16xf32>,
        %get3A_755 = vector.shape_cast %get3A_754 : vector<1x16xf32> to vector<16xf32>
        %add3A_756 = arith.addf %add3A_749, %get3A_755 : vector<16xf32>
        %add3A_757 = arith.constant 6 : i32
        %add3A_758 = arith.addi %mul3A_215, %add3A_757 : i32
        %get3A_759 = arith.index_cast %add3A_758 : i32 to index
        %get3A_760 = arith.constant 112 : index
        %get3A_761 = tpu.vector_load %arg13[%get3A_759, %get3A_760] {strides = array<i32>} : memref<320x128xf32, #tpu.memory_space<vmem>>, vector<1x16xf32>,
        %get3A_762 = vector.shape_cast %get3A_761 : vector<1x16xf32> to vector<16xf32>
        %add3A_763 = arith.addf %add3A_756, %get3A_762 : vector<16xf32>
        %add3A_764 = arith.constant 7 : i32
        %add3A_765 = arith.addi %mul3A_215, %add3A_764 : i32
        %get3A_766 = arith.index_cast %add3A_765 : i32 to index
        %get3A_767 = arith.constant 112 : index
        %get3A_768 = tpu.vector_load %arg13[%get3A_766, %get3A_767] {strides = array<i32>} : memref<320x128xf32, #tpu.memory_space<vmem>>, vector<1x16xf32>,
        %get3A_769 = vector.shape_cast %get3A_768 : vector<1x16xf32> to vector<16xf32>
        %add3A_770 = arith.addf %add3A_763, %get3A_769 : vector<16xf32>
        %add3A_771 = arith.constant 8 : i32
        %add3A_772 = arith.addi %mul3A_215, %add3A_771 : i32
        %get3A_773 = arith.index_cast %add3A_772 : i32 to index
        %get3A_774 = arith.constant 112 : index
        %get3A_775 = tpu.vector_load %arg13[%get3A_773, %get3A_774] {strides = array<i32>} : memref<320x128xf32, #tpu.memory_space<vmem>>, vector<1x16xf32>,
        %get3A_776 = vector.shape_cast %get3A_775 : vector<1x16xf32> to vector<16xf32>
        %add3A_777 = arith.addf %add3A_770, %get3A_776 : vector<16xf32>
        %add3A_778 = arith.constant 9 : i32
        %add3A_779 = arith.addi %mul3A_215, %add3A_778 : i32
        %get3A_780 = arith.index_cast %add3A_779 : i32 to index
        %get3A_781 = arith.constant 112 : index
        %get3A_782 = tpu.vector_load %arg13[%get3A_780, %get3A_781] {strides = array<i32>} : memref<320x128xf32, #tpu.memory_space<vmem>>, vector<1x16xf32>,
        %get3A_783 = vector.shape_cast %get3A_782 : vector<1x16xf32> to vector<16xf32>
        %add3A_784 = arith.addf %add3A_777, %get3A_783 : vector<16xf32>
        %swap3A_785 = arith.index_cast %add3A_213 : i32 to index
        %swap3A_786 = arith.constant 112 : index
        %swap3A_787 = tpu.vector_load %arg15[%swap3A_785, %swap3A_786] {strides = array<i32>} : memref<32x128xf32, #tpu.memory_space<vmem>>, vector<1x16xf32>,
        %swap3A_788 = vector.shape_cast %swap3A_787 : vector<1x16xf32> to vector<16xf32>
        %swap3A_789 = vector.shape_cast %add3A_784 : vector<16xf32> to vector<1x16xf32>
        tpu.vector_store %arg15[%swap3A_785, %swap3A_786], %swap3A_789 {strides = array<i32>} : memref<32x128xf32, #tpu.memory_space<vmem>>, vector<1x16xf32>,
      }
      %scan3A_159 = arith.constant 32 : i32
      "tpu.region"() ({
        %run_scoped3A = tpu.sem_alloc : memref<!tpu.dma_semaphore, #tpu.memory_space<semaphore_mem>>
        %dma_start3A_209 = arith.constant 0 : i32
        %dma_start3A_210 = tpu.memref_slice %arg6[%multiple_of3A_154, %dma_start3A_209] : memref<50000x128xf32, #tpu.memory_space<hbm>> -> memref<32x128xf32, #tpu.memory_space<hbm>>
        %dma_start3A_211 = arith.constant 0 : i32
        %dma_start3A_212 = tpu.memref_slice %arg6[%multiple_of3A_154, %dma_start3A_211] : memref<50000x128xf32, #tpu.memory_space<hbm>> -> memref<32x128xf32, #tpu.memory_space<hbm>>
        tpu.enqueue_dma source(%arg15 : memref<32x128xf32, #tpu.memory_space<vmem>>) target(%dma_start3A_212 : memref<32x128xf32, #tpu.memory_space<hbm>>) target_semaphore(%run_scoped3A : memref<!tpu.dma_semaphore, #tpu.memory_space<semaphore_mem>>)
        %dma_wait3A_213 = arith.constant 0 : i32
        %dma_wait3A_214 = tpu.memref_slice %arg6[%multiple_of3A_154, %dma_wait3A_213] : memref<50000x128xf32, #tpu.memory_space<hbm>> -> memref<32x128xf32, #tpu.memory_space<hbm>>
        %dma_wait3A_215 = arith.constant 0 : i32
        %dma_wait3A_216 = tpu.memref_slice %arg6[%multiple_of3A_154, %dma_wait3A_215] : memref<50000x128xf32, #tpu.memory_space<hbm>> -> memref<32x128xf32, #tpu.memory_space<hbm>>
        tpu.wait_dma2 semaphore(%run_scoped3A : memref<!tpu.dma_semaphore, #tpu.memory_space<semaphore_mem>>) src(%arg15 : memref<32x128xf32, #tpu.memory_space<vmem>>) dst(%dma_wait3A_216 : memref<32x128xf32, #tpu.memory_space<hbm>>)
        tpu.yield
      }) : () -> ()
      %add3A_160 = arith.constant 2 : i32
      %add3A_161 = arith.addi %add3A_112, %add3A_160 : i32
      %dma_wait3A_162 = arith.constant 0 : i32
      %dma_wait3A_163 = tpu.memref_slice %arg2[%dma_wait3A_162] : memref<50000xi32, #tpu.memory_space<hbm>> -> memref<32xi32, #tpu.memory_space<hbm>>
      %dma_wait3A_164 = arith.constant 0 : i32
      %dma_wait3A_165 = tpu.memref_slice %arg2[%dma_wait3A_164] : memref<50000xi32, #tpu.memory_space<hbm>> -> memref<32xi32, #tpu.memory_space<hbm>>
      tpu.wait_dma2 semaphore(%arg16 : memref<!tpu.dma_semaphore, #tpu.memory_space<semaphore_mem>>) src(%dma_wait3A_165 : memref<32xi32, #tpu.memory_space<hbm>>) dst(%arg7 : memref<32xi32, #tpu.memory_space<vmem>>)
      %dma_wait3A_166 = arith.constant 0 : i32
      %dma_wait3A_167 = tpu.memref_slice %arg3[%dma_wait3A_166] : memref<500000xi32, #tpu.memory_space<hbm>> -> memref<320xi32, #tpu.memory_space<hbm>>
      %dma_wait3A_168 = arith.constant 0 : i32
      %dma_wait3A_169 = tpu.memref_slice %arg3[%dma_wait3A_168] : memref<500000xi32, #tpu.memory_space<hbm>> -> memref<320xi32, #tpu.memory_space<hbm>>
      tpu.wait_dma2 semaphore(%arg16 : memref<!tpu.dma_semaphore, #tpu.memory_space<semaphore_mem>>) src(%dma_wait3A_169 : memref<320xi32, #tpu.memory_space<hbm>>) dst(%arg9 : memref<320xi32, #tpu.memory_space<vmem>>)
      %dma_start3A_170 = arith.constant 0 : i32
      %dma_start3A_171 = arith.constant 0 : i32
      %dma_start3A_172 = tpu.memref_slice %arg4[%dma_start3A_170, %dma_start3A_171] : memref<100000x128xf32, #tpu.memory_space<hbm>> -> memref<100000x128xf32, #tpu.memory_space<hbm>>
      tpu.enqueue_indirect_dma source(%dma_start3A_172 : memref<100000x128xf32, #tpu.memory_space<hbm>>) target(%arg11 : memref<32x128xf32, #tpu.memory_space<vmem>>) offsets(%arg7 : memref<32xi32, #tpu.memory_space<vmem>>) semaphore(%arg18 : memref<!tpu.dma_semaphore, #tpu.memory_space<semaphore_mem>>)
      %dma_start3A_173 = arith.constant 0 : i32
      %dma_start3A_174 = arith.constant 0 : i32
      %dma_start3A_175 = tpu.memref_slice %arg4[%dma_start3A_173, %dma_start3A_174] : memref<100000x128xf32, #tpu.memory_space<hbm>> -> memref<100000x128xf32, #tpu.memory_space<hbm>>
      tpu.enqueue_indirect_dma source(%dma_start3A_175 : memref<100000x128xf32, #tpu.memory_space<hbm>>) target(%arg13 : memref<320x128xf32, #tpu.memory_space<vmem>>) offsets(%arg9 : memref<320xi32, #tpu.memory_space<vmem>>) semaphore(%arg20 : memref<!tpu.dma_semaphore, #tpu.memory_space<semaphore_mem>>)
      %dma_wait3A_176 = arith.constant 0 : i32
      %dma_wait3A_177 = arith.constant 0 : i32
      %dma_wait3A_178 = tpu.memref_slice %arg4[%dma_wait3A_176, %dma_wait3A_177] : memref<100000x128xf32, #tpu.memory_space<hbm>> -> memref<100000x128xf32, #tpu.memory_space<hbm>>
      tpu.wait_indirect_dma semaphore(%arg19 : memref<!tpu.dma_semaphore, #tpu.memory_space<semaphore_mem>>) src(%dma_wait3A_178 : memref<100000x128xf32, #tpu.memory_space<hbm>>) dst(%arg12 : memref<32x128xf32, #tpu.memory_space<vmem>>)
      %dma_wait3A_179 = arith.constant 0 : i32
      %dma_wait3A_180 = arith.constant 0 : i32
      %dma_wait3A_181 = tpu.memref_slice %arg4[%dma_wait3A_179, %dma_wait3A_180] : memref<100000x128xf32, #tpu.memory_space<hbm>> -> memref<100000x128xf32, #tpu.memory_space<hbm>>
      tpu.wait_indirect_dma semaphore(%arg21 : memref<!tpu.dma_semaphore, #tpu.memory_space<semaphore_mem>>) src(%dma_wait3A_181 : memref<100000x128xf32, #tpu.memory_space<hbm>>) dst(%arg14 : memref<320x128xf32, #tpu.memory_space<vmem>>)
      %add3A_182 = arith.constant 3 : i32
      %add3A_183 = arith.addi %add3A_112, %add3A_182 : i32
      %mul3A_184 = arith.constant 32 : i32
      %mul3A_185 = arith.muli %add3A_183, %mul3A_184 : i32
      %add3A_186 = arith.addi %select_n3A_6, %mul3A_185 : i32
      %min3A_187 = arith.constant 49968 : i32
      %min3A_188 = arith.minsi %add3A_186, %min3A_187 : i32
      %multiple_of3A_189 = tpu.assume_multiple %min3A_188, 16 : i32
      %dma_start3A_190 = tpu.memref_slice %arg2[%multiple_of3A_189] : memref<50000xi32, #tpu.memory_space<hbm>> -> memref<32xi32, #tpu.memory_space<hbm>>
      %dma_start3A_191 = tpu.memref_slice %arg2[%multiple_of3A_189] : memref<50000xi32, #tpu.memory_space<hbm>> -> memref<32xi32, #tpu.memory_space<hbm>>
      tpu.enqueue_dma source(%dma_start3A_191 : memref<32xi32, #tpu.memory_space<hbm>>) target(%arg8 : memref<32xi32, #tpu.memory_space<vmem>>) target_semaphore(%arg17 : memref<!tpu.dma_semaphore, #tpu.memory_space<semaphore_mem>>)
      %mul3A_192 = arith.constant 10 : i32
      %mul3A_193 = arith.muli %multiple_of3A_189, %mul3A_192 : i32
      %dma_start3A_194 = tpu.memref_slice %arg3[%mul3A_193] : memref<500000xi32, #tpu.memory_space<hbm>> -> memref<320xi32, #tpu.memory_space<hbm>>
      %dma_start3A_195 = tpu.memref_slice %arg3[%mul3A_193] : memref<500000xi32, #tpu.memory_space<hbm>> -> memref<320xi32, #tpu.memory_space<hbm>>
      tpu.enqueue_dma source(%dma_start3A_195 : memref<320xi32, #tpu.memory_space<hbm>>) target(%arg10 : memref<320xi32, #tpu.memory_space<vmem>>) target_semaphore(%arg17 : memref<!tpu.dma_semaphore, #tpu.memory_space<semaphore_mem>>)
      %add3A_196 = arith.constant 1 : i32
      %add3A_197 = arith.addi %add3A_112, %add3A_196 : i32
      %mul3A_198 = arith.constant 32 : i32
      %mul3A_199 = arith.muli %add3A_197, %mul3A_198 : i32
      %add3A_200 = arith.addi %select_n3A_6, %mul3A_199 : i32
      %min3A_201 = arith.constant 49968 : i32
      %min3A_202 = arith.minsi %add3A_200, %min3A_201 : i32
      %multiple_of3A_203 = tpu.assume_multiple %min3A_202, 16 : i32
      "tpu.region"() ({
        %run_scoped3A = tpu.sem_alloc : memref<!tpu.dma_semaphore, #tpu.memory_space<semaphore_mem>>
        %dma_start3A_209 = arith.constant 0 : i32
        %dma_start3A_210 = tpu.memref_slice %arg5[%multiple_of3A_203, %dma_start3A_209] : memref<50000x128xf32, #tpu.memory_space<hbm>> -> memref<32x128xf32, #tpu.memory_space<hbm>>
        %dma_start3A_211 = arith.constant 0 : i32
        %dma_start3A_212 = tpu.memref_slice %arg5[%multiple_of3A_203, %dma_start3A_211] : memref<50000x128xf32, #tpu.memory_space<hbm>> -> memref<32x128xf32, #tpu.memory_space<hbm>>
        tpu.enqueue_dma source(%arg12 : memref<32x128xf32, #tpu.memory_space<vmem>>) target(%dma_start3A_212 : memref<32x128xf32, #tpu.memory_space<hbm>>) target_semaphore(%run_scoped3A : memref<!tpu.dma_semaphore, #tpu.memory_space<semaphore_mem>>)
        %dma_wait3A_213 = arith.constant 0 : i32
        %dma_wait3A_214 = tpu.memref_slice %arg5[%multiple_of3A_203, %dma_wait3A_213] : memref<50000x128xf32, #tpu.memory_space<hbm>> -> memref<32x128xf32, #tpu.memory_space<hbm>>
        %dma_wait3A_215 = arith.constant 0 : i32
        %dma_wait3A_216 = tpu.memref_slice %arg5[%multiple_of3A_203, %dma_wait3A_215] : memref<50000x128xf32, #tpu.memory_space<hbm>> -> memref<32x128xf32, #tpu.memory_space<hbm>>
        tpu.wait_dma2 semaphore(%run_scoped3A : memref<!tpu.dma_semaphore, #tpu.memory_space<semaphore_mem>>) src(%arg12 : memref<32x128xf32, #tpu.memory_space<vmem>>) dst(%dma_wait3A_216 : memref<32x128xf32, #tpu.memory_space<hbm>>)
        tpu.yield
      }) : () -> ()
      %scan3A_204 = arith.constant 0 : i32
      %scan3A_205 = arith.constant 32 : i32
      %scan3A_206 = arith.addi %scan3A_204, %scan3A_205 : i32
      %scan3A_207 = arith.constant 1 : i32
      scf.for %scan3A_209 = %scan3A_204 to %scan3A_206 step %scan3A_207  : i32 {
        %mul3A_210 = arith.constant 1 : i32
        %mul3A_211 = arith.muli %scan3A_209, %mul3A_210 : i32
        %add3A_212 = arith.constant 0 : i32
        %add3A_213 = arith.addi %add3A_212, %mul3A_211 : i32
        %mul3A_214 = arith.constant 10 : i32
        %mul3A_215 = arith.muli %add3A_213, %mul3A_214 : i32
        %get3A = arith.index_cast %mul3A_215 : i32 to index
        %get3A_216 = arith.constant 0 : index
        %get3A_217 = tpu.vector_load %arg14[%get3A, %get3A_216] {strides = array<i32>} : memref<320x128xf32, #tpu.memory_space<vmem>>, vector<1x16xf32>,
        %get3A_218 = vector.shape_cast %get3A_217 : vector<1x16xf32> to vector<16xf32>
        %add3A_219 = arith.constant 1 : i32
        %add3A_220 = arith.addi %mul3A_215, %add3A_219 : i32
        %get3A_221 = arith.index_cast %add3A_220 : i32 to index
        %get3A_222 = arith.constant 0 : index
        %get3A_223 = tpu.vector_load %arg14[%get3A_221, %get3A_222] {strides = array<i32>} : memref<320x128xf32, #tpu.memory_space<vmem>>, vector<1x16xf32>,
        %get3A_224 = vector.shape_cast %get3A_223 : vector<1x16xf32> to vector<16xf32>
        %add3A_225 = arith.addf %get3A_218, %get3A_224 : vector<16xf32>
        %add3A_226 = arith.constant 2 : i32
        %add3A_227 = arith.addi %mul3A_215, %add3A_226 : i32
        %get3A_228 = arith.index_cast %add3A_227 : i32 to index
        %get3A_229 = arith.constant 0 : index
        %get3A_230 = tpu.vector_load %arg14[%get3A_228, %get3A_229] {strides = array<i32>} : memref<320x128xf32, #tpu.memory_space<vmem>>, vector<1x16xf32>,
        %get3A_231 = vector.shape_cast %get3A_230 : vector<1x16xf32> to vector<16xf32>
        %add3A_232 = arith.addf %add3A_225, %get3A_231 : vector<16xf32>
        %add3A_233 = arith.constant 3 : i32
        %add3A_234 = arith.addi %mul3A_215, %add3A_233 : i32
        %get3A_235 = arith.index_cast %add3A_234 : i32 to index
        %get3A_236 = arith.constant 0 : index
        %get3A_237 = tpu.vector_load %arg14[%get3A_235, %get3A_236] {strides = array<i32>} : memref<320x128xf32, #tpu.memory_space<vmem>>, vector<1x16xf32>,
        %get3A_238 = vector.shape_cast %get3A_237 : vector<1x16xf32> to vector<16xf32>
        %add3A_239 = arith.addf %add3A_232, %get3A_238 : vector<16xf32>
        %add3A_240 = arith.constant 4 : i32
        %add3A_241 = arith.addi %mul3A_215, %add3A_240 : i32
        %get3A_242 = arith.index_cast %add3A_241 : i32 to index
        %get3A_243 = arith.constant 0 : index
        %get3A_244 = tpu.vector_load %arg14[%get3A_242, %get3A_243] {strides = array<i32>} : memref<320x128xf32, #tpu.memory_space<vmem>>, vector<1x16xf32>,
        %get3A_245 = vector.shape_cast %get3A_244 : vector<1x16xf32> to vector<16xf32>
        %add3A_246 = arith.addf %add3A_239, %get3A_245 : vector<16xf32>
        %add3A_247 = arith.constant 5 : i32
        %add3A_248 = arith.addi %mul3A_215, %add3A_247 : i32
        %get3A_249 = arith.index_cast %add3A_248 : i32 to index
        %get3A_250 = arith.constant 0 : index
        %get3A_251 = tpu.vector_load %arg14[%get3A_249, %get3A_250] {strides = array<i32>} : memref<320x128xf32, #tpu.memory_space<vmem>>, vector<1x16xf32>,
        %get3A_252 = vector.shape_cast %get3A_251 : vector<1x16xf32> to vector<16xf32>
        %add3A_253 = arith.addf %add3A_246, %get3A_252 : vector<16xf32>
        %add3A_254 = arith.constant 6 : i32
        %add3A_255 = arith.addi %mul3A_215, %add3A_254 : i32
        %get3A_256 = arith.index_cast %add3A_255 : i32 to index
        %get3A_257 = arith.constant 0 : index
        %get3A_258 = tpu.vector_load %arg14[%get3A_256, %get3A_257] {strides = array<i32>} : memref<320x128xf32, #tpu.memory_space<vmem>>, vector<1x16xf32>,
        %get3A_259 = vector.shape_cast %get3A_258 : vector<1x16xf32> to vector<16xf32>
        %add3A_260 = arith.addf %add3A_253, %get3A_259 : vector<16xf32>
        %add3A_261 = arith.constant 7 : i32
        %add3A_262 = arith.addi %mul3A_215, %add3A_261 : i32
        %get3A_263 = arith.index_cast %add3A_262 : i32 to index
        %get3A_264 = arith.constant 0 : index
        %get3A_265 = tpu.vector_load %arg14[%get3A_263, %get3A_264] {strides = array<i32>} : memref<320x128xf32, #tpu.memory_space<vmem>>, vector<1x16xf32>,
        %get3A_266 = vector.shape_cast %get3A_265 : vector<1x16xf32> to vector<16xf32>
        %add3A_267 = arith.addf %add3A_260, %get3A_266 : vector<16xf32>
        %add3A_268 = arith.constant 8 : i32
        %add3A_269 = arith.addi %mul3A_215, %add3A_268 : i32
        %get3A_270 = arith.index_cast %add3A_269 : i32 to index
        %get3A_271 = arith.constant 0 : index
        %get3A_272 = tpu.vector_load %arg14[%get3A_270, %get3A_271] {strides = array<i32>} : memref<320x128xf32, #tpu.memory_space<vmem>>, vector<1x16xf32>,
        %get3A_273 = vector.shape_cast %get3A_272 : vector<1x16xf32> to vector<16xf32>
        %add3A_274 = arith.addf %add3A_267, %get3A_273 : vector<16xf32>
        %add3A_275 = arith.constant 9 : i32
        %add3A_276 = arith.addi %mul3A_215, %add3A_275 : i32
        %get3A_277 = arith.index_cast %add3A_276 : i32 to index
        %get3A_278 = arith.constant 0 : index
        %get3A_279 = tpu.vector_load %arg14[%get3A_277, %get3A_278] {strides = array<i32>} : memref<320x128xf32, #tpu.memory_space<vmem>>, vector<1x16xf32>,
        %get3A_280 = vector.shape_cast %get3A_279 : vector<1x16xf32> to vector<16xf32>
        %add3A_281 = arith.addf %add3A_274, %get3A_280 : vector<16xf32>
        %swap3A = arith.index_cast %add3A_213 : i32 to index
        %swap3A_282 = arith.constant 0 : index
        %swap3A_283 = tpu.vector_load %arg15[%swap3A, %swap3A_282] {strides = array<i32>} : memref<32x128xf32, #tpu.memory_space<vmem>>, vector<1x16xf32>,
        %swap3A_284 = vector.shape_cast %swap3A_283 : vector<1x16xf32> to vector<16xf32>
        %swap3A_285 = vector.shape_cast %add3A_281 : vector<16xf32> to vector<1x16xf32>
        tpu.vector_store %arg15[%swap3A, %swap3A_282], %swap3A_285 {strides = array<i32>} : memref<32x128xf32, #tpu.memory_space<vmem>>, vector<1x16xf32>,
        %get3A_286 = arith.index_cast %mul3A_215 : i32 to index
        %get3A_287 = arith.constant 16 : index
        %get3A_288 = tpu.vector_load %arg14[%get3A_286, %get3A_287] {strides = array<i32>} : memref<320x128xf32, #tpu.memory_space<vmem>>, vector<1x16xf32>,
        %get3A_289 = vector.shape_cast %get3A_288 : vector<1x16xf32> to vector<16xf32>
        %add3A_290 = arith.constant 1 : i32
        %add3A_291 = arith.addi %mul3A_215, %add3A_290 : i32
        %get3A_292 = arith.index_cast %add3A_291 : i32 to index
        %get3A_293 = arith.constant 16 : index
        %get3A_294 = tpu.vector_load %arg14[%get3A_292, %get3A_293] {strides = array<i32>} : memref<320x128xf32, #tpu.memory_space<vmem>>, vector<1x16xf32>,
        %get3A_295 = vector.shape_cast %get3A_294 : vector<1x16xf32> to vector<16xf32>
        %add3A_296 = arith.addf %get3A_289, %get3A_295 : vector<16xf32>
        %add3A_297 = arith.constant 2 : i32
        %add3A_298 = arith.addi %mul3A_215, %add3A_297 : i32
        %get3A_299 = arith.index_cast %add3A_298 : i32 to index
        %get3A_300 = arith.constant 16 : index
        %get3A_301 = tpu.vector_load %arg14[%get3A_299, %get3A_300] {strides = array<i32>} : memref<320x128xf32, #tpu.memory_space<vmem>>, vector<1x16xf32>,
        %get3A_302 = vector.shape_cast %get3A_301 : vector<1x16xf32> to vector<16xf32>
        %add3A_303 = arith.addf %add3A_296, %get3A_302 : vector<16xf32>
        %add3A_304 = arith.constant 3 : i32
        %add3A_305 = arith.addi %mul3A_215, %add3A_304 : i32
        %get3A_306 = arith.index_cast %add3A_305 : i32 to index
        %get3A_307 = arith.constant 16 : index
        %get3A_308 = tpu.vector_load %arg14[%get3A_306, %get3A_307] {strides = array<i32>} : memref<320x128xf32, #tpu.memory_space<vmem>>, vector<1x16xf32>,
        %get3A_309 = vector.shape_cast %get3A_308 : vector<1x16xf32> to vector<16xf32>
        %add3A_310 = arith.addf %add3A_303, %get3A_309 : vector<16xf32>
        %add3A_311 = arith.constant 4 : i32
        %add3A_312 = arith.addi %mul3A_215, %add3A_311 : i32
        %get3A_313 = arith.index_cast %add3A_312 : i32 to index
        %get3A_314 = arith.constant 16 : index
        %get3A_315 = tpu.vector_load %arg14[%get3A_313, %get3A_314] {strides = array<i32>} : memref<320x128xf32, #tpu.memory_space<vmem>>, vector<1x16xf32>,
        %get3A_316 = vector.shape_cast %get3A_315 : vector<1x16xf32> to vector<16xf32>
        %add3A_317 = arith.addf %add3A_310, %get3A_316 : vector<16xf32>
        %add3A_318 = arith.constant 5 : i32
        %add3A_319 = arith.addi %mul3A_215, %add3A_318 : i32
        %get3A_320 = arith.index_cast %add3A_319 : i32 to index
        %get3A_321 = arith.constant 16 : index
        %get3A_322 = tpu.vector_load %arg14[%get3A_320, %get3A_321] {strides = array<i32>} : memref<320x128xf32, #tpu.memory_space<vmem>>, vector<1x16xf32>,
        %get3A_323 = vector.shape_cast %get3A_322 : vector<1x16xf32> to vector<16xf32>
        %add3A_324 = arith.addf %add3A_317, %get3A_323 : vector<16xf32>
        %add3A_325 = arith.constant 6 : i32
        %add3A_326 = arith.addi %mul3A_215, %add3A_325 : i32
        %get3A_327 = arith.index_cast %add3A_326 : i32 to index
        %get3A_328 = arith.constant 16 : index
        %get3A_329 = tpu.vector_load %arg14[%get3A_327, %get3A_328] {strides = array<i32>} : memref<320x128xf32, #tpu.memory_space<vmem>>, vector<1x16xf32>,
        %get3A_330 = vector.shape_cast %get3A_329 : vector<1x16xf32> to vector<16xf32>
        %add3A_331 = arith.addf %add3A_324, %get3A_330 : vector<16xf32>
        %add3A_332 = arith.constant 7 : i32
        %add3A_333 = arith.addi %mul3A_215, %add3A_332 : i32
        %get3A_334 = arith.index_cast %add3A_333 : i32 to index
        %get3A_335 = arith.constant 16 : index
        %get3A_336 = tpu.vector_load %arg14[%get3A_334, %get3A_335] {strides = array<i32>} : memref<320x128xf32, #tpu.memory_space<vmem>>, vector<1x16xf32>,
        %get3A_337 = vector.shape_cast %get3A_336 : vector<1x16xf32> to vector<16xf32>
        %add3A_338 = arith.addf %add3A_331, %get3A_337 : vector<16xf32>
        %add3A_339 = arith.constant 8 : i32
        %add3A_340 = arith.addi %mul3A_215, %add3A_339 : i32
        %get3A_341 = arith.index_cast %add3A_340 : i32 to index
        %get3A_342 = arith.constant 16 : index
        %get3A_343 = tpu.vector_load %arg14[%get3A_341, %get3A_342] {strides = array<i32>} : memref<320x128xf32, #tpu.memory_space<vmem>>, vector<1x16xf32>,
        %get3A_344 = vector.shape_cast %get3A_343 : vector<1x16xf32> to vector<16xf32>
        %add3A_345 = arith.addf %add3A_338, %get3A_344 : vector<16xf32>
        %add3A_346 = arith.constant 9 : i32
        %add3A_347 = arith.addi %mul3A_215, %add3A_346 : i32
        %get3A_348 = arith.index_cast %add3A_347 : i32 to index
        %get3A_349 = arith.constant 16 : index
        %get3A_350 = tpu.vector_load %arg14[%get3A_348, %get3A_349] {strides = array<i32>} : memref<320x128xf32, #tpu.memory_space<vmem>>, vector<1x16xf32>,
        %get3A_351 = vector.shape_cast %get3A_350 : vector<1x16xf32> to vector<16xf32>
        %add3A_352 = arith.addf %add3A_345, %get3A_351 : vector<16xf32>
        %swap3A_353 = arith.index_cast %add3A_213 : i32 to index
        %swap3A_354 = arith.constant 16 : index
        %swap3A_355 = tpu.vector_load %arg15[%swap3A_353, %swap3A_354] {strides = array<i32>} : memref<32x128xf32, #tpu.memory_space<vmem>>, vector<1x16xf32>,
        %swap3A_356 = vector.shape_cast %swap3A_355 : vector<1x16xf32> to vector<16xf32>
        %swap3A_357 = vector.shape_cast %add3A_352 : vector<16xf32> to vector<1x16xf32>
        tpu.vector_store %arg15[%swap3A_353, %swap3A_354], %swap3A_357 {strides = array<i32>} : memref<32x128xf32, #tpu.memory_space<vmem>>, vector<1x16xf32>,
        %get3A_358 = arith.index_cast %mul3A_215 : i32 to index
        %get3A_359 = arith.constant 32 : index
        %get3A_360 = tpu.vector_load %arg14[%get3A_358, %get3A_359] {strides = array<i32>} : memref<320x128xf32, #tpu.memory_space<vmem>>, vector<1x16xf32>,
        %get3A_361 = vector.shape_cast %get3A_360 : vector<1x16xf32> to vector<16xf32>
        %add3A_362 = arith.constant 1 : i32
        %add3A_363 = arith.addi %mul3A_215, %add3A_362 : i32
        %get3A_364 = arith.index_cast %add3A_363 : i32 to index
        %get3A_365 = arith.constant 32 : index
        %get3A_366 = tpu.vector_load %arg14[%get3A_364, %get3A_365] {strides = array<i32>} : memref<320x128xf32, #tpu.memory_space<vmem>>, vector<1x16xf32>,
        %get3A_367 = vector.shape_cast %get3A_366 : vector<1x16xf32> to vector<16xf32>
        %add3A_368 = arith.addf %get3A_361, %get3A_367 : vector<16xf32>
        %add3A_369 = arith.constant 2 : i32
        %add3A_370 = arith.addi %mul3A_215, %add3A_369 : i32
        %get3A_371 = arith.index_cast %add3A_370 : i32 to index
        %get3A_372 = arith.constant 32 : index
        %get3A_373 = tpu.vector_load %arg14[%get3A_371, %get3A_372] {strides = array<i32>} : memref<320x128xf32, #tpu.memory_space<vmem>>, vector<1x16xf32>,
        %get3A_374 = vector.shape_cast %get3A_373 : vector<1x16xf32> to vector<16xf32>
        %add3A_375 = arith.addf %add3A_368, %get3A_374 : vector<16xf32>
        %add3A_376 = arith.constant 3 : i32
        %add3A_377 = arith.addi %mul3A_215, %add3A_376 : i32
        %get3A_378 = arith.index_cast %add3A_377 : i32 to index
        %get3A_379 = arith.constant 32 : index
        %get3A_380 = tpu.vector_load %arg14[%get3A_378, %get3A_379] {strides = array<i32>} : memref<320x128xf32, #tpu.memory_space<vmem>>, vector<1x16xf32>,
        %get3A_381 = vector.shape_cast %get3A_380 : vector<1x16xf32> to vector<16xf32>
        %add3A_382 = arith.addf %add3A_375, %get3A_381 : vector<16xf32>
        %add3A_383 = arith.constant 4 : i32
        %add3A_384 = arith.addi %mul3A_215, %add3A_383 : i32
        %get3A_385 = arith.index_cast %add3A_384 : i32 to index
        %get3A_386 = arith.constant 32 : index
        %get3A_387 = tpu.vector_load %arg14[%get3A_385, %get3A_386] {strides = array<i32>} : memref<320x128xf32, #tpu.memory_space<vmem>>, vector<1x16xf32>,
        %get3A_388 = vector.shape_cast %get3A_387 : vector<1x16xf32> to vector<16xf32>
        %add3A_389 = arith.addf %add3A_382, %get3A_388 : vector<16xf32>
        %add3A_390 = arith.constant 5 : i32
        %add3A_391 = arith.addi %mul3A_215, %add3A_390 : i32
        %get3A_392 = arith.index_cast %add3A_391 : i32 to index
        %get3A_393 = arith.constant 32 : index
        %get3A_394 = tpu.vector_load %arg14[%get3A_392, %get3A_393] {strides = array<i32>} : memref<320x128xf32, #tpu.memory_space<vmem>>, vector<1x16xf32>,
        %get3A_395 = vector.shape_cast %get3A_394 : vector<1x16xf32> to vector<16xf32>
        %add3A_396 = arith.addf %add3A_389, %get3A_395 : vector<16xf32>
        %add3A_397 = arith.constant 6 : i32
        %add3A_398 = arith.addi %mul3A_215, %add3A_397 : i32
        %get3A_399 = arith.index_cast %add3A_398 : i32 to index
        %get3A_400 = arith.constant 32 : index
        %get3A_401 = tpu.vector_load %arg14[%get3A_399, %get3A_400] {strides = array<i32>} : memref<320x128xf32, #tpu.memory_space<vmem>>, vector<1x16xf32>,
        %get3A_402 = vector.shape_cast %get3A_401 : vector<1x16xf32> to vector<16xf32>
        %add3A_403 = arith.addf %add3A_396, %get3A_402 : vector<16xf32>
        %add3A_404 = arith.constant 7 : i32
        %add3A_405 = arith.addi %mul3A_215, %add3A_404 : i32
        %get3A_406 = arith.index_cast %add3A_405 : i32 to index
        %get3A_407 = arith.constant 32 : index
        %get3A_408 = tpu.vector_load %arg14[%get3A_406, %get3A_407] {strides = array<i32>} : memref<320x128xf32, #tpu.memory_space<vmem>>, vector<1x16xf32>,
        %get3A_409 = vector.shape_cast %get3A_408 : vector<1x16xf32> to vector<16xf32>
        %add3A_410 = arith.addf %add3A_403, %get3A_409 : vector<16xf32>
        %add3A_411 = arith.constant 8 : i32
        %add3A_412 = arith.addi %mul3A_215, %add3A_411 : i32
        %get3A_413 = arith.index_cast %add3A_412 : i32 to index
        %get3A_414 = arith.constant 32 : index
        %get3A_415 = tpu.vector_load %arg14[%get3A_413, %get3A_414] {strides = array<i32>} : memref<320x128xf32, #tpu.memory_space<vmem>>, vector<1x16xf32>,
        %get3A_416 = vector.shape_cast %get3A_415 : vector<1x16xf32> to vector<16xf32>
        %add3A_417 = arith.addf %add3A_410, %get3A_416 : vector<16xf32>
        %add3A_418 = arith.constant 9 : i32
        %add3A_419 = arith.addi %mul3A_215, %add3A_418 : i32
        %get3A_420 = arith.index_cast %add3A_419 : i32 to index
        %get3A_421 = arith.constant 32 : index
        %get3A_422 = tpu.vector_load %arg14[%get3A_420, %get3A_421] {strides = array<i32>} : memref<320x128xf32, #tpu.memory_space<vmem>>, vector<1x16xf32>,
        %get3A_423 = vector.shape_cast %get3A_422 : vector<1x16xf32> to vector<16xf32>
        %add3A_424 = arith.addf %add3A_417, %get3A_423 : vector<16xf32>
        %swap3A_425 = arith.index_cast %add3A_213 : i32 to index
        %swap3A_426 = arith.constant 32 : index
        %swap3A_427 = tpu.vector_load %arg15[%swap3A_425, %swap3A_426] {strides = array<i32>} : memref<32x128xf32, #tpu.memory_space<vmem>>, vector<1x16xf32>,
        %swap3A_428 = vector.shape_cast %swap3A_427 : vector<1x16xf32> to vector<16xf32>
        %swap3A_429 = vector.shape_cast %add3A_424 : vector<16xf32> to vector<1x16xf32>
        tpu.vector_store %arg15[%swap3A_425, %swap3A_426], %swap3A_429 {strides = array<i32>} : memref<32x128xf32, #tpu.memory_space<vmem>>, vector<1x16xf32>,
        %get3A_430 = arith.index_cast %mul3A_215 : i32 to index
        %get3A_431 = arith.constant 48 : index
        %get3A_432 = tpu.vector_load %arg14[%get3A_430, %get3A_431] {strides = array<i32>} : memref<320x128xf32, #tpu.memory_space<vmem>>, vector<1x16xf32>,
        %get3A_433 = vector.shape_cast %get3A_432 : vector<1x16xf32> to vector<16xf32>
        %add3A_434 = arith.constant 1 : i32
        %add3A_435 = arith.addi %mul3A_215, %add3A_434 : i32
        %get3A_436 = arith.index_cast %add3A_435 : i32 to index
        %get3A_437 = arith.constant 48 : index
        %get3A_438 = tpu.vector_load %arg14[%get3A_436, %get3A_437] {strides = array<i32>} : memref<320x128xf32, #tpu.memory_space<vmem>>, vector<1x16xf32>,
        %get3A_439 = vector.shape_cast %get3A_438 : vector<1x16xf32> to vector<16xf32>
        %add3A_440 = arith.addf %get3A_433, %get3A_439 : vector<16xf32>
        %add3A_441 = arith.constant 2 : i32
        %add3A_442 = arith.addi %mul3A_215, %add3A_441 : i32
        %get3A_443 = arith.index_cast %add3A_442 : i32 to index
        %get3A_444 = arith.constant 48 : index
        %get3A_445 = tpu.vector_load %arg14[%get3A_443, %get3A_444] {strides = array<i32>} : memref<320x128xf32, #tpu.memory_space<vmem>>, vector<1x16xf32>,
        %get3A_446 = vector.shape_cast %get3A_445 : vector<1x16xf32> to vector<16xf32>
        %add3A_447 = arith.addf %add3A_440, %get3A_446 : vector<16xf32>
        %add3A_448 = arith.constant 3 : i32
        %add3A_449 = arith.addi %mul3A_215, %add3A_448 : i32
        %get3A_450 = arith.index_cast %add3A_449 : i32 to index
        %get3A_451 = arith.constant 48 : index
        %get3A_452 = tpu.vector_load %arg14[%get3A_450, %get3A_451] {strides = array<i32>} : memref<320x128xf32, #tpu.memory_space<vmem>>, vector<1x16xf32>,
        %get3A_453 = vector.shape_cast %get3A_452 : vector<1x16xf32> to vector<16xf32>
        %add3A_454 = arith.addf %add3A_447, %get3A_453 : vector<16xf32>
        %add3A_455 = arith.constant 4 : i32
        %add3A_456 = arith.addi %mul3A_215, %add3A_455 : i32
        %get3A_457 = arith.index_cast %add3A_456 : i32 to index
        %get3A_458 = arith.constant 48 : index
        %get3A_459 = tpu.vector_load %arg14[%get3A_457, %get3A_458] {strides = array<i32>} : memref<320x128xf32, #tpu.memory_space<vmem>>, vector<1x16xf32>,
        %get3A_460 = vector.shape_cast %get3A_459 : vector<1x16xf32> to vector<16xf32>
        %add3A_461 = arith.addf %add3A_454, %get3A_460 : vector<16xf32>
        %add3A_462 = arith.constant 5 : i32
        %add3A_463 = arith.addi %mul3A_215, %add3A_462 : i32
        %get3A_464 = arith.index_cast %add3A_463 : i32 to index
        %get3A_465 = arith.constant 48 : index
        %get3A_466 = tpu.vector_load %arg14[%get3A_464, %get3A_465] {strides = array<i32>} : memref<320x128xf32, #tpu.memory_space<vmem>>, vector<1x16xf32>,
        %get3A_467 = vector.shape_cast %get3A_466 : vector<1x16xf32> to vector<16xf32>
        %add3A_468 = arith.addf %add3A_461, %get3A_467 : vector<16xf32>
        %add3A_469 = arith.constant 6 : i32
        %add3A_470 = arith.addi %mul3A_215, %add3A_469 : i32
        %get3A_471 = arith.index_cast %add3A_470 : i32 to index
        %get3A_472 = arith.constant 48 : index
        %get3A_473 = tpu.vector_load %arg14[%get3A_471, %get3A_472] {strides = array<i32>} : memref<320x128xf32, #tpu.memory_space<vmem>>, vector<1x16xf32>,
        %get3A_474 = vector.shape_cast %get3A_473 : vector<1x16xf32> to vector<16xf32>
        %add3A_475 = arith.addf %add3A_468, %get3A_474 : vector<16xf32>
        %add3A_476 = arith.constant 7 : i32
        %add3A_477 = arith.addi %mul3A_215, %add3A_476 : i32
        %get3A_478 = arith.index_cast %add3A_477 : i32 to index
        %get3A_479 = arith.constant 48 : index
        %get3A_480 = tpu.vector_load %arg14[%get3A_478, %get3A_479] {strides = array<i32>} : memref<320x128xf32, #tpu.memory_space<vmem>>, vector<1x16xf32>,
        %get3A_481 = vector.shape_cast %get3A_480 : vector<1x16xf32> to vector<16xf32>
        %add3A_482 = arith.addf %add3A_475, %get3A_481 : vector<16xf32>
        %add3A_483 = arith.constant 8 : i32
        %add3A_484 = arith.addi %mul3A_215, %add3A_483 : i32
        %get3A_485 = arith.index_cast %add3A_484 : i32 to index
        %get3A_486 = arith.constant 48 : index
        %get3A_487 = tpu.vector_load %arg14[%get3A_485, %get3A_486] {strides = array<i32>} : memref<320x128xf32, #tpu.memory_space<vmem>>, vector<1x16xf32>,
        %get3A_488 = vector.shape_cast %get3A_487 : vector<1x16xf32> to vector<16xf32>
        %add3A_489 = arith.addf %add3A_482, %get3A_488 : vector<16xf32>
        %add3A_490 = arith.constant 9 : i32
        %add3A_491 = arith.addi %mul3A_215, %add3A_490 : i32
        %get3A_492 = arith.index_cast %add3A_491 : i32 to index
        %get3A_493 = arith.constant 48 : index
        %get3A_494 = tpu.vector_load %arg14[%get3A_492, %get3A_493] {strides = array<i32>} : memref<320x128xf32, #tpu.memory_space<vmem>>, vector<1x16xf32>,
        %get3A_495 = vector.shape_cast %get3A_494 : vector<1x16xf32> to vector<16xf32>
        %add3A_496 = arith.addf %add3A_489, %get3A_495 : vector<16xf32>
        %swap3A_497 = arith.index_cast %add3A_213 : i32 to index
        %swap3A_498 = arith.constant 48 : index
        %swap3A_499 = tpu.vector_load %arg15[%swap3A_497, %swap3A_498] {strides = array<i32>} : memref<32x128xf32, #tpu.memory_space<vmem>>, vector<1x16xf32>,
        %swap3A_500 = vector.shape_cast %swap3A_499 : vector<1x16xf32> to vector<16xf32>
        %swap3A_501 = vector.shape_cast %add3A_496 : vector<16xf32> to vector<1x16xf32>
        tpu.vector_store %arg15[%swap3A_497, %swap3A_498], %swap3A_501 {strides = array<i32>} : memref<32x128xf32, #tpu.memory_space<vmem>>, vector<1x16xf32>,
        %get3A_502 = arith.index_cast %mul3A_215 : i32 to index
        %get3A_503 = arith.constant 64 : index
        %get3A_504 = tpu.vector_load %arg14[%get3A_502, %get3A_503] {strides = array<i32>} : memref<320x128xf32, #tpu.memory_space<vmem>>, vector<1x16xf32>,
        %get3A_505 = vector.shape_cast %get3A_504 : vector<1x16xf32> to vector<16xf32>
        %add3A_506 = arith.constant 1 : i32
        %add3A_507 = arith.addi %mul3A_215, %add3A_506 : i32
        %get3A_508 = arith.index_cast %add3A_507 : i32 to index
        %get3A_509 = arith.constant 64 : index
        %get3A_510 = tpu.vector_load %arg14[%get3A_508, %get3A_509] {strides = array<i32>} : memref<320x128xf32, #tpu.memory_space<vmem>>, vector<1x16xf32>,
        %get3A_511 = vector.shape_cast %get3A_510 : vector<1x16xf32> to vector<16xf32>
        %add3A_512 = arith.addf %get3A_505, %get3A_511 : vector<16xf32>
        %add3A_513 = arith.constant 2 : i32
        %add3A_514 = arith.addi %mul3A_215, %add3A_513 : i32
        %get3A_515 = arith.index_cast %add3A_514 : i32 to index
        %get3A_516 = arith.constant 64 : index
        %get3A_517 = tpu.vector_load %arg14[%get3A_515, %get3A_516] {strides = array<i32>} : memref<320x128xf32, #tpu.memory_space<vmem>>, vector<1x16xf32>,
        %get3A_518 = vector.shape_cast %get3A_517 : vector<1x16xf32> to vector<16xf32>
        %add3A_519 = arith.addf %add3A_512, %get3A_518 : vector<16xf32>
        %add3A_520 = arith.constant 3 : i32
        %add3A_521 = arith.addi %mul3A_215, %add3A_520 : i32
        %get3A_522 = arith.index_cast %add3A_521 : i32 to index
        %get3A_523 = arith.constant 64 : index
        %get3A_524 = tpu.vector_load %arg14[%get3A_522, %get3A_523] {strides = array<i32>} : memref<320x128xf32, #tpu.memory_space<vmem>>, vector<1x16xf32>,
        %get3A_525 = vector.shape_cast %get3A_524 : vector<1x16xf32> to vector<16xf32>
        %add3A_526 = arith.addf %add3A_519, %get3A_525 : vector<16xf32>
        %add3A_527 = arith.constant 4 : i32
        %add3A_528 = arith.addi %mul3A_215, %add3A_527 : i32
        %get3A_529 = arith.index_cast %add3A_528 : i32 to index
        %get3A_530 = arith.constant 64 : index
        %get3A_531 = tpu.vector_load %arg14[%get3A_529, %get3A_530] {strides = array<i32>} : memref<320x128xf32, #tpu.memory_space<vmem>>, vector<1x16xf32>,
        %get3A_532 = vector.shape_cast %get3A_531 : vector<1x16xf32> to vector<16xf32>
        %add3A_533 = arith.addf %add3A_526, %get3A_532 : vector<16xf32>
        %add3A_534 = arith.constant 5 : i32
        %add3A_535 = arith.addi %mul3A_215, %add3A_534 : i32
        %get3A_536 = arith.index_cast %add3A_535 : i32 to index
        %get3A_537 = arith.constant 64 : index
        %get3A_538 = tpu.vector_load %arg14[%get3A_536, %get3A_537] {strides = array<i32>} : memref<320x128xf32, #tpu.memory_space<vmem>>, vector<1x16xf32>,
        %get3A_539 = vector.shape_cast %get3A_538 : vector<1x16xf32> to vector<16xf32>
        %add3A_540 = arith.addf %add3A_533, %get3A_539 : vector<16xf32>
        %add3A_541 = arith.constant 6 : i32
        %add3A_542 = arith.addi %mul3A_215, %add3A_541 : i32
        %get3A_543 = arith.index_cast %add3A_542 : i32 to index
        %get3A_544 = arith.constant 64 : index
        %get3A_545 = tpu.vector_load %arg14[%get3A_543, %get3A_544] {strides = array<i32>} : memref<320x128xf32, #tpu.memory_space<vmem>>, vector<1x16xf32>,
        %get3A_546 = vector.shape_cast %get3A_545 : vector<1x16xf32> to vector<16xf32>
        %add3A_547 = arith.addf %add3A_540, %get3A_546 : vector<16xf32>
        %add3A_548 = arith.constant 7 : i32
        %add3A_549 = arith.addi %mul3A_215, %add3A_548 : i32
        %get3A_550 = arith.index_cast %add3A_549 : i32 to index
        %get3A_551 = arith.constant 64 : index
        %get3A_552 = tpu.vector_load %arg14[%get3A_550, %get3A_551] {strides = array<i32>} : memref<320x128xf32, #tpu.memory_space<vmem>>, vector<1x16xf32>,
        %get3A_553 = vector.shape_cast %get3A_552 : vector<1x16xf32> to vector<16xf32>
        %add3A_554 = arith.addf %add3A_547, %get3A_553 : vector<16xf32>
        %add3A_555 = arith.constant 8 : i32
        %add3A_556 = arith.addi %mul3A_215, %add3A_555 : i32
        %get3A_557 = arith.index_cast %add3A_556 : i32 to index
        %get3A_558 = arith.constant 64 : index
        %get3A_559 = tpu.vector_load %arg14[%get3A_557, %get3A_558] {strides = array<i32>} : memref<320x128xf32, #tpu.memory_space<vmem>>, vector<1x16xf32>,
        %get3A_560 = vector.shape_cast %get3A_559 : vector<1x16xf32> to vector<16xf32>
        %add3A_561 = arith.addf %add3A_554, %get3A_560 : vector<16xf32>
        %add3A_562 = arith.constant 9 : i32
        %add3A_563 = arith.addi %mul3A_215, %add3A_562 : i32
        %get3A_564 = arith.index_cast %add3A_563 : i32 to index
        %get3A_565 = arith.constant 64 : index
        %get3A_566 = tpu.vector_load %arg14[%get3A_564, %get3A_565] {strides = array<i32>} : memref<320x128xf32, #tpu.memory_space<vmem>>, vector<1x16xf32>,
        %get3A_567 = vector.shape_cast %get3A_566 : vector<1x16xf32> to vector<16xf32>
        %add3A_568 = arith.addf %add3A_561, %get3A_567 : vector<16xf32>
        %swap3A_569 = arith.index_cast %add3A_213 : i32 to index
        %swap3A_570 = arith.constant 64 : index
        %swap3A_571 = tpu.vector_load %arg15[%swap3A_569, %swap3A_570] {strides = array<i32>} : memref<32x128xf32, #tpu.memory_space<vmem>>, vector<1x16xf32>,
        %swap3A_572 = vector.shape_cast %swap3A_571 : vector<1x16xf32> to vector<16xf32>
        %swap3A_573 = vector.shape_cast %add3A_568 : vector<16xf32> to vector<1x16xf32>
        tpu.vector_store %arg15[%swap3A_569, %swap3A_570], %swap3A_573 {strides = array<i32>} : memref<32x128xf32, #tpu.memory_space<vmem>>, vector<1x16xf32>,
        %get3A_574 = arith.index_cast %mul3A_215 : i32 to index
        %get3A_575 = arith.constant 80 : index
        %get3A_576 = tpu.vector_load %arg14[%get3A_574, %get3A_575] {strides = array<i32>} : memref<320x128xf32, #tpu.memory_space<vmem>>, vector<1x16xf32>,
        %get3A_577 = vector.shape_cast %get3A_576 : vector<1x16xf32> to vector<16xf32>
        %add3A_578 = arith.constant 1 : i32
        %add3A_579 = arith.addi %mul3A_215, %add3A_578 : i32
        %get3A_580 = arith.index_cast %add3A_579 : i32 to index
        %get3A_581 = arith.constant 80 : index
        %get3A_582 = tpu.vector_load %arg14[%get3A_580, %get3A_581] {strides = array<i32>} : memref<320x128xf32, #tpu.memory_space<vmem>>, vector<1x16xf32>,
        %get3A_583 = vector.shape_cast %get3A_582 : vector<1x16xf32> to vector<16xf32>
        %add3A_584 = arith.addf %get3A_577, %get3A_583 : vector<16xf32>
        %add3A_585 = arith.constant 2 : i32
        %add3A_586 = arith.addi %mul3A_215, %add3A_585 : i32
        %get3A_587 = arith.index_cast %add3A_586 : i32 to index
        %get3A_588 = arith.constant 80 : index
        %get3A_589 = tpu.vector_load %arg14[%get3A_587, %get3A_588] {strides = array<i32>} : memref<320x128xf32, #tpu.memory_space<vmem>>, vector<1x16xf32>,
        %get3A_590 = vector.shape_cast %get3A_589 : vector<1x16xf32> to vector<16xf32>
        %add3A_591 = arith.addf %add3A_584, %get3A_590 : vector<16xf32>
        %add3A_592 = arith.constant 3 : i32
        %add3A_593 = arith.addi %mul3A_215, %add3A_592 : i32
        %get3A_594 = arith.index_cast %add3A_593 : i32 to index
        %get3A_595 = arith.constant 80 : index
        %get3A_596 = tpu.vector_load %arg14[%get3A_594, %get3A_595] {strides = array<i32>} : memref<320x128xf32, #tpu.memory_space<vmem>>, vector<1x16xf32>,
        %get3A_597 = vector.shape_cast %get3A_596 : vector<1x16xf32> to vector<16xf32>
        %add3A_598 = arith.addf %add3A_591, %get3A_597 : vector<16xf32>
        %add3A_599 = arith.constant 4 : i32
        %add3A_600 = arith.addi %mul3A_215, %add3A_599 : i32
        %get3A_601 = arith.index_cast %add3A_600 : i32 to index
        %get3A_602 = arith.constant 80 : index
        %get3A_603 = tpu.vector_load %arg14[%get3A_601, %get3A_602] {strides = array<i32>} : memref<320x128xf32, #tpu.memory_space<vmem>>, vector<1x16xf32>,
        %get3A_604 = vector.shape_cast %get3A_603 : vector<1x16xf32> to vector<16xf32>
        %add3A_605 = arith.addf %add3A_598, %get3A_604 : vector<16xf32>
        %add3A_606 = arith.constant 5 : i32
        %add3A_607 = arith.addi %mul3A_215, %add3A_606 : i32
        %get3A_608 = arith.index_cast %add3A_607 : i32 to index
        %get3A_609 = arith.constant 80 : index
        %get3A_610 = tpu.vector_load %arg14[%get3A_608, %get3A_609] {strides = array<i32>} : memref<320x128xf32, #tpu.memory_space<vmem>>, vector<1x16xf32>,
        %get3A_611 = vector.shape_cast %get3A_610 : vector<1x16xf32> to vector<16xf32>
        %add3A_612 = arith.addf %add3A_605, %get3A_611 : vector<16xf32>
        %add3A_613 = arith.constant 6 : i32
        %add3A_614 = arith.addi %mul3A_215, %add3A_613 : i32
        %get3A_615 = arith.index_cast %add3A_614 : i32 to index
        %get3A_616 = arith.constant 80 : index
        %get3A_617 = tpu.vector_load %arg14[%get3A_615, %get3A_616] {strides = array<i32>} : memref<320x128xf32, #tpu.memory_space<vmem>>, vector<1x16xf32>,
        %get3A_618 = vector.shape_cast %get3A_617 : vector<1x16xf32> to vector<16xf32>
        %add3A_619 = arith.addf %add3A_612, %get3A_618 : vector<16xf32>
        %add3A_620 = arith.constant 7 : i32
        %add3A_621 = arith.addi %mul3A_215, %add3A_620 : i32
        %get3A_622 = arith.index_cast %add3A_621 : i32 to index
        %get3A_623 = arith.constant 80 : index
        %get3A_624 = tpu.vector_load %arg14[%get3A_622, %get3A_623] {strides = array<i32>} : memref<320x128xf32, #tpu.memory_space<vmem>>, vector<1x16xf32>,
        %get3A_625 = vector.shape_cast %get3A_624 : vector<1x16xf32> to vector<16xf32>
        %add3A_626 = arith.addf %add3A_619, %get3A_625 : vector<16xf32>
        %add3A_627 = arith.constant 8 : i32
        %add3A_628 = arith.addi %mul3A_215, %add3A_627 : i32
        %get3A_629 = arith.index_cast %add3A_628 : i32 to index
        %get3A_630 = arith.constant 80 : index
        %get3A_631 = tpu.vector_load %arg14[%get3A_629, %get3A_630] {strides = array<i32>} : memref<320x128xf32, #tpu.memory_space<vmem>>, vector<1x16xf32>,
        %get3A_632 = vector.shape_cast %get3A_631 : vector<1x16xf32> to vector<16xf32>
        %add3A_633 = arith.addf %add3A_626, %get3A_632 : vector<16xf32>
        %add3A_634 = arith.constant 9 : i32
        %add3A_635 = arith.addi %mul3A_215, %add3A_634 : i32
        %get3A_636 = arith.index_cast %add3A_635 : i32 to index
        %get3A_637 = arith.constant 80 : index
        %get3A_638 = tpu.vector_load %arg14[%get3A_636, %get3A_637] {strides = array<i32>} : memref<320x128xf32, #tpu.memory_space<vmem>>, vector<1x16xf32>,
        %get3A_639 = vector.shape_cast %get3A_638 : vector<1x16xf32> to vector<16xf32>
        %add3A_640 = arith.addf %add3A_633, %get3A_639 : vector<16xf32>
        %swap3A_641 = arith.index_cast %add3A_213 : i32 to index
        %swap3A_642 = arith.constant 80 : index
        %swap3A_643 = tpu.vector_load %arg15[%swap3A_641, %swap3A_642] {strides = array<i32>} : memref<32x128xf32, #tpu.memory_space<vmem>>, vector<1x16xf32>,
        %swap3A_644 = vector.shape_cast %swap3A_643 : vector<1x16xf32> to vector<16xf32>
        %swap3A_645 = vector.shape_cast %add3A_640 : vector<16xf32> to vector<1x16xf32>
        tpu.vector_store %arg15[%swap3A_641, %swap3A_642], %swap3A_645 {strides = array<i32>} : memref<32x128xf32, #tpu.memory_space<vmem>>, vector<1x16xf32>,
        %get3A_646 = arith.index_cast %mul3A_215 : i32 to index
        %get3A_647 = arith.constant 96 : index
        %get3A_648 = tpu.vector_load %arg14[%get3A_646, %get3A_647] {strides = array<i32>} : memref<320x128xf32, #tpu.memory_space<vmem>>, vector<1x16xf32>,
        %get3A_649 = vector.shape_cast %get3A_648 : vector<1x16xf32> to vector<16xf32>
        %add3A_650 = arith.constant 1 : i32
        %add3A_651 = arith.addi %mul3A_215, %add3A_650 : i32
        %get3A_652 = arith.index_cast %add3A_651 : i32 to index
        %get3A_653 = arith.constant 96 : index
        %get3A_654 = tpu.vector_load %arg14[%get3A_652, %get3A_653] {strides = array<i32>} : memref<320x128xf32, #tpu.memory_space<vmem>>, vector<1x16xf32>,
        %get3A_655 = vector.shape_cast %get3A_654 : vector<1x16xf32> to vector<16xf32>
        %add3A_656 = arith.addf %get3A_649, %get3A_655 : vector<16xf32>
        %add3A_657 = arith.constant 2 : i32
        %add3A_658 = arith.addi %mul3A_215, %add3A_657 : i32
        %get3A_659 = arith.index_cast %add3A_658 : i32 to index
        %get3A_660 = arith.constant 96 : index
        %get3A_661 = tpu.vector_load %arg14[%get3A_659, %get3A_660] {strides = array<i32>} : memref<320x128xf32, #tpu.memory_space<vmem>>, vector<1x16xf32>,
        %get3A_662 = vector.shape_cast %get3A_661 : vector<1x16xf32> to vector<16xf32>
        %add3A_663 = arith.addf %add3A_656, %get3A_662 : vector<16xf32>
        %add3A_664 = arith.constant 3 : i32
        %add3A_665 = arith.addi %mul3A_215, %add3A_664 : i32
        %get3A_666 = arith.index_cast %add3A_665 : i32 to index
        %get3A_667 = arith.constant 96 : index
        %get3A_668 = tpu.vector_load %arg14[%get3A_666, %get3A_667] {strides = array<i32>} : memref<320x128xf32, #tpu.memory_space<vmem>>, vector<1x16xf32>,
        %get3A_669 = vector.shape_cast %get3A_668 : vector<1x16xf32> to vector<16xf32>
        %add3A_670 = arith.addf %add3A_663, %get3A_669 : vector<16xf32>
        %add3A_671 = arith.constant 4 : i32
        %add3A_672 = arith.addi %mul3A_215, %add3A_671 : i32
        %get3A_673 = arith.index_cast %add3A_672 : i32 to index
        %get3A_674 = arith.constant 96 : index
        %get3A_675 = tpu.vector_load %arg14[%get3A_673, %get3A_674] {strides = array<i32>} : memref<320x128xf32, #tpu.memory_space<vmem>>, vector<1x16xf32>,
        %get3A_676 = vector.shape_cast %get3A_675 : vector<1x16xf32> to vector<16xf32>
        %add3A_677 = arith.addf %add3A_670, %get3A_676 : vector<16xf32>
        %add3A_678 = arith.constant 5 : i32
        %add3A_679 = arith.addi %mul3A_215, %add3A_678 : i32
        %get3A_680 = arith.index_cast %add3A_679 : i32 to index
        %get3A_681 = arith.constant 96 : index
        %get3A_682 = tpu.vector_load %arg14[%get3A_680, %get3A_681] {strides = array<i32>} : memref<320x128xf32, #tpu.memory_space<vmem>>, vector<1x16xf32>,
        %get3A_683 = vector.shape_cast %get3A_682 : vector<1x16xf32> to vector<16xf32>
        %add3A_684 = arith.addf %add3A_677, %get3A_683 : vector<16xf32>
        %add3A_685 = arith.constant 6 : i32
        %add3A_686 = arith.addi %mul3A_215, %add3A_685 : i32
        %get3A_687 = arith.index_cast %add3A_686 : i32 to index
        %get3A_688 = arith.constant 96 : index
        %get3A_689 = tpu.vector_load %arg14[%get3A_687, %get3A_688] {strides = array<i32>} : memref<320x128xf32, #tpu.memory_space<vmem>>, vector<1x16xf32>,
        %get3A_690 = vector.shape_cast %get3A_689 : vector<1x16xf32> to vector<16xf32>
        %add3A_691 = arith.addf %add3A_684, %get3A_690 : vector<16xf32>
        %add3A_692 = arith.constant 7 : i32
        %add3A_693 = arith.addi %mul3A_215, %add3A_692 : i32
        %get3A_694 = arith.index_cast %add3A_693 : i32 to index
        %get3A_695 = arith.constant 96 : index
        %get3A_696 = tpu.vector_load %arg14[%get3A_694, %get3A_695] {strides = array<i32>} : memref<320x128xf32, #tpu.memory_space<vmem>>, vector<1x16xf32>,
        %get3A_697 = vector.shape_cast %get3A_696 : vector<1x16xf32> to vector<16xf32>
        %add3A_698 = arith.addf %add3A_691, %get3A_697 : vector<16xf32>
        %add3A_699 = arith.constant 8 : i32
        %add3A_700 = arith.addi %mul3A_215, %add3A_699 : i32
        %get3A_701 = arith.index_cast %add3A_700 : i32 to index
        %get3A_702 = arith.constant 96 : index
        %get3A_703 = tpu.vector_load %arg14[%get3A_701, %get3A_702] {strides = array<i32>} : memref<320x128xf32, #tpu.memory_space<vmem>>, vector<1x16xf32>,
        %get3A_704 = vector.shape_cast %get3A_703 : vector<1x16xf32> to vector<16xf32>
        %add3A_705 = arith.addf %add3A_698, %get3A_704 : vector<16xf32>
        %add3A_706 = arith.constant 9 : i32
        %add3A_707 = arith.addi %mul3A_215, %add3A_706 : i32
        %get3A_708 = arith.index_cast %add3A_707 : i32 to index
        %get3A_709 = arith.constant 96 : index
        %get3A_710 = tpu.vector_load %arg14[%get3A_708, %get3A_709] {strides = array<i32>} : memref<320x128xf32, #tpu.memory_space<vmem>>, vector<1x16xf32>,
        %get3A_711 = vector.shape_cast %get3A_710 : vector<1x16xf32> to vector<16xf32>
        %add3A_712 = arith.addf %add3A_705, %get3A_711 : vector<16xf32>
        %swap3A_713 = arith.index_cast %add3A_213 : i32 to index
        %swap3A_714 = arith.constant 96 : index
        %swap3A_715 = tpu.vector_load %arg15[%swap3A_713, %swap3A_714] {strides = array<i32>} : memref<32x128xf32, #tpu.memory_space<vmem>>, vector<1x16xf32>,
        %swap3A_716 = vector.shape_cast %swap3A_715 : vector<1x16xf32> to vector<16xf32>
        %swap3A_717 = vector.shape_cast %add3A_712 : vector<16xf32> to vector<1x16xf32>
        tpu.vector_store %arg15[%swap3A_713, %swap3A_714], %swap3A_717 {strides = array<i32>} : memref<32x128xf32, #tpu.memory_space<vmem>>, vector<1x16xf32>,
        %get3A_718 = arith.index_cast %mul3A_215 : i32 to index
        %get3A_719 = arith.constant 112 : index
        %get3A_720 = tpu.vector_load %arg14[%get3A_718, %get3A_719] {strides = array<i32>} : memref<320x128xf32, #tpu.memory_space<vmem>>, vector<1x16xf32>,
        %get3A_721 = vector.shape_cast %get3A_720 : vector<1x16xf32> to vector<16xf32>
        %add3A_722 = arith.constant 1 : i32
        %add3A_723 = arith.addi %mul3A_215, %add3A_722 : i32
        %get3A_724 = arith.index_cast %add3A_723 : i32 to index
        %get3A_725 = arith.constant 112 : index
        %get3A_726 = tpu.vector_load %arg14[%get3A_724, %get3A_725] {strides = array<i32>} : memref<320x128xf32, #tpu.memory_space<vmem>>, vector<1x16xf32>,
        %get3A_727 = vector.shape_cast %get3A_726 : vector<1x16xf32> to vector<16xf32>
        %add3A_728 = arith.addf %get3A_721, %get3A_727 : vector<16xf32>
        %add3A_729 = arith.constant 2 : i32
        %add3A_730 = arith.addi %mul3A_215, %add3A_729 : i32
        %get3A_731 = arith.index_cast %add3A_730 : i32 to index
        %get3A_732 = arith.constant 112 : index
        %get3A_733 = tpu.vector_load %arg14[%get3A_731, %get3A_732] {strides = array<i32>} : memref<320x128xf32, #tpu.memory_space<vmem>>, vector<1x16xf32>,
        %get3A_734 = vector.shape_cast %get3A_733 : vector<1x16xf32> to vector<16xf32>
        %add3A_735 = arith.addf %add3A_728, %get3A_734 : vector<16xf32>
        %add3A_736 = arith.constant 3 : i32
        %add3A_737 = arith.addi %mul3A_215, %add3A_736 : i32
        %get3A_738 = arith.index_cast %add3A_737 : i32 to index
        %get3A_739 = arith.constant 112 : index
        %get3A_740 = tpu.vector_load %arg14[%get3A_738, %get3A_739] {strides = array<i32>} : memref<320x128xf32, #tpu.memory_space<vmem>>, vector<1x16xf32>,
        %get3A_741 = vector.shape_cast %get3A_740 : vector<1x16xf32> to vector<16xf32>
        %add3A_742 = arith.addf %add3A_735, %get3A_741 : vector<16xf32>
        %add3A_743 = arith.constant 4 : i32
        %add3A_744 = arith.addi %mul3A_215, %add3A_743 : i32
        %get3A_745 = arith.index_cast %add3A_744 : i32 to index
        %get3A_746 = arith.constant 112 : index
        %get3A_747 = tpu.vector_load %arg14[%get3A_745, %get3A_746] {strides = array<i32>} : memref<320x128xf32, #tpu.memory_space<vmem>>, vector<1x16xf32>,
        %get3A_748 = vector.shape_cast %get3A_747 : vector<1x16xf32> to vector<16xf32>
        %add3A_749 = arith.addf %add3A_742, %get3A_748 : vector<16xf32>
        %add3A_750 = arith.constant 5 : i32
        %add3A_751 = arith.addi %mul3A_215, %add3A_750 : i32
        %get3A_752 = arith.index_cast %add3A_751 : i32 to index
        %get3A_753 = arith.constant 112 : index
        %get3A_754 = tpu.vector_load %arg14[%get3A_752, %get3A_753] {strides = array<i32>} : memref<320x128xf32, #tpu.memory_space<vmem>>, vector<1x16xf32>,
        %get3A_755 = vector.shape_cast %get3A_754 : vector<1x16xf32> to vector<16xf32>
        %add3A_756 = arith.addf %add3A_749, %get3A_755 : vector<16xf32>
        %add3A_757 = arith.constant 6 : i32
        %add3A_758 = arith.addi %mul3A_215, %add3A_757 : i32
        %get3A_759 = arith.index_cast %add3A_758 : i32 to index
        %get3A_760 = arith.constant 112 : index
        %get3A_761 = tpu.vector_load %arg14[%get3A_759, %get3A_760] {strides = array<i32>} : memref<320x128xf32, #tpu.memory_space<vmem>>, vector<1x16xf32>,
        %get3A_762 = vector.shape_cast %get3A_761 : vector<1x16xf32> to vector<16xf32>
        %add3A_763 = arith.addf %add3A_756, %get3A_762 : vector<16xf32>
        %add3A_764 = arith.constant 7 : i32
        %add3A_765 = arith.addi %mul3A_215, %add3A_764 : i32
        %get3A_766 = arith.index_cast %add3A_765 : i32 to index
        %get3A_767 = arith.constant 112 : index
        %get3A_768 = tpu.vector_load %arg14[%get3A_766, %get3A_767] {strides = array<i32>} : memref<320x128xf32, #tpu.memory_space<vmem>>, vector<1x16xf32>,
        %get3A_769 = vector.shape_cast %get3A_768 : vector<1x16xf32> to vector<16xf32>
        %add3A_770 = arith.addf %add3A_763, %get3A_769 : vector<16xf32>
        %add3A_771 = arith.constant 8 : i32
        %add3A_772 = arith.addi %mul3A_215, %add3A_771 : i32
        %get3A_773 = arith.index_cast %add3A_772 : i32 to index
        %get3A_774 = arith.constant 112 : index
        %get3A_775 = tpu.vector_load %arg14[%get3A_773, %get3A_774] {strides = array<i32>} : memref<320x128xf32, #tpu.memory_space<vmem>>, vector<1x16xf32>,
        %get3A_776 = vector.shape_cast %get3A_775 : vector<1x16xf32> to vector<16xf32>
        %add3A_777 = arith.addf %add3A_770, %get3A_776 : vector<16xf32>
        %add3A_778 = arith.constant 9 : i32
        %add3A_779 = arith.addi %mul3A_215, %add3A_778 : i32
        %get3A_780 = arith.index_cast %add3A_779 : i32 to index
        %get3A_781 = arith.constant 112 : index
        %get3A_782 = tpu.vector_load %arg14[%get3A_780, %get3A_781] {strides = array<i32>} : memref<320x128xf32, #tpu.memory_space<vmem>>, vector<1x16xf32>,
        %get3A_783 = vector.shape_cast %get3A_782 : vector<1x16xf32> to vector<16xf32>
        %add3A_784 = arith.addf %add3A_777, %get3A_783 : vector<16xf32>
        %swap3A_785 = arith.index_cast %add3A_213 : i32 to index
        %swap3A_786 = arith.constant 112 : index
        %swap3A_787 = tpu.vector_load %arg15[%swap3A_785, %swap3A_786] {strides = array<i32>} : memref<32x128xf32, #tpu.memory_space<vmem>>, vector<1x16xf32>,
        %swap3A_788 = vector.shape_cast %swap3A_787 : vector<1x16xf32> to vector<16xf32>
        %swap3A_789 = vector.shape_cast %add3A_784 : vector<16xf32> to vector<1x16xf32>
        tpu.vector_store %arg15[%swap3A_785, %swap3A_786], %swap3A_789 {strides = array<i32>} : memref<32x128xf32, #tpu.memory_space<vmem>>, vector<1x16xf32>,
      }
      %scan3A_208 = arith.constant 32 : i32
      "tpu.region"() ({
        %run_scoped3A = tpu.sem_alloc : memref<!tpu.dma_semaphore, #tpu.memory_space<semaphore_mem>>
        %dma_start3A_209 = arith.constant 0 : i32
        %dma_start3A_210 = tpu.memref_slice %arg6[%multiple_of3A_203, %dma_start3A_209] : memref<50000x128xf32, #tpu.memory_space<hbm>> -> memref<32x128xf32, #tpu.memory_space<hbm>>
        %dma_start3A_211 = arith.constant 0 : i32
        %dma_start3A_212 = tpu.memref_slice %arg6[%multiple_of3A_203, %dma_start3A_211] : memref<50000x128xf32, #tpu.memory_space<hbm>> -> memref<32x128xf32, #tpu.memory_space<hbm>>
        tpu.enqueue_dma source(%arg15 : memref<32x128xf32, #tpu.memory_space<vmem>>) target(%dma_start3A_212 : memref<32x128xf32, #tpu.memory_space<hbm>>) target_semaphore(%run_scoped3A : memref<!tpu.dma_semaphore, #tpu.memory_space<semaphore_mem>>)
        %dma_wait3A_213 = arith.constant 0 : i32
        %dma_wait3A_214 = tpu.memref_slice %arg6[%multiple_of3A_203, %dma_wait3A_213] : memref<50000x128xf32, #tpu.memory_space<hbm>> -> memref<32x128xf32, #tpu.memory_space<hbm>>
        %dma_wait3A_215 = arith.constant 0 : i32
        %dma_wait3A_216 = tpu.memref_slice %arg6[%multiple_of3A_203, %dma_wait3A_215] : memref<50000x128xf32, #tpu.memory_space<hbm>> -> memref<32x128xf32, #tpu.memory_space<hbm>>
        tpu.wait_dma2 semaphore(%run_scoped3A : memref<!tpu.dma_semaphore, #tpu.memory_space<semaphore_mem>>) src(%arg15 : memref<32x128xf32, #tpu.memory_space<vmem>>) dst(%dma_wait3A_216 : memref<32x128xf32, #tpu.memory_space<hbm>>)
        tpu.yield
      }) : () -> ()
    }
    %while3A_56 = arith.constant 1 : i32
    scf.for %while3A_110 = %while3A_54 to %while3A_50 step %while3A_56  : i32 {
      %mul3A_111 = arith.muli %while3A_110, %while3A : i32
      %add3A_112 = arith.addi %while3A_47, %mul3A_111 : i32
      %add3A_113 = arith.constant 1 : i32
      %add3A_114 = arith.addi %add3A_112, %add3A_113 : i32
      %dma_wait3A_115 = arith.constant 0 : i32
      %dma_wait3A_116 = tpu.memref_slice %arg2[%dma_wait3A_115] : memref<50000xi32, #tpu.memory_space<hbm>> -> memref<32xi32, #tpu.memory_space<hbm>>
      %dma_wait3A_117 = arith.constant 0 : i32
      %dma_wait3A_118 = tpu.memref_slice %arg2[%dma_wait3A_117] : memref<50000xi32, #tpu.memory_space<hbm>> -> memref<32xi32, #tpu.memory_space<hbm>>
      tpu.wait_dma2 semaphore(%arg17 : memref<!tpu.dma_semaphore, #tpu.memory_space<semaphore_mem>>) src(%dma_wait3A_118 : memref<32xi32, #tpu.memory_space<hbm>>) dst(%arg8 : memref<32xi32, #tpu.memory_space<vmem>>)
      %dma_wait3A_119 = arith.constant 0 : i32
      %dma_wait3A_120 = tpu.memref_slice %arg3[%dma_wait3A_119] : memref<500000xi32, #tpu.memory_space<hbm>> -> memref<320xi32, #tpu.memory_space<hbm>>
      %dma_wait3A_121 = arith.constant 0 : i32
      %dma_wait3A_122 = tpu.memref_slice %arg3[%dma_wait3A_121] : memref<500000xi32, #tpu.memory_space<hbm>> -> memref<320xi32, #tpu.memory_space<hbm>>
      tpu.wait_dma2 semaphore(%arg17 : memref<!tpu.dma_semaphore, #tpu.memory_space<semaphore_mem>>) src(%dma_wait3A_122 : memref<320xi32, #tpu.memory_space<hbm>>) dst(%arg10 : memref<320xi32, #tpu.memory_space<vmem>>)
      %dma_start3A_123 = arith.constant 0 : i32
      %dma_start3A_124 = arith.constant 0 : i32
      %dma_start3A_125 = tpu.memref_slice %arg4[%dma_start3A_123, %dma_start3A_124] : memref<100000x128xf32, #tpu.memory_space<hbm>> -> memref<100000x128xf32, #tpu.memory_space<hbm>>
      tpu.enqueue_indirect_dma source(%dma_start3A_125 : memref<100000x128xf32, #tpu.memory_space<hbm>>) target(%arg12 : memref<32x128xf32, #tpu.memory_space<vmem>>) offsets(%arg8 : memref<32xi32, #tpu.memory_space<vmem>>) semaphore(%arg19 : memref<!tpu.dma_semaphore, #tpu.memory_space<semaphore_mem>>)
      %dma_start3A_126 = arith.constant 0 : i32
      %dma_start3A_127 = arith.constant 0 : i32
      %dma_start3A_128 = tpu.memref_slice %arg4[%dma_start3A_126, %dma_start3A_127] : memref<100000x128xf32, #tpu.memory_space<hbm>> -> memref<100000x128xf32, #tpu.memory_space<hbm>>
      tpu.enqueue_indirect_dma source(%dma_start3A_128 : memref<100000x128xf32, #tpu.memory_space<hbm>>) target(%arg14 : memref<320x128xf32, #tpu.memory_space<vmem>>) offsets(%arg10 : memref<320xi32, #tpu.memory_space<vmem>>) semaphore(%arg21 : memref<!tpu.dma_semaphore, #tpu.memory_space<semaphore_mem>>)
      %dma_wait3A_129 = arith.constant 0 : i32
      %dma_wait3A_130 = arith.constant 0 : i32
      %dma_wait3A_131 = tpu.memref_slice %arg4[%dma_wait3A_129, %dma_wait3A_130] : memref<100000x128xf32, #tpu.memory_space<hbm>> -> memref<100000x128xf32, #tpu.memory_space<hbm>>
      tpu.wait_indirect_dma semaphore(%arg18 : memref<!tpu.dma_semaphore, #tpu.memory_space<semaphore_mem>>) src(%dma_wait3A_131 : memref<100000x128xf32, #tpu.memory_space<hbm>>) dst(%arg11 : memref<32x128xf32, #tpu.memory_space<vmem>>)
      %dma_wait3A_132 = arith.constant 0 : i32
      %dma_wait3A_133 = arith.constant 0 : i32
      %dma_wait3A_134 = tpu.memref_slice %arg4[%dma_wait3A_132, %dma_wait3A_133] : memref<100000x128xf32, #tpu.memory_space<hbm>> -> memref<100000x128xf32, #tpu.memory_space<hbm>>
      tpu.wait_indirect_dma semaphore(%arg20 : memref<!tpu.dma_semaphore, #tpu.memory_space<semaphore_mem>>) src(%dma_wait3A_134 : memref<100000x128xf32, #tpu.memory_space<hbm>>) dst(%arg13 : memref<320x128xf32, #tpu.memory_space<vmem>>)
      %add3A_135 = arith.constant 2 : i32
      %add3A_136 = arith.addi %add3A_112, %add3A_135 : i32
      %mul3A_137 = arith.constant 32 : i32
      %mul3A_138 = arith.muli %add3A_136, %mul3A_137 : i32
      %add3A_139 = arith.addi %select_n3A_6, %mul3A_138 : i32
      %min3A_140 = arith.constant 49968 : i32
      %min3A_141 = arith.minsi %add3A_139, %min3A_140 : i32
      %multiple_of3A_142 = tpu.assume_multiple %min3A_141, 16 : i32
      %dma_start3A_143 = tpu.memref_slice %arg2[%multiple_of3A_142] : memref<50000xi32, #tpu.memory_space<hbm>> -> memref<32xi32, #tpu.memory_space<hbm>>
      %dma_start3A_144 = tpu.memref_slice %arg2[%multiple_of3A_142] : memref<50000xi32, #tpu.memory_space<hbm>> -> memref<32xi32, #tpu.memory_space<hbm>>
      tpu.enqueue_dma source(%dma_start3A_144 : memref<32xi32, #tpu.memory_space<hbm>>) target(%arg7 : memref<32xi32, #tpu.memory_space<vmem>>) target_semaphore(%arg16 : memref<!tpu.dma_semaphore, #tpu.memory_space<semaphore_mem>>)
      %mul3A_145 = arith.constant 10 : i32
      %mul3A_146 = arith.muli %multiple_of3A_142, %mul3A_145 : i32
      %dma_start3A_147 = tpu.memref_slice %arg3[%mul3A_146] : memref<500000xi32, #tpu.memory_space<hbm>> -> memref<320xi32, #tpu.memory_space<hbm>>
      %dma_start3A_148 = tpu.memref_slice %arg3[%mul3A_146] : memref<500000xi32, #tpu.memory_space<hbm>> -> memref<320xi32, #tpu.memory_space<hbm>>
      tpu.enqueue_dma source(%dma_start3A_148 : memref<320xi32, #tpu.memory_space<hbm>>) target(%arg9 : memref<320xi32, #tpu.memory_space<vmem>>) target_semaphore(%arg16 : memref<!tpu.dma_semaphore, #tpu.memory_space<semaphore_mem>>)
      %mul3A_149 = arith.constant 32 : i32
      %mul3A_150 = arith.muli %add3A_112, %mul3A_149 : i32
      %add3A_151 = arith.addi %select_n3A_6, %mul3A_150 : i32
      %min3A_152 = arith.constant 49968 : i32
      %min3A_153 = arith.minsi %add3A_151, %min3A_152 : i32
      %multiple_of3A_154 = tpu.assume_multiple %min3A_153, 16 : i32
      "tpu.region"() ({
        %run_scoped3A = tpu.sem_alloc : memref<!tpu.dma_semaphore, #tpu.memory_space<semaphore_mem>>
        %dma_start3A_209 = arith.constant 0 : i32
        %dma_start3A_210 = tpu.memref_slice %arg5[%multiple_of3A_154, %dma_start3A_209] : memref<50000x128xf32, #tpu.memory_space<hbm>> -> memref<32x128xf32, #tpu.memory_space<hbm>>
        %dma_start3A_211 = arith.constant 0 : i32
        %dma_start3A_212 = tpu.memref_slice %arg5[%multiple_of3A_154, %dma_start3A_211] : memref<50000x128xf32, #tpu.memory_space<hbm>> -> memref<32x128xf32, #tpu.memory_space<hbm>>
        tpu.enqueue_dma source(%arg11 : memref<32x128xf32, #tpu.memory_space<vmem>>) target(%dma_start3A_212 : memref<32x128xf32, #tpu.memory_space<hbm>>) target_semaphore(%run_scoped3A : memref<!tpu.dma_semaphore, #tpu.memory_space<semaphore_mem>>)
        %dma_wait3A_213 = arith.constant 0 : i32
        %dma_wait3A_214 = tpu.memref_slice %arg5[%multiple_of3A_154, %dma_wait3A_213] : memref<50000x128xf32, #tpu.memory_space<hbm>> -> memref<32x128xf32, #tpu.memory_space<hbm>>
        %dma_wait3A_215 = arith.constant 0 : i32
        %dma_wait3A_216 = tpu.memref_slice %arg5[%multiple_of3A_154, %dma_wait3A_215] : memref<50000x128xf32, #tpu.memory_space<hbm>> -> memref<32x128xf32, #tpu.memory_space<hbm>>
        tpu.wait_dma2 semaphore(%run_scoped3A : memref<!tpu.dma_semaphore, #tpu.memory_space<semaphore_mem>>) src(%arg11 : memref<32x128xf32, #tpu.memory_space<vmem>>) dst(%dma_wait3A_216 : memref<32x128xf32, #tpu.memory_space<hbm>>)
        tpu.yield
      }) : () -> ()
      %scan3A_155 = arith.constant 0 : i32
      %scan3A_156 = arith.constant 32 : i32
      %scan3A_157 = arith.addi %scan3A_155, %scan3A_156 : i32
      %scan3A_158 = arith.constant 1 : i32
      scf.for %scan3A_209 = %scan3A_155 to %scan3A_157 step %scan3A_158  : i32 {
        %mul3A_210 = arith.constant 1 : i32
        %mul3A_211 = arith.muli %scan3A_209, %mul3A_210 : i32
        %add3A_212 = arith.constant 0 : i32
        %add3A_213 = arith.addi %add3A_212, %mul3A_211 : i32
        %mul3A_214 = arith.constant 10 : i32
        %mul3A_215 = arith.muli %add3A_213, %mul3A_214 : i32
        %get3A = arith.index_cast %mul3A_215 : i32 to index
        %get3A_216 = arith.constant 0 : index
        %get3A_217 = tpu.vector_load %arg13[%get3A, %get3A_216] {strides = array<i32>} : memref<320x128xf32, #tpu.memory_space<vmem>>, vector<1x16xf32>,
        %get3A_218 = vector.shape_cast %get3A_217 : vector<1x16xf32> to vector<16xf32>
        %add3A_219 = arith.constant 1 : i32
        %add3A_220 = arith.addi %mul3A_215, %add3A_219 : i32
        %get3A_221 = arith.index_cast %add3A_220 : i32 to index
        %get3A_222 = arith.constant 0 : index
        %get3A_223 = tpu.vector_load %arg13[%get3A_221, %get3A_222] {strides = array<i32>} : memref<320x128xf32, #tpu.memory_space<vmem>>, vector<1x16xf32>,
        %get3A_224 = vector.shape_cast %get3A_223 : vector<1x16xf32> to vector<16xf32>
        %add3A_225 = arith.addf %get3A_218, %get3A_224 : vector<16xf32>
        %add3A_226 = arith.constant 2 : i32
        %add3A_227 = arith.addi %mul3A_215, %add3A_226 : i32
        %get3A_228 = arith.index_cast %add3A_227 : i32 to index
        %get3A_229 = arith.constant 0 : index
        %get3A_230 = tpu.vector_load %arg13[%get3A_228, %get3A_229] {strides = array<i32>} : memref<320x128xf32, #tpu.memory_space<vmem>>, vector<1x16xf32>,
        %get3A_231 = vector.shape_cast %get3A_230 : vector<1x16xf32> to vector<16xf32>
        %add3A_232 = arith.addf %add3A_225, %get3A_231 : vector<16xf32>
        %add3A_233 = arith.constant 3 : i32
        %add3A_234 = arith.addi %mul3A_215, %add3A_233 : i32
        %get3A_235 = arith.index_cast %add3A_234 : i32 to index
        %get3A_236 = arith.constant 0 : index
        %get3A_237 = tpu.vector_load %arg13[%get3A_235, %get3A_236] {strides = array<i32>} : memref<320x128xf32, #tpu.memory_space<vmem>>, vector<1x16xf32>,
        %get3A_238 = vector.shape_cast %get3A_237 : vector<1x16xf32> to vector<16xf32>
        %add3A_239 = arith.addf %add3A_232, %get3A_238 : vector<16xf32>
        %add3A_240 = arith.constant 4 : i32
        %add3A_241 = arith.addi %mul3A_215, %add3A_240 : i32
        %get3A_242 = arith.index_cast %add3A_241 : i32 to index
        %get3A_243 = arith.constant 0 : index
        %get3A_244 = tpu.vector_load %arg13[%get3A_242, %get3A_243] {strides = array<i32>} : memref<320x128xf32, #tpu.memory_space<vmem>>, vector<1x16xf32>,
        %get3A_245 = vector.shape_cast %get3A_244 : vector<1x16xf32> to vector<16xf32>
        %add3A_246 = arith.addf %add3A_239, %get3A_245 : vector<16xf32>
        %add3A_247 = arith.constant 5 : i32
        %add3A_248 = arith.addi %mul3A_215, %add3A_247 : i32
        %get3A_249 = arith.index_cast %add3A_248 : i32 to index
        %get3A_250 = arith.constant 0 : index
        %get3A_251 = tpu.vector_load %arg13[%get3A_249, %get3A_250] {strides = array<i32>} : memref<320x128xf32, #tpu.memory_space<vmem>>, vector<1x16xf32>,
        %get3A_252 = vector.shape_cast %get3A_251 : vector<1x16xf32> to vector<16xf32>
        %add3A_253 = arith.addf %add3A_246, %get3A_252 : vector<16xf32>
        %add3A_254 = arith.constant 6 : i32
        %add3A_255 = arith.addi %mul3A_215, %add3A_254 : i32
        %get3A_256 = arith.index_cast %add3A_255 : i32 to index
        %get3A_257 = arith.constant 0 : index
        %get3A_258 = tpu.vector_load %arg13[%get3A_256, %get3A_257] {strides = array<i32>} : memref<320x128xf32, #tpu.memory_space<vmem>>, vector<1x16xf32>,
        %get3A_259 = vector.shape_cast %get3A_258 : vector<1x16xf32> to vector<16xf32>
        %add3A_260 = arith.addf %add3A_253, %get3A_259 : vector<16xf32>
        %add3A_261 = arith.constant 7 : i32
        %add3A_262 = arith.addi %mul3A_215, %add3A_261 : i32
        %get3A_263 = arith.index_cast %add3A_262 : i32 to index
        %get3A_264 = arith.constant 0 : index
        %get3A_265 = tpu.vector_load %arg13[%get3A_263, %get3A_264] {strides = array<i32>} : memref<320x128xf32, #tpu.memory_space<vmem>>, vector<1x16xf32>,
        %get3A_266 = vector.shape_cast %get3A_265 : vector<1x16xf32> to vector<16xf32>
        %add3A_267 = arith.addf %add3A_260, %get3A_266 : vector<16xf32>
        %add3A_268 = arith.constant 8 : i32
        %add3A_269 = arith.addi %mul3A_215, %add3A_268 : i32
        %get3A_270 = arith.index_cast %add3A_269 : i32 to index
        %get3A_271 = arith.constant 0 : index
        %get3A_272 = tpu.vector_load %arg13[%get3A_270, %get3A_271] {strides = array<i32>} : memref<320x128xf32, #tpu.memory_space<vmem>>, vector<1x16xf32>,
        %get3A_273 = vector.shape_cast %get3A_272 : vector<1x16xf32> to vector<16xf32>
        %add3A_274 = arith.addf %add3A_267, %get3A_273 : vector<16xf32>
        %add3A_275 = arith.constant 9 : i32
        %add3A_276 = arith.addi %mul3A_215, %add3A_275 : i32
        %get3A_277 = arith.index_cast %add3A_276 : i32 to index
        %get3A_278 = arith.constant 0 : index
        %get3A_279 = tpu.vector_load %arg13[%get3A_277, %get3A_278] {strides = array<i32>} : memref<320x128xf32, #tpu.memory_space<vmem>>, vector<1x16xf32>,
        %get3A_280 = vector.shape_cast %get3A_279 : vector<1x16xf32> to vector<16xf32>
        %add3A_281 = arith.addf %add3A_274, %get3A_280 : vector<16xf32>
        %swap3A = arith.index_cast %add3A_213 : i32 to index
        %swap3A_282 = arith.constant 0 : index
        %swap3A_283 = tpu.vector_load %arg15[%swap3A, %swap3A_282] {strides = array<i32>} : memref<32x128xf32, #tpu.memory_space<vmem>>, vector<1x16xf32>,
        %swap3A_284 = vector.shape_cast %swap3A_283 : vector<1x16xf32> to vector<16xf32>
        %swap3A_285 = vector.shape_cast %add3A_281 : vector<16xf32> to vector<1x16xf32>
        tpu.vector_store %arg15[%swap3A, %swap3A_282], %swap3A_285 {strides = array<i32>} : memref<32x128xf32, #tpu.memory_space<vmem>>, vector<1x16xf32>,
        %get3A_286 = arith.index_cast %mul3A_215 : i32 to index
        %get3A_287 = arith.constant 16 : index
        %get3A_288 = tpu.vector_load %arg13[%get3A_286, %get3A_287] {strides = array<i32>} : memref<320x128xf32, #tpu.memory_space<vmem>>, vector<1x16xf32>,
        %get3A_289 = vector.shape_cast %get3A_288 : vector<1x16xf32> to vector<16xf32>
        %add3A_290 = arith.constant 1 : i32
        %add3A_291 = arith.addi %mul3A_215, %add3A_290 : i32
        %get3A_292 = arith.index_cast %add3A_291 : i32 to index
        %get3A_293 = arith.constant 16 : index
        %get3A_294 = tpu.vector_load %arg13[%get3A_292, %get3A_293] {strides = array<i32>} : memref<320x128xf32, #tpu.memory_space<vmem>>, vector<1x16xf32>,
        %get3A_295 = vector.shape_cast %get3A_294 : vector<1x16xf32> to vector<16xf32>
        %add3A_296 = arith.addf %get3A_289, %get3A_295 : vector<16xf32>
        %add3A_297 = arith.constant 2 : i32
        %add3A_298 = arith.addi %mul3A_215, %add3A_297 : i32
        %get3A_299 = arith.index_cast %add3A_298 : i32 to index
        %get3A_300 = arith.constant 16 : index
        %get3A_301 = tpu.vector_load %arg13[%get3A_299, %get3A_300] {strides = array<i32>} : memref<320x128xf32, #tpu.memory_space<vmem>>, vector<1x16xf32>,
        %get3A_302 = vector.shape_cast %get3A_301 : vector<1x16xf32> to vector<16xf32>
        %add3A_303 = arith.addf %add3A_296, %get3A_302 : vector<16xf32>
        %add3A_304 = arith.constant 3 : i32
        %add3A_305 = arith.addi %mul3A_215, %add3A_304 : i32
        %get3A_306 = arith.index_cast %add3A_305 : i32 to index
        %get3A_307 = arith.constant 16 : index
        %get3A_308 = tpu.vector_load %arg13[%get3A_306, %get3A_307] {strides = array<i32>} : memref<320x128xf32, #tpu.memory_space<vmem>>, vector<1x16xf32>,
        %get3A_309 = vector.shape_cast %get3A_308 : vector<1x16xf32> to vector<16xf32>
        %add3A_310 = arith.addf %add3A_303, %get3A_309 : vector<16xf32>
        %add3A_311 = arith.constant 4 : i32
        %add3A_312 = arith.addi %mul3A_215, %add3A_311 : i32
        %get3A_313 = arith.index_cast %add3A_312 : i32 to index
        %get3A_314 = arith.constant 16 : index
        %get3A_315 = tpu.vector_load %arg13[%get3A_313, %get3A_314] {strides = array<i32>} : memref<320x128xf32, #tpu.memory_space<vmem>>, vector<1x16xf32>,
        %get3A_316 = vector.shape_cast %get3A_315 : vector<1x16xf32> to vector<16xf32>
        %add3A_317 = arith.addf %add3A_310, %get3A_316 : vector<16xf32>
        %add3A_318 = arith.constant 5 : i32
        %add3A_319 = arith.addi %mul3A_215, %add3A_318 : i32
        %get3A_320 = arith.index_cast %add3A_319 : i32 to index
        %get3A_321 = arith.constant 16 : index
        %get3A_322 = tpu.vector_load %arg13[%get3A_320, %get3A_321] {strides = array<i32>} : memref<320x128xf32, #tpu.memory_space<vmem>>, vector<1x16xf32>,
        %get3A_323 = vector.shape_cast %get3A_322 : vector<1x16xf32> to vector<16xf32>
        %add3A_324 = arith.addf %add3A_317, %get3A_323 : vector<16xf32>
        %add3A_325 = arith.constant 6 : i32
        %add3A_326 = arith.addi %mul3A_215, %add3A_325 : i32
        %get3A_327 = arith.index_cast %add3A_326 : i32 to index
        %get3A_328 = arith.constant 16 : index
        %get3A_329 = tpu.vector_load %arg13[%get3A_327, %get3A_328] {strides = array<i32>} : memref<320x128xf32, #tpu.memory_space<vmem>>, vector<1x16xf32>,
        %get3A_330 = vector.shape_cast %get3A_329 : vector<1x16xf32> to vector<16xf32>
        %add3A_331 = arith.addf %add3A_324, %get3A_330 : vector<16xf32>
        %add3A_332 = arith.constant 7 : i32
        %add3A_333 = arith.addi %mul3A_215, %add3A_332 : i32
        %get3A_334 = arith.index_cast %add3A_333 : i32 to index
        %get3A_335 = arith.constant 16 : index
        %get3A_336 = tpu.vector_load %arg13[%get3A_334, %get3A_335] {strides = array<i32>} : memref<320x128xf32, #tpu.memory_space<vmem>>, vector<1x16xf32>,
        %get3A_337 = vector.shape_cast %get3A_336 : vector<1x16xf32> to vector<16xf32>
        %add3A_338 = arith.addf %add3A_331, %get3A_337 : vector<16xf32>
        %add3A_339 = arith.constant 8 : i32
        %add3A_340 = arith.addi %mul3A_215, %add3A_339 : i32
        %get3A_341 = arith.index_cast %add3A_340 : i32 to index
        %get3A_342 = arith.constant 16 : index
        %get3A_343 = tpu.vector_load %arg13[%get3A_341, %get3A_342] {strides = array<i32>} : memref<320x128xf32, #tpu.memory_space<vmem>>, vector<1x16xf32>,
        %get3A_344 = vector.shape_cast %get3A_343 : vector<1x16xf32> to vector<16xf32>
        %add3A_345 = arith.addf %add3A_338, %get3A_344 : vector<16xf32>
        %add3A_346 = arith.constant 9 : i32
        %add3A_347 = arith.addi %mul3A_215, %add3A_346 : i32
        %get3A_348 = arith.index_cast %add3A_347 : i32 to index
        %get3A_349 = arith.constant 16 : index
        %get3A_350 = tpu.vector_load %arg13[%get3A_348, %get3A_349] {strides = array<i32>} : memref<320x128xf32, #tpu.memory_space<vmem>>, vector<1x16xf32>,
        %get3A_351 = vector.shape_cast %get3A_350 : vector<1x16xf32> to vector<16xf32>
        %add3A_352 = arith.addf %add3A_345, %get3A_351 : vector<16xf32>
        %swap3A_353 = arith.index_cast %add3A_213 : i32 to index
        %swap3A_354 = arith.constant 16 : index
        %swap3A_355 = tpu.vector_load %arg15[%swap3A_353, %swap3A_354] {strides = array<i32>} : memref<32x128xf32, #tpu.memory_space<vmem>>, vector<1x16xf32>,
        %swap3A_356 = vector.shape_cast %swap3A_355 : vector<1x16xf32> to vector<16xf32>
        %swap3A_357 = vector.shape_cast %add3A_352 : vector<16xf32> to vector<1x16xf32>
        tpu.vector_store %arg15[%swap3A_353, %swap3A_354], %swap3A_357 {strides = array<i32>} : memref<32x128xf32, #tpu.memory_space<vmem>>, vector<1x16xf32>,
        %get3A_358 = arith.index_cast %mul3A_215 : i32 to index
        %get3A_359 = arith.constant 32 : index
        %get3A_360 = tpu.vector_load %arg13[%get3A_358, %get3A_359] {strides = array<i32>} : memref<320x128xf32, #tpu.memory_space<vmem>>, vector<1x16xf32>,
        %get3A_361 = vector.shape_cast %get3A_360 : vector<1x16xf32> to vector<16xf32>
        %add3A_362 = arith.constant 1 : i32
        %add3A_363 = arith.addi %mul3A_215, %add3A_362 : i32
        %get3A_364 = arith.index_cast %add3A_363 : i32 to index
        %get3A_365 = arith.constant 32 : index
        %get3A_366 = tpu.vector_load %arg13[%get3A_364, %get3A_365] {strides = array<i32>} : memref<320x128xf32, #tpu.memory_space<vmem>>, vector<1x16xf32>,
        %get3A_367 = vector.shape_cast %get3A_366 : vector<1x16xf32> to vector<16xf32>
        %add3A_368 = arith.addf %get3A_361, %get3A_367 : vector<16xf32>
        %add3A_369 = arith.constant 2 : i32
        %add3A_370 = arith.addi %mul3A_215, %add3A_369 : i32
        %get3A_371 = arith.index_cast %add3A_370 : i32 to index
        %get3A_372 = arith.constant 32 : index
        %get3A_373 = tpu.vector_load %arg13[%get3A_371, %get3A_372] {strides = array<i32>} : memref<320x128xf32, #tpu.memory_space<vmem>>, vector<1x16xf32>,
        %get3A_374 = vector.shape_cast %get3A_373 : vector<1x16xf32> to vector<16xf32>
        %add3A_375 = arith.addf %add3A_368, %get3A_374 : vector<16xf32>
        %add3A_376 = arith.constant 3 : i32
        %add3A_377 = arith.addi %mul3A_215, %add3A_376 : i32
        %get3A_378 = arith.index_cast %add3A_377 : i32 to index
        %get3A_379 = arith.constant 32 : index
        %get3A_380 = tpu.vector_load %arg13[%get3A_378, %get3A_379] {strides = array<i32>} : memref<320x128xf32, #tpu.memory_space<vmem>>, vector<1x16xf32>,
        %get3A_381 = vector.shape_cast %get3A_380 : vector<1x16xf32> to vector<16xf32>
        %add3A_382 = arith.addf %add3A_375, %get3A_381 : vector<16xf32>
        %add3A_383 = arith.constant 4 : i32
        %add3A_384 = arith.addi %mul3A_215, %add3A_383 : i32
        %get3A_385 = arith.index_cast %add3A_384 : i32 to index
        %get3A_386 = arith.constant 32 : index
        %get3A_387 = tpu.vector_load %arg13[%get3A_385, %get3A_386] {strides = array<i32>} : memref<320x128xf32, #tpu.memory_space<vmem>>, vector<1x16xf32>,
        %get3A_388 = vector.shape_cast %get3A_387 : vector<1x16xf32> to vector<16xf32>
        %add3A_389 = arith.addf %add3A_382, %get3A_388 : vector<16xf32>
        %add3A_390 = arith.constant 5 : i32
        %add3A_391 = arith.addi %mul3A_215, %add3A_390 : i32
        %get3A_392 = arith.index_cast %add3A_391 : i32 to index
        %get3A_393 = arith.constant 32 : index
        %get3A_394 = tpu.vector_load %arg13[%get3A_392, %get3A_393] {strides = array<i32>} : memref<320x128xf32, #tpu.memory_space<vmem>>, vector<1x16xf32>,
        %get3A_395 = vector.shape_cast %get3A_394 : vector<1x16xf32> to vector<16xf32>
        %add3A_396 = arith.addf %add3A_389, %get3A_395 : vector<16xf32>
        %add3A_397 = arith.constant 6 : i32
        %add3A_398 = arith.addi %mul3A_215, %add3A_397 : i32
        %get3A_399 = arith.index_cast %add3A_398 : i32 to index
        %get3A_400 = arith.constant 32 : index
        %get3A_401 = tpu.vector_load %arg13[%get3A_399, %get3A_400] {strides = array<i32>} : memref<320x128xf32, #tpu.memory_space<vmem>>, vector<1x16xf32>,
        %get3A_402 = vector.shape_cast %get3A_401 : vector<1x16xf32> to vector<16xf32>
        %add3A_403 = arith.addf %add3A_396, %get3A_402 : vector<16xf32>
        %add3A_404 = arith.constant 7 : i32
        %add3A_405 = arith.addi %mul3A_215, %add3A_404 : i32
        %get3A_406 = arith.index_cast %add3A_405 : i32 to index
        %get3A_407 = arith.constant 32 : index
        %get3A_408 = tpu.vector_load %arg13[%get3A_406, %get3A_407] {strides = array<i32>} : memref<320x128xf32, #tpu.memory_space<vmem>>, vector<1x16xf32>,
        %get3A_409 = vector.shape_cast %get3A_408 : vector<1x16xf32> to vector<16xf32>
        %add3A_410 = arith.addf %add3A_403, %get3A_409 : vector<16xf32>
        %add3A_411 = arith.constant 8 : i32
        %add3A_412 = arith.addi %mul3A_215, %add3A_411 : i32
        %get3A_413 = arith.index_cast %add3A_412 : i32 to index
        %get3A_414 = arith.constant 32 : index
        %get3A_415 = tpu.vector_load %arg13[%get3A_413, %get3A_414] {strides = array<i32>} : memref<320x128xf32, #tpu.memory_space<vmem>>, vector<1x16xf32>,
        %get3A_416 = vector.shape_cast %get3A_415 : vector<1x16xf32> to vector<16xf32>
        %add3A_417 = arith.addf %add3A_410, %get3A_416 : vector<16xf32>
        %add3A_418 = arith.constant 9 : i32
        %add3A_419 = arith.addi %mul3A_215, %add3A_418 : i32
        %get3A_420 = arith.index_cast %add3A_419 : i32 to index
        %get3A_421 = arith.constant 32 : index
        %get3A_422 = tpu.vector_load %arg13[%get3A_420, %get3A_421] {strides = array<i32>} : memref<320x128xf32, #tpu.memory_space<vmem>>, vector<1x16xf32>,
        %get3A_423 = vector.shape_cast %get3A_422 : vector<1x16xf32> to vector<16xf32>
        %add3A_424 = arith.addf %add3A_417, %get3A_423 : vector<16xf32>
        %swap3A_425 = arith.index_cast %add3A_213 : i32 to index
        %swap3A_426 = arith.constant 32 : index
        %swap3A_427 = tpu.vector_load %arg15[%swap3A_425, %swap3A_426] {strides = array<i32>} : memref<32x128xf32, #tpu.memory_space<vmem>>, vector<1x16xf32>,
        %swap3A_428 = vector.shape_cast %swap3A_427 : vector<1x16xf32> to vector<16xf32>
        %swap3A_429 = vector.shape_cast %add3A_424 : vector<16xf32> to vector<1x16xf32>
        tpu.vector_store %arg15[%swap3A_425, %swap3A_426], %swap3A_429 {strides = array<i32>} : memref<32x128xf32, #tpu.memory_space<vmem>>, vector<1x16xf32>,
        %get3A_430 = arith.index_cast %mul3A_215 : i32 to index
        %get3A_431 = arith.constant 48 : index
        %get3A_432 = tpu.vector_load %arg13[%get3A_430, %get3A_431] {strides = array<i32>} : memref<320x128xf32, #tpu.memory_space<vmem>>, vector<1x16xf32>,
        %get3A_433 = vector.shape_cast %get3A_432 : vector<1x16xf32> to vector<16xf32>
        %add3A_434 = arith.constant 1 : i32
        %add3A_435 = arith.addi %mul3A_215, %add3A_434 : i32
        %get3A_436 = arith.index_cast %add3A_435 : i32 to index
        %get3A_437 = arith.constant 48 : index
        %get3A_438 = tpu.vector_load %arg13[%get3A_436, %get3A_437] {strides = array<i32>} : memref<320x128xf32, #tpu.memory_space<vmem>>, vector<1x16xf32>,
        %get3A_439 = vector.shape_cast %get3A_438 : vector<1x16xf32> to vector<16xf32>
        %add3A_440 = arith.addf %get3A_433, %get3A_439 : vector<16xf32>
        %add3A_441 = arith.constant 2 : i32
        %add3A_442 = arith.addi %mul3A_215, %add3A_441 : i32
        %get3A_443 = arith.index_cast %add3A_442 : i32 to index
        %get3A_444 = arith.constant 48 : index
        %get3A_445 = tpu.vector_load %arg13[%get3A_443, %get3A_444] {strides = array<i32>} : memref<320x128xf32, #tpu.memory_space<vmem>>, vector<1x16xf32>,
        %get3A_446 = vector.shape_cast %get3A_445 : vector<1x16xf32> to vector<16xf32>
        %add3A_447 = arith.addf %add3A_440, %get3A_446 : vector<16xf32>
        %add3A_448 = arith.constant 3 : i32
        %add3A_449 = arith.addi %mul3A_215, %add3A_448 : i32
        %get3A_450 = arith.index_cast %add3A_449 : i32 to index
        %get3A_451 = arith.constant 48 : index
        %get3A_452 = tpu.vector_load %arg13[%get3A_450, %get3A_451] {strides = array<i32>} : memref<320x128xf32, #tpu.memory_space<vmem>>, vector<1x16xf32>,
        %get3A_453 = vector.shape_cast %get3A_452 : vector<1x16xf32> to vector<16xf32>
        %add3A_454 = arith.addf %add3A_447, %get3A_453 : vector<16xf32>
        %add3A_455 = arith.constant 4 : i32
        %add3A_456 = arith.addi %mul3A_215, %add3A_455 : i32
        %get3A_457 = arith.index_cast %add3A_456 : i32 to index
        %get3A_458 = arith.constant 48 : index
        %get3A_459 = tpu.vector_load %arg13[%get3A_457, %get3A_458] {strides = array<i32>} : memref<320x128xf32, #tpu.memory_space<vmem>>, vector<1x16xf32>,
        %get3A_460 = vector.shape_cast %get3A_459 : vector<1x16xf32> to vector<16xf32>
        %add3A_461 = arith.addf %add3A_454, %get3A_460 : vector<16xf32>
        %add3A_462 = arith.constant 5 : i32
        %add3A_463 = arith.addi %mul3A_215, %add3A_462 : i32
        %get3A_464 = arith.index_cast %add3A_463 : i32 to index
        %get3A_465 = arith.constant 48 : index
        %get3A_466 = tpu.vector_load %arg13[%get3A_464, %get3A_465] {strides = array<i32>} : memref<320x128xf32, #tpu.memory_space<vmem>>, vector<1x16xf32>,
        %get3A_467 = vector.shape_cast %get3A_466 : vector<1x16xf32> to vector<16xf32>
        %add3A_468 = arith.addf %add3A_461, %get3A_467 : vector<16xf32>
        %add3A_469 = arith.constant 6 : i32
        %add3A_470 = arith.addi %mul3A_215, %add3A_469 : i32
        %get3A_471 = arith.index_cast %add3A_470 : i32 to index
        %get3A_472 = arith.constant 48 : index
        %get3A_473 = tpu.vector_load %arg13[%get3A_471, %get3A_472] {strides = array<i32>} : memref<320x128xf32, #tpu.memory_space<vmem>>, vector<1x16xf32>,
        %get3A_474 = vector.shape_cast %get3A_473 : vector<1x16xf32> to vector<16xf32>
        %add3A_475 = arith.addf %add3A_468, %get3A_474 : vector<16xf32>
        %add3A_476 = arith.constant 7 : i32
        %add3A_477 = arith.addi %mul3A_215, %add3A_476 : i32
        %get3A_478 = arith.index_cast %add3A_477 : i32 to index
        %get3A_479 = arith.constant 48 : index
        %get3A_480 = tpu.vector_load %arg13[%get3A_478, %get3A_479] {strides = array<i32>} : memref<320x128xf32, #tpu.memory_space<vmem>>, vector<1x16xf32>,
        %get3A_481 = vector.shape_cast %get3A_480 : vector<1x16xf32> to vector<16xf32>
        %add3A_482 = arith.addf %add3A_475, %get3A_481 : vector<16xf32>
        %add3A_483 = arith.constant 8 : i32
        %add3A_484 = arith.addi %mul3A_215, %add3A_483 : i32
        %get3A_485 = arith.index_cast %add3A_484 : i32 to index
        %get3A_486 = arith.constant 48 : index
        %get3A_487 = tpu.vector_load %arg13[%get3A_485, %get3A_486] {strides = array<i32>} : memref<320x128xf32, #tpu.memory_space<vmem>>, vector<1x16xf32>,
        %get3A_488 = vector.shape_cast %get3A_487 : vector<1x16xf32> to vector<16xf32>
        %add3A_489 = arith.addf %add3A_482, %get3A_488 : vector<16xf32>
        %add3A_490 = arith.constant 9 : i32
        %add3A_491 = arith.addi %mul3A_215, %add3A_490 : i32
        %get3A_492 = arith.index_cast %add3A_491 : i32 to index
        %get3A_493 = arith.constant 48 : index
        %get3A_494 = tpu.vector_load %arg13[%get3A_492, %get3A_493] {strides = array<i32>} : memref<320x128xf32, #tpu.memory_space<vmem>>, vector<1x16xf32>,
        %get3A_495 = vector.shape_cast %get3A_494 : vector<1x16xf32> to vector<16xf32>
        %add3A_496 = arith.addf %add3A_489, %get3A_495 : vector<16xf32>
        %swap3A_497 = arith.index_cast %add3A_213 : i32 to index
        %swap3A_498 = arith.constant 48 : index
        %swap3A_499 = tpu.vector_load %arg15[%swap3A_497, %swap3A_498] {strides = array<i32>} : memref<32x128xf32, #tpu.memory_space<vmem>>, vector<1x16xf32>,
        %swap3A_500 = vector.shape_cast %swap3A_499 : vector<1x16xf32> to vector<16xf32>
        %swap3A_501 = vector.shape_cast %add3A_496 : vector<16xf32> to vector<1x16xf32>
        tpu.vector_store %arg15[%swap3A_497, %swap3A_498], %swap3A_501 {strides = array<i32>} : memref<32x128xf32, #tpu.memory_space<vmem>>, vector<1x16xf32>,
        %get3A_502 = arith.index_cast %mul3A_215 : i32 to index
        %get3A_503 = arith.constant 64 : index
        %get3A_504 = tpu.vector_load %arg13[%get3A_502, %get3A_503] {strides = array<i32>} : memref<320x128xf32, #tpu.memory_space<vmem>>, vector<1x16xf32>,
        %get3A_505 = vector.shape_cast %get3A_504 : vector<1x16xf32> to vector<16xf32>
        %add3A_506 = arith.constant 1 : i32
        %add3A_507 = arith.addi %mul3A_215, %add3A_506 : i32
        %get3A_508 = arith.index_cast %add3A_507 : i32 to index
        %get3A_509 = arith.constant 64 : index
        %get3A_510 = tpu.vector_load %arg13[%get3A_508, %get3A_509] {strides = array<i32>} : memref<320x128xf32, #tpu.memory_space<vmem>>, vector<1x16xf32>,
        %get3A_511 = vector.shape_cast %get3A_510 : vector<1x16xf32> to vector<16xf32>
        %add3A_512 = arith.addf %get3A_505, %get3A_511 : vector<16xf32>
        %add3A_513 = arith.constant 2 : i32
        %add3A_514 = arith.addi %mul3A_215, %add3A_513 : i32
        %get3A_515 = arith.index_cast %add3A_514 : i32 to index
        %get3A_516 = arith.constant 64 : index
        %get3A_517 = tpu.vector_load %arg13[%get3A_515, %get3A_516] {strides = array<i32>} : memref<320x128xf32, #tpu.memory_space<vmem>>, vector<1x16xf32>,
        %get3A_518 = vector.shape_cast %get3A_517 : vector<1x16xf32> to vector<16xf32>
        %add3A_519 = arith.addf %add3A_512, %get3A_518 : vector<16xf32>
        %add3A_520 = arith.constant 3 : i32
        %add3A_521 = arith.addi %mul3A_215, %add3A_520 : i32
        %get3A_522 = arith.index_cast %add3A_521 : i32 to index
        %get3A_523 = arith.constant 64 : index
        %get3A_524 = tpu.vector_load %arg13[%get3A_522, %get3A_523] {strides = array<i32>} : memref<320x128xf32, #tpu.memory_space<vmem>>, vector<1x16xf32>,
        %get3A_525 = vector.shape_cast %get3A_524 : vector<1x16xf32> to vector<16xf32>
        %add3A_526 = arith.addf %add3A_519, %get3A_525 : vector<16xf32>
        %add3A_527 = arith.constant 4 : i32
        %add3A_528 = arith.addi %mul3A_215, %add3A_527 : i32
        %get3A_529 = arith.index_cast %add3A_528 : i32 to index
        %get3A_530 = arith.constant 64 : index
        %get3A_531 = tpu.vector_load %arg13[%get3A_529, %get3A_530] {strides = array<i32>} : memref<320x128xf32, #tpu.memory_space<vmem>>, vector<1x16xf32>,
        %get3A_532 = vector.shape_cast %get3A_531 : vector<1x16xf32> to vector<16xf32>
        %add3A_533 = arith.addf %add3A_526, %get3A_532 : vector<16xf32>
        %add3A_534 = arith.constant 5 : i32
        %add3A_535 = arith.addi %mul3A_215, %add3A_534 : i32
        %get3A_536 = arith.index_cast %add3A_535 : i32 to index
        %get3A_537 = arith.constant 64 : index
        %get3A_538 = tpu.vector_load %arg13[%get3A_536, %get3A_537] {strides = array<i32>} : memref<320x128xf32, #tpu.memory_space<vmem>>, vector<1x16xf32>,
        %get3A_539 = vector.shape_cast %get3A_538 : vector<1x16xf32> to vector<16xf32>
        %add3A_540 = arith.addf %add3A_533, %get3A_539 : vector<16xf32>
        %add3A_541 = arith.constant 6 : i32
        %add3A_542 = arith.addi %mul3A_215, %add3A_541 : i32
        %get3A_543 = arith.index_cast %add3A_542 : i32 to index
        %get3A_544 = arith.constant 64 : index
        %get3A_545 = tpu.vector_load %arg13[%get3A_543, %get3A_544] {strides = array<i32>} : memref<320x128xf32, #tpu.memory_space<vmem>>, vector<1x16xf32>,
        %get3A_546 = vector.shape_cast %get3A_545 : vector<1x16xf32> to vector<16xf32>
        %add3A_547 = arith.addf %add3A_540, %get3A_546 : vector<16xf32>
        %add3A_548 = arith.constant 7 : i32
        %add3A_549 = arith.addi %mul3A_215, %add3A_548 : i32
        %get3A_550 = arith.index_cast %add3A_549 : i32 to index
        %get3A_551 = arith.constant 64 : index
        %get3A_552 = tpu.vector_load %arg13[%get3A_550, %get3A_551] {strides = array<i32>} : memref<320x128xf32, #tpu.memory_space<vmem>>, vector<1x16xf32>,
        %get3A_553 = vector.shape_cast %get3A_552 : vector<1x16xf32> to vector<16xf32>
        %add3A_554 = arith.addf %add3A_547, %get3A_553 : vector<16xf32>
        %add3A_555 = arith.constant 8 : i32
        %add3A_556 = arith.addi %mul3A_215, %add3A_555 : i32
        %get3A_557 = arith.index_cast %add3A_556 : i32 to index
        %get3A_558 = arith.constant 64 : index
        %get3A_559 = tpu.vector_load %arg13[%get3A_557, %get3A_558] {strides = array<i32>} : memref<320x128xf32, #tpu.memory_space<vmem>>, vector<1x16xf32>,
        %get3A_560 = vector.shape_cast %get3A_559 : vector<1x16xf32> to vector<16xf32>
        %add3A_561 = arith.addf %add3A_554, %get3A_560 : vector<16xf32>
        %add3A_562 = arith.constant 9 : i32
        %add3A_563 = arith.addi %mul3A_215, %add3A_562 : i32
        %get3A_564 = arith.index_cast %add3A_563 : i32 to index
        %get3A_565 = arith.constant 64 : index
        %get3A_566 = tpu.vector_load %arg13[%get3A_564, %get3A_565] {strides = array<i32>} : memref<320x128xf32, #tpu.memory_space<vmem>>, vector<1x16xf32>,
        %get3A_567 = vector.shape_cast %get3A_566 : vector<1x16xf32> to vector<16xf32>
        %add3A_568 = arith.addf %add3A_561, %get3A_567 : vector<16xf32>
        %swap3A_569 = arith.index_cast %add3A_213 : i32 to index
        %swap3A_570 = arith.constant 64 : index
        %swap3A_571 = tpu.vector_load %arg15[%swap3A_569, %swap3A_570] {strides = array<i32>} : memref<32x128xf32, #tpu.memory_space<vmem>>, vector<1x16xf32>,
        %swap3A_572 = vector.shape_cast %swap3A_571 : vector<1x16xf32> to vector<16xf32>
        %swap3A_573 = vector.shape_cast %add3A_568 : vector<16xf32> to vector<1x16xf32>
        tpu.vector_store %arg15[%swap3A_569, %swap3A_570], %swap3A_573 {strides = array<i32>} : memref<32x128xf32, #tpu.memory_space<vmem>>, vector<1x16xf32>,
        %get3A_574 = arith.index_cast %mul3A_215 : i32 to index
        %get3A_575 = arith.constant 80 : index
        %get3A_576 = tpu.vector_load %arg13[%get3A_574, %get3A_575] {strides = array<i32>} : memref<320x128xf32, #tpu.memory_space<vmem>>, vector<1x16xf32>,
        %get3A_577 = vector.shape_cast %get3A_576 : vector<1x16xf32> to vector<16xf32>
        %add3A_578 = arith.constant 1 : i32
        %add3A_579 = arith.addi %mul3A_215, %add3A_578 : i32
        %get3A_580 = arith.index_cast %add3A_579 : i32 to index
        %get3A_581 = arith.constant 80 : index
        %get3A_582 = tpu.vector_load %arg13[%get3A_580, %get3A_581] {strides = array<i32>} : memref<320x128xf32, #tpu.memory_space<vmem>>, vector<1x16xf32>,
        %get3A_583 = vector.shape_cast %get3A_582 : vector<1x16xf32> to vector<16xf32>
        %add3A_584 = arith.addf %get3A_577, %get3A_583 : vector<16xf32>
        %add3A_585 = arith.constant 2 : i32
        %add3A_586 = arith.addi %mul3A_215, %add3A_585 : i32
        %get3A_587 = arith.index_cast %add3A_586 : i32 to index
        %get3A_588 = arith.constant 80 : index
        %get3A_589 = tpu.vector_load %arg13[%get3A_587, %get3A_588] {strides = array<i32>} : memref<320x128xf32, #tpu.memory_space<vmem>>, vector<1x16xf32>,
        %get3A_590 = vector.shape_cast %get3A_589 : vector<1x16xf32> to vector<16xf32>
        %add3A_591 = arith.addf %add3A_584, %get3A_590 : vector<16xf32>
        %add3A_592 = arith.constant 3 : i32
        %add3A_593 = arith.addi %mul3A_215, %add3A_592 : i32
        %get3A_594 = arith.index_cast %add3A_593 : i32 to index
        %get3A_595 = arith.constant 80 : index
        %get3A_596 = tpu.vector_load %arg13[%get3A_594, %get3A_595] {strides = array<i32>} : memref<320x128xf32, #tpu.memory_space<vmem>>, vector<1x16xf32>,
        %get3A_597 = vector.shape_cast %get3A_596 : vector<1x16xf32> to vector<16xf32>
        %add3A_598 = arith.addf %add3A_591, %get3A_597 : vector<16xf32>
        %add3A_599 = arith.constant 4 : i32
        %add3A_600 = arith.addi %mul3A_215, %add3A_599 : i32
        %get3A_601 = arith.index_cast %add3A_600 : i32 to index
        %get3A_602 = arith.constant 80 : index
        %get3A_603 = tpu.vector_load %arg13[%get3A_601, %get3A_602] {strides = array<i32>} : memref<320x128xf32, #tpu.memory_space<vmem>>, vector<1x16xf32>,
        %get3A_604 = vector.shape_cast %get3A_603 : vector<1x16xf32> to vector<16xf32>
        %add3A_605 = arith.addf %add3A_598, %get3A_604 : vector<16xf32>
        %add3A_606 = arith.constant 5 : i32
        %add3A_607 = arith.addi %mul3A_215, %add3A_606 : i32
        %get3A_608 = arith.index_cast %add3A_607 : i32 to index
        %get3A_609 = arith.constant 80 : index
        %get3A_610 = tpu.vector_load %arg13[%get3A_608, %get3A_609] {strides = array<i32>} : memref<320x128xf32, #tpu.memory_space<vmem>>, vector<1x16xf32>,
        %get3A_611 = vector.shape_cast %get3A_610 : vector<1x16xf32> to vector<16xf32>
        %add3A_612 = arith.addf %add3A_605, %get3A_611 : vector<16xf32>
        %add3A_613 = arith.constant 6 : i32
        %add3A_614 = arith.addi %mul3A_215, %add3A_613 : i32
        %get3A_615 = arith.index_cast %add3A_614 : i32 to index
        %get3A_616 = arith.constant 80 : index
        %get3A_617 = tpu.vector_load %arg13[%get3A_615, %get3A_616] {strides = array<i32>} : memref<320x128xf32, #tpu.memory_space<vmem>>, vector<1x16xf32>,
        %get3A_618 = vector.shape_cast %get3A_617 : vector<1x16xf32> to vector<16xf32>
        %add3A_619 = arith.addf %add3A_612, %get3A_618 : vector<16xf32>
        %add3A_620 = arith.constant 7 : i32
        %add3A_621 = arith.addi %mul3A_215, %add3A_620 : i32
        %get3A_622 = arith.index_cast %add3A_621 : i32 to index
        %get3A_623 = arith.constant 80 : index
        %get3A_624 = tpu.vector_load %arg13[%get3A_622, %get3A_623] {strides = array<i32>} : memref<320x128xf32, #tpu.memory_space<vmem>>, vector<1x16xf32>,
        %get3A_625 = vector.shape_cast %get3A_624 : vector<1x16xf32> to vector<16xf32>
        %add3A_626 = arith.addf %add3A_619, %get3A_625 : vector<16xf32>
        %add3A_627 = arith.constant 8 : i32
        %add3A_628 = arith.addi %mul3A_215, %add3A_627 : i32
        %get3A_629 = arith.index_cast %add3A_628 : i32 to index
        %get3A_630 = arith.constant 80 : index
        %get3A_631 = tpu.vector_load %arg13[%get3A_629, %get3A_630] {strides = array<i32>} : memref<320x128xf32, #tpu.memory_space<vmem>>, vector<1x16xf32>,
        %get3A_632 = vector.shape_cast %get3A_631 : vector<1x16xf32> to vector<16xf32>
        %add3A_633 = arith.addf %add3A_626, %get3A_632 : vector<16xf32>
        %add3A_634 = arith.constant 9 : i32
        %add3A_635 = arith.addi %mul3A_215, %add3A_634 : i32
        %get3A_636 = arith.index_cast %add3A_635 : i32 to index
        %get3A_637 = arith.constant 80 : index
        %get3A_638 = tpu.vector_load %arg13[%get3A_636, %get3A_637] {strides = array<i32>} : memref<320x128xf32, #tpu.memory_space<vmem>>, vector<1x16xf32>,
        %get3A_639 = vector.shape_cast %get3A_638 : vector<1x16xf32> to vector<16xf32>
        %add3A_640 = arith.addf %add3A_633, %get3A_639 : vector<16xf32>
        %swap3A_641 = arith.index_cast %add3A_213 : i32 to index
        %swap3A_642 = arith.constant 80 : index
        %swap3A_643 = tpu.vector_load %arg15[%swap3A_641, %swap3A_642] {strides = array<i32>} : memref<32x128xf32, #tpu.memory_space<vmem>>, vector<1x16xf32>,
        %swap3A_644 = vector.shape_cast %swap3A_643 : vector<1x16xf32> to vector<16xf32>
        %swap3A_645 = vector.shape_cast %add3A_640 : vector<16xf32> to vector<1x16xf32>
        tpu.vector_store %arg15[%swap3A_641, %swap3A_642], %swap3A_645 {strides = array<i32>} : memref<32x128xf32, #tpu.memory_space<vmem>>, vector<1x16xf32>,
        %get3A_646 = arith.index_cast %mul3A_215 : i32 to index
        %get3A_647 = arith.constant 96 : index
        %get3A_648 = tpu.vector_load %arg13[%get3A_646, %get3A_647] {strides = array<i32>} : memref<320x128xf32, #tpu.memory_space<vmem>>, vector<1x16xf32>,
        %get3A_649 = vector.shape_cast %get3A_648 : vector<1x16xf32> to vector<16xf32>
        %add3A_650 = arith.constant 1 : i32
        %add3A_651 = arith.addi %mul3A_215, %add3A_650 : i32
        %get3A_652 = arith.index_cast %add3A_651 : i32 to index
        %get3A_653 = arith.constant 96 : index
        %get3A_654 = tpu.vector_load %arg13[%get3A_652, %get3A_653] {strides = array<i32>} : memref<320x128xf32, #tpu.memory_space<vmem>>, vector<1x16xf32>,
        %get3A_655 = vector.shape_cast %get3A_654 : vector<1x16xf32> to vector<16xf32>
        %add3A_656 = arith.addf %get3A_649, %get3A_655 : vector<16xf32>
        %add3A_657 = arith.constant 2 : i32
        %add3A_658 = arith.addi %mul3A_215, %add3A_657 : i32
        %get3A_659 = arith.index_cast %add3A_658 : i32 to index
        %get3A_660 = arith.constant 96 : index
        %get3A_661 = tpu.vector_load %arg13[%get3A_659, %get3A_660] {strides = array<i32>} : memref<320x128xf32, #tpu.memory_space<vmem>>, vector<1x16xf32>,
        %get3A_662 = vector.shape_cast %get3A_661 : vector<1x16xf32> to vector<16xf32>
        %add3A_663 = arith.addf %add3A_656, %get3A_662 : vector<16xf32>
        %add3A_664 = arith.constant 3 : i32
        %add3A_665 = arith.addi %mul3A_215, %add3A_664 : i32
        %get3A_666 = arith.index_cast %add3A_665 : i32 to index
        %get3A_667 = arith.constant 96 : index
        %get3A_668 = tpu.vector_load %arg13[%get3A_666, %get3A_667] {strides = array<i32>} : memref<320x128xf32, #tpu.memory_space<vmem>>, vector<1x16xf32>,
        %get3A_669 = vector.shape_cast %get3A_668 : vector<1x16xf32> to vector<16xf32>
        %add3A_670 = arith.addf %add3A_663, %get3A_669 : vector<16xf32>
        %add3A_671 = arith.constant 4 : i32
        %add3A_672 = arith.addi %mul3A_215, %add3A_671 : i32
        %get3A_673 = arith.index_cast %add3A_672 : i32 to index
        %get3A_674 = arith.constant 96 : index
        %get3A_675 = tpu.vector_load %arg13[%get3A_673, %get3A_674] {strides = array<i32>} : memref<320x128xf32, #tpu.memory_space<vmem>>, vector<1x16xf32>,
        %get3A_676 = vector.shape_cast %get3A_675 : vector<1x16xf32> to vector<16xf32>
        %add3A_677 = arith.addf %add3A_670, %get3A_676 : vector<16xf32>
        %add3A_678 = arith.constant 5 : i32
        %add3A_679 = arith.addi %mul3A_215, %add3A_678 : i32
        %get3A_680 = arith.index_cast %add3A_679 : i32 to index
        %get3A_681 = arith.constant 96 : index
        %get3A_682 = tpu.vector_load %arg13[%get3A_680, %get3A_681] {strides = array<i32>} : memref<320x128xf32, #tpu.memory_space<vmem>>, vector<1x16xf32>,
        %get3A_683 = vector.shape_cast %get3A_682 : vector<1x16xf32> to vector<16xf32>
        %add3A_684 = arith.addf %add3A_677, %get3A_683 : vector<16xf32>
        %add3A_685 = arith.constant 6 : i32
        %add3A_686 = arith.addi %mul3A_215, %add3A_685 : i32
        %get3A_687 = arith.index_cast %add3A_686 : i32 to index
        %get3A_688 = arith.constant 96 : index
        %get3A_689 = tpu.vector_load %arg13[%get3A_687, %get3A_688] {strides = array<i32>} : memref<320x128xf32, #tpu.memory_space<vmem>>, vector<1x16xf32>,
        %get3A_690 = vector.shape_cast %get3A_689 : vector<1x16xf32> to vector<16xf32>
        %add3A_691 = arith.addf %add3A_684, %get3A_690 : vector<16xf32>
        %add3A_692 = arith.constant 7 : i32
        %add3A_693 = arith.addi %mul3A_215, %add3A_692 : i32
        %get3A_694 = arith.index_cast %add3A_693 : i32 to index
        %get3A_695 = arith.constant 96 : index
        %get3A_696 = tpu.vector_load %arg13[%get3A_694, %get3A_695] {strides = array<i32>} : memref<320x128xf32, #tpu.memory_space<vmem>>, vector<1x16xf32>,
        %get3A_697 = vector.shape_cast %get3A_696 : vector<1x16xf32> to vector<16xf32>
        %add3A_698 = arith.addf %add3A_691, %get3A_697 : vector<16xf32>
        %add3A_699 = arith.constant 8 : i32
        %add3A_700 = arith.addi %mul3A_215, %add3A_699 : i32
        %get3A_701 = arith.index_cast %add3A_700 : i32 to index
        %get3A_702 = arith.constant 96 : index
        %get3A_703 = tpu.vector_load %arg13[%get3A_701, %get3A_702] {strides = array<i32>} : memref<320x128xf32, #tpu.memory_space<vmem>>, vector<1x16xf32>,
        %get3A_704 = vector.shape_cast %get3A_703 : vector<1x16xf32> to vector<16xf32>
        %add3A_705 = arith.addf %add3A_698, %get3A_704 : vector<16xf32>
        %add3A_706 = arith.constant 9 : i32
        %add3A_707 = arith.addi %mul3A_215, %add3A_706 : i32
        %get3A_708 = arith.index_cast %add3A_707 : i32 to index
        %get3A_709 = arith.constant 96 : index
        %get3A_710 = tpu.vector_load %arg13[%get3A_708, %get3A_709] {strides = array<i32>} : memref<320x128xf32, #tpu.memory_space<vmem>>, vector<1x16xf32>,
        %get3A_711 = vector.shape_cast %get3A_710 : vector<1x16xf32> to vector<16xf32>
        %add3A_712 = arith.addf %add3A_705, %get3A_711 : vector<16xf32>
        %swap3A_713 = arith.index_cast %add3A_213 : i32 to index
        %swap3A_714 = arith.constant 96 : index
        %swap3A_715 = tpu.vector_load %arg15[%swap3A_713, %swap3A_714] {strides = array<i32>} : memref<32x128xf32, #tpu.memory_space<vmem>>, vector<1x16xf32>,
        %swap3A_716 = vector.shape_cast %swap3A_715 : vector<1x16xf32> to vector<16xf32>
        %swap3A_717 = vector.shape_cast %add3A_712 : vector<16xf32> to vector<1x16xf32>
        tpu.vector_store %arg15[%swap3A_713, %swap3A_714], %swap3A_717 {strides = array<i32>} : memref<32x128xf32, #tpu.memory_space<vmem>>, vector<1x16xf32>,
        %get3A_718 = arith.index_cast %mul3A_215 : i32 to index
        %get3A_719 = arith.constant 112 : index
        %get3A_720 = tpu.vector_load %arg13[%get3A_718, %get3A_719] {strides = array<i32>} : memref<320x128xf32, #tpu.memory_space<vmem>>, vector<1x16xf32>,
        %get3A_721 = vector.shape_cast %get3A_720 : vector<1x16xf32> to vector<16xf32>
        %add3A_722 = arith.constant 1 : i32
        %add3A_723 = arith.addi %mul3A_215, %add3A_722 : i32
        %get3A_724 = arith.index_cast %add3A_723 : i32 to index
        %get3A_725 = arith.constant 112 : index
        %get3A_726 = tpu.vector_load %arg13[%get3A_724, %get3A_725] {strides = array<i32>} : memref<320x128xf32, #tpu.memory_space<vmem>>, vector<1x16xf32>,
        %get3A_727 = vector.shape_cast %get3A_726 : vector<1x16xf32> to vector<16xf32>
        %add3A_728 = arith.addf %get3A_721, %get3A_727 : vector<16xf32>
        %add3A_729 = arith.constant 2 : i32
        %add3A_730 = arith.addi %mul3A_215, %add3A_729 : i32
        %get3A_731 = arith.index_cast %add3A_730 : i32 to index
        %get3A_732 = arith.constant 112 : index
        %get3A_733 = tpu.vector_load %arg13[%get3A_731, %get3A_732] {strides = array<i32>} : memref<320x128xf32, #tpu.memory_space<vmem>>, vector<1x16xf32>,
        %get3A_734 = vector.shape_cast %get3A_733 : vector<1x16xf32> to vector<16xf32>
        %add3A_735 = arith.addf %add3A_728, %get3A_734 : vector<16xf32>
        %add3A_736 = arith.constant 3 : i32
        %add3A_737 = arith.addi %mul3A_215, %add3A_736 : i32
        %get3A_738 = arith.index_cast %add3A_737 : i32 to index
        %get3A_739 = arith.constant 112 : index
        %get3A_740 = tpu.vector_load %arg13[%get3A_738, %get3A_739] {strides = array<i32>} : memref<320x128xf32, #tpu.memory_space<vmem>>, vector<1x16xf32>,
        %get3A_741 = vector.shape_cast %get3A_740 : vector<1x16xf32> to vector<16xf32>
        %add3A_742 = arith.addf %add3A_735, %get3A_741 : vector<16xf32>
        %add3A_743 = arith.constant 4 : i32
        %add3A_744 = arith.addi %mul3A_215, %add3A_743 : i32
        %get3A_745 = arith.index_cast %add3A_744 : i32 to index
        %get3A_746 = arith.constant 112 : index
        %get3A_747 = tpu.vector_load %arg13[%get3A_745, %get3A_746] {strides = array<i32>} : memref<320x128xf32, #tpu.memory_space<vmem>>, vector<1x16xf32>,
        %get3A_748 = vector.shape_cast %get3A_747 : vector<1x16xf32> to vector<16xf32>
        %add3A_749 = arith.addf %add3A_742, %get3A_748 : vector<16xf32>
        %add3A_750 = arith.constant 5 : i32
        %add3A_751 = arith.addi %mul3A_215, %add3A_750 : i32
        %get3A_752 = arith.index_cast %add3A_751 : i32 to index
        %get3A_753 = arith.constant 112 : index
        %get3A_754 = tpu.vector_load %arg13[%get3A_752, %get3A_753] {strides = array<i32>} : memref<320x128xf32, #tpu.memory_space<vmem>>, vector<1x16xf32>,
        %get3A_755 = vector.shape_cast %get3A_754 : vector<1x16xf32> to vector<16xf32>
        %add3A_756 = arith.addf %add3A_749, %get3A_755 : vector<16xf32>
        %add3A_757 = arith.constant 6 : i32
        %add3A_758 = arith.addi %mul3A_215, %add3A_757 : i32
        %get3A_759 = arith.index_cast %add3A_758 : i32 to index
        %get3A_760 = arith.constant 112 : index
        %get3A_761 = tpu.vector_load %arg13[%get3A_759, %get3A_760] {strides = array<i32>} : memref<320x128xf32, #tpu.memory_space<vmem>>, vector<1x16xf32>,
        %get3A_762 = vector.shape_cast %get3A_761 : vector<1x16xf32> to vector<16xf32>
        %add3A_763 = arith.addf %add3A_756, %get3A_762 : vector<16xf32>
        %add3A_764 = arith.constant 7 : i32
        %add3A_765 = arith.addi %mul3A_215, %add3A_764 : i32
        %get3A_766 = arith.index_cast %add3A_765 : i32 to index
        %get3A_767 = arith.constant 112 : index
        %get3A_768 = tpu.vector_load %arg13[%get3A_766, %get3A_767] {strides = array<i32>} : memref<320x128xf32, #tpu.memory_space<vmem>>, vector<1x16xf32>,
        %get3A_769 = vector.shape_cast %get3A_768 : vector<1x16xf32> to vector<16xf32>
        %add3A_770 = arith.addf %add3A_763, %get3A_769 : vector<16xf32>
        %add3A_771 = arith.constant 8 : i32
        %add3A_772 = arith.addi %mul3A_215, %add3A_771 : i32
        %get3A_773 = arith.index_cast %add3A_772 : i32 to index
        %get3A_774 = arith.constant 112 : index
        %get3A_775 = tpu.vector_load %arg13[%get3A_773, %get3A_774] {strides = array<i32>} : memref<320x128xf32, #tpu.memory_space<vmem>>, vector<1x16xf32>,
        %get3A_776 = vector.shape_cast %get3A_775 : vector<1x16xf32> to vector<16xf32>
        %add3A_777 = arith.addf %add3A_770, %get3A_776 : vector<16xf32>
        %add3A_778 = arith.constant 9 : i32
        %add3A_779 = arith.addi %mul3A_215, %add3A_778 : i32
        %get3A_780 = arith.index_cast %add3A_779 : i32 to index
        %get3A_781 = arith.constant 112 : index
        %get3A_782 = tpu.vector_load %arg13[%get3A_780, %get3A_781] {strides = array<i32>} : memref<320x128xf32, #tpu.memory_space<vmem>>, vector<1x16xf32>,
        %get3A_783 = vector.shape_cast %get3A_782 : vector<1x16xf32> to vector<16xf32>
        %add3A_784 = arith.addf %add3A_777, %get3A_783 : vector<16xf32>
        %swap3A_785 = arith.index_cast %add3A_213 : i32 to index
        %swap3A_786 = arith.constant 112 : index
        %swap3A_787 = tpu.vector_load %arg15[%swap3A_785, %swap3A_786] {strides = array<i32>} : memref<32x128xf32, #tpu.memory_space<vmem>>, vector<1x16xf32>,
        %swap3A_788 = vector.shape_cast %swap3A_787 : vector<1x16xf32> to vector<16xf32>
        %swap3A_789 = vector.shape_cast %add3A_784 : vector<16xf32> to vector<1x16xf32>
        tpu.vector_store %arg15[%swap3A_785, %swap3A_786], %swap3A_789 {strides = array<i32>} : memref<32x128xf32, #tpu.memory_space<vmem>>, vector<1x16xf32>,
      }
      %scan3A_159 = arith.constant 32 : i32
      "tpu.region"() ({
        %run_scoped3A = tpu.sem_alloc : memref<!tpu.dma_semaphore, #tpu.memory_space<semaphore_mem>>
        %dma_start3A_209 = arith.constant 0 : i32
        %dma_start3A_210 = tpu.memref_slice %arg6[%multiple_of3A_154, %dma_start3A_209] : memref<50000x128xf32, #tpu.memory_space<hbm>> -> memref<32x128xf32, #tpu.memory_space<hbm>>
        %dma_start3A_211 = arith.constant 0 : i32
        %dma_start3A_212 = tpu.memref_slice %arg6[%multiple_of3A_154, %dma_start3A_211] : memref<50000x128xf32, #tpu.memory_space<hbm>> -> memref<32x128xf32, #tpu.memory_space<hbm>>
        tpu.enqueue_dma source(%arg15 : memref<32x128xf32, #tpu.memory_space<vmem>>) target(%dma_start3A_212 : memref<32x128xf32, #tpu.memory_space<hbm>>) target_semaphore(%run_scoped3A : memref<!tpu.dma_semaphore, #tpu.memory_space<semaphore_mem>>)
        %dma_wait3A_213 = arith.constant 0 : i32
        %dma_wait3A_214 = tpu.memref_slice %arg6[%multiple_of3A_154, %dma_wait3A_213] : memref<50000x128xf32, #tpu.memory_space<hbm>> -> memref<32x128xf32, #tpu.memory_space<hbm>>
        %dma_wait3A_215 = arith.constant 0 : i32
        %dma_wait3A_216 = tpu.memref_slice %arg6[%multiple_of3A_154, %dma_wait3A_215] : memref<50000x128xf32, #tpu.memory_space<hbm>> -> memref<32x128xf32, #tpu.memory_space<hbm>>
        tpu.wait_dma2 semaphore(%run_scoped3A : memref<!tpu.dma_semaphore, #tpu.memory_space<semaphore_mem>>) src(%arg15 : memref<32x128xf32, #tpu.memory_space<vmem>>) dst(%dma_wait3A_216 : memref<32x128xf32, #tpu.memory_space<hbm>>)
        tpu.yield
      }) : () -> ()
      %add3A_160 = arith.constant 2 : i32
      %add3A_161 = arith.addi %add3A_112, %add3A_160 : i32
      %dma_wait3A_162 = arith.constant 0 : i32
      %dma_wait3A_163 = tpu.memref_slice %arg2[%dma_wait3A_162] : memref<50000xi32, #tpu.memory_space<hbm>> -> memref<32xi32, #tpu.memory_space<hbm>>
      %dma_wait3A_164 = arith.constant 0 : i32
      %dma_wait3A_165 = tpu.memref_slice %arg2[%dma_wait3A_164] : memref<50000xi32, #tpu.memory_space<hbm>> -> memref<32xi32, #tpu.memory_space<hbm>>
      tpu.wait_dma2 semaphore(%arg16 : memref<!tpu.dma_semaphore, #tpu.memory_space<semaphore_mem>>) src(%dma_wait3A_165 : memref<32xi32, #tpu.memory_space<hbm>>) dst(%arg7 : memref<32xi32, #tpu.memory_space<vmem>>)
      %dma_wait3A_166 = arith.constant 0 : i32
      %dma_wait3A_167 = tpu.memref_slice %arg3[%dma_wait3A_166] : memref<500000xi32, #tpu.memory_space<hbm>> -> memref<320xi32, #tpu.memory_space<hbm>>
      %dma_wait3A_168 = arith.constant 0 : i32
      %dma_wait3A_169 = tpu.memref_slice %arg3[%dma_wait3A_168] : memref<500000xi32, #tpu.memory_space<hbm>> -> memref<320xi32, #tpu.memory_space<hbm>>
      tpu.wait_dma2 semaphore(%arg16 : memref<!tpu.dma_semaphore, #tpu.memory_space<semaphore_mem>>) src(%dma_wait3A_169 : memref<320xi32, #tpu.memory_space<hbm>>) dst(%arg9 : memref<320xi32, #tpu.memory_space<vmem>>)
      %dma_start3A_170 = arith.constant 0 : i32
      %dma_start3A_171 = arith.constant 0 : i32
      %dma_start3A_172 = tpu.memref_slice %arg4[%dma_start3A_170, %dma_start3A_171] : memref<100000x128xf32, #tpu.memory_space<hbm>> -> memref<100000x128xf32, #tpu.memory_space<hbm>>
      tpu.enqueue_indirect_dma source(%dma_start3A_172 : memref<100000x128xf32, #tpu.memory_space<hbm>>) target(%arg11 : memref<32x128xf32, #tpu.memory_space<vmem>>) offsets(%arg7 : memref<32xi32, #tpu.memory_space<vmem>>) semaphore(%arg18 : memref<!tpu.dma_semaphore, #tpu.memory_space<semaphore_mem>>)
      %dma_start3A_173 = arith.constant 0 : i32
      %dma_start3A_174 = arith.constant 0 : i32
      %dma_start3A_175 = tpu.memref_slice %arg4[%dma_start3A_173, %dma_start3A_174] : memref<100000x128xf32, #tpu.memory_space<hbm>> -> memref<100000x128xf32, #tpu.memory_space<hbm>>
      tpu.enqueue_indirect_dma source(%dma_start3A_175 : memref<100000x128xf32, #tpu.memory_space<hbm>>) target(%arg13 : memref<320x128xf32, #tpu.memory_space<vmem>>) offsets(%arg9 : memref<320xi32, #tpu.memory_space<vmem>>) semaphore(%arg20 : memref<!tpu.dma_semaphore, #tpu.memory_space<semaphore_mem>>)
      %dma_wait3A_176 = arith.constant 0 : i32
      %dma_wait3A_177 = arith.constant 0 : i32
      %dma_wait3A_178 = tpu.memref_slice %arg4[%dma_wait3A_176, %dma_wait3A_177] : memref<100000x128xf32, #tpu.memory_space<hbm>> -> memref<100000x128xf32, #tpu.memory_space<hbm>>
      tpu.wait_indirect_dma semaphore(%arg19 : memref<!tpu.dma_semaphore, #tpu.memory_space<semaphore_mem>>) src(%dma_wait3A_178 : memref<100000x128xf32, #tpu.memory_space<hbm>>) dst(%arg12 : memref<32x128xf32, #tpu.memory_space<vmem>>)
      %dma_wait3A_179 = arith.constant 0 : i32
      %dma_wait3A_180 = arith.constant 0 : i32
      %dma_wait3A_181 = tpu.memref_slice %arg4[%dma_wait3A_179, %dma_wait3A_180] : memref<100000x128xf32, #tpu.memory_space<hbm>> -> memref<100000x128xf32, #tpu.memory_space<hbm>>
      tpu.wait_indirect_dma semaphore(%arg21 : memref<!tpu.dma_semaphore, #tpu.memory_space<semaphore_mem>>) src(%dma_wait3A_181 : memref<100000x128xf32, #tpu.memory_space<hbm>>) dst(%arg14 : memref<320x128xf32, #tpu.memory_space<vmem>>)
      %add3A_182 = arith.constant 3 : i32
      %add3A_183 = arith.addi %add3A_112, %add3A_182 : i32
      %mul3A_184 = arith.constant 32 : i32
      %mul3A_185 = arith.muli %add3A_183, %mul3A_184 : i32
      %add3A_186 = arith.addi %select_n3A_6, %mul3A_185 : i32
      %min3A_187 = arith.constant 49968 : i32
      %min3A_188 = arith.minsi %add3A_186, %min3A_187 : i32
      %multiple_of3A_189 = tpu.assume_multiple %min3A_188, 16 : i32
      %dma_start3A_190 = tpu.memref_slice %arg2[%multiple_of3A_189] : memref<50000xi32, #tpu.memory_space<hbm>> -> memref<32xi32, #tpu.memory_space<hbm>>
      %dma_start3A_191 = tpu.memref_slice %arg2[%multiple_of3A_189] : memref<50000xi32, #tpu.memory_space<hbm>> -> memref<32xi32, #tpu.memory_space<hbm>>
      tpu.enqueue_dma source(%dma_start3A_191 : memref<32xi32, #tpu.memory_space<hbm>>) target(%arg8 : memref<32xi32, #tpu.memory_space<vmem>>) target_semaphore(%arg17 : memref<!tpu.dma_semaphore, #tpu.memory_space<semaphore_mem>>)
      %mul3A_192 = arith.constant 10 : i32
      %mul3A_193 = arith.muli %multiple_of3A_189, %mul3A_192 : i32
      %dma_start3A_194 = tpu.memref_slice %arg3[%mul3A_193] : memref<500000xi32, #tpu.memory_space<hbm>> -> memref<320xi32, #tpu.memory_space<hbm>>
      %dma_start3A_195 = tpu.memref_slice %arg3[%mul3A_193] : memref<500000xi32, #tpu.memory_space<hbm>> -> memref<320xi32, #tpu.memory_space<hbm>>
      tpu.enqueue_dma source(%dma_start3A_195 : memref<320xi32, #tpu.memory_space<hbm>>) target(%arg10 : memref<320xi32, #tpu.memory_space<vmem>>) target_semaphore(%arg17 : memref<!tpu.dma_semaphore, #tpu.memory_space<semaphore_mem>>)
      %add3A_196 = arith.constant 1 : i32
      %add3A_197 = arith.addi %add3A_112, %add3A_196 : i32
      %mul3A_198 = arith.constant 32 : i32
      %mul3A_199 = arith.muli %add3A_197, %mul3A_198 : i32
      %add3A_200 = arith.addi %select_n3A_6, %mul3A_199 : i32
      %min3A_201 = arith.constant 49968 : i32
      %min3A_202 = arith.minsi %add3A_200, %min3A_201 : i32
      %multiple_of3A_203 = tpu.assume_multiple %min3A_202, 16 : i32
      "tpu.region"() ({
        %run_scoped3A = tpu.sem_alloc : memref<!tpu.dma_semaphore, #tpu.memory_space<semaphore_mem>>
        %dma_start3A_209 = arith.constant 0 : i32
        %dma_start3A_210 = tpu.memref_slice %arg5[%multiple_of3A_203, %dma_start3A_209] : memref<50000x128xf32, #tpu.memory_space<hbm>> -> memref<32x128xf32, #tpu.memory_space<hbm>>
        %dma_start3A_211 = arith.constant 0 : i32
        %dma_start3A_212 = tpu.memref_slice %arg5[%multiple_of3A_203, %dma_start3A_211] : memref<50000x128xf32, #tpu.memory_space<hbm>> -> memref<32x128xf32, #tpu.memory_space<hbm>>
        tpu.enqueue_dma source(%arg12 : memref<32x128xf32, #tpu.memory_space<vmem>>) target(%dma_start3A_212 : memref<32x128xf32, #tpu.memory_space<hbm>>) target_semaphore(%run_scoped3A : memref<!tpu.dma_semaphore, #tpu.memory_space<semaphore_mem>>)
        %dma_wait3A_213 = arith.constant 0 : i32
        %dma_wait3A_214 = tpu.memref_slice %arg5[%multiple_of3A_203, %dma_wait3A_213] : memref<50000x128xf32, #tpu.memory_space<hbm>> -> memref<32x128xf32, #tpu.memory_space<hbm>>
        %dma_wait3A_215 = arith.constant 0 : i32
        %dma_wait3A_216 = tpu.memref_slice %arg5[%multiple_of3A_203, %dma_wait3A_215] : memref<50000x128xf32, #tpu.memory_space<hbm>> -> memref<32x128xf32, #tpu.memory_space<hbm>>
        tpu.wait_dma2 semaphore(%run_scoped3A : memref<!tpu.dma_semaphore, #tpu.memory_space<semaphore_mem>>) src(%arg12 : memref<32x128xf32, #tpu.memory_space<vmem>>) dst(%dma_wait3A_216 : memref<32x128xf32, #tpu.memory_space<hbm>>)
        tpu.yield
      }) : () -> ()
      %scan3A_204 = arith.constant 0 : i32
      %scan3A_205 = arith.constant 32 : i32
      %scan3A_206 = arith.addi %scan3A_204, %scan3A_205 : i32
      %scan3A_207 = arith.constant 1 : i32
      scf.for %scan3A_209 = %scan3A_204 to %scan3A_206 step %scan3A_207  : i32 {
        %mul3A_210 = arith.constant 1 : i32
        %mul3A_211 = arith.muli %scan3A_209, %mul3A_210 : i32
        %add3A_212 = arith.constant 0 : i32
        %add3A_213 = arith.addi %add3A_212, %mul3A_211 : i32
        %mul3A_214 = arith.constant 10 : i32
        %mul3A_215 = arith.muli %add3A_213, %mul3A_214 : i32
        %get3A = arith.index_cast %mul3A_215 : i32 to index
        %get3A_216 = arith.constant 0 : index
        %get3A_217 = tpu.vector_load %arg14[%get3A, %get3A_216] {strides = array<i32>} : memref<320x128xf32, #tpu.memory_space<vmem>>, vector<1x16xf32>,
        %get3A_218 = vector.shape_cast %get3A_217 : vector<1x16xf32> to vector<16xf32>
        %add3A_219 = arith.constant 1 : i32
        %add3A_220 = arith.addi %mul3A_215, %add3A_219 : i32
        %get3A_221 = arith.index_cast %add3A_220 : i32 to index
        %get3A_222 = arith.constant 0 : index
        %get3A_223 = tpu.vector_load %arg14[%get3A_221, %get3A_222] {strides = array<i32>} : memref<320x128xf32, #tpu.memory_space<vmem>>, vector<1x16xf32>,
        %get3A_224 = vector.shape_cast %get3A_223 : vector<1x16xf32> to vector<16xf32>
        %add3A_225 = arith.addf %get3A_218, %get3A_224 : vector<16xf32>
        %add3A_226 = arith.constant 2 : i32
        %add3A_227 = arith.addi %mul3A_215, %add3A_226 : i32
        %get3A_228 = arith.index_cast %add3A_227 : i32 to index
        %get3A_229 = arith.constant 0 : index
        %get3A_230 = tpu.vector_load %arg14[%get3A_228, %get3A_229] {strides = array<i32>} : memref<320x128xf32, #tpu.memory_space<vmem>>, vector<1x16xf32>,
        %get3A_231 = vector.shape_cast %get3A_230 : vector<1x16xf32> to vector<16xf32>
        %add3A_232 = arith.addf %add3A_225, %get3A_231 : vector<16xf32>
        %add3A_233 = arith.constant 3 : i32
        %add3A_234 = arith.addi %mul3A_215, %add3A_233 : i32
        %get3A_235 = arith.index_cast %add3A_234 : i32 to index
        %get3A_236 = arith.constant 0 : index
        %get3A_237 = tpu.vector_load %arg14[%get3A_235, %get3A_236] {strides = array<i32>} : memref<320x128xf32, #tpu.memory_space<vmem>>, vector<1x16xf32>,
        %get3A_238 = vector.shape_cast %get3A_237 : vector<1x16xf32> to vector<16xf32>
        %add3A_239 = arith.addf %add3A_232, %get3A_238 : vector<16xf32>
        %add3A_240 = arith.constant 4 : i32
        %add3A_241 = arith.addi %mul3A_215, %add3A_240 : i32
        %get3A_242 = arith.index_cast %add3A_241 : i32 to index
        %get3A_243 = arith.constant 0 : index
        %get3A_244 = tpu.vector_load %arg14[%get3A_242, %get3A_243] {strides = array<i32>} : memref<320x128xf32, #tpu.memory_space<vmem>>, vector<1x16xf32>,
        %get3A_245 = vector.shape_cast %get3A_244 : vector<1x16xf32> to vector<16xf32>
        %add3A_246 = arith.addf %add3A_239, %get3A_245 : vector<16xf32>
        %add3A_247 = arith.constant 5 : i32
        %add3A_248 = arith.addi %mul3A_215, %add3A_247 : i32
        %get3A_249 = arith.index_cast %add3A_248 : i32 to index
        %get3A_250 = arith.constant 0 : index
        %get3A_251 = tpu.vector_load %arg14[%get3A_249, %get3A_250] {strides = array<i32>} : memref<320x128xf32, #tpu.memory_space<vmem>>, vector<1x16xf32>,
        %get3A_252 = vector.shape_cast %get3A_251 : vector<1x16xf32> to vector<16xf32>
        %add3A_253 = arith.addf %add3A_246, %get3A_252 : vector<16xf32>
        %add3A_254 = arith.constant 6 : i32
        %add3A_255 = arith.addi %mul3A_215, %add3A_254 : i32
        %get3A_256 = arith.index_cast %add3A_255 : i32 to index
        %get3A_257 = arith.constant 0 : index
        %get3A_258 = tpu.vector_load %arg14[%get3A_256, %get3A_257] {strides = array<i32>} : memref<320x128xf32, #tpu.memory_space<vmem>>, vector<1x16xf32>,
        %get3A_259 = vector.shape_cast %get3A_258 : vector<1x16xf32> to vector<16xf32>
        %add3A_260 = arith.addf %add3A_253, %get3A_259 : vector<16xf32>
        %add3A_261 = arith.constant 7 : i32
        %add3A_262 = arith.addi %mul3A_215, %add3A_261 : i32
        %get3A_263 = arith.index_cast %add3A_262 : i32 to index
        %get3A_264 = arith.constant 0 : index
        %get3A_265 = tpu.vector_load %arg14[%get3A_263, %get3A_264] {strides = array<i32>} : memref<320x128xf32, #tpu.memory_space<vmem>>, vector<1x16xf32>,
        %get3A_266 = vector.shape_cast %get3A_265 : vector<1x16xf32> to vector<16xf32>
        %add3A_267 = arith.addf %add3A_260, %get3A_266 : vector<16xf32>
        %add3A_268 = arith.constant 8 : i32
        %add3A_269 = arith.addi %mul3A_215, %add3A_268 : i32
        %get3A_270 = arith.index_cast %add3A_269 : i32 to index
        %get3A_271 = arith.constant 0 : index
        %get3A_272 = tpu.vector_load %arg14[%get3A_270, %get3A_271] {strides = array<i32>} : memref<320x128xf32, #tpu.memory_space<vmem>>, vector<1x16xf32>,
        %get3A_273 = vector.shape_cast %get3A_272 : vector<1x16xf32> to vector<16xf32>
        %add3A_274 = arith.addf %add3A_267, %get3A_273 : vector<16xf32>
        %add3A_275 = arith.constant 9 : i32
        %add3A_276 = arith.addi %mul3A_215, %add3A_275 : i32
        %get3A_277 = arith.index_cast %add3A_276 : i32 to index
        %get3A_278 = arith.constant 0 : index
        %get3A_279 = tpu.vector_load %arg14[%get3A_277, %get3A_278] {strides = array<i32>} : memref<320x128xf32, #tpu.memory_space<vmem>>, vector<1x16xf32>,
        %get3A_280 = vector.shape_cast %get3A_279 : vector<1x16xf32> to vector<16xf32>
        %add3A_281 = arith.addf %add3A_274, %get3A_280 : vector<16xf32>
        %swap3A = arith.index_cast %add3A_213 : i32 to index
        %swap3A_282 = arith.constant 0 : index
        %swap3A_283 = tpu.vector_load %arg15[%swap3A, %swap3A_282] {strides = array<i32>} : memref<32x128xf32, #tpu.memory_space<vmem>>, vector<1x16xf32>,
        %swap3A_284 = vector.shape_cast %swap3A_283 : vector<1x16xf32> to vector<16xf32>
        %swap3A_285 = vector.shape_cast %add3A_281 : vector<16xf32> to vector<1x16xf32>
        tpu.vector_store %arg15[%swap3A, %swap3A_282], %swap3A_285 {strides = array<i32>} : memref<32x128xf32, #tpu.memory_space<vmem>>, vector<1x16xf32>,
        %get3A_286 = arith.index_cast %mul3A_215 : i32 to index
        %get3A_287 = arith.constant 16 : index
        %get3A_288 = tpu.vector_load %arg14[%get3A_286, %get3A_287] {strides = array<i32>} : memref<320x128xf32, #tpu.memory_space<vmem>>, vector<1x16xf32>,
        %get3A_289 = vector.shape_cast %get3A_288 : vector<1x16xf32> to vector<16xf32>
        %add3A_290 = arith.constant 1 : i32
        %add3A_291 = arith.addi %mul3A_215, %add3A_290 : i32
        %get3A_292 = arith.index_cast %add3A_291 : i32 to index
        %get3A_293 = arith.constant 16 : index
        %get3A_294 = tpu.vector_load %arg14[%get3A_292, %get3A_293] {strides = array<i32>} : memref<320x128xf32, #tpu.memory_space<vmem>>, vector<1x16xf32>,
        %get3A_295 = vector.shape_cast %get3A_294 : vector<1x16xf32> to vector<16xf32>
        %add3A_296 = arith.addf %get3A_289, %get3A_295 : vector<16xf32>
        %add3A_297 = arith.constant 2 : i32
        %add3A_298 = arith.addi %mul3A_215, %add3A_297 : i32
        %get3A_299 = arith.index_cast %add3A_298 : i32 to index
        %get3A_300 = arith.constant 16 : index
        %get3A_301 = tpu.vector_load %arg14[%get3A_299, %get3A_300] {strides = array<i32>} : memref<320x128xf32, #tpu.memory_space<vmem>>, vector<1x16xf32>,
        %get3A_302 = vector.shape_cast %get3A_301 : vector<1x16xf32> to vector<16xf32>
        %add3A_303 = arith.addf %add3A_296, %get3A_302 : vector<16xf32>
        %add3A_304 = arith.constant 3 : i32
        %add3A_305 = arith.addi %mul3A_215, %add3A_304 : i32
        %get3A_306 = arith.index_cast %add3A_305 : i32 to index
        %get3A_307 = arith.constant 16 : index
        %get3A_308 = tpu.vector_load %arg14[%get3A_306, %get3A_307] {strides = array<i32>} : memref<320x128xf32, #tpu.memory_space<vmem>>, vector<1x16xf32>,
        %get3A_309 = vector.shape_cast %get3A_308 : vector<1x16xf32> to vector<16xf32>
        %add3A_310 = arith.addf %add3A_303, %get3A_309 : vector<16xf32>
        %add3A_311 = arith.constant 4 : i32
        %add3A_312 = arith.addi %mul3A_215, %add3A_311 : i32
        %get3A_313 = arith.index_cast %add3A_312 : i32 to index
        %get3A_314 = arith.constant 16 : index
        %get3A_315 = tpu.vector_load %arg14[%get3A_313, %get3A_314] {strides = array<i32>} : memref<320x128xf32, #tpu.memory_space<vmem>>, vector<1x16xf32>,
        %get3A_316 = vector.shape_cast %get3A_315 : vector<1x16xf32> to vector<16xf32>
        %add3A_317 = arith.addf %add3A_310, %get3A_316 : vector<16xf32>
        %add3A_318 = arith.constant 5 : i32
        %add3A_319 = arith.addi %mul3A_215, %add3A_318 : i32
        %get3A_320 = arith.index_cast %add3A_319 : i32 to index
        %get3A_321 = arith.constant 16 : index
        %get3A_322 = tpu.vector_load %arg14[%get3A_320, %get3A_321] {strides = array<i32>} : memref<320x128xf32, #tpu.memory_space<vmem>>, vector<1x16xf32>,
        %get3A_323 = vector.shape_cast %get3A_322 : vector<1x16xf32> to vector<16xf32>
        %add3A_324 = arith.addf %add3A_317, %get3A_323 : vector<16xf32>
        %add3A_325 = arith.constant 6 : i32
        %add3A_326 = arith.addi %mul3A_215, %add3A_325 : i32
        %get3A_327 = arith.index_cast %add3A_326 : i32 to index
        %get3A_328 = arith.constant 16 : index
        %get3A_329 = tpu.vector_load %arg14[%get3A_327, %get3A_328] {strides = array<i32>} : memref<320x128xf32, #tpu.memory_space<vmem>>, vector<1x16xf32>,
        %get3A_330 = vector.shape_cast %get3A_329 : vector<1x16xf32> to vector<16xf32>
        %add3A_331 = arith.addf %add3A_324, %get3A_330 : vector<16xf32>
        %add3A_332 = arith.constant 7 : i32
        %add3A_333 = arith.addi %mul3A_215, %add3A_332 : i32
        %get3A_334 = arith.index_cast %add3A_333 : i32 to index
        %get3A_335 = arith.constant 16 : index
        %get3A_336 = tpu.vector_load %arg14[%get3A_334, %get3A_335] {strides = array<i32>} : memref<320x128xf32, #tpu.memory_space<vmem>>, vector<1x16xf32>,
        %get3A_337 = vector.shape_cast %get3A_336 : vector<1x16xf32> to vector<16xf32>
        %add3A_338 = arith.addf %add3A_331, %get3A_337 : vector<16xf32>
        %add3A_339 = arith.constant 8 : i32
        %add3A_340 = arith.addi %mul3A_215, %add3A_339 : i32
        %get3A_341 = arith.index_cast %add3A_340 : i32 to index
        %get3A_342 = arith.constant 16 : index
        %get3A_343 = tpu.vector_load %arg14[%get3A_341, %get3A_342] {strides = array<i32>} : memref<320x128xf32, #tpu.memory_space<vmem>>, vector<1x16xf32>,
        %get3A_344 = vector.shape_cast %get3A_343 : vector<1x16xf32> to vector<16xf32>
        %add3A_345 = arith.addf %add3A_338, %get3A_344 : vector<16xf32>
        %add3A_346 = arith.constant 9 : i32
        %add3A_347 = arith.addi %mul3A_215, %add3A_346 : i32
        %get3A_348 = arith.index_cast %add3A_347 : i32 to index
        %get3A_349 = arith.constant 16 : index
        %get3A_350 = tpu.vector_load %arg14[%get3A_348, %get3A_349] {strides = array<i32>} : memref<320x128xf32, #tpu.memory_space<vmem>>, vector<1x16xf32>,
        %get3A_351 = vector.shape_cast %get3A_350 : vector<1x16xf32> to vector<16xf32>
        %add3A_352 = arith.addf %add3A_345, %get3A_351 : vector<16xf32>
        %swap3A_353 = arith.index_cast %add3A_213 : i32 to index
        %swap3A_354 = arith.constant 16 : index
        %swap3A_355 = tpu.vector_load %arg15[%swap3A_353, %swap3A_354] {strides = array<i32>} : memref<32x128xf32, #tpu.memory_space<vmem>>, vector<1x16xf32>,
        %swap3A_356 = vector.shape_cast %swap3A_355 : vector<1x16xf32> to vector<16xf32>
        %swap3A_357 = vector.shape_cast %add3A_352 : vector<16xf32> to vector<1x16xf32>
        tpu.vector_store %arg15[%swap3A_353, %swap3A_354], %swap3A_357 {strides = array<i32>} : memref<32x128xf32, #tpu.memory_space<vmem>>, vector<1x16xf32>,
        %get3A_358 = arith.index_cast %mul3A_215 : i32 to index
        %get3A_359 = arith.constant 32 : index
        %get3A_360 = tpu.vector_load %arg14[%get3A_358, %get3A_359] {strides = array<i32>} : memref<320x128xf32, #tpu.memory_space<vmem>>, vector<1x16xf32>,
        %get3A_361 = vector.shape_cast %get3A_360 : vector<1x16xf32> to vector<16xf32>
        %add3A_362 = arith.constant 1 : i32
        %add3A_363 = arith.addi %mul3A_215, %add3A_362 : i32
        %get3A_364 = arith.index_cast %add3A_363 : i32 to index
        %get3A_365 = arith.constant 32 : index
        %get3A_366 = tpu.vector_load %arg14[%get3A_364, %get3A_365] {strides = array<i32>} : memref<320x128xf32, #tpu.memory_space<vmem>>, vector<1x16xf32>,
        %get3A_367 = vector.shape_cast %get3A_366 : vector<1x16xf32> to vector<16xf32>
        %add3A_368 = arith.addf %get3A_361, %get3A_367 : vector<16xf32>
        %add3A_369 = arith.constant 2 : i32
        %add3A_370 = arith.addi %mul3A_215, %add3A_369 : i32
        %get3A_371 = arith.index_cast %add3A_370 : i32 to index
        %get3A_372 = arith.constant 32 : index
        %get3A_373 = tpu.vector_load %arg14[%get3A_371, %get3A_372] {strides = array<i32>} : memref<320x128xf32, #tpu.memory_space<vmem>>, vector<1x16xf32>,
        %get3A_374 = vector.shape_cast %get3A_373 : vector<1x16xf32> to vector<16xf32>
        %add3A_375 = arith.addf %add3A_368, %get3A_374 : vector<16xf32>
        %add3A_376 = arith.constant 3 : i32
        %add3A_377 = arith.addi %mul3A_215, %add3A_376 : i32
        %get3A_378 = arith.index_cast %add3A_377 : i32 to index
        %get3A_379 = arith.constant 32 : index
        %get3A_380 = tpu.vector_load %arg14[%get3A_378, %get3A_379] {strides = array<i32>} : memref<320x128xf32, #tpu.memory_space<vmem>>, vector<1x16xf32>,
        %get3A_381 = vector.shape_cast %get3A_380 : vector<1x16xf32> to vector<16xf32>
        %add3A_382 = arith.addf %add3A_375, %get3A_381 : vector<16xf32>
        %add3A_383 = arith.constant 4 : i32
        %add3A_384 = arith.addi %mul3A_215, %add3A_383 : i32
        %get3A_385 = arith.index_cast %add3A_384 : i32 to index
        %get3A_386 = arith.constant 32 : index
        %get3A_387 = tpu.vector_load %arg14[%get3A_385, %get3A_386] {strides = array<i32>} : memref<320x128xf32, #tpu.memory_space<vmem>>, vector<1x16xf32>,
        %get3A_388 = vector.shape_cast %get3A_387 : vector<1x16xf32> to vector<16xf32>
        %add3A_389 = arith.addf %add3A_382, %get3A_388 : vector<16xf32>
        %add3A_390 = arith.constant 5 : i32
        %add3A_391 = arith.addi %mul3A_215, %add3A_390 : i32
        %get3A_392 = arith.index_cast %add3A_391 : i32 to index
        %get3A_393 = arith.constant 32 : index
        %get3A_394 = tpu.vector_load %arg14[%get3A_392, %get3A_393] {strides = array<i32>} : memref<320x128xf32, #tpu.memory_space<vmem>>, vector<1x16xf32>,
        %get3A_395 = vector.shape_cast %get3A_394 : vector<1x16xf32> to vector<16xf32>
        %add3A_396 = arith.addf %add3A_389, %get3A_395 : vector<16xf32>
        %add3A_397 = arith.constant 6 : i32
        %add3A_398 = arith.addi %mul3A_215, %add3A_397 : i32
        %get3A_399 = arith.index_cast %add3A_398 : i32 to index
        %get3A_400 = arith.constant 32 : index
        %get3A_401 = tpu.vector_load %arg14[%get3A_399, %get3A_400] {strides = array<i32>} : memref<320x128xf32, #tpu.memory_space<vmem>>, vector<1x16xf32>,
        %get3A_402 = vector.shape_cast %get3A_401 : vector<1x16xf32> to vector<16xf32>
        %add3A_403 = arith.addf %add3A_396, %get3A_402 : vector<16xf32>
        %add3A_404 = arith.constant 7 : i32
        %add3A_405 = arith.addi %mul3A_215, %add3A_404 : i32
        %get3A_406 = arith.index_cast %add3A_405 : i32 to index
        %get3A_407 = arith.constant 32 : index
        %get3A_408 = tpu.vector_load %arg14[%get3A_406, %get3A_407] {strides = array<i32>} : memref<320x128xf32, #tpu.memory_space<vmem>>, vector<1x16xf32>,
        %get3A_409 = vector.shape_cast %get3A_408 : vector<1x16xf32> to vector<16xf32>
        %add3A_410 = arith.addf %add3A_403, %get3A_409 : vector<16xf32>
        %add3A_411 = arith.constant 8 : i32
        %add3A_412 = arith.addi %mul3A_215, %add3A_411 : i32
        %get3A_413 = arith.index_cast %add3A_412 : i32 to index
        %get3A_414 = arith.constant 32 : index
        %get3A_415 = tpu.vector_load %arg14[%get3A_413, %get3A_414] {strides = array<i32>} : memref<320x128xf32, #tpu.memory_space<vmem>>, vector<1x16xf32>,
        %get3A_416 = vector.shape_cast %get3A_415 : vector<1x16xf32> to vector<16xf32>
        %add3A_417 = arith.addf %add3A_410, %get3A_416 : vector<16xf32>
        %add3A_418 = arith.constant 9 : i32
        %add3A_419 = arith.addi %mul3A_215, %add3A_418 : i32
        %get3A_420 = arith.index_cast %add3A_419 : i32 to index
        %get3A_421 = arith.constant 32 : index
        %get3A_422 = tpu.vector_load %arg14[%get3A_420, %get3A_421] {strides = array<i32>} : memref<320x128xf32, #tpu.memory_space<vmem>>, vector<1x16xf32>,
        %get3A_423 = vector.shape_cast %get3A_422 : vector<1x16xf32> to vector<16xf32>
        %add3A_424 = arith.addf %add3A_417, %get3A_423 : vector<16xf32>
        %swap3A_425 = arith.index_cast %add3A_213 : i32 to index
        %swap3A_426 = arith.constant 32 : index
        %swap3A_427 = tpu.vector_load %arg15[%swap3A_425, %swap3A_426] {strides = array<i32>} : memref<32x128xf32, #tpu.memory_space<vmem>>, vector<1x16xf32>,
        %swap3A_428 = vector.shape_cast %swap3A_427 : vector<1x16xf32> to vector<16xf32>
        %swap3A_429 = vector.shape_cast %add3A_424 : vector<16xf32> to vector<1x16xf32>
        tpu.vector_store %arg15[%swap3A_425, %swap3A_426], %swap3A_429 {strides = array<i32>} : memref<32x128xf32, #tpu.memory_space<vmem>>, vector<1x16xf32>,
        %get3A_430 = arith.index_cast %mul3A_215 : i32 to index
        %get3A_431 = arith.constant 48 : index
        %get3A_432 = tpu.vector_load %arg14[%get3A_430, %get3A_431] {strides = array<i32>} : memref<320x128xf32, #tpu.memory_space<vmem>>, vector<1x16xf32>,
        %get3A_433 = vector.shape_cast %get3A_432 : vector<1x16xf32> to vector<16xf32>
        %add3A_434 = arith.constant 1 : i32
        %add3A_435 = arith.addi %mul3A_215, %add3A_434 : i32
        %get3A_436 = arith.index_cast %add3A_435 : i32 to index
        %get3A_437 = arith.constant 48 : index
        %get3A_438 = tpu.vector_load %arg14[%get3A_436, %get3A_437] {strides = array<i32>} : memref<320x128xf32, #tpu.memory_space<vmem>>, vector<1x16xf32>,
        %get3A_439 = vector.shape_cast %get3A_438 : vector<1x16xf32> to vector<16xf32>
        %add3A_440 = arith.addf %get3A_433, %get3A_439 : vector<16xf32>
        %add3A_441 = arith.constant 2 : i32
        %add3A_442 = arith.addi %mul3A_215, %add3A_441 : i32
        %get3A_443 = arith.index_cast %add3A_442 : i32 to index
        %get3A_444 = arith.constant 48 : index
        %get3A_445 = tpu.vector_load %arg14[%get3A_443, %get3A_444] {strides = array<i32>} : memref<320x128xf32, #tpu.memory_space<vmem>>, vector<1x16xf32>,
        %get3A_446 = vector.shape_cast %get3A_445 : vector<1x16xf32> to vector<16xf32>
        %add3A_447 = arith.addf %add3A_440, %get3A_446 : vector<16xf32>
        %add3A_448 = arith.constant 3 : i32
        %add3A_449 = arith.addi %mul3A_215, %add3A_448 : i32
        %get3A_450 = arith.index_cast %add3A_449 : i32 to index
        %get3A_451 = arith.constant 48 : index
        %get3A_452 = tpu.vector_load %arg14[%get3A_450, %get3A_451] {strides = array<i32>} : memref<320x128xf32, #tpu.memory_space<vmem>>, vector<1x16xf32>,
        %get3A_453 = vector.shape_cast %get3A_452 : vector<1x16xf32> to vector<16xf32>
        %add3A_454 = arith.addf %add3A_447, %get3A_453 : vector<16xf32>
        %add3A_455 = arith.constant 4 : i32
        %add3A_456 = arith.addi %mul3A_215, %add3A_455 : i32
        %get3A_457 = arith.index_cast %add3A_456 : i32 to index
        %get3A_458 = arith.constant 48 : index
        %get3A_459 = tpu.vector_load %arg14[%get3A_457, %get3A_458] {strides = array<i32>} : memref<320x128xf32, #tpu.memory_space<vmem>>, vector<1x16xf32>,
        %get3A_460 = vector.shape_cast %get3A_459 : vector<1x16xf32> to vector<16xf32>
        %add3A_461 = arith.addf %add3A_454, %get3A_460 : vector<16xf32>
        %add3A_462 = arith.constant 5 : i32
        %add3A_463 = arith.addi %mul3A_215, %add3A_462 : i32
        %get3A_464 = arith.index_cast %add3A_463 : i32 to index
        %get3A_465 = arith.constant 48 : index
        %get3A_466 = tpu.vector_load %arg14[%get3A_464, %get3A_465] {strides = array<i32>} : memref<320x128xf32, #tpu.memory_space<vmem>>, vector<1x16xf32>,
        %get3A_467 = vector.shape_cast %get3A_466 : vector<1x16xf32> to vector<16xf32>
        %add3A_468 = arith.addf %add3A_461, %get3A_467 : vector<16xf32>
        %add3A_469 = arith.constant 6 : i32
        %add3A_470 = arith.addi %mul3A_215, %add3A_469 : i32
        %get3A_471 = arith.index_cast %add3A_470 : i32 to index
        %get3A_472 = arith.constant 48 : index
        %get3A_473 = tpu.vector_load %arg14[%get3A_471, %get3A_472] {strides = array<i32>} : memref<320x128xf32, #tpu.memory_space<vmem>>, vector<1x16xf32>,
        %get3A_474 = vector.shape_cast %get3A_473 : vector<1x16xf32> to vector<16xf32>
        %add3A_475 = arith.addf %add3A_468, %get3A_474 : vector<16xf32>
        %add3A_476 = arith.constant 7 : i32
        %add3A_477 = arith.addi %mul3A_215, %add3A_476 : i32
        %get3A_478 = arith.index_cast %add3A_477 : i32 to index
        %get3A_479 = arith.constant 48 : index
        %get3A_480 = tpu.vector_load %arg14[%get3A_478, %get3A_479] {strides = array<i32>} : memref<320x128xf32, #tpu.memory_space<vmem>>, vector<1x16xf32>,
        %get3A_481 = vector.shape_cast %get3A_480 : vector<1x16xf32> to vector<16xf32>
        %add3A_482 = arith.addf %add3A_475, %get3A_481 : vector<16xf32>
        %add3A_483 = arith.constant 8 : i32
        %add3A_484 = arith.addi %mul3A_215, %add3A_483 : i32
        %get3A_485 = arith.index_cast %add3A_484 : i32 to index
        %get3A_486 = arith.constant 48 : index
        %get3A_487 = tpu.vector_load %arg14[%get3A_485, %get3A_486] {strides = array<i32>} : memref<320x128xf32, #tpu.memory_space<vmem>>, vector<1x16xf32>,
        %get3A_488 = vector.shape_cast %get3A_487 : vector<1x16xf32> to vector<16xf32>
        %add3A_489 = arith.addf %add3A_482, %get3A_488 : vector<16xf32>
        %add3A_490 = arith.constant 9 : i32
        %add3A_491 = arith.addi %mul3A_215, %add3A_490 : i32
        %get3A_492 = arith.index_cast %add3A_491 : i32 to index
        %get3A_493 = arith.constant 48 : index
        %get3A_494 = tpu.vector_load %arg14[%get3A_492, %get3A_493] {strides = array<i32>} : memref<320x128xf32, #tpu.memory_space<vmem>>, vector<1x16xf32>,
        %get3A_495 = vector.shape_cast %get3A_494 : vector<1x16xf32> to vector<16xf32>
        %add3A_496 = arith.addf %add3A_489, %get3A_495 : vector<16xf32>
        %swap3A_497 = arith.index_cast %add3A_213 : i32 to index
        %swap3A_498 = arith.constant 48 : index
        %swap3A_499 = tpu.vector_load %arg15[%swap3A_497, %swap3A_498] {strides = array<i32>} : memref<32x128xf32, #tpu.memory_space<vmem>>, vector<1x16xf32>,
        %swap3A_500 = vector.shape_cast %swap3A_499 : vector<1x16xf32> to vector<16xf32>
        %swap3A_501 = vector.shape_cast %add3A_496 : vector<16xf32> to vector<1x16xf32>
        tpu.vector_store %arg15[%swap3A_497, %swap3A_498], %swap3A_501 {strides = array<i32>} : memref<32x128xf32, #tpu.memory_space<vmem>>, vector<1x16xf32>,
        %get3A_502 = arith.index_cast %mul3A_215 : i32 to index
        %get3A_503 = arith.constant 64 : index
        %get3A_504 = tpu.vector_load %arg14[%get3A_502, %get3A_503] {strides = array<i32>} : memref<320x128xf32, #tpu.memory_space<vmem>>, vector<1x16xf32>,
        %get3A_505 = vector.shape_cast %get3A_504 : vector<1x16xf32> to vector<16xf32>
        %add3A_506 = arith.constant 1 : i32
        %add3A_507 = arith.addi %mul3A_215, %add3A_506 : i32
        %get3A_508 = arith.index_cast %add3A_507 : i32 to index
        %get3A_509 = arith.constant 64 : index
        %get3A_510 = tpu.vector_load %arg14[%get3A_508, %get3A_509] {strides = array<i32>} : memref<320x128xf32, #tpu.memory_space<vmem>>, vector<1x16xf32>,
        %get3A_511 = vector.shape_cast %get3A_510 : vector<1x16xf32> to vector<16xf32>
        %add3A_512 = arith.addf %get3A_505, %get3A_511 : vector<16xf32>
        %add3A_513 = arith.constant 2 : i32
        %add3A_514 = arith.addi %mul3A_215, %add3A_513 : i32
        %get3A_515 = arith.index_cast %add3A_514 : i32 to index
        %get3A_516 = arith.constant 64 : index
        %get3A_517 = tpu.vector_load %arg14[%get3A_515, %get3A_516] {strides = array<i32>} : memref<320x128xf32, #tpu.memory_space<vmem>>, vector<1x16xf32>,
        %get3A_518 = vector.shape_cast %get3A_517 : vector<1x16xf32> to vector<16xf32>
        %add3A_519 = arith.addf %add3A_512, %get3A_518 : vector<16xf32>
        %add3A_520 = arith.constant 3 : i32
        %add3A_521 = arith.addi %mul3A_215, %add3A_520 : i32
        %get3A_522 = arith.index_cast %add3A_521 : i32 to index
        %get3A_523 = arith.constant 64 : index
        %get3A_524 = tpu.vector_load %arg14[%get3A_522, %get3A_523] {strides = array<i32>} : memref<320x128xf32, #tpu.memory_space<vmem>>, vector<1x16xf32>,
        %get3A_525 = vector.shape_cast %get3A_524 : vector<1x16xf32> to vector<16xf32>
        %add3A_526 = arith.addf %add3A_519, %get3A_525 : vector<16xf32>
        %add3A_527 = arith.constant 4 : i32
        %add3A_528 = arith.addi %mul3A_215, %add3A_527 : i32
        %get3A_529 = arith.index_cast %add3A_528 : i32 to index
        %get3A_530 = arith.constant 64 : index
        %get3A_531 = tpu.vector_load %arg14[%get3A_529, %get3A_530] {strides = array<i32>} : memref<320x128xf32, #tpu.memory_space<vmem>>, vector<1x16xf32>,
        %get3A_532 = vector.shape_cast %get3A_531 : vector<1x16xf32> to vector<16xf32>
        %add3A_533 = arith.addf %add3A_526, %get3A_532 : vector<16xf32>
        %add3A_534 = arith.constant 5 : i32
        %add3A_535 = arith.addi %mul3A_215, %add3A_534 : i32
        %get3A_536 = arith.index_cast %add3A_535 : i32 to index
        %get3A_537 = arith.constant 64 : index
        %get3A_538 = tpu.vector_load %arg14[%get3A_536, %get3A_537] {strides = array<i32>} : memref<320x128xf32, #tpu.memory_space<vmem>>, vector<1x16xf32>,
        %get3A_539 = vector.shape_cast %get3A_538 : vector<1x16xf32> to vector<16xf32>
        %add3A_540 = arith.addf %add3A_533, %get3A_539 : vector<16xf32>
        %add3A_541 = arith.constant 6 : i32
        %add3A_542 = arith.addi %mul3A_215, %add3A_541 : i32
        %get3A_543 = arith.index_cast %add3A_542 : i32 to index
        %get3A_544 = arith.constant 64 : index
        %get3A_545 = tpu.vector_load %arg14[%get3A_543, %get3A_544] {strides = array<i32>} : memref<320x128xf32, #tpu.memory_space<vmem>>, vector<1x16xf32>,
        %get3A_546 = vector.shape_cast %get3A_545 : vector<1x16xf32> to vector<16xf32>
        %add3A_547 = arith.addf %add3A_540, %get3A_546 : vector<16xf32>
        %add3A_548 = arith.constant 7 : i32
        %add3A_549 = arith.addi %mul3A_215, %add3A_548 : i32
        %get3A_550 = arith.index_cast %add3A_549 : i32 to index
        %get3A_551 = arith.constant 64 : index
        %get3A_552 = tpu.vector_load %arg14[%get3A_550, %get3A_551] {strides = array<i32>} : memref<320x128xf32, #tpu.memory_space<vmem>>, vector<1x16xf32>,
        %get3A_553 = vector.shape_cast %get3A_552 : vector<1x16xf32> to vector<16xf32>
        %add3A_554 = arith.addf %add3A_547, %get3A_553 : vector<16xf32>
        %add3A_555 = arith.constant 8 : i32
        %add3A_556 = arith.addi %mul3A_215, %add3A_555 : i32
        %get3A_557 = arith.index_cast %add3A_556 : i32 to index
        %get3A_558 = arith.constant 64 : index
        %get3A_559 = tpu.vector_load %arg14[%get3A_557, %get3A_558] {strides = array<i32>} : memref<320x128xf32, #tpu.memory_space<vmem>>, vector<1x16xf32>,
        %get3A_560 = vector.shape_cast %get3A_559 : vector<1x16xf32> to vector<16xf32>
        %add3A_561 = arith.addf %add3A_554, %get3A_560 : vector<16xf32>
        %add3A_562 = arith.constant 9 : i32
        %add3A_563 = arith.addi %mul3A_215, %add3A_562 : i32
        %get3A_564 = arith.index_cast %add3A_563 : i32 to index
        %get3A_565 = arith.constant 64 : index
        %get3A_566 = tpu.vector_load %arg14[%get3A_564, %get3A_565] {strides = array<i32>} : memref<320x128xf32, #tpu.memory_space<vmem>>, vector<1x16xf32>,
        %get3A_567 = vector.shape_cast %get3A_566 : vector<1x16xf32> to vector<16xf32>
        %add3A_568 = arith.addf %add3A_561, %get3A_567 : vector<16xf32>
        %swap3A_569 = arith.index_cast %add3A_213 : i32 to index
        %swap3A_570 = arith.constant 64 : index
        %swap3A_571 = tpu.vector_load %arg15[%swap3A_569, %swap3A_570] {strides = array<i32>} : memref<32x128xf32, #tpu.memory_space<vmem>>, vector<1x16xf32>,
        %swap3A_572 = vector.shape_cast %swap3A_571 : vector<1x16xf32> to vector<16xf32>
        %swap3A_573 = vector.shape_cast %add3A_568 : vector<16xf32> to vector<1x16xf32>
        tpu.vector_store %arg15[%swap3A_569, %swap3A_570], %swap3A_573 {strides = array<i32>} : memref<32x128xf32, #tpu.memory_space<vmem>>, vector<1x16xf32>,
        %get3A_574 = arith.index_cast %mul3A_215 : i32 to index
        %get3A_575 = arith.constant 80 : index
        %get3A_576 = tpu.vector_load %arg14[%get3A_574, %get3A_575] {strides = array<i32>} : memref<320x128xf32, #tpu.memory_space<vmem>>, vector<1x16xf32>,
        %get3A_577 = vector.shape_cast %get3A_576 : vector<1x16xf32> to vector<16xf32>
        %add3A_578 = arith.constant 1 : i32
        %add3A_579 = arith.addi %mul3A_215, %add3A_578 : i32
        %get3A_580 = arith.index_cast %add3A_579 : i32 to index
        %get3A_581 = arith.constant 80 : index
        %get3A_582 = tpu.vector_load %arg14[%get3A_580, %get3A_581] {strides = array<i32>} : memref<320x128xf32, #tpu.memory_space<vmem>>, vector<1x16xf32>,
        %get3A_583 = vector.shape_cast %get3A_582 : vector<1x16xf32> to vector<16xf32>
        %add3A_584 = arith.addf %get3A_577, %get3A_583 : vector<16xf32>
        %add3A_585 = arith.constant 2 : i32
        %add3A_586 = arith.addi %mul3A_215, %add3A_585 : i32
        %get3A_587 = arith.index_cast %add3A_586 : i32 to index
        %get3A_588 = arith.constant 80 : index
        %get3A_589 = tpu.vector_load %arg14[%get3A_587, %get3A_588] {strides = array<i32>} : memref<320x128xf32, #tpu.memory_space<vmem>>, vector<1x16xf32>,
        %get3A_590 = vector.shape_cast %get3A_589 : vector<1x16xf32> to vector<16xf32>
        %add3A_591 = arith.addf %add3A_584, %get3A_590 : vector<16xf32>
        %add3A_592 = arith.constant 3 : i32
        %add3A_593 = arith.addi %mul3A_215, %add3A_592 : i32
        %get3A_594 = arith.index_cast %add3A_593 : i32 to index
        %get3A_595 = arith.constant 80 : index
        %get3A_596 = tpu.vector_load %arg14[%get3A_594, %get3A_595] {strides = array<i32>} : memref<320x128xf32, #tpu.memory_space<vmem>>, vector<1x16xf32>,
        %get3A_597 = vector.shape_cast %get3A_596 : vector<1x16xf32> to vector<16xf32>
        %add3A_598 = arith.addf %add3A_591, %get3A_597 : vector<16xf32>
        %add3A_599 = arith.constant 4 : i32
        %add3A_600 = arith.addi %mul3A_215, %add3A_599 : i32
        %get3A_601 = arith.index_cast %add3A_600 : i32 to index
        %get3A_602 = arith.constant 80 : index
        %get3A_603 = tpu.vector_load %arg14[%get3A_601, %get3A_602] {strides = array<i32>} : memref<320x128xf32, #tpu.memory_space<vmem>>, vector<1x16xf32>,
        %get3A_604 = vector.shape_cast %get3A_603 : vector<1x16xf32> to vector<16xf32>
        %add3A_605 = arith.addf %add3A_598, %get3A_604 : vector<16xf32>
        %add3A_606 = arith.constant 5 : i32
        %add3A_607 = arith.addi %mul3A_215, %add3A_606 : i32
        %get3A_608 = arith.index_cast %add3A_607 : i32 to index
        %get3A_609 = arith.constant 80 : index
        %get3A_610 = tpu.vector_load %arg14[%get3A_608, %get3A_609] {strides = array<i32>} : memref<320x128xf32, #tpu.memory_space<vmem>>, vector<1x16xf32>,
        %get3A_611 = vector.shape_cast %get3A_610 : vector<1x16xf32> to vector<16xf32>
        %add3A_612 = arith.addf %add3A_605, %get3A_611 : vector<16xf32>
        %add3A_613 = arith.constant 6 : i32
        %add3A_614 = arith.addi %mul3A_215, %add3A_613 : i32
        %get3A_615 = arith.index_cast %add3A_614 : i32 to index
        %get3A_616 = arith.constant 80 : index
        %get3A_617 = tpu.vector_load %arg14[%get3A_615, %get3A_616] {strides = array<i32>} : memref<320x128xf32, #tpu.memory_space<vmem>>, vector<1x16xf32>,
        %get3A_618 = vector.shape_cast %get3A_617 : vector<1x16xf32> to vector<16xf32>
        %add3A_619 = arith.addf %add3A_612, %get3A_618 : vector<16xf32>
        %add3A_620 = arith.constant 7 : i32
        %add3A_621 = arith.addi %mul3A_215, %add3A_620 : i32
        %get3A_622 = arith.index_cast %add3A_621 : i32 to index
        %get3A_623 = arith.constant 80 : index
        %get3A_624 = tpu.vector_load %arg14[%get3A_622, %get3A_623] {strides = array<i32>} : memref<320x128xf32, #tpu.memory_space<vmem>>, vector<1x16xf32>,
        %get3A_625 = vector.shape_cast %get3A_624 : vector<1x16xf32> to vector<16xf32>
        %add3A_626 = arith.addf %add3A_619, %get3A_625 : vector<16xf32>
        %add3A_627 = arith.constant 8 : i32
        %add3A_628 = arith.addi %mul3A_215, %add3A_627 : i32
        %get3A_629 = arith.index_cast %add3A_628 : i32 to index
        %get3A_630 = arith.constant 80 : index
        %get3A_631 = tpu.vector_load %arg14[%get3A_629, %get3A_630] {strides = array<i32>} : memref<320x128xf32, #tpu.memory_space<vmem>>, vector<1x16xf32>,
        %get3A_632 = vector.shape_cast %get3A_631 : vector<1x16xf32> to vector<16xf32>
        %add3A_633 = arith.addf %add3A_626, %get3A_632 : vector<16xf32>
        %add3A_634 = arith.constant 9 : i32
        %add3A_635 = arith.addi %mul3A_215, %add3A_634 : i32
        %get3A_636 = arith.index_cast %add3A_635 : i32 to index
        %get3A_637 = arith.constant 80 : index
        %get3A_638 = tpu.vector_load %arg14[%get3A_636, %get3A_637] {strides = array<i32>} : memref<320x128xf32, #tpu.memory_space<vmem>>, vector<1x16xf32>,
        %get3A_639 = vector.shape_cast %get3A_638 : vector<1x16xf32> to vector<16xf32>
        %add3A_640 = arith.addf %add3A_633, %get3A_639 : vector<16xf32>
        %swap3A_641 = arith.index_cast %add3A_213 : i32 to index
        %swap3A_642 = arith.constant 80 : index
        %swap3A_643 = tpu.vector_load %arg15[%swap3A_641, %swap3A_642] {strides = array<i32>} : memref<32x128xf32, #tpu.memory_space<vmem>>, vector<1x16xf32>,
        %swap3A_644 = vector.shape_cast %swap3A_643 : vector<1x16xf32> to vector<16xf32>
        %swap3A_645 = vector.shape_cast %add3A_640 : vector<16xf32> to vector<1x16xf32>
        tpu.vector_store %arg15[%swap3A_641, %swap3A_642], %swap3A_645 {strides = array<i32>} : memref<32x128xf32, #tpu.memory_space<vmem>>, vector<1x16xf32>,
        %get3A_646 = arith.index_cast %mul3A_215 : i32 to index
        %get3A_647 = arith.constant 96 : index
        %get3A_648 = tpu.vector_load %arg14[%get3A_646, %get3A_647] {strides = array<i32>} : memref<320x128xf32, #tpu.memory_space<vmem>>, vector<1x16xf32>,
        %get3A_649 = vector.shape_cast %get3A_648 : vector<1x16xf32> to vector<16xf32>
        %add3A_650 = arith.constant 1 : i32
        %add3A_651 = arith.addi %mul3A_215, %add3A_650 : i32
        %get3A_652 = arith.index_cast %add3A_651 : i32 to index
        %get3A_653 = arith.constant 96 : index
        %get3A_654 = tpu.vector_load %arg14[%get3A_652, %get3A_653] {strides = array<i32>} : memref<320x128xf32, #tpu.memory_space<vmem>>, vector<1x16xf32>,
        %get3A_655 = vector.shape_cast %get3A_654 : vector<1x16xf32> to vector<16xf32>
        %add3A_656 = arith.addf %get3A_649, %get3A_655 : vector<16xf32>
        %add3A_657 = arith.constant 2 : i32
        %add3A_658 = arith.addi %mul3A_215, %add3A_657 : i32
        %get3A_659 = arith.index_cast %add3A_658 : i32 to index
        %get3A_660 = arith.constant 96 : index
        %get3A_661 = tpu.vector_load %arg14[%get3A_659, %get3A_660] {strides = array<i32>} : memref<320x128xf32, #tpu.memory_space<vmem>>, vector<1x16xf32>,
        %get3A_662 = vector.shape_cast %get3A_661 : vector<1x16xf32> to vector<16xf32>
        %add3A_663 = arith.addf %add3A_656, %get3A_662 : vector<16xf32>
        %add3A_664 = arith.constant 3 : i32
        %add3A_665 = arith.addi %mul3A_215, %add3A_664 : i32
        %get3A_666 = arith.index_cast %add3A_665 : i32 to index
        %get3A_667 = arith.constant 96 : index
        %get3A_668 = tpu.vector_load %arg14[%get3A_666, %get3A_667] {strides = array<i32>} : memref<320x128xf32, #tpu.memory_space<vmem>>, vector<1x16xf32>,
        %get3A_669 = vector.shape_cast %get3A_668 : vector<1x16xf32> to vector<16xf32>
        %add3A_670 = arith.addf %add3A_663, %get3A_669 : vector<16xf32>
        %add3A_671 = arith.constant 4 : i32
        %add3A_672 = arith.addi %mul3A_215, %add3A_671 : i32
        %get3A_673 = arith.index_cast %add3A_672 : i32 to index
        %get3A_674 = arith.constant 96 : index
        %get3A_675 = tpu.vector_load %arg14[%get3A_673, %get3A_674] {strides = array<i32>} : memref<320x128xf32, #tpu.memory_space<vmem>>, vector<1x16xf32>,
        %get3A_676 = vector.shape_cast %get3A_675 : vector<1x16xf32> to vector<16xf32>
        %add3A_677 = arith.addf %add3A_670, %get3A_676 : vector<16xf32>
        %add3A_678 = arith.constant 5 : i32
        %add3A_679 = arith.addi %mul3A_215, %add3A_678 : i32
        %get3A_680 = arith.index_cast %add3A_679 : i32 to index
        %get3A_681 = arith.constant 96 : index
        %get3A_682 = tpu.vector_load %arg14[%get3A_680, %get3A_681] {strides = array<i32>} : memref<320x128xf32, #tpu.memory_space<vmem>>, vector<1x16xf32>,
        %get3A_683 = vector.shape_cast %get3A_682 : vector<1x16xf32> to vector<16xf32>
        %add3A_684 = arith.addf %add3A_677, %get3A_683 : vector<16xf32>
        %add3A_685 = arith.constant 6 : i32
        %add3A_686 = arith.addi %mul3A_215, %add3A_685 : i32
        %get3A_687 = arith.index_cast %add3A_686 : i32 to index
        %get3A_688 = arith.constant 96 : index
        %get3A_689 = tpu.vector_load %arg14[%get3A_687, %get3A_688] {strides = array<i32>} : memref<320x128xf32, #tpu.memory_space<vmem>>, vector<1x16xf32>,
        %get3A_690 = vector.shape_cast %get3A_689 : vector<1x16xf32> to vector<16xf32>
        %add3A_691 = arith.addf %add3A_684, %get3A_690 : vector<16xf32>
        %add3A_692 = arith.constant 7 : i32
        %add3A_693 = arith.addi %mul3A_215, %add3A_692 : i32
        %get3A_694 = arith.index_cast %add3A_693 : i32 to index
        %get3A_695 = arith.constant 96 : index
        %get3A_696 = tpu.vector_load %arg14[%get3A_694, %get3A_695] {strides = array<i32>} : memref<320x128xf32, #tpu.memory_space<vmem>>, vector<1x16xf32>,
        %get3A_697 = vector.shape_cast %get3A_696 : vector<1x16xf32> to vector<16xf32>
        %add3A_698 = arith.addf %add3A_691, %get3A_697 : vector<16xf32>
        %add3A_699 = arith.constant 8 : i32
        %add3A_700 = arith.addi %mul3A_215, %add3A_699 : i32
        %get3A_701 = arith.index_cast %add3A_700 : i32 to index
        %get3A_702 = arith.constant 96 : index
        %get3A_703 = tpu.vector_load %arg14[%get3A_701, %get3A_702] {strides = array<i32>} : memref<320x128xf32, #tpu.memory_space<vmem>>, vector<1x16xf32>,
        %get3A_704 = vector.shape_cast %get3A_703 : vector<1x16xf32> to vector<16xf32>
        %add3A_705 = arith.addf %add3A_698, %get3A_704 : vector<16xf32>
        %add3A_706 = arith.constant 9 : i32
        %add3A_707 = arith.addi %mul3A_215, %add3A_706 : i32
        %get3A_708 = arith.index_cast %add3A_707 : i32 to index
        %get3A_709 = arith.constant 96 : index
        %get3A_710 = tpu.vector_load %arg14[%get3A_708, %get3A_709] {strides = array<i32>} : memref<320x128xf32, #tpu.memory_space<vmem>>, vector<1x16xf32>,
        %get3A_711 = vector.shape_cast %get3A_710 : vector<1x16xf32> to vector<16xf32>
        %add3A_712 = arith.addf %add3A_705, %get3A_711 : vector<16xf32>
        %swap3A_713 = arith.index_cast %add3A_213 : i32 to index
        %swap3A_714 = arith.constant 96 : index
        %swap3A_715 = tpu.vector_load %arg15[%swap3A_713, %swap3A_714] {strides = array<i32>} : memref<32x128xf32, #tpu.memory_space<vmem>>, vector<1x16xf32>,
        %swap3A_716 = vector.shape_cast %swap3A_715 : vector<1x16xf32> to vector<16xf32>
        %swap3A_717 = vector.shape_cast %add3A_712 : vector<16xf32> to vector<1x16xf32>
        tpu.vector_store %arg15[%swap3A_713, %swap3A_714], %swap3A_717 {strides = array<i32>} : memref<32x128xf32, #tpu.memory_space<vmem>>, vector<1x16xf32>,
        %get3A_718 = arith.index_cast %mul3A_215 : i32 to index
        %get3A_719 = arith.constant 112 : index
        %get3A_720 = tpu.vector_load %arg14[%get3A_718, %get3A_719] {strides = array<i32>} : memref<320x128xf32, #tpu.memory_space<vmem>>, vector<1x16xf32>,
        %get3A_721 = vector.shape_cast %get3A_720 : vector<1x16xf32> to vector<16xf32>
        %add3A_722 = arith.constant 1 : i32
        %add3A_723 = arith.addi %mul3A_215, %add3A_722 : i32
        %get3A_724 = arith.index_cast %add3A_723 : i32 to index
        %get3A_725 = arith.constant 112 : index
        %get3A_726 = tpu.vector_load %arg14[%get3A_724, %get3A_725] {strides = array<i32>} : memref<320x128xf32, #tpu.memory_space<vmem>>, vector<1x16xf32>,
        %get3A_727 = vector.shape_cast %get3A_726 : vector<1x16xf32> to vector<16xf32>
        %add3A_728 = arith.addf %get3A_721, %get3A_727 : vector<16xf32>
        %add3A_729 = arith.constant 2 : i32
        %add3A_730 = arith.addi %mul3A_215, %add3A_729 : i32
        %get3A_731 = arith.index_cast %add3A_730 : i32 to index
        %get3A_732 = arith.constant 112 : index
        %get3A_733 = tpu.vector_load %arg14[%get3A_731, %get3A_732] {strides = array<i32>} : memref<320x128xf32, #tpu.memory_space<vmem>>, vector<1x16xf32>,
        %get3A_734 = vector.shape_cast %get3A_733 : vector<1x16xf32> to vector<16xf32>
        %add3A_735 = arith.addf %add3A_728, %get3A_734 : vector<16xf32>
        %add3A_736 = arith.constant 3 : i32
        %add3A_737 = arith.addi %mul3A_215, %add3A_736 : i32
        %get3A_738 = arith.index_cast %add3A_737 : i32 to index
        %get3A_739 = arith.constant 112 : index
        %get3A_740 = tpu.vector_load %arg14[%get3A_738, %get3A_739] {strides = array<i32>} : memref<320x128xf32, #tpu.memory_space<vmem>>, vector<1x16xf32>,
        %get3A_741 = vector.shape_cast %get3A_740 : vector<1x16xf32> to vector<16xf32>
        %add3A_742 = arith.addf %add3A_735, %get3A_741 : vector<16xf32>
        %add3A_743 = arith.constant 4 : i32
        %add3A_744 = arith.addi %mul3A_215, %add3A_743 : i32
        %get3A_745 = arith.index_cast %add3A_744 : i32 to index
        %get3A_746 = arith.constant 112 : index
        %get3A_747 = tpu.vector_load %arg14[%get3A_745, %get3A_746] {strides = array<i32>} : memref<320x128xf32, #tpu.memory_space<vmem>>, vector<1x16xf32>,
        %get3A_748 = vector.shape_cast %get3A_747 : vector<1x16xf32> to vector<16xf32>
        %add3A_749 = arith.addf %add3A_742, %get3A_748 : vector<16xf32>
        %add3A_750 = arith.constant 5 : i32
        %add3A_751 = arith.addi %mul3A_215, %add3A_750 : i32
        %get3A_752 = arith.index_cast %add3A_751 : i32 to index
        %get3A_753 = arith.constant 112 : index
        %get3A_754 = tpu.vector_load %arg14[%get3A_752, %get3A_753] {strides = array<i32>} : memref<320x128xf32, #tpu.memory_space<vmem>>, vector<1x16xf32>,
        %get3A_755 = vector.shape_cast %get3A_754 : vector<1x16xf32> to vector<16xf32>
        %add3A_756 = arith.addf %add3A_749, %get3A_755 : vector<16xf32>
        %add3A_757 = arith.constant 6 : i32
        %add3A_758 = arith.addi %mul3A_215, %add3A_757 : i32
        %get3A_759 = arith.index_cast %add3A_758 : i32 to index
        %get3A_760 = arith.constant 112 : index
        %get3A_761 = tpu.vector_load %arg14[%get3A_759, %get3A_760] {strides = array<i32>} : memref<320x128xf32, #tpu.memory_space<vmem>>, vector<1x16xf32>,
        %get3A_762 = vector.shape_cast %get3A_761 : vector<1x16xf32> to vector<16xf32>
        %add3A_763 = arith.addf %add3A_756, %get3A_762 : vector<16xf32>
        %add3A_764 = arith.constant 7 : i32
        %add3A_765 = arith.addi %mul3A_215, %add3A_764 : i32
        %get3A_766 = arith.index_cast %add3A_765 : i32 to index
        %get3A_767 = arith.constant 112 : index
        %get3A_768 = tpu.vector_load %arg14[%get3A_766, %get3A_767] {strides = array<i32>} : memref<320x128xf32, #tpu.memory_space<vmem>>, vector<1x16xf32>,
        %get3A_769 = vector.shape_cast %get3A_768 : vector<1x16xf32> to vector<16xf32>
        %add3A_770 = arith.addf %add3A_763, %get3A_769 : vector<16xf32>
        %add3A_771 = arith.constant 8 : i32
        %add3A_772 = arith.addi %mul3A_215, %add3A_771 : i32
        %get3A_773 = arith.index_cast %add3A_772 : i32 to index
        %get3A_774 = arith.constant 112 : index
        %get3A_775 = tpu.vector_load %arg14[%get3A_773, %get3A_774] {strides = array<i32>} : memref<320x128xf32, #tpu.memory_space<vmem>>, vector<1x16xf32>,
        %get3A_776 = vector.shape_cast %get3A_775 : vector<1x16xf32> to vector<16xf32>
        %add3A_777 = arith.addf %add3A_770, %get3A_776 : vector<16xf32>
        %add3A_778 = arith.constant 9 : i32
        %add3A_779 = arith.addi %mul3A_215, %add3A_778 : i32
        %get3A_780 = arith.index_cast %add3A_779 : i32 to index
        %get3A_781 = arith.constant 112 : index
        %get3A_782 = tpu.vector_load %arg14[%get3A_780, %get3A_781] {strides = array<i32>} : memref<320x128xf32, #tpu.memory_space<vmem>>, vector<1x16xf32>,
        %get3A_783 = vector.shape_cast %get3A_782 : vector<1x16xf32> to vector<16xf32>
        %add3A_784 = arith.addf %add3A_777, %get3A_783 : vector<16xf32>
        %swap3A_785 = arith.index_cast %add3A_213 : i32 to index
        %swap3A_786 = arith.constant 112 : index
        %swap3A_787 = tpu.vector_load %arg15[%swap3A_785, %swap3A_786] {strides = array<i32>} : memref<32x128xf32, #tpu.memory_space<vmem>>, vector<1x16xf32>,
        %swap3A_788 = vector.shape_cast %swap3A_787 : vector<1x16xf32> to vector<16xf32>
        %swap3A_789 = vector.shape_cast %add3A_784 : vector<16xf32> to vector<1x16xf32>
        tpu.vector_store %arg15[%swap3A_785, %swap3A_786], %swap3A_789 {strides = array<i32>} : memref<32x128xf32, #tpu.memory_space<vmem>>, vector<1x16xf32>,
      }
      %scan3A_208 = arith.constant 32 : i32
      "tpu.region"() ({
        %run_scoped3A = tpu.sem_alloc : memref<!tpu.dma_semaphore, #tpu.memory_space<semaphore_mem>>
        %dma_start3A_209 = arith.constant 0 : i32
        %dma_start3A_210 = tpu.memref_slice %arg6[%multiple_of3A_203, %dma_start3A_209] : memref<50000x128xf32, #tpu.memory_space<hbm>> -> memref<32x128xf32, #tpu.memory_space<hbm>>
        %dma_start3A_211 = arith.constant 0 : i32
        %dma_start3A_212 = tpu.memref_slice %arg6[%multiple_of3A_203, %dma_start3A_211] : memref<50000x128xf32, #tpu.memory_space<hbm>> -> memref<32x128xf32, #tpu.memory_space<hbm>>
        tpu.enqueue_dma source(%arg15 : memref<32x128xf32, #tpu.memory_space<vmem>>) target(%dma_start3A_212 : memref<32x128xf32, #tpu.memory_space<hbm>>) target_semaphore(%run_scoped3A : memref<!tpu.dma_semaphore, #tpu.memory_space<semaphore_mem>>)
        %dma_wait3A_213 = arith.constant 0 : i32
        %dma_wait3A_214 = tpu.memref_slice %arg6[%multiple_of3A_203, %dma_wait3A_213] : memref<50000x128xf32, #tpu.memory_space<hbm>> -> memref<32x128xf32, #tpu.memory_space<hbm>>
        %dma_wait3A_215 = arith.constant 0 : i32
        %dma_wait3A_216 = tpu.memref_slice %arg6[%multiple_of3A_203, %dma_wait3A_215] : memref<50000x128xf32, #tpu.memory_space<hbm>> -> memref<32x128xf32, #tpu.memory_space<hbm>>
        tpu.wait_dma2 semaphore(%run_scoped3A : memref<!tpu.dma_semaphore, #tpu.memory_space<semaphore_mem>>) src(%arg15 : memref<32x128xf32, #tpu.memory_space<vmem>>) dst(%dma_wait3A_216 : memref<32x128xf32, #tpu.memory_space<hbm>>)
        tpu.yield
      }) : () -> ()
    }
    %sub3A_57 = arith.constant 1 : i32
    %sub3A_58 = arith.subi %select_n3A, %sub3A_57 : i32
    %dma_wait3A_59 = arith.constant 0 : i32
    %dma_wait3A_60 = tpu.memref_slice %arg2[%dma_wait3A_59] : memref<50000xi32, #tpu.memory_space<hbm>> -> memref<32xi32, #tpu.memory_space<hbm>>
    %dma_wait3A_61 = arith.constant 0 : i32
    %dma_wait3A_62 = tpu.memref_slice %arg2[%dma_wait3A_61] : memref<50000xi32, #tpu.memory_space<hbm>> -> memref<32xi32, #tpu.memory_space<hbm>>
    tpu.wait_dma2 semaphore(%arg17 : memref<!tpu.dma_semaphore, #tpu.memory_space<semaphore_mem>>) src(%dma_wait3A_62 : memref<32xi32, #tpu.memory_space<hbm>>) dst(%arg8 : memref<32xi32, #tpu.memory_space<vmem>>)
    %dma_wait3A_63 = arith.constant 0 : i32
    %dma_wait3A_64 = tpu.memref_slice %arg3[%dma_wait3A_63] : memref<500000xi32, #tpu.memory_space<hbm>> -> memref<320xi32, #tpu.memory_space<hbm>>
    %dma_wait3A_65 = arith.constant 0 : i32
    %dma_wait3A_66 = tpu.memref_slice %arg3[%dma_wait3A_65] : memref<500000xi32, #tpu.memory_space<hbm>> -> memref<320xi32, #tpu.memory_space<hbm>>
    tpu.wait_dma2 semaphore(%arg17 : memref<!tpu.dma_semaphore, #tpu.memory_space<semaphore_mem>>) src(%dma_wait3A_66 : memref<320xi32, #tpu.memory_space<hbm>>) dst(%arg10 : memref<320xi32, #tpu.memory_space<vmem>>)
    %dma_start3A_67 = arith.constant 0 : i32
    %dma_start3A_68 = arith.constant 0 : i32
    %dma_start3A_69 = tpu.memref_slice %arg4[%dma_start3A_67, %dma_start3A_68] : memref<100000x128xf32, #tpu.memory_space<hbm>> -> memref<100000x128xf32, #tpu.memory_space<hbm>>
    tpu.enqueue_indirect_dma source(%dma_start3A_69 : memref<100000x128xf32, #tpu.memory_space<hbm>>) target(%arg12 : memref<32x128xf32, #tpu.memory_space<vmem>>) offsets(%arg8 : memref<32xi32, #tpu.memory_space<vmem>>) semaphore(%arg19 : memref<!tpu.dma_semaphore, #tpu.memory_space<semaphore_mem>>)
    %dma_start3A_70 = arith.constant 0 : i32
    %dma_start3A_71 = arith.constant 0 : i32
    %dma_start3A_72 = tpu.memref_slice %arg4[%dma_start3A_70, %dma_start3A_71] : memref<100000x128xf32, #tpu.memory_space<hbm>> -> memref<100000x128xf32, #tpu.memory_space<hbm>>
    tpu.enqueue_indirect_dma source(%dma_start3A_72 : memref<100000x128xf32, #tpu.memory_space<hbm>>) target(%arg14 : memref<320x128xf32, #tpu.memory_space<vmem>>) offsets(%arg10 : memref<320xi32, #tpu.memory_space<vmem>>) semaphore(%arg21 : memref<!tpu.dma_semaphore, #tpu.memory_space<semaphore_mem>>)
    %dma_wait3A_73 = arith.constant 0 : i32
    %dma_wait3A_74 = arith.constant 0 : i32
    %dma_wait3A_75 = tpu.memref_slice %arg4[%dma_wait3A_73, %dma_wait3A_74] : memref<100000x128xf32, #tpu.memory_space<hbm>> -> memref<100000x128xf32, #tpu.memory_space<hbm>>
    tpu.wait_indirect_dma semaphore(%arg18 : memref<!tpu.dma_semaphore, #tpu.memory_space<semaphore_mem>>) src(%dma_wait3A_75 : memref<100000x128xf32, #tpu.memory_space<hbm>>) dst(%arg11 : memref<32x128xf32, #tpu.memory_space<vmem>>)
    %dma_wait3A_76 = arith.constant 0 : i32
    %dma_wait3A_77 = arith.constant 0 : i32
    %dma_wait3A_78 = tpu.memref_slice %arg4[%dma_wait3A_76, %dma_wait3A_77] : memref<100000x128xf32, #tpu.memory_space<hbm>> -> memref<100000x128xf32, #tpu.memory_space<hbm>>
    tpu.wait_indirect_dma semaphore(%arg20 : memref<!tpu.dma_semaphore, #tpu.memory_space<semaphore_mem>>) src(%dma_wait3A_78 : memref<100000x128xf32, #tpu.memory_space<hbm>>) dst(%arg13 : memref<320x128xf32, #tpu.memory_space<vmem>>)
    %sub3A_79 = arith.constant 2 : i32
    %sub3A_80 = arith.subi %select_n3A, %sub3A_79 : i32
    %mul3A_81 = arith.constant 32 : i32
    %mul3A_82 = arith.muli %sub3A_80, %mul3A_81 : i32
    %add3A_83 = arith.addi %select_n3A_6, %mul3A_82 : i32
    %min3A_84 = arith.constant 49968 : i32
    %min3A_85 = arith.minsi %add3A_83, %min3A_84 : i32
    %multiple_of3A_86 = tpu.assume_multiple %min3A_85, 16 : i32
    "tpu.region"() ({
      %run_scoped3A = tpu.sem_alloc : memref<!tpu.dma_semaphore, #tpu.memory_space<semaphore_mem>>
      %dma_start3A_110 = arith.constant 0 : i32
      %dma_start3A_111 = tpu.memref_slice %arg5[%multiple_of3A_86, %dma_start3A_110] : memref<50000x128xf32, #tpu.memory_space<hbm>> -> memref<32x128xf32, #tpu.memory_space<hbm>>
      %dma_start3A_112 = arith.constant 0 : i32
      %dma_start3A_113 = tpu.memref_slice %arg5[%multiple_of3A_86, %dma_start3A_112] : memref<50000x128xf32, #tpu.memory_space<hbm>> -> memref<32x128xf32, #tpu.memory_space<hbm>>
      tpu.enqueue_dma source(%arg11 : memref<32x128xf32, #tpu.memory_space<vmem>>) target(%dma_start3A_113 : memref<32x128xf32, #tpu.memory_space<hbm>>) target_semaphore(%run_scoped3A : memref<!tpu.dma_semaphore, #tpu.memory_space<semaphore_mem>>)
      %dma_wait3A_114 = arith.constant 0 : i32
      %dma_wait3A_115 = tpu.memref_slice %arg5[%multiple_of3A_86, %dma_wait3A_114] : memref<50000x128xf32, #tpu.memory_space<hbm>> -> memref<32x128xf32, #tpu.memory_space<hbm>>
      %dma_wait3A_116 = arith.constant 0 : i32
      %dma_wait3A_117 = tpu.memref_slice %arg5[%multiple_of3A_86, %dma_wait3A_116] : memref<50000x128xf32, #tpu.memory_space<hbm>> -> memref<32x128xf32, #tpu.memory_space<hbm>>
      tpu.wait_dma2 semaphore(%run_scoped3A : memref<!tpu.dma_semaphore, #tpu.memory_space<semaphore_mem>>) src(%arg11 : memref<32x128xf32, #tpu.memory_space<vmem>>) dst(%dma_wait3A_117 : memref<32x128xf32, #tpu.memory_space<hbm>>)
      tpu.yield
    }) : () -> ()
    %scan3A = arith.constant 0 : i32
    %scan3A_87 = arith.constant 32 : i32
    %scan3A_88 = arith.addi %scan3A, %scan3A_87 : i32
    %scan3A_89 = arith.constant 1 : i32
    scf.for %scan3A_110 = %scan3A to %scan3A_88 step %scan3A_89  : i32 {
      %mul3A_111 = arith.constant 1 : i32
      %mul3A_112 = arith.muli %scan3A_110, %mul3A_111 : i32
      %add3A_113 = arith.constant 0 : i32
      %add3A_114 = arith.addi %add3A_113, %mul3A_112 : i32
      %mul3A_115 = arith.constant 10 : i32
      %mul3A_116 = arith.muli %add3A_114, %mul3A_115 : i32
      %get3A = arith.index_cast %mul3A_116 : i32 to index
      %get3A_117 = arith.constant 0 : index
      %get3A_118 = tpu.vector_load %arg13[%get3A, %get3A_117] {strides = array<i32>} : memref<320x128xf32, #tpu.memory_space<vmem>>, vector<1x16xf32>,
      %get3A_119 = vector.shape_cast %get3A_118 : vector<1x16xf32> to vector<16xf32>
      %add3A_120 = arith.constant 1 : i32
      %add3A_121 = arith.addi %mul3A_116, %add3A_120 : i32
      %get3A_122 = arith.index_cast %add3A_121 : i32 to index
      %get3A_123 = arith.constant 0 : index
      %get3A_124 = tpu.vector_load %arg13[%get3A_122, %get3A_123] {strides = array<i32>} : memref<320x128xf32, #tpu.memory_space<vmem>>, vector<1x16xf32>,
      %get3A_125 = vector.shape_cast %get3A_124 : vector<1x16xf32> to vector<16xf32>
      %add3A_126 = arith.addf %get3A_119, %get3A_125 : vector<16xf32>
      %add3A_127 = arith.constant 2 : i32
      %add3A_128 = arith.addi %mul3A_116, %add3A_127 : i32
      %get3A_129 = arith.index_cast %add3A_128 : i32 to index
      %get3A_130 = arith.constant 0 : index
      %get3A_131 = tpu.vector_load %arg13[%get3A_129, %get3A_130] {strides = array<i32>} : memref<320x128xf32, #tpu.memory_space<vmem>>, vector<1x16xf32>,
      %get3A_132 = vector.shape_cast %get3A_131 : vector<1x16xf32> to vector<16xf32>
      %add3A_133 = arith.addf %add3A_126, %get3A_132 : vector<16xf32>
      %add3A_134 = arith.constant 3 : i32
      %add3A_135 = arith.addi %mul3A_116, %add3A_134 : i32
      %get3A_136 = arith.index_cast %add3A_135 : i32 to index
      %get3A_137 = arith.constant 0 : index
      %get3A_138 = tpu.vector_load %arg13[%get3A_136, %get3A_137] {strides = array<i32>} : memref<320x128xf32, #tpu.memory_space<vmem>>, vector<1x16xf32>,
      %get3A_139 = vector.shape_cast %get3A_138 : vector<1x16xf32> to vector<16xf32>
      %add3A_140 = arith.addf %add3A_133, %get3A_139 : vector<16xf32>
      %add3A_141 = arith.constant 4 : i32
      %add3A_142 = arith.addi %mul3A_116, %add3A_141 : i32
      %get3A_143 = arith.index_cast %add3A_142 : i32 to index
      %get3A_144 = arith.constant 0 : index
      %get3A_145 = tpu.vector_load %arg13[%get3A_143, %get3A_144] {strides = array<i32>} : memref<320x128xf32, #tpu.memory_space<vmem>>, vector<1x16xf32>,
      %get3A_146 = vector.shape_cast %get3A_145 : vector<1x16xf32> to vector<16xf32>
      %add3A_147 = arith.addf %add3A_140, %get3A_146 : vector<16xf32>
      %add3A_148 = arith.constant 5 : i32
      %add3A_149 = arith.addi %mul3A_116, %add3A_148 : i32
      %get3A_150 = arith.index_cast %add3A_149 : i32 to index
      %get3A_151 = arith.constant 0 : index
      %get3A_152 = tpu.vector_load %arg13[%get3A_150, %get3A_151] {strides = array<i32>} : memref<320x128xf32, #tpu.memory_space<vmem>>, vector<1x16xf32>,
      %get3A_153 = vector.shape_cast %get3A_152 : vector<1x16xf32> to vector<16xf32>
      %add3A_154 = arith.addf %add3A_147, %get3A_153 : vector<16xf32>
      %add3A_155 = arith.constant 6 : i32
      %add3A_156 = arith.addi %mul3A_116, %add3A_155 : i32
      %get3A_157 = arith.index_cast %add3A_156 : i32 to index
      %get3A_158 = arith.constant 0 : index
      %get3A_159 = tpu.vector_load %arg13[%get3A_157, %get3A_158] {strides = array<i32>} : memref<320x128xf32, #tpu.memory_space<vmem>>, vector<1x16xf32>,
      %get3A_160 = vector.shape_cast %get3A_159 : vector<1x16xf32> to vector<16xf32>
      %add3A_161 = arith.addf %add3A_154, %get3A_160 : vector<16xf32>
      %add3A_162 = arith.constant 7 : i32
      %add3A_163 = arith.addi %mul3A_116, %add3A_162 : i32
      %get3A_164 = arith.index_cast %add3A_163 : i32 to index
      %get3A_165 = arith.constant 0 : index
      %get3A_166 = tpu.vector_load %arg13[%get3A_164, %get3A_165] {strides = array<i32>} : memref<320x128xf32, #tpu.memory_space<vmem>>, vector<1x16xf32>,
      %get3A_167 = vector.shape_cast %get3A_166 : vector<1x16xf32> to vector<16xf32>
      %add3A_168 = arith.addf %add3A_161, %get3A_167 : vector<16xf32>
      %add3A_169 = arith.constant 8 : i32
      %add3A_170 = arith.addi %mul3A_116, %add3A_169 : i32
      %get3A_171 = arith.index_cast %add3A_170 : i32 to index
      %get3A_172 = arith.constant 0 : index
      %get3A_173 = tpu.vector_load %arg13[%get3A_171, %get3A_172] {strides = array<i32>} : memref<320x128xf32, #tpu.memory_space<vmem>>, vector<1x16xf32>,
      %get3A_174 = vector.shape_cast %get3A_173 : vector<1x16xf32> to vector<16xf32>
      %add3A_175 = arith.addf %add3A_168, %get3A_174 : vector<16xf32>
      %add3A_176 = arith.constant 9 : i32
      %add3A_177 = arith.addi %mul3A_116, %add3A_176 : i32
      %get3A_178 = arith.index_cast %add3A_177 : i32 to index
      %get3A_179 = arith.constant 0 : index
      %get3A_180 = tpu.vector_load %arg13[%get3A_178, %get3A_179] {strides = array<i32>} : memref<320x128xf32, #tpu.memory_space<vmem>>, vector<1x16xf32>,
      %get3A_181 = vector.shape_cast %get3A_180 : vector<1x16xf32> to vector<16xf32>
      %add3A_182 = arith.addf %add3A_175, %get3A_181 : vector<16xf32>
      %swap3A = arith.index_cast %add3A_114 : i32 to index
      %swap3A_183 = arith.constant 0 : index
      %swap3A_184 = tpu.vector_load %arg15[%swap3A, %swap3A_183] {strides = array<i32>} : memref<32x128xf32, #tpu.memory_space<vmem>>, vector<1x16xf32>,
      %swap3A_185 = vector.shape_cast %swap3A_184 : vector<1x16xf32> to vector<16xf32>
      %swap3A_186 = vector.shape_cast %add3A_182 : vector<16xf32> to vector<1x16xf32>
      tpu.vector_store %arg15[%swap3A, %swap3A_183], %swap3A_186 {strides = array<i32>} : memref<32x128xf32, #tpu.memory_space<vmem>>, vector<1x16xf32>,
      %get3A_187 = arith.index_cast %mul3A_116 : i32 to index
      %get3A_188 = arith.constant 16 : index
      %get3A_189 = tpu.vector_load %arg13[%get3A_187, %get3A_188] {strides = array<i32>} : memref<320x128xf32, #tpu.memory_space<vmem>>, vector<1x16xf32>,
      %get3A_190 = vector.shape_cast %get3A_189 : vector<1x16xf32> to vector<16xf32>
      %add3A_191 = arith.constant 1 : i32
      %add3A_192 = arith.addi %mul3A_116, %add3A_191 : i32
      %get3A_193 = arith.index_cast %add3A_192 : i32 to index
      %get3A_194 = arith.constant 16 : index
      %get3A_195 = tpu.vector_load %arg13[%get3A_193, %get3A_194] {strides = array<i32>} : memref<320x128xf32, #tpu.memory_space<vmem>>, vector<1x16xf32>,
      %get3A_196 = vector.shape_cast %get3A_195 : vector<1x16xf32> to vector<16xf32>
      %add3A_197 = arith.addf %get3A_190, %get3A_196 : vector<16xf32>
      %add3A_198 = arith.constant 2 : i32
      %add3A_199 = arith.addi %mul3A_116, %add3A_198 : i32
      %get3A_200 = arith.index_cast %add3A_199 : i32 to index
      %get3A_201 = arith.constant 16 : index
      %get3A_202 = tpu.vector_load %arg13[%get3A_200, %get3A_201] {strides = array<i32>} : memref<320x128xf32, #tpu.memory_space<vmem>>, vector<1x16xf32>,
      %get3A_203 = vector.shape_cast %get3A_202 : vector<1x16xf32> to vector<16xf32>
      %add3A_204 = arith.addf %add3A_197, %get3A_203 : vector<16xf32>
      %add3A_205 = arith.constant 3 : i32
      %add3A_206 = arith.addi %mul3A_116, %add3A_205 : i32
      %get3A_207 = arith.index_cast %add3A_206 : i32 to index
      %get3A_208 = arith.constant 16 : index
      %get3A_209 = tpu.vector_load %arg13[%get3A_207, %get3A_208] {strides = array<i32>} : memref<320x128xf32, #tpu.memory_space<vmem>>, vector<1x16xf32>,
      %get3A_210 = vector.shape_cast %get3A_209 : vector<1x16xf32> to vector<16xf32>
      %add3A_211 = arith.addf %add3A_204, %get3A_210 : vector<16xf32>
      %add3A_212 = arith.constant 4 : i32
      %add3A_213 = arith.addi %mul3A_116, %add3A_212 : i32
      %get3A_214 = arith.index_cast %add3A_213 : i32 to index
      %get3A_215 = arith.constant 16 : index
      %get3A_216 = tpu.vector_load %arg13[%get3A_214, %get3A_215] {strides = array<i32>} : memref<320x128xf32, #tpu.memory_space<vmem>>, vector<1x16xf32>,
      %get3A_217 = vector.shape_cast %get3A_216 : vector<1x16xf32> to vector<16xf32>
      %add3A_218 = arith.addf %add3A_211, %get3A_217 : vector<16xf32>
      %add3A_219 = arith.constant 5 : i32
      %add3A_220 = arith.addi %mul3A_116, %add3A_219 : i32
      %get3A_221 = arith.index_cast %add3A_220 : i32 to index
      %get3A_222 = arith.constant 16 : index
      %get3A_223 = tpu.vector_load %arg13[%get3A_221, %get3A_222] {strides = array<i32>} : memref<320x128xf32, #tpu.memory_space<vmem>>, vector<1x16xf32>,
      %get3A_224 = vector.shape_cast %get3A_223 : vector<1x16xf32> to vector<16xf32>
      %add3A_225 = arith.addf %add3A_218, %get3A_224 : vector<16xf32>
      %add3A_226 = arith.constant 6 : i32
      %add3A_227 = arith.addi %mul3A_116, %add3A_226 : i32
      %get3A_228 = arith.index_cast %add3A_227 : i32 to index
      %get3A_229 = arith.constant 16 : index
      %get3A_230 = tpu.vector_load %arg13[%get3A_228, %get3A_229] {strides = array<i32>} : memref<320x128xf32, #tpu.memory_space<vmem>>, vector<1x16xf32>,
      %get3A_231 = vector.shape_cast %get3A_230 : vector<1x16xf32> to vector<16xf32>
      %add3A_232 = arith.addf %add3A_225, %get3A_231 : vector<16xf32>
      %add3A_233 = arith.constant 7 : i32
      %add3A_234 = arith.addi %mul3A_116, %add3A_233 : i32
      %get3A_235 = arith.index_cast %add3A_234 : i32 to index
      %get3A_236 = arith.constant 16 : index
      %get3A_237 = tpu.vector_load %arg13[%get3A_235, %get3A_236] {strides = array<i32>} : memref<320x128xf32, #tpu.memory_space<vmem>>, vector<1x16xf32>,
      %get3A_238 = vector.shape_cast %get3A_237 : vector<1x16xf32> to vector<16xf32>
      %add3A_239 = arith.addf %add3A_232, %get3A_238 : vector<16xf32>
      %add3A_240 = arith.constant 8 : i32
      %add3A_241 = arith.addi %mul3A_116, %add3A_240 : i32
      %get3A_242 = arith.index_cast %add3A_241 : i32 to index
      %get3A_243 = arith.constant 16 : index
      %get3A_244 = tpu.vector_load %arg13[%get3A_242, %get3A_243] {strides = array<i32>} : memref<320x128xf32, #tpu.memory_space<vmem>>, vector<1x16xf32>,
      %get3A_245 = vector.shape_cast %get3A_244 : vector<1x16xf32> to vector<16xf32>
      %add3A_246 = arith.addf %add3A_239, %get3A_245 : vector<16xf32>
      %add3A_247 = arith.constant 9 : i32
      %add3A_248 = arith.addi %mul3A_116, %add3A_247 : i32
      %get3A_249 = arith.index_cast %add3A_248 : i32 to index
      %get3A_250 = arith.constant 16 : index
      %get3A_251 = tpu.vector_load %arg13[%get3A_249, %get3A_250] {strides = array<i32>} : memref<320x128xf32, #tpu.memory_space<vmem>>, vector<1x16xf32>,
      %get3A_252 = vector.shape_cast %get3A_251 : vector<1x16xf32> to vector<16xf32>
      %add3A_253 = arith.addf %add3A_246, %get3A_252 : vector<16xf32>
      %swap3A_254 = arith.index_cast %add3A_114 : i32 to index
      %swap3A_255 = arith.constant 16 : index
      %swap3A_256 = tpu.vector_load %arg15[%swap3A_254, %swap3A_255] {strides = array<i32>} : memref<32x128xf32, #tpu.memory_space<vmem>>, vector<1x16xf32>,
      %swap3A_257 = vector.shape_cast %swap3A_256 : vector<1x16xf32> to vector<16xf32>
      %swap3A_258 = vector.shape_cast %add3A_253 : vector<16xf32> to vector<1x16xf32>
      tpu.vector_store %arg15[%swap3A_254, %swap3A_255], %swap3A_258 {strides = array<i32>} : memref<32x128xf32, #tpu.memory_space<vmem>>, vector<1x16xf32>,
      %get3A_259 = arith.index_cast %mul3A_116 : i32 to index
      %get3A_260 = arith.constant 32 : index
      %get3A_261 = tpu.vector_load %arg13[%get3A_259, %get3A_260] {strides = array<i32>} : memref<320x128xf32, #tpu.memory_space<vmem>>, vector<1x16xf32>,
      %get3A_262 = vector.shape_cast %get3A_261 : vector<1x16xf32> to vector<16xf32>
      %add3A_263 = arith.constant 1 : i32
      %add3A_264 = arith.addi %mul3A_116, %add3A_263 : i32
      %get3A_265 = arith.index_cast %add3A_264 : i32 to index
      %get3A_266 = arith.constant 32 : index
      %get3A_267 = tpu.vector_load %arg13[%get3A_265, %get3A_266] {strides = array<i32>} : memref<320x128xf32, #tpu.memory_space<vmem>>, vector<1x16xf32>,
      %get3A_268 = vector.shape_cast %get3A_267 : vector<1x16xf32> to vector<16xf32>
      %add3A_269 = arith.addf %get3A_262, %get3A_268 : vector<16xf32>
      %add3A_270 = arith.constant 2 : i32
      %add3A_271 = arith.addi %mul3A_116, %add3A_270 : i32
      %get3A_272 = arith.index_cast %add3A_271 : i32 to index
      %get3A_273 = arith.constant 32 : index
      %get3A_274 = tpu.vector_load %arg13[%get3A_272, %get3A_273] {strides = array<i32>} : memref<320x128xf32, #tpu.memory_space<vmem>>, vector<1x16xf32>,
      %get3A_275 = vector.shape_cast %get3A_274 : vector<1x16xf32> to vector<16xf32>
      %add3A_276 = arith.addf %add3A_269, %get3A_275 : vector<16xf32>
      %add3A_277 = arith.constant 3 : i32
      %add3A_278 = arith.addi %mul3A_116, %add3A_277 : i32
      %get3A_279 = arith.index_cast %add3A_278 : i32 to index
      %get3A_280 = arith.constant 32 : index
      %get3A_281 = tpu.vector_load %arg13[%get3A_279, %get3A_280] {strides = array<i32>} : memref<320x128xf32, #tpu.memory_space<vmem>>, vector<1x16xf32>,
      %get3A_282 = vector.shape_cast %get3A_281 : vector<1x16xf32> to vector<16xf32>
      %add3A_283 = arith.addf %add3A_276, %get3A_282 : vector<16xf32>
      %add3A_284 = arith.constant 4 : i32
      %add3A_285 = arith.addi %mul3A_116, %add3A_284 : i32
      %get3A_286 = arith.index_cast %add3A_285 : i32 to index
      %get3A_287 = arith.constant 32 : index
      %get3A_288 = tpu.vector_load %arg13[%get3A_286, %get3A_287] {strides = array<i32>} : memref<320x128xf32, #tpu.memory_space<vmem>>, vector<1x16xf32>,
      %get3A_289 = vector.shape_cast %get3A_288 : vector<1x16xf32> to vector<16xf32>
      %add3A_290 = arith.addf %add3A_283, %get3A_289 : vector<16xf32>
      %add3A_291 = arith.constant 5 : i32
      %add3A_292 = arith.addi %mul3A_116, %add3A_291 : i32
      %get3A_293 = arith.index_cast %add3A_292 : i32 to index
      %get3A_294 = arith.constant 32 : index
      %get3A_295 = tpu.vector_load %arg13[%get3A_293, %get3A_294] {strides = array<i32>} : memref<320x128xf32, #tpu.memory_space<vmem>>, vector<1x16xf32>,
      %get3A_296 = vector.shape_cast %get3A_295 : vector<1x16xf32> to vector<16xf32>
      %add3A_297 = arith.addf %add3A_290, %get3A_296 : vector<16xf32>
      %add3A_298 = arith.constant 6 : i32
      %add3A_299 = arith.addi %mul3A_116, %add3A_298 : i32
      %get3A_300 = arith.index_cast %add3A_299 : i32 to index
      %get3A_301 = arith.constant 32 : index
      %get3A_302 = tpu.vector_load %arg13[%get3A_300, %get3A_301] {strides = array<i32>} : memref<320x128xf32, #tpu.memory_space<vmem>>, vector<1x16xf32>,
      %get3A_303 = vector.shape_cast %get3A_302 : vector<1x16xf32> to vector<16xf32>
      %add3A_304 = arith.addf %add3A_297, %get3A_303 : vector<16xf32>
      %add3A_305 = arith.constant 7 : i32
      %add3A_306 = arith.addi %mul3A_116, %add3A_305 : i32
      %get3A_307 = arith.index_cast %add3A_306 : i32 to index
      %get3A_308 = arith.constant 32 : index
      %get3A_309 = tpu.vector_load %arg13[%get3A_307, %get3A_308] {strides = array<i32>} : memref<320x128xf32, #tpu.memory_space<vmem>>, vector<1x16xf32>,
      %get3A_310 = vector.shape_cast %get3A_309 : vector<1x16xf32> to vector<16xf32>
      %add3A_311 = arith.addf %add3A_304, %get3A_310 : vector<16xf32>
      %add3A_312 = arith.constant 8 : i32
      %add3A_313 = arith.addi %mul3A_116, %add3A_312 : i32
      %get3A_314 = arith.index_cast %add3A_313 : i32 to index
      %get3A_315 = arith.constant 32 : index
      %get3A_316 = tpu.vector_load %arg13[%get3A_314, %get3A_315] {strides = array<i32>} : memref<320x128xf32, #tpu.memory_space<vmem>>, vector<1x16xf32>,
      %get3A_317 = vector.shape_cast %get3A_316 : vector<1x16xf32> to vector<16xf32>
      %add3A_318 = arith.addf %add3A_311, %get3A_317 : vector<16xf32>
      %add3A_319 = arith.constant 9 : i32
      %add3A_320 = arith.addi %mul3A_116, %add3A_319 : i32
      %get3A_321 = arith.index_cast %add3A_320 : i32 to index
      %get3A_322 = arith.constant 32 : index
      %get3A_323 = tpu.vector_load %arg13[%get3A_321, %get3A_322] {strides = array<i32>} : memref<320x128xf32, #tpu.memory_space<vmem>>, vector<1x16xf32>,
      %get3A_324 = vector.shape_cast %get3A_323 : vector<1x16xf32> to vector<16xf32>
      %add3A_325 = arith.addf %add3A_318, %get3A_324 : vector<16xf32>
      %swap3A_326 = arith.index_cast %add3A_114 : i32 to index
      %swap3A_327 = arith.constant 32 : index
      %swap3A_328 = tpu.vector_load %arg15[%swap3A_326, %swap3A_327] {strides = array<i32>} : memref<32x128xf32, #tpu.memory_space<vmem>>, vector<1x16xf32>,
      %swap3A_329 = vector.shape_cast %swap3A_328 : vector<1x16xf32> to vector<16xf32>
      %swap3A_330 = vector.shape_cast %add3A_325 : vector<16xf32> to vector<1x16xf32>
      tpu.vector_store %arg15[%swap3A_326, %swap3A_327], %swap3A_330 {strides = array<i32>} : memref<32x128xf32, #tpu.memory_space<vmem>>, vector<1x16xf32>,
      %get3A_331 = arith.index_cast %mul3A_116 : i32 to index
      %get3A_332 = arith.constant 48 : index
      %get3A_333 = tpu.vector_load %arg13[%get3A_331, %get3A_332] {strides = array<i32>} : memref<320x128xf32, #tpu.memory_space<vmem>>, vector<1x16xf32>,
      %get3A_334 = vector.shape_cast %get3A_333 : vector<1x16xf32> to vector<16xf32>
      %add3A_335 = arith.constant 1 : i32
      %add3A_336 = arith.addi %mul3A_116, %add3A_335 : i32
      %get3A_337 = arith.index_cast %add3A_336 : i32 to index
      %get3A_338 = arith.constant 48 : index
      %get3A_339 = tpu.vector_load %arg13[%get3A_337, %get3A_338] {strides = array<i32>} : memref<320x128xf32, #tpu.memory_space<vmem>>, vector<1x16xf32>,
      %get3A_340 = vector.shape_cast %get3A_339 : vector<1x16xf32> to vector<16xf32>
      %add3A_341 = arith.addf %get3A_334, %get3A_340 : vector<16xf32>
      %add3A_342 = arith.constant 2 : i32
      %add3A_343 = arith.addi %mul3A_116, %add3A_342 : i32
      %get3A_344 = arith.index_cast %add3A_343 : i32 to index
      %get3A_345 = arith.constant 48 : index
      %get3A_346 = tpu.vector_load %arg13[%get3A_344, %get3A_345] {strides = array<i32>} : memref<320x128xf32, #tpu.memory_space<vmem>>, vector<1x16xf32>,
      %get3A_347 = vector.shape_cast %get3A_346 : vector<1x16xf32> to vector<16xf32>
      %add3A_348 = arith.addf %add3A_341, %get3A_347 : vector<16xf32>
      %add3A_349 = arith.constant 3 : i32
      %add3A_350 = arith.addi %mul3A_116, %add3A_349 : i32
      %get3A_351 = arith.index_cast %add3A_350 : i32 to index
      %get3A_352 = arith.constant 48 : index
      %get3A_353 = tpu.vector_load %arg13[%get3A_351, %get3A_352] {strides = array<i32>} : memref<320x128xf32, #tpu.memory_space<vmem>>, vector<1x16xf32>,
      %get3A_354 = vector.shape_cast %get3A_353 : vector<1x16xf32> to vector<16xf32>
      %add3A_355 = arith.addf %add3A_348, %get3A_354 : vector<16xf32>
      %add3A_356 = arith.constant 4 : i32
      %add3A_357 = arith.addi %mul3A_116, %add3A_356 : i32
      %get3A_358 = arith.index_cast %add3A_357 : i32 to index
      %get3A_359 = arith.constant 48 : index
      %get3A_360 = tpu.vector_load %arg13[%get3A_358, %get3A_359] {strides = array<i32>} : memref<320x128xf32, #tpu.memory_space<vmem>>, vector<1x16xf32>,
      %get3A_361 = vector.shape_cast %get3A_360 : vector<1x16xf32> to vector<16xf32>
      %add3A_362 = arith.addf %add3A_355, %get3A_361 : vector<16xf32>
      %add3A_363 = arith.constant 5 : i32
      %add3A_364 = arith.addi %mul3A_116, %add3A_363 : i32
      %get3A_365 = arith.index_cast %add3A_364 : i32 to index
      %get3A_366 = arith.constant 48 : index
      %get3A_367 = tpu.vector_load %arg13[%get3A_365, %get3A_366] {strides = array<i32>} : memref<320x128xf32, #tpu.memory_space<vmem>>, vector<1x16xf32>,
      %get3A_368 = vector.shape_cast %get3A_367 : vector<1x16xf32> to vector<16xf32>
      %add3A_369 = arith.addf %add3A_362, %get3A_368 : vector<16xf32>
      %add3A_370 = arith.constant 6 : i32
      %add3A_371 = arith.addi %mul3A_116, %add3A_370 : i32
      %get3A_372 = arith.index_cast %add3A_371 : i32 to index
      %get3A_373 = arith.constant 48 : index
      %get3A_374 = tpu.vector_load %arg13[%get3A_372, %get3A_373] {strides = array<i32>} : memref<320x128xf32, #tpu.memory_space<vmem>>, vector<1x16xf32>,
      %get3A_375 = vector.shape_cast %get3A_374 : vector<1x16xf32> to vector<16xf32>
      %add3A_376 = arith.addf %add3A_369, %get3A_375 : vector<16xf32>
      %add3A_377 = arith.constant 7 : i32
      %add3A_378 = arith.addi %mul3A_116, %add3A_377 : i32
      %get3A_379 = arith.index_cast %add3A_378 : i32 to index
      %get3A_380 = arith.constant 48 : index
      %get3A_381 = tpu.vector_load %arg13[%get3A_379, %get3A_380] {strides = array<i32>} : memref<320x128xf32, #tpu.memory_space<vmem>>, vector<1x16xf32>,
      %get3A_382 = vector.shape_cast %get3A_381 : vector<1x16xf32> to vector<16xf32>
      %add3A_383 = arith.addf %add3A_376, %get3A_382 : vector<16xf32>
      %add3A_384 = arith.constant 8 : i32
      %add3A_385 = arith.addi %mul3A_116, %add3A_384 : i32
      %get3A_386 = arith.index_cast %add3A_385 : i32 to index
      %get3A_387 = arith.constant 48 : index
      %get3A_388 = tpu.vector_load %arg13[%get3A_386, %get3A_387] {strides = array<i32>} : memref<320x128xf32, #tpu.memory_space<vmem>>, vector<1x16xf32>,
      %get3A_389 = vector.shape_cast %get3A_388 : vector<1x16xf32> to vector<16xf32>
      %add3A_390 = arith.addf %add3A_383, %get3A_389 : vector<16xf32>
      %add3A_391 = arith.constant 9 : i32
      %add3A_392 = arith.addi %mul3A_116, %add3A_391 : i32
      %get3A_393 = arith.index_cast %add3A_392 : i32 to index
      %get3A_394 = arith.constant 48 : index
      %get3A_395 = tpu.vector_load %arg13[%get3A_393, %get3A_394] {strides = array<i32>} : memref<320x128xf32, #tpu.memory_space<vmem>>, vector<1x16xf32>,
      %get3A_396 = vector.shape_cast %get3A_395 : vector<1x16xf32> to vector<16xf32>
      %add3A_397 = arith.addf %add3A_390, %get3A_396 : vector<16xf32>
      %swap3A_398 = arith.index_cast %add3A_114 : i32 to index
      %swap3A_399 = arith.constant 48 : index
      %swap3A_400 = tpu.vector_load %arg15[%swap3A_398, %swap3A_399] {strides = array<i32>} : memref<32x128xf32, #tpu.memory_space<vmem>>, vector<1x16xf32>,
      %swap3A_401 = vector.shape_cast %swap3A_400 : vector<1x16xf32> to vector<16xf32>
      %swap3A_402 = vector.shape_cast %add3A_397 : vector<16xf32> to vector<1x16xf32>
      tpu.vector_store %arg15[%swap3A_398, %swap3A_399], %swap3A_402 {strides = array<i32>} : memref<32x128xf32, #tpu.memory_space<vmem>>, vector<1x16xf32>,
      %get3A_403 = arith.index_cast %mul3A_116 : i32 to index
      %get3A_404 = arith.constant 64 : index
      %get3A_405 = tpu.vector_load %arg13[%get3A_403, %get3A_404] {strides = array<i32>} : memref<320x128xf32, #tpu.memory_space<vmem>>, vector<1x16xf32>,
      %get3A_406 = vector.shape_cast %get3A_405 : vector<1x16xf32> to vector<16xf32>
      %add3A_407 = arith.constant 1 : i32
      %add3A_408 = arith.addi %mul3A_116, %add3A_407 : i32
      %get3A_409 = arith.index_cast %add3A_408 : i32 to index
      %get3A_410 = arith.constant 64 : index
      %get3A_411 = tpu.vector_load %arg13[%get3A_409, %get3A_410] {strides = array<i32>} : memref<320x128xf32, #tpu.memory_space<vmem>>, vector<1x16xf32>,
      %get3A_412 = vector.shape_cast %get3A_411 : vector<1x16xf32> to vector<16xf32>
      %add3A_413 = arith.addf %get3A_406, %get3A_412 : vector<16xf32>
      %add3A_414 = arith.constant 2 : i32
      %add3A_415 = arith.addi %mul3A_116, %add3A_414 : i32
      %get3A_416 = arith.index_cast %add3A_415 : i32 to index
      %get3A_417 = arith.constant 64 : index
      %get3A_418 = tpu.vector_load %arg13[%get3A_416, %get3A_417] {strides = array<i32>} : memref<320x128xf32, #tpu.memory_space<vmem>>, vector<1x16xf32>,
      %get3A_419 = vector.shape_cast %get3A_418 : vector<1x16xf32> to vector<16xf32>
      %add3A_420 = arith.addf %add3A_413, %get3A_419 : vector<16xf32>
      %add3A_421 = arith.constant 3 : i32
      %add3A_422 = arith.addi %mul3A_116, %add3A_421 : i32
      %get3A_423 = arith.index_cast %add3A_422 : i32 to index
      %get3A_424 = arith.constant 64 : index
      %get3A_425 = tpu.vector_load %arg13[%get3A_423, %get3A_424] {strides = array<i32>} : memref<320x128xf32, #tpu.memory_space<vmem>>, vector<1x16xf32>,
      %get3A_426 = vector.shape_cast %get3A_425 : vector<1x16xf32> to vector<16xf32>
      %add3A_427 = arith.addf %add3A_420, %get3A_426 : vector<16xf32>
      %add3A_428 = arith.constant 4 : i32
      %add3A_429 = arith.addi %mul3A_116, %add3A_428 : i32
      %get3A_430 = arith.index_cast %add3A_429 : i32 to index
      %get3A_431 = arith.constant 64 : index
      %get3A_432 = tpu.vector_load %arg13[%get3A_430, %get3A_431] {strides = array<i32>} : memref<320x128xf32, #tpu.memory_space<vmem>>, vector<1x16xf32>,
      %get3A_433 = vector.shape_cast %get3A_432 : vector<1x16xf32> to vector<16xf32>
      %add3A_434 = arith.addf %add3A_427, %get3A_433 : vector<16xf32>
      %add3A_435 = arith.constant 5 : i32
      %add3A_436 = arith.addi %mul3A_116, %add3A_435 : i32
      %get3A_437 = arith.index_cast %add3A_436 : i32 to index
      %get3A_438 = arith.constant 64 : index
      %get3A_439 = tpu.vector_load %arg13[%get3A_437, %get3A_438] {strides = array<i32>} : memref<320x128xf32, #tpu.memory_space<vmem>>, vector<1x16xf32>,
      %get3A_440 = vector.shape_cast %get3A_439 : vector<1x16xf32> to vector<16xf32>
      %add3A_441 = arith.addf %add3A_434, %get3A_440 : vector<16xf32>
      %add3A_442 = arith.constant 6 : i32
      %add3A_443 = arith.addi %mul3A_116, %add3A_442 : i32
      %get3A_444 = arith.index_cast %add3A_443 : i32 to index
      %get3A_445 = arith.constant 64 : index
      %get3A_446 = tpu.vector_load %arg13[%get3A_444, %get3A_445] {strides = array<i32>} : memref<320x128xf32, #tpu.memory_space<vmem>>, vector<1x16xf32>,
      %get3A_447 = vector.shape_cast %get3A_446 : vector<1x16xf32> to vector<16xf32>
      %add3A_448 = arith.addf %add3A_441, %get3A_447 : vector<16xf32>
      %add3A_449 = arith.constant 7 : i32
      %add3A_450 = arith.addi %mul3A_116, %add3A_449 : i32
      %get3A_451 = arith.index_cast %add3A_450 : i32 to index
      %get3A_452 = arith.constant 64 : index
      %get3A_453 = tpu.vector_load %arg13[%get3A_451, %get3A_452] {strides = array<i32>} : memref<320x128xf32, #tpu.memory_space<vmem>>, vector<1x16xf32>,
      %get3A_454 = vector.shape_cast %get3A_453 : vector<1x16xf32> to vector<16xf32>
      %add3A_455 = arith.addf %add3A_448, %get3A_454 : vector<16xf32>
      %add3A_456 = arith.constant 8 : i32
      %add3A_457 = arith.addi %mul3A_116, %add3A_456 : i32
      %get3A_458 = arith.index_cast %add3A_457 : i32 to index
      %get3A_459 = arith.constant 64 : index
      %get3A_460 = tpu.vector_load %arg13[%get3A_458, %get3A_459] {strides = array<i32>} : memref<320x128xf32, #tpu.memory_space<vmem>>, vector<1x16xf32>,
      %get3A_461 = vector.shape_cast %get3A_460 : vector<1x16xf32> to vector<16xf32>
      %add3A_462 = arith.addf %add3A_455, %get3A_461 : vector<16xf32>
      %add3A_463 = arith.constant 9 : i32
      %add3A_464 = arith.addi %mul3A_116, %add3A_463 : i32
      %get3A_465 = arith.index_cast %add3A_464 : i32 to index
      %get3A_466 = arith.constant 64 : index
      %get3A_467 = tpu.vector_load %arg13[%get3A_465, %get3A_466] {strides = array<i32>} : memref<320x128xf32, #tpu.memory_space<vmem>>, vector<1x16xf32>,
      %get3A_468 = vector.shape_cast %get3A_467 : vector<1x16xf32> to vector<16xf32>
      %add3A_469 = arith.addf %add3A_462, %get3A_468 : vector<16xf32>
      %swap3A_470 = arith.index_cast %add3A_114 : i32 to index
      %swap3A_471 = arith.constant 64 : index
      %swap3A_472 = tpu.vector_load %arg15[%swap3A_470, %swap3A_471] {strides = array<i32>} : memref<32x128xf32, #tpu.memory_space<vmem>>, vector<1x16xf32>,
      %swap3A_473 = vector.shape_cast %swap3A_472 : vector<1x16xf32> to vector<16xf32>
      %swap3A_474 = vector.shape_cast %add3A_469 : vector<16xf32> to vector<1x16xf32>
      tpu.vector_store %arg15[%swap3A_470, %swap3A_471], %swap3A_474 {strides = array<i32>} : memref<32x128xf32, #tpu.memory_space<vmem>>, vector<1x16xf32>,
      %get3A_475 = arith.index_cast %mul3A_116 : i32 to index
      %get3A_476 = arith.constant 80 : index
      %get3A_477 = tpu.vector_load %arg13[%get3A_475, %get3A_476] {strides = array<i32>} : memref<320x128xf32, #tpu.memory_space<vmem>>, vector<1x16xf32>,
      %get3A_478 = vector.shape_cast %get3A_477 : vector<1x16xf32> to vector<16xf32>
      %add3A_479 = arith.constant 1 : i32
      %add3A_480 = arith.addi %mul3A_116, %add3A_479 : i32
      %get3A_481 = arith.index_cast %add3A_480 : i32 to index
      %get3A_482 = arith.constant 80 : index
      %get3A_483 = tpu.vector_load %arg13[%get3A_481, %get3A_482] {strides = array<i32>} : memref<320x128xf32, #tpu.memory_space<vmem>>, vector<1x16xf32>,
      %get3A_484 = vector.shape_cast %get3A_483 : vector<1x16xf32> to vector<16xf32>
      %add3A_485 = arith.addf %get3A_478, %get3A_484 : vector<16xf32>
      %add3A_486 = arith.constant 2 : i32
      %add3A_487 = arith.addi %mul3A_116, %add3A_486 : i32
      %get3A_488 = arith.index_cast %add3A_487 : i32 to index
      %get3A_489 = arith.constant 80 : index
      %get3A_490 = tpu.vector_load %arg13[%get3A_488, %get3A_489] {strides = array<i32>} : memref<320x128xf32, #tpu.memory_space<vmem>>, vector<1x16xf32>,
      %get3A_491 = vector.shape_cast %get3A_490 : vector<1x16xf32> to vector<16xf32>
      %add3A_492 = arith.addf %add3A_485, %get3A_491 : vector<16xf32>
      %add3A_493 = arith.constant 3 : i32
      %add3A_494 = arith.addi %mul3A_116, %add3A_493 : i32
      %get3A_495 = arith.index_cast %add3A_494 : i32 to index
      %get3A_496 = arith.constant 80 : index
      %get3A_497 = tpu.vector_load %arg13[%get3A_495, %get3A_496] {strides = array<i32>} : memref<320x128xf32, #tpu.memory_space<vmem>>, vector<1x16xf32>,
      %get3A_498 = vector.shape_cast %get3A_497 : vector<1x16xf32> to vector<16xf32>
      %add3A_499 = arith.addf %add3A_492, %get3A_498 : vector<16xf32>
      %add3A_500 = arith.constant 4 : i32
      %add3A_501 = arith.addi %mul3A_116, %add3A_500 : i32
      %get3A_502 = arith.index_cast %add3A_501 : i32 to index
      %get3A_503 = arith.constant 80 : index
      %get3A_504 = tpu.vector_load %arg13[%get3A_502, %get3A_503] {strides = array<i32>} : memref<320x128xf32, #tpu.memory_space<vmem>>, vector<1x16xf32>,
      %get3A_505 = vector.shape_cast %get3A_504 : vector<1x16xf32> to vector<16xf32>
      %add3A_506 = arith.addf %add3A_499, %get3A_505 : vector<16xf32>
      %add3A_507 = arith.constant 5 : i32
      %add3A_508 = arith.addi %mul3A_116, %add3A_507 : i32
      %get3A_509 = arith.index_cast %add3A_508 : i32 to index
      %get3A_510 = arith.constant 80 : index
      %get3A_511 = tpu.vector_load %arg13[%get3A_509, %get3A_510] {strides = array<i32>} : memref<320x128xf32, #tpu.memory_space<vmem>>, vector<1x16xf32>,
      %get3A_512 = vector.shape_cast %get3A_511 : vector<1x16xf32> to vector<16xf32>
      %add3A_513 = arith.addf %add3A_506, %get3A_512 : vector<16xf32>
      %add3A_514 = arith.constant 6 : i32
      %add3A_515 = arith.addi %mul3A_116, %add3A_514 : i32
      %get3A_516 = arith.index_cast %add3A_515 : i32 to index
      %get3A_517 = arith.constant 80 : index
      %get3A_518 = tpu.vector_load %arg13[%get3A_516, %get3A_517] {strides = array<i32>} : memref<320x128xf32, #tpu.memory_space<vmem>>, vector<1x16xf32>,
      %get3A_519 = vector.shape_cast %get3A_518 : vector<1x16xf32> to vector<16xf32>
      %add3A_520 = arith.addf %add3A_513, %get3A_519 : vector<16xf32>
      %add3A_521 = arith.constant 7 : i32
      %add3A_522 = arith.addi %mul3A_116, %add3A_521 : i32
      %get3A_523 = arith.index_cast %add3A_522 : i32 to index
      %get3A_524 = arith.constant 80 : index
      %get3A_525 = tpu.vector_load %arg13[%get3A_523, %get3A_524] {strides = array<i32>} : memref<320x128xf32, #tpu.memory_space<vmem>>, vector<1x16xf32>,
      %get3A_526 = vector.shape_cast %get3A_525 : vector<1x16xf32> to vector<16xf32>
      %add3A_527 = arith.addf %add3A_520, %get3A_526 : vector<16xf32>
      %add3A_528 = arith.constant 8 : i32
      %add3A_529 = arith.addi %mul3A_116, %add3A_528 : i32
      %get3A_530 = arith.index_cast %add3A_529 : i32 to index
      %get3A_531 = arith.constant 80 : index
      %get3A_532 = tpu.vector_load %arg13[%get3A_530, %get3A_531] {strides = array<i32>} : memref<320x128xf32, #tpu.memory_space<vmem>>, vector<1x16xf32>,
      %get3A_533 = vector.shape_cast %get3A_532 : vector<1x16xf32> to vector<16xf32>
      %add3A_534 = arith.addf %add3A_527, %get3A_533 : vector<16xf32>
      %add3A_535 = arith.constant 9 : i32
      %add3A_536 = arith.addi %mul3A_116, %add3A_535 : i32
      %get3A_537 = arith.index_cast %add3A_536 : i32 to index
      %get3A_538 = arith.constant 80 : index
      %get3A_539 = tpu.vector_load %arg13[%get3A_537, %get3A_538] {strides = array<i32>} : memref<320x128xf32, #tpu.memory_space<vmem>>, vector<1x16xf32>,
      %get3A_540 = vector.shape_cast %get3A_539 : vector<1x16xf32> to vector<16xf32>
      %add3A_541 = arith.addf %add3A_534, %get3A_540 : vector<16xf32>
      %swap3A_542 = arith.index_cast %add3A_114 : i32 to index
      %swap3A_543 = arith.constant 80 : index
      %swap3A_544 = tpu.vector_load %arg15[%swap3A_542, %swap3A_543] {strides = array<i32>} : memref<32x128xf32, #tpu.memory_space<vmem>>, vector<1x16xf32>,
      %swap3A_545 = vector.shape_cast %swap3A_544 : vector<1x16xf32> to vector<16xf32>
      %swap3A_546 = vector.shape_cast %add3A_541 : vector<16xf32> to vector<1x16xf32>
      tpu.vector_store %arg15[%swap3A_542, %swap3A_543], %swap3A_546 {strides = array<i32>} : memref<32x128xf32, #tpu.memory_space<vmem>>, vector<1x16xf32>,
      %get3A_547 = arith.index_cast %mul3A_116 : i32 to index
      %get3A_548 = arith.constant 96 : index
      %get3A_549 = tpu.vector_load %arg13[%get3A_547, %get3A_548] {strides = array<i32>} : memref<320x128xf32, #tpu.memory_space<vmem>>, vector<1x16xf32>,
      %get3A_550 = vector.shape_cast %get3A_549 : vector<1x16xf32> to vector<16xf32>
      %add3A_551 = arith.constant 1 : i32
      %add3A_552 = arith.addi %mul3A_116, %add3A_551 : i32
      %get3A_553 = arith.index_cast %add3A_552 : i32 to index
      %get3A_554 = arith.constant 96 : index
      %get3A_555 = tpu.vector_load %arg13[%get3A_553, %get3A_554] {strides = array<i32>} : memref<320x128xf32, #tpu.memory_space<vmem>>, vector<1x16xf32>,
      %get3A_556 = vector.shape_cast %get3A_555 : vector<1x16xf32> to vector<16xf32>
      %add3A_557 = arith.addf %get3A_550, %get3A_556 : vector<16xf32>
      %add3A_558 = arith.constant 2 : i32
      %add3A_559 = arith.addi %mul3A_116, %add3A_558 : i32
      %get3A_560 = arith.index_cast %add3A_559 : i32 to index
      %get3A_561 = arith.constant 96 : index
      %get3A_562 = tpu.vector_load %arg13[%get3A_560, %get3A_561] {strides = array<i32>} : memref<320x128xf32, #tpu.memory_space<vmem>>, vector<1x16xf32>,
      %get3A_563 = vector.shape_cast %get3A_562 : vector<1x16xf32> to vector<16xf32>
      %add3A_564 = arith.addf %add3A_557, %get3A_563 : vector<16xf32>
      %add3A_565 = arith.constant 3 : i32
      %add3A_566 = arith.addi %mul3A_116, %add3A_565 : i32
      %get3A_567 = arith.index_cast %add3A_566 : i32 to index
      %get3A_568 = arith.constant 96 : index
      %get3A_569 = tpu.vector_load %arg13[%get3A_567, %get3A_568] {strides = array<i32>} : memref<320x128xf32, #tpu.memory_space<vmem>>, vector<1x16xf32>,
      %get3A_570 = vector.shape_cast %get3A_569 : vector<1x16xf32> to vector<16xf32>
      %add3A_571 = arith.addf %add3A_564, %get3A_570 : vector<16xf32>
      %add3A_572 = arith.constant 4 : i32
      %add3A_573 = arith.addi %mul3A_116, %add3A_572 : i32
      %get3A_574 = arith.index_cast %add3A_573 : i32 to index
      %get3A_575 = arith.constant 96 : index
      %get3A_576 = tpu.vector_load %arg13[%get3A_574, %get3A_575] {strides = array<i32>} : memref<320x128xf32, #tpu.memory_space<vmem>>, vector<1x16xf32>,
      %get3A_577 = vector.shape_cast %get3A_576 : vector<1x16xf32> to vector<16xf32>
      %add3A_578 = arith.addf %add3A_571, %get3A_577 : vector<16xf32>
      %add3A_579 = arith.constant 5 : i32
      %add3A_580 = arith.addi %mul3A_116, %add3A_579 : i32
      %get3A_581 = arith.index_cast %add3A_580 : i32 to index
      %get3A_582 = arith.constant 96 : index
      %get3A_583 = tpu.vector_load %arg13[%get3A_581, %get3A_582] {strides = array<i32>} : memref<320x128xf32, #tpu.memory_space<vmem>>, vector<1x16xf32>,
      %get3A_584 = vector.shape_cast %get3A_583 : vector<1x16xf32> to vector<16xf32>
      %add3A_585 = arith.addf %add3A_578, %get3A_584 : vector<16xf32>
      %add3A_586 = arith.constant 6 : i32
      %add3A_587 = arith.addi %mul3A_116, %add3A_586 : i32
      %get3A_588 = arith.index_cast %add3A_587 : i32 to index
      %get3A_589 = arith.constant 96 : index
      %get3A_590 = tpu.vector_load %arg13[%get3A_588, %get3A_589] {strides = array<i32>} : memref<320x128xf32, #tpu.memory_space<vmem>>, vector<1x16xf32>,
      %get3A_591 = vector.shape_cast %get3A_590 : vector<1x16xf32> to vector<16xf32>
      %add3A_592 = arith.addf %add3A_585, %get3A_591 : vector<16xf32>
      %add3A_593 = arith.constant 7 : i32
      %add3A_594 = arith.addi %mul3A_116, %add3A_593 : i32
      %get3A_595 = arith.index_cast %add3A_594 : i32 to index
      %get3A_596 = arith.constant 96 : index
      %get3A_597 = tpu.vector_load %arg13[%get3A_595, %get3A_596] {strides = array<i32>} : memref<320x128xf32, #tpu.memory_space<vmem>>, vector<1x16xf32>,
      %get3A_598 = vector.shape_cast %get3A_597 : vector<1x16xf32> to vector<16xf32>
      %add3A_599 = arith.addf %add3A_592, %get3A_598 : vector<16xf32>
      %add3A_600 = arith.constant 8 : i32
      %add3A_601 = arith.addi %mul3A_116, %add3A_600 : i32
      %get3A_602 = arith.index_cast %add3A_601 : i32 to index
      %get3A_603 = arith.constant 96 : index
      %get3A_604 = tpu.vector_load %arg13[%get3A_602, %get3A_603] {strides = array<i32>} : memref<320x128xf32, #tpu.memory_space<vmem>>, vector<1x16xf32>,
      %get3A_605 = vector.shape_cast %get3A_604 : vector<1x16xf32> to vector<16xf32>
      %add3A_606 = arith.addf %add3A_599, %get3A_605 : vector<16xf32>
      %add3A_607 = arith.constant 9 : i32
      %add3A_608 = arith.addi %mul3A_116, %add3A_607 : i32
      %get3A_609 = arith.index_cast %add3A_608 : i32 to index
      %get3A_610 = arith.constant 96 : index
      %get3A_611 = tpu.vector_load %arg13[%get3A_609, %get3A_610] {strides = array<i32>} : memref<320x128xf32, #tpu.memory_space<vmem>>, vector<1x16xf32>,
      %get3A_612 = vector.shape_cast %get3A_611 : vector<1x16xf32> to vector<16xf32>
      %add3A_613 = arith.addf %add3A_606, %get3A_612 : vector<16xf32>
      %swap3A_614 = arith.index_cast %add3A_114 : i32 to index
      %swap3A_615 = arith.constant 96 : index
      %swap3A_616 = tpu.vector_load %arg15[%swap3A_614, %swap3A_615] {strides = array<i32>} : memref<32x128xf32, #tpu.memory_space<vmem>>, vector<1x16xf32>,
      %swap3A_617 = vector.shape_cast %swap3A_616 : vector<1x16xf32> to vector<16xf32>
      %swap3A_618 = vector.shape_cast %add3A_613 : vector<16xf32> to vector<1x16xf32>
      tpu.vector_store %arg15[%swap3A_614, %swap3A_615], %swap3A_618 {strides = array<i32>} : memref<32x128xf32, #tpu.memory_space<vmem>>, vector<1x16xf32>,
      %get3A_619 = arith.index_cast %mul3A_116 : i32 to index
      %get3A_620 = arith.constant 112 : index
      %get3A_621 = tpu.vector_load %arg13[%get3A_619, %get3A_620] {strides = array<i32>} : memref<320x128xf32, #tpu.memory_space<vmem>>, vector<1x16xf32>,
      %get3A_622 = vector.shape_cast %get3A_621 : vector<1x16xf32> to vector<16xf32>
      %add3A_623 = arith.constant 1 : i32
      %add3A_624 = arith.addi %mul3A_116, %add3A_623 : i32
      %get3A_625 = arith.index_cast %add3A_624 : i32 to index
      %get3A_626 = arith.constant 112 : index
      %get3A_627 = tpu.vector_load %arg13[%get3A_625, %get3A_626] {strides = array<i32>} : memref<320x128xf32, #tpu.memory_space<vmem>>, vector<1x16xf32>,
      %get3A_628 = vector.shape_cast %get3A_627 : vector<1x16xf32> to vector<16xf32>
      %add3A_629 = arith.addf %get3A_622, %get3A_628 : vector<16xf32>
      %add3A_630 = arith.constant 2 : i32
      %add3A_631 = arith.addi %mul3A_116, %add3A_630 : i32
      %get3A_632 = arith.index_cast %add3A_631 : i32 to index
      %get3A_633 = arith.constant 112 : index
      %get3A_634 = tpu.vector_load %arg13[%get3A_632, %get3A_633] {strides = array<i32>} : memref<320x128xf32, #tpu.memory_space<vmem>>, vector<1x16xf32>,
      %get3A_635 = vector.shape_cast %get3A_634 : vector<1x16xf32> to vector<16xf32>
      %add3A_636 = arith.addf %add3A_629, %get3A_635 : vector<16xf32>
      %add3A_637 = arith.constant 3 : i32
      %add3A_638 = arith.addi %mul3A_116, %add3A_637 : i32
      %get3A_639 = arith.index_cast %add3A_638 : i32 to index
      %get3A_640 = arith.constant 112 : index
      %get3A_641 = tpu.vector_load %arg13[%get3A_639, %get3A_640] {strides = array<i32>} : memref<320x128xf32, #tpu.memory_space<vmem>>, vector<1x16xf32>,
      %get3A_642 = vector.shape_cast %get3A_641 : vector<1x16xf32> to vector<16xf32>
      %add3A_643 = arith.addf %add3A_636, %get3A_642 : vector<16xf32>
      %add3A_644 = arith.constant 4 : i32
      %add3A_645 = arith.addi %mul3A_116, %add3A_644 : i32
      %get3A_646 = arith.index_cast %add3A_645 : i32 to index
      %get3A_647 = arith.constant 112 : index
      %get3A_648 = tpu.vector_load %arg13[%get3A_646, %get3A_647] {strides = array<i32>} : memref<320x128xf32, #tpu.memory_space<vmem>>, vector<1x16xf32>,
      %get3A_649 = vector.shape_cast %get3A_648 : vector<1x16xf32> to vector<16xf32>
      %add3A_650 = arith.addf %add3A_643, %get3A_649 : vector<16xf32>
      %add3A_651 = arith.constant 5 : i32
      %add3A_652 = arith.addi %mul3A_116, %add3A_651 : i32
      %get3A_653 = arith.index_cast %add3A_652 : i32 to index
      %get3A_654 = arith.constant 112 : index
      %get3A_655 = tpu.vector_load %arg13[%get3A_653, %get3A_654] {strides = array<i32>} : memref<320x128xf32, #tpu.memory_space<vmem>>, vector<1x16xf32>,
      %get3A_656 = vector.shape_cast %get3A_655 : vector<1x16xf32> to vector<16xf32>
      %add3A_657 = arith.addf %add3A_650, %get3A_656 : vector<16xf32>
      %add3A_658 = arith.constant 6 : i32
      %add3A_659 = arith.addi %mul3A_116, %add3A_658 : i32
      %get3A_660 = arith.index_cast %add3A_659 : i32 to index
      %get3A_661 = arith.constant 112 : index
      %get3A_662 = tpu.vector_load %arg13[%get3A_660, %get3A_661] {strides = array<i32>} : memref<320x128xf32, #tpu.memory_space<vmem>>, vector<1x16xf32>,
      %get3A_663 = vector.shape_cast %get3A_662 : vector<1x16xf32> to vector<16xf32>
      %add3A_664 = arith.addf %add3A_657, %get3A_663 : vector<16xf32>
      %add3A_665 = arith.constant 7 : i32
      %add3A_666 = arith.addi %mul3A_116, %add3A_665 : i32
      %get3A_667 = arith.index_cast %add3A_666 : i32 to index
      %get3A_668 = arith.constant 112 : index
      %get3A_669 = tpu.vector_load %arg13[%get3A_667, %get3A_668] {strides = array<i32>} : memref<320x128xf32, #tpu.memory_space<vmem>>, vector<1x16xf32>,
      %get3A_670 = vector.shape_cast %get3A_669 : vector<1x16xf32> to vector<16xf32>
      %add3A_671 = arith.addf %add3A_664, %get3A_670 : vector<16xf32>
      %add3A_672 = arith.constant 8 : i32
      %add3A_673 = arith.addi %mul3A_116, %add3A_672 : i32
      %get3A_674 = arith.index_cast %add3A_673 : i32 to index
      %get3A_675 = arith.constant 112 : index
      %get3A_676 = tpu.vector_load %arg13[%get3A_674, %get3A_675] {strides = array<i32>} : memref<320x128xf32, #tpu.memory_space<vmem>>, vector<1x16xf32>,
      %get3A_677 = vector.shape_cast %get3A_676 : vector<1x16xf32> to vector<16xf32>
      %add3A_678 = arith.addf %add3A_671, %get3A_677 : vector<16xf32>
      %add3A_679 = arith.constant 9 : i32
      %add3A_680 = arith.addi %mul3A_116, %add3A_679 : i32
      %get3A_681 = arith.index_cast %add3A_680 : i32 to index
      %get3A_682 = arith.constant 112 : index
      %get3A_683 = tpu.vector_load %arg13[%get3A_681, %get3A_682] {strides = array<i32>} : memref<320x128xf32, #tpu.memory_space<vmem>>, vector<1x16xf32>,
      %get3A_684 = vector.shape_cast %get3A_683 : vector<1x16xf32> to vector<16xf32>
      %add3A_685 = arith.addf %add3A_678, %get3A_684 : vector<16xf32>
      %swap3A_686 = arith.index_cast %add3A_114 : i32 to index
      %swap3A_687 = arith.constant 112 : index
      %swap3A_688 = tpu.vector_load %arg15[%swap3A_686, %swap3A_687] {strides = array<i32>} : memref<32x128xf32, #tpu.memory_space<vmem>>, vector<1x16xf32>,
      %swap3A_689 = vector.shape_cast %swap3A_688 : vector<1x16xf32> to vector<16xf32>
      %swap3A_690 = vector.shape_cast %add3A_685 : vector<16xf32> to vector<1x16xf32>
      tpu.vector_store %arg15[%swap3A_686, %swap3A_687], %swap3A_690 {strides = array<i32>} : memref<32x128xf32, #tpu.memory_space<vmem>>, vector<1x16xf32>,
    }
    %scan3A_90 = arith.constant 32 : i32
    "tpu.region"() ({
      %run_scoped3A = tpu.sem_alloc : memref<!tpu.dma_semaphore, #tpu.memory_space<semaphore_mem>>
      %dma_start3A_110 = arith.constant 0 : i32
      %dma_start3A_111 = tpu.memref_slice %arg6[%multiple_of3A_86, %dma_start3A_110] : memref<50000x128xf32, #tpu.memory_space<hbm>> -> memref<32x128xf32, #tpu.memory_space<hbm>>
      %dma_start3A_112 = arith.constant 0 : i32
      %dma_start3A_113 = tpu.memref_slice %arg6[%multiple_of3A_86, %dma_start3A_112] : memref<50000x128xf32, #tpu.memory_space<hbm>> -> memref<32x128xf32, #tpu.memory_space<hbm>>
      tpu.enqueue_dma source(%arg15 : memref<32x128xf32, #tpu.memory_space<vmem>>) target(%dma_start3A_113 : memref<32x128xf32, #tpu.memory_space<hbm>>) target_semaphore(%run_scoped3A : memref<!tpu.dma_semaphore, #tpu.memory_space<semaphore_mem>>)
      %dma_wait3A_114 = arith.constant 0 : i32
      %dma_wait3A_115 = tpu.memref_slice %arg6[%multiple_of3A_86, %dma_wait3A_114] : memref<50000x128xf32, #tpu.memory_space<hbm>> -> memref<32x128xf32, #tpu.memory_space<hbm>>
      %dma_wait3A_116 = arith.constant 0 : i32
      %dma_wait3A_117 = tpu.memref_slice %arg6[%multiple_of3A_86, %dma_wait3A_116] : memref<50000x128xf32, #tpu.memory_space<hbm>> -> memref<32x128xf32, #tpu.memory_space<hbm>>
      tpu.wait_dma2 semaphore(%run_scoped3A : memref<!tpu.dma_semaphore, #tpu.memory_space<semaphore_mem>>) src(%arg15 : memref<32x128xf32, #tpu.memory_space<vmem>>) dst(%dma_wait3A_117 : memref<32x128xf32, #tpu.memory_space<hbm>>)
      tpu.yield
    }) : () -> ()
    %dma_wait3A_91 = arith.constant 0 : i32
    %dma_wait3A_92 = arith.constant 0 : i32
    %dma_wait3A_93 = tpu.memref_slice %arg4[%dma_wait3A_91, %dma_wait3A_92] : memref<100000x128xf32, #tpu.memory_space<hbm>> -> memref<100000x128xf32, #tpu.memory_space<hbm>>
    tpu.wait_indirect_dma semaphore(%arg19 : memref<!tpu.dma_semaphore, #tpu.memory_space<semaphore_mem>>) src(%dma_wait3A_93 : memref<100000x128xf32, #tpu.memory_space<hbm>>) dst(%arg12 : memref<32x128xf32, #tpu.memory_space<vmem>>)
    %dma_wait3A_94 = arith.constant 0 : i32
    %dma_wait3A_95 = arith.constant 0 : i32
    %dma_wait3A_96 = tpu.memref_slice %arg4[%dma_wait3A_94, %dma_wait3A_95] : memref<100000x128xf32, #tpu.memory_space<hbm>> -> memref<100000x128xf32, #tpu.memory_space<hbm>>
    tpu.wait_indirect_dma semaphore(%arg21 : memref<!tpu.dma_semaphore, #tpu.memory_space<semaphore_mem>>) src(%dma_wait3A_96 : memref<100000x128xf32, #tpu.memory_space<hbm>>) dst(%arg14 : memref<320x128xf32, #tpu.memory_space<vmem>>)
    %sub3A_97 = arith.constant 1 : i32
    %sub3A_98 = arith.subi %select_n3A, %sub3A_97 : i32
    %mul3A_99 = arith.constant 32 : i32
    %mul3A_100 = arith.muli %sub3A_98, %mul3A_99 : i32
    %add3A_101 = arith.addi %select_n3A_6, %mul3A_100 : i32
    %min3A_102 = arith.constant 49968 : i32
    %min3A_103 = arith.minsi %add3A_101, %min3A_102 : i32
    %multiple_of3A_104 = tpu.assume_multiple %min3A_103, 16 : i32
    "tpu.region"() ({
      %run_scoped3A = tpu.sem_alloc : memref<!tpu.dma_semaphore, #tpu.memory_space<semaphore_mem>>
      %dma_start3A_110 = arith.constant 0 : i32
      %dma_start3A_111 = tpu.memref_slice %arg5[%multiple_of3A_104, %dma_start3A_110] : memref<50000x128xf32, #tpu.memory_space<hbm>> -> memref<32x128xf32, #tpu.memory_space<hbm>>
      %dma_start3A_112 = arith.constant 0 : i32
      %dma_start3A_113 = tpu.memref_slice %arg5[%multiple_of3A_104, %dma_start3A_112] : memref<50000x128xf32, #tpu.memory_space<hbm>> -> memref<32x128xf32, #tpu.memory_space<hbm>>
      tpu.enqueue_dma source(%arg12 : memref<32x128xf32, #tpu.memory_space<vmem>>) target(%dma_start3A_113 : memref<32x128xf32, #tpu.memory_space<hbm>>) target_semaphore(%run_scoped3A : memref<!tpu.dma_semaphore, #tpu.memory_space<semaphore_mem>>)
      %dma_wait3A_114 = arith.constant 0 : i32
      %dma_wait3A_115 = tpu.memref_slice %arg5[%multiple_of3A_104, %dma_wait3A_114] : memref<50000x128xf32, #tpu.memory_space<hbm>> -> memref<32x128xf32, #tpu.memory_space<hbm>>
      %dma_wait3A_116 = arith.constant 0 : i32
      %dma_wait3A_117 = tpu.memref_slice %arg5[%multiple_of3A_104, %dma_wait3A_116] : memref<50000x128xf32, #tpu.memory_space<hbm>> -> memref<32x128xf32, #tpu.memory_space<hbm>>
      tpu.wait_dma2 semaphore(%run_scoped3A : memref<!tpu.dma_semaphore, #tpu.memory_space<semaphore_mem>>) src(%arg12 : memref<32x128xf32, #tpu.memory_space<vmem>>) dst(%dma_wait3A_117 : memref<32x128xf32, #tpu.memory_space<hbm>>)
      tpu.yield
    }) : () -> ()
    %scan3A_105 = arith.constant 0 : i32
    %scan3A_106 = arith.constant 32 : i32
    %scan3A_107 = arith.addi %scan3A_105, %scan3A_106 : i32
    %scan3A_108 = arith.constant 1 : i32
    scf.for %scan3A_110 = %scan3A_105 to %scan3A_107 step %scan3A_108  : i32 {
      %mul3A_111 = arith.constant 1 : i32
      %mul3A_112 = arith.muli %scan3A_110, %mul3A_111 : i32
      %add3A_113 = arith.constant 0 : i32
      %add3A_114 = arith.addi %add3A_113, %mul3A_112 : i32
      %mul3A_115 = arith.constant 10 : i32
      %mul3A_116 = arith.muli %add3A_114, %mul3A_115 : i32
      %get3A = arith.index_cast %mul3A_116 : i32 to index
      %get3A_117 = arith.constant 0 : index
      %get3A_118 = tpu.vector_load %arg14[%get3A, %get3A_117] {strides = array<i32>} : memref<320x128xf32, #tpu.memory_space<vmem>>, vector<1x16xf32>,
      %get3A_119 = vector.shape_cast %get3A_118 : vector<1x16xf32> to vector<16xf32>
      %add3A_120 = arith.constant 1 : i32
      %add3A_121 = arith.addi %mul3A_116, %add3A_120 : i32
      %get3A_122 = arith.index_cast %add3A_121 : i32 to index
      %get3A_123 = arith.constant 0 : index
      %get3A_124 = tpu.vector_load %arg14[%get3A_122, %get3A_123] {strides = array<i32>} : memref<320x128xf32, #tpu.memory_space<vmem>>, vector<1x16xf32>,
      %get3A_125 = vector.shape_cast %get3A_124 : vector<1x16xf32> to vector<16xf32>
      %add3A_126 = arith.addf %get3A_119, %get3A_125 : vector<16xf32>
      %add3A_127 = arith.constant 2 : i32
      %add3A_128 = arith.addi %mul3A_116, %add3A_127 : i32
      %get3A_129 = arith.index_cast %add3A_128 : i32 to index
      %get3A_130 = arith.constant 0 : index
      %get3A_131 = tpu.vector_load %arg14[%get3A_129, %get3A_130] {strides = array<i32>} : memref<320x128xf32, #tpu.memory_space<vmem>>, vector<1x16xf32>,
      %get3A_132 = vector.shape_cast %get3A_131 : vector<1x16xf32> to vector<16xf32>
      %add3A_133 = arith.addf %add3A_126, %get3A_132 : vector<16xf32>
      %add3A_134 = arith.constant 3 : i32
      %add3A_135 = arith.addi %mul3A_116, %add3A_134 : i32
      %get3A_136 = arith.index_cast %add3A_135 : i32 to index
      %get3A_137 = arith.constant 0 : index
      %get3A_138 = tpu.vector_load %arg14[%get3A_136, %get3A_137] {strides = array<i32>} : memref<320x128xf32, #tpu.memory_space<vmem>>, vector<1x16xf32>,
      %get3A_139 = vector.shape_cast %get3A_138 : vector<1x16xf32> to vector<16xf32>
      %add3A_140 = arith.addf %add3A_133, %get3A_139 : vector<16xf32>
      %add3A_141 = arith.constant 4 : i32
      %add3A_142 = arith.addi %mul3A_116, %add3A_141 : i32
      %get3A_143 = arith.index_cast %add3A_142 : i32 to index
      %get3A_144 = arith.constant 0 : index
      %get3A_145 = tpu.vector_load %arg14[%get3A_143, %get3A_144] {strides = array<i32>} : memref<320x128xf32, #tpu.memory_space<vmem>>, vector<1x16xf32>,
      %get3A_146 = vector.shape_cast %get3A_145 : vector<1x16xf32> to vector<16xf32>
      %add3A_147 = arith.addf %add3A_140, %get3A_146 : vector<16xf32>
      %add3A_148 = arith.constant 5 : i32
      %add3A_149 = arith.addi %mul3A_116, %add3A_148 : i32
      %get3A_150 = arith.index_cast %add3A_149 : i32 to index
      %get3A_151 = arith.constant 0 : index
      %get3A_152 = tpu.vector_load %arg14[%get3A_150, %get3A_151] {strides = array<i32>} : memref<320x128xf32, #tpu.memory_space<vmem>>, vector<1x16xf32>,
      %get3A_153 = vector.shape_cast %get3A_152 : vector<1x16xf32> to vector<16xf32>
      %add3A_154 = arith.addf %add3A_147, %get3A_153 : vector<16xf32>
      %add3A_155 = arith.constant 6 : i32
      %add3A_156 = arith.addi %mul3A_116, %add3A_155 : i32
      %get3A_157 = arith.index_cast %add3A_156 : i32 to index
      %get3A_158 = arith.constant 0 : index
      %get3A_159 = tpu.vector_load %arg14[%get3A_157, %get3A_158] {strides = array<i32>} : memref<320x128xf32, #tpu.memory_space<vmem>>, vector<1x16xf32>,
      %get3A_160 = vector.shape_cast %get3A_159 : vector<1x16xf32> to vector<16xf32>
      %add3A_161 = arith.addf %add3A_154, %get3A_160 : vector<16xf32>
      %add3A_162 = arith.constant 7 : i32
      %add3A_163 = arith.addi %mul3A_116, %add3A_162 : i32
      %get3A_164 = arith.index_cast %add3A_163 : i32 to index
      %get3A_165 = arith.constant 0 : index
      %get3A_166 = tpu.vector_load %arg14[%get3A_164, %get3A_165] {strides = array<i32>} : memref<320x128xf32, #tpu.memory_space<vmem>>, vector<1x16xf32>,
      %get3A_167 = vector.shape_cast %get3A_166 : vector<1x16xf32> to vector<16xf32>
      %add3A_168 = arith.addf %add3A_161, %get3A_167 : vector<16xf32>
      %add3A_169 = arith.constant 8 : i32
      %add3A_170 = arith.addi %mul3A_116, %add3A_169 : i32
      %get3A_171 = arith.index_cast %add3A_170 : i32 to index
      %get3A_172 = arith.constant 0 : index
      %get3A_173 = tpu.vector_load %arg14[%get3A_171, %get3A_172] {strides = array<i32>} : memref<320x128xf32, #tpu.memory_space<vmem>>, vector<1x16xf32>,
      %get3A_174 = vector.shape_cast %get3A_173 : vector<1x16xf32> to vector<16xf32>
      %add3A_175 = arith.addf %add3A_168, %get3A_174 : vector<16xf32>
      %add3A_176 = arith.constant 9 : i32
      %add3A_177 = arith.addi %mul3A_116, %add3A_176 : i32
      %get3A_178 = arith.index_cast %add3A_177 : i32 to index
      %get3A_179 = arith.constant 0 : index
      %get3A_180 = tpu.vector_load %arg14[%get3A_178, %get3A_179] {strides = array<i32>} : memref<320x128xf32, #tpu.memory_space<vmem>>, vector<1x16xf32>,
      %get3A_181 = vector.shape_cast %get3A_180 : vector<1x16xf32> to vector<16xf32>
      %add3A_182 = arith.addf %add3A_175, %get3A_181 : vector<16xf32>
      %swap3A = arith.index_cast %add3A_114 : i32 to index
      %swap3A_183 = arith.constant 0 : index
      %swap3A_184 = tpu.vector_load %arg15[%swap3A, %swap3A_183] {strides = array<i32>} : memref<32x128xf32, #tpu.memory_space<vmem>>, vector<1x16xf32>,
      %swap3A_185 = vector.shape_cast %swap3A_184 : vector<1x16xf32> to vector<16xf32>
      %swap3A_186 = vector.shape_cast %add3A_182 : vector<16xf32> to vector<1x16xf32>
      tpu.vector_store %arg15[%swap3A, %swap3A_183], %swap3A_186 {strides = array<i32>} : memref<32x128xf32, #tpu.memory_space<vmem>>, vector<1x16xf32>,
      %get3A_187 = arith.index_cast %mul3A_116 : i32 to index
      %get3A_188 = arith.constant 16 : index
      %get3A_189 = tpu.vector_load %arg14[%get3A_187, %get3A_188] {strides = array<i32>} : memref<320x128xf32, #tpu.memory_space<vmem>>, vector<1x16xf32>,
      %get3A_190 = vector.shape_cast %get3A_189 : vector<1x16xf32> to vector<16xf32>
      %add3A_191 = arith.constant 1 : i32
      %add3A_192 = arith.addi %mul3A_116, %add3A_191 : i32
      %get3A_193 = arith.index_cast %add3A_192 : i32 to index
      %get3A_194 = arith.constant 16 : index
      %get3A_195 = tpu.vector_load %arg14[%get3A_193, %get3A_194] {strides = array<i32>} : memref<320x128xf32, #tpu.memory_space<vmem>>, vector<1x16xf32>,
      %get3A_196 = vector.shape_cast %get3A_195 : vector<1x16xf32> to vector<16xf32>
      %add3A_197 = arith.addf %get3A_190, %get3A_196 : vector<16xf32>
      %add3A_198 = arith.constant 2 : i32
      %add3A_199 = arith.addi %mul3A_116, %add3A_198 : i32
      %get3A_200 = arith.index_cast %add3A_199 : i32 to index
      %get3A_201 = arith.constant 16 : index
      %get3A_202 = tpu.vector_load %arg14[%get3A_200, %get3A_201] {strides = array<i32>} : memref<320x128xf32, #tpu.memory_space<vmem>>, vector<1x16xf32>,
      %get3A_203 = vector.shape_cast %get3A_202 : vector<1x16xf32> to vector<16xf32>
      %add3A_204 = arith.addf %add3A_197, %get3A_203 : vector<16xf32>
      %add3A_205 = arith.constant 3 : i32
      %add3A_206 = arith.addi %mul3A_116, %add3A_205 : i32
      %get3A_207 = arith.index_cast %add3A_206 : i32 to index
      %get3A_208 = arith.constant 16 : index
      %get3A_209 = tpu.vector_load %arg14[%get3A_207, %get3A_208] {strides = array<i32>} : memref<320x128xf32, #tpu.memory_space<vmem>>, vector<1x16xf32>,
      %get3A_210 = vector.shape_cast %get3A_209 : vector<1x16xf32> to vector<16xf32>
      %add3A_211 = arith.addf %add3A_204, %get3A_210 : vector<16xf32>
      %add3A_212 = arith.constant 4 : i32
      %add3A_213 = arith.addi %mul3A_116, %add3A_212 : i32
      %get3A_214 = arith.index_cast %add3A_213 : i32 to index
      %get3A_215 = arith.constant 16 : index
      %get3A_216 = tpu.vector_load %arg14[%get3A_214, %get3A_215] {strides = array<i32>} : memref<320x128xf32, #tpu.memory_space<vmem>>, vector<1x16xf32>,
      %get3A_217 = vector.shape_cast %get3A_216 : vector<1x16xf32> to vector<16xf32>
      %add3A_218 = arith.addf %add3A_211, %get3A_217 : vector<16xf32>
      %add3A_219 = arith.constant 5 : i32
      %add3A_220 = arith.addi %mul3A_116, %add3A_219 : i32
      %get3A_221 = arith.index_cast %add3A_220 : i32 to index
      %get3A_222 = arith.constant 16 : index
      %get3A_223 = tpu.vector_load %arg14[%get3A_221, %get3A_222] {strides = array<i32>} : memref<320x128xf32, #tpu.memory_space<vmem>>, vector<1x16xf32>,
      %get3A_224 = vector.shape_cast %get3A_223 : vector<1x16xf32> to vector<16xf32>
      %add3A_225 = arith.addf %add3A_218, %get3A_224 : vector<16xf32>
      %add3A_226 = arith.constant 6 : i32
      %add3A_227 = arith.addi %mul3A_116, %add3A_226 : i32
      %get3A_228 = arith.index_cast %add3A_227 : i32 to index
      %get3A_229 = arith.constant 16 : index
      %get3A_230 = tpu.vector_load %arg14[%get3A_228, %get3A_229] {strides = array<i32>} : memref<320x128xf32, #tpu.memory_space<vmem>>, vector<1x16xf32>,
      %get3A_231 = vector.shape_cast %get3A_230 : vector<1x16xf32> to vector<16xf32>
      %add3A_232 = arith.addf %add3A_225, %get3A_231 : vector<16xf32>
      %add3A_233 = arith.constant 7 : i32
      %add3A_234 = arith.addi %mul3A_116, %add3A_233 : i32
      %get3A_235 = arith.index_cast %add3A_234 : i32 to index
      %get3A_236 = arith.constant 16 : index
      %get3A_237 = tpu.vector_load %arg14[%get3A_235, %get3A_236] {strides = array<i32>} : memref<320x128xf32, #tpu.memory_space<vmem>>, vector<1x16xf32>,
      %get3A_238 = vector.shape_cast %get3A_237 : vector<1x16xf32> to vector<16xf32>
      %add3A_239 = arith.addf %add3A_232, %get3A_238 : vector<16xf32>
      %add3A_240 = arith.constant 8 : i32
      %add3A_241 = arith.addi %mul3A_116, %add3A_240 : i32
      %get3A_242 = arith.index_cast %add3A_241 : i32 to index
      %get3A_243 = arith.constant 16 : index
      %get3A_244 = tpu.vector_load %arg14[%get3A_242, %get3A_243] {strides = array<i32>} : memref<320x128xf32, #tpu.memory_space<vmem>>, vector<1x16xf32>,
      %get3A_245 = vector.shape_cast %get3A_244 : vector<1x16xf32> to vector<16xf32>
      %add3A_246 = arith.addf %add3A_239, %get3A_245 : vector<16xf32>
      %add3A_247 = arith.constant 9 : i32
      %add3A_248 = arith.addi %mul3A_116, %add3A_247 : i32
      %get3A_249 = arith.index_cast %add3A_248 : i32 to index
      %get3A_250 = arith.constant 16 : index
      %get3A_251 = tpu.vector_load %arg14[%get3A_249, %get3A_250] {strides = array<i32>} : memref<320x128xf32, #tpu.memory_space<vmem>>, vector<1x16xf32>,
      %get3A_252 = vector.shape_cast %get3A_251 : vector<1x16xf32> to vector<16xf32>
      %add3A_253 = arith.addf %add3A_246, %get3A_252 : vector<16xf32>
      %swap3A_254 = arith.index_cast %add3A_114 : i32 to index
      %swap3A_255 = arith.constant 16 : index
      %swap3A_256 = tpu.vector_load %arg15[%swap3A_254, %swap3A_255] {strides = array<i32>} : memref<32x128xf32, #tpu.memory_space<vmem>>, vector<1x16xf32>,
      %swap3A_257 = vector.shape_cast %swap3A_256 : vector<1x16xf32> to vector<16xf32>
      %swap3A_258 = vector.shape_cast %add3A_253 : vector<16xf32> to vector<1x16xf32>
      tpu.vector_store %arg15[%swap3A_254, %swap3A_255], %swap3A_258 {strides = array<i32>} : memref<32x128xf32, #tpu.memory_space<vmem>>, vector<1x16xf32>,
      %get3A_259 = arith.index_cast %mul3A_116 : i32 to index
      %get3A_260 = arith.constant 32 : index
      %get3A_261 = tpu.vector_load %arg14[%get3A_259, %get3A_260] {strides = array<i32>} : memref<320x128xf32, #tpu.memory_space<vmem>>, vector<1x16xf32>,
      %get3A_262 = vector.shape_cast %get3A_261 : vector<1x16xf32> to vector<16xf32>
      %add3A_263 = arith.constant 1 : i32
      %add3A_264 = arith.addi %mul3A_116, %add3A_263 : i32
      %get3A_265 = arith.index_cast %add3A_264 : i32 to index
      %get3A_266 = arith.constant 32 : index
      %get3A_267 = tpu.vector_load %arg14[%get3A_265, %get3A_266] {strides = array<i32>} : memref<320x128xf32, #tpu.memory_space<vmem>>, vector<1x16xf32>,
      %get3A_268 = vector.shape_cast %get3A_267 : vector<1x16xf32> to vector<16xf32>
      %add3A_269 = arith.addf %get3A_262, %get3A_268 : vector<16xf32>
      %add3A_270 = arith.constant 2 : i32
      %add3A_271 = arith.addi %mul3A_116, %add3A_270 : i32
      %get3A_272 = arith.index_cast %add3A_271 : i32 to index
      %get3A_273 = arith.constant 32 : index
      %get3A_274 = tpu.vector_load %arg14[%get3A_272, %get3A_273] {strides = array<i32>} : memref<320x128xf32, #tpu.memory_space<vmem>>, vector<1x16xf32>,
      %get3A_275 = vector.shape_cast %get3A_274 : vector<1x16xf32> to vector<16xf32>
      %add3A_276 = arith.addf %add3A_269, %get3A_275 : vector<16xf32>
      %add3A_277 = arith.constant 3 : i32
      %add3A_278 = arith.addi %mul3A_116, %add3A_277 : i32
      %get3A_279 = arith.index_cast %add3A_278 : i32 to index
      %get3A_280 = arith.constant 32 : index
      %get3A_281 = tpu.vector_load %arg14[%get3A_279, %get3A_280] {strides = array<i32>} : memref<320x128xf32, #tpu.memory_space<vmem>>, vector<1x16xf32>,
      %get3A_282 = vector.shape_cast %get3A_281 : vector<1x16xf32> to vector<16xf32>
      %add3A_283 = arith.addf %add3A_276, %get3A_282 : vector<16xf32>
      %add3A_284 = arith.constant 4 : i32
      %add3A_285 = arith.addi %mul3A_116, %add3A_284 : i32
      %get3A_286 = arith.index_cast %add3A_285 : i32 to index
      %get3A_287 = arith.constant 32 : index
      %get3A_288 = tpu.vector_load %arg14[%get3A_286, %get3A_287] {strides = array<i32>} : memref<320x128xf32, #tpu.memory_space<vmem>>, vector<1x16xf32>,
      %get3A_289 = vector.shape_cast %get3A_288 : vector<1x16xf32> to vector<16xf32>
      %add3A_290 = arith.addf %add3A_283, %get3A_289 : vector<16xf32>
      %add3A_291 = arith.constant 5 : i32
      %add3A_292 = arith.addi %mul3A_116, %add3A_291 : i32
      %get3A_293 = arith.index_cast %add3A_292 : i32 to index
      %get3A_294 = arith.constant 32 : index
      %get3A_295 = tpu.vector_load %arg14[%get3A_293, %get3A_294] {strides = array<i32>} : memref<320x128xf32, #tpu.memory_space<vmem>>, vector<1x16xf32>,
      %get3A_296 = vector.shape_cast %get3A_295 : vector<1x16xf32> to vector<16xf32>
      %add3A_297 = arith.addf %add3A_290, %get3A_296 : vector<16xf32>
      %add3A_298 = arith.constant 6 : i32
      %add3A_299 = arith.addi %mul3A_116, %add3A_298 : i32
      %get3A_300 = arith.index_cast %add3A_299 : i32 to index
      %get3A_301 = arith.constant 32 : index
      %get3A_302 = tpu.vector_load %arg14[%get3A_300, %get3A_301] {strides = array<i32>} : memref<320x128xf32, #tpu.memory_space<vmem>>, vector<1x16xf32>,
      %get3A_303 = vector.shape_cast %get3A_302 : vector<1x16xf32> to vector<16xf32>
      %add3A_304 = arith.addf %add3A_297, %get3A_303 : vector<16xf32>
      %add3A_305 = arith.constant 7 : i32
      %add3A_306 = arith.addi %mul3A_116, %add3A_305 : i32
      %get3A_307 = arith.index_cast %add3A_306 : i32 to index
      %get3A_308 = arith.constant 32 : index
      %get3A_309 = tpu.vector_load %arg14[%get3A_307, %get3A_308] {strides = array<i32>} : memref<320x128xf32, #tpu.memory_space<vmem>>, vector<1x16xf32>,
      %get3A_310 = vector.shape_cast %get3A_309 : vector<1x16xf32> to vector<16xf32>
      %add3A_311 = arith.addf %add3A_304, %get3A_310 : vector<16xf32>
      %add3A_312 = arith.constant 8 : i32
      %add3A_313 = arith.addi %mul3A_116, %add3A_312 : i32
      %get3A_314 = arith.index_cast %add3A_313 : i32 to index
      %get3A_315 = arith.constant 32 : index
      %get3A_316 = tpu.vector_load %arg14[%get3A_314, %get3A_315] {strides = array<i32>} : memref<320x128xf32, #tpu.memory_space<vmem>>, vector<1x16xf32>,
      %get3A_317 = vector.shape_cast %get3A_316 : vector<1x16xf32> to vector<16xf32>
      %add3A_318 = arith.addf %add3A_311, %get3A_317 : vector<16xf32>
      %add3A_319 = arith.constant 9 : i32
      %add3A_320 = arith.addi %mul3A_116, %add3A_319 : i32
      %get3A_321 = arith.index_cast %add3A_320 : i32 to index
      %get3A_322 = arith.constant 32 : index
      %get3A_323 = tpu.vector_load %arg14[%get3A_321, %get3A_322] {strides = array<i32>} : memref<320x128xf32, #tpu.memory_space<vmem>>, vector<1x16xf32>,
      %get3A_324 = vector.shape_cast %get3A_323 : vector<1x16xf32> to vector<16xf32>
      %add3A_325 = arith.addf %add3A_318, %get3A_324 : vector<16xf32>
      %swap3A_326 = arith.index_cast %add3A_114 : i32 to index
      %swap3A_327 = arith.constant 32 : index
      %swap3A_328 = tpu.vector_load %arg15[%swap3A_326, %swap3A_327] {strides = array<i32>} : memref<32x128xf32, #tpu.memory_space<vmem>>, vector<1x16xf32>,
      %swap3A_329 = vector.shape_cast %swap3A_328 : vector<1x16xf32> to vector<16xf32>
      %swap3A_330 = vector.shape_cast %add3A_325 : vector<16xf32> to vector<1x16xf32>
      tpu.vector_store %arg15[%swap3A_326, %swap3A_327], %swap3A_330 {strides = array<i32>} : memref<32x128xf32, #tpu.memory_space<vmem>>, vector<1x16xf32>,
      %get3A_331 = arith.index_cast %mul3A_116 : i32 to index
      %get3A_332 = arith.constant 48 : index
      %get3A_333 = tpu.vector_load %arg14[%get3A_331, %get3A_332] {strides = array<i32>} : memref<320x128xf32, #tpu.memory_space<vmem>>, vector<1x16xf32>,
      %get3A_334 = vector.shape_cast %get3A_333 : vector<1x16xf32> to vector<16xf32>
      %add3A_335 = arith.constant 1 : i32
      %add3A_336 = arith.addi %mul3A_116, %add3A_335 : i32
      %get3A_337 = arith.index_cast %add3A_336 : i32 to index
      %get3A_338 = arith.constant 48 : index
      %get3A_339 = tpu.vector_load %arg14[%get3A_337, %get3A_338] {strides = array<i32>} : memref<320x128xf32, #tpu.memory_space<vmem>>, vector<1x16xf32>,
      %get3A_340 = vector.shape_cast %get3A_339 : vector<1x16xf32> to vector<16xf32>
      %add3A_341 = arith.addf %get3A_334, %get3A_340 : vector<16xf32>
      %add3A_342 = arith.constant 2 : i32
      %add3A_343 = arith.addi %mul3A_116, %add3A_342 : i32
      %get3A_344 = arith.index_cast %add3A_343 : i32 to index
      %get3A_345 = arith.constant 48 : index
      %get3A_346 = tpu.vector_load %arg14[%get3A_344, %get3A_345] {strides = array<i32>} : memref<320x128xf32, #tpu.memory_space<vmem>>, vector<1x16xf32>,
      %get3A_347 = vector.shape_cast %get3A_346 : vector<1x16xf32> to vector<16xf32>
      %add3A_348 = arith.addf %add3A_341, %get3A_347 : vector<16xf32>
      %add3A_349 = arith.constant 3 : i32
      %add3A_350 = arith.addi %mul3A_116, %add3A_349 : i32
      %get3A_351 = arith.index_cast %add3A_350 : i32 to index
      %get3A_352 = arith.constant 48 : index
      %get3A_353 = tpu.vector_load %arg14[%get3A_351, %get3A_352] {strides = array<i32>} : memref<320x128xf32, #tpu.memory_space<vmem>>, vector<1x16xf32>,
      %get3A_354 = vector.shape_cast %get3A_353 : vector<1x16xf32> to vector<16xf32>
      %add3A_355 = arith.addf %add3A_348, %get3A_354 : vector<16xf32>
      %add3A_356 = arith.constant 4 : i32
      %add3A_357 = arith.addi %mul3A_116, %add3A_356 : i32
      %get3A_358 = arith.index_cast %add3A_357 : i32 to index
      %get3A_359 = arith.constant 48 : index
      %get3A_360 = tpu.vector_load %arg14[%get3A_358, %get3A_359] {strides = array<i32>} : memref<320x128xf32, #tpu.memory_space<vmem>>, vector<1x16xf32>,
      %get3A_361 = vector.shape_cast %get3A_360 : vector<1x16xf32> to vector<16xf32>
      %add3A_362 = arith.addf %add3A_355, %get3A_361 : vector<16xf32>
      %add3A_363 = arith.constant 5 : i32
      %add3A_364 = arith.addi %mul3A_116, %add3A_363 : i32
      %get3A_365 = arith.index_cast %add3A_364 : i32 to index
      %get3A_366 = arith.constant 48 : index
      %get3A_367 = tpu.vector_load %arg14[%get3A_365, %get3A_366] {strides = array<i32>} : memref<320x128xf32, #tpu.memory_space<vmem>>, vector<1x16xf32>,
      %get3A_368 = vector.shape_cast %get3A_367 : vector<1x16xf32> to vector<16xf32>
      %add3A_369 = arith.addf %add3A_362, %get3A_368 : vector<16xf32>
      %add3A_370 = arith.constant 6 : i32
      %add3A_371 = arith.addi %mul3A_116, %add3A_370 : i32
      %get3A_372 = arith.index_cast %add3A_371 : i32 to index
      %get3A_373 = arith.constant 48 : index
      %get3A_374 = tpu.vector_load %arg14[%get3A_372, %get3A_373] {strides = array<i32>} : memref<320x128xf32, #tpu.memory_space<vmem>>, vector<1x16xf32>,
      %get3A_375 = vector.shape_cast %get3A_374 : vector<1x16xf32> to vector<16xf32>
      %add3A_376 = arith.addf %add3A_369, %get3A_375 : vector<16xf32>
      %add3A_377 = arith.constant 7 : i32
      %add3A_378 = arith.addi %mul3A_116, %add3A_377 : i32
      %get3A_379 = arith.index_cast %add3A_378 : i32 to index
      %get3A_380 = arith.constant 48 : index
      %get3A_381 = tpu.vector_load %arg14[%get3A_379, %get3A_380] {strides = array<i32>} : memref<320x128xf32, #tpu.memory_space<vmem>>, vector<1x16xf32>,
      %get3A_382 = vector.shape_cast %get3A_381 : vector<1x16xf32> to vector<16xf32>
      %add3A_383 = arith.addf %add3A_376, %get3A_382 : vector<16xf32>
      %add3A_384 = arith.constant 8 : i32
      %add3A_385 = arith.addi %mul3A_116, %add3A_384 : i32
      %get3A_386 = arith.index_cast %add3A_385 : i32 to index
      %get3A_387 = arith.constant 48 : index
      %get3A_388 = tpu.vector_load %arg14[%get3A_386, %get3A_387] {strides = array<i32>} : memref<320x128xf32, #tpu.memory_space<vmem>>, vector<1x16xf32>,
      %get3A_389 = vector.shape_cast %get3A_388 : vector<1x16xf32> to vector<16xf32>
      %add3A_390 = arith.addf %add3A_383, %get3A_389 : vector<16xf32>
      %add3A_391 = arith.constant 9 : i32
      %add3A_392 = arith.addi %mul3A_116, %add3A_391 : i32
      %get3A_393 = arith.index_cast %add3A_392 : i32 to index
      %get3A_394 = arith.constant 48 : index
      %get3A_395 = tpu.vector_load %arg14[%get3A_393, %get3A_394] {strides = array<i32>} : memref<320x128xf32, #tpu.memory_space<vmem>>, vector<1x16xf32>,
      %get3A_396 = vector.shape_cast %get3A_395 : vector<1x16xf32> to vector<16xf32>
      %add3A_397 = arith.addf %add3A_390, %get3A_396 : vector<16xf32>
      %swap3A_398 = arith.index_cast %add3A_114 : i32 to index
      %swap3A_399 = arith.constant 48 : index
      %swap3A_400 = tpu.vector_load %arg15[%swap3A_398, %swap3A_399] {strides = array<i32>} : memref<32x128xf32, #tpu.memory_space<vmem>>, vector<1x16xf32>,
      %swap3A_401 = vector.shape_cast %swap3A_400 : vector<1x16xf32> to vector<16xf32>
      %swap3A_402 = vector.shape_cast %add3A_397 : vector<16xf32> to vector<1x16xf32>
      tpu.vector_store %arg15[%swap3A_398, %swap3A_399], %swap3A_402 {strides = array<i32>} : memref<32x128xf32, #tpu.memory_space<vmem>>, vector<1x16xf32>,
      %get3A_403 = arith.index_cast %mul3A_116 : i32 to index
      %get3A_404 = arith.constant 64 : index
      %get3A_405 = tpu.vector_load %arg14[%get3A_403, %get3A_404] {strides = array<i32>} : memref<320x128xf32, #tpu.memory_space<vmem>>, vector<1x16xf32>,
      %get3A_406 = vector.shape_cast %get3A_405 : vector<1x16xf32> to vector<16xf32>
      %add3A_407 = arith.constant 1 : i32
      %add3A_408 = arith.addi %mul3A_116, %add3A_407 : i32
      %get3A_409 = arith.index_cast %add3A_408 : i32 to index
      %get3A_410 = arith.constant 64 : index
      %get3A_411 = tpu.vector_load %arg14[%get3A_409, %get3A_410] {strides = array<i32>} : memref<320x128xf32, #tpu.memory_space<vmem>>, vector<1x16xf32>,
      %get3A_412 = vector.shape_cast %get3A_411 : vector<1x16xf32> to vector<16xf32>
      %add3A_413 = arith.addf %get3A_406, %get3A_412 : vector<16xf32>
      %add3A_414 = arith.constant 2 : i32
      %add3A_415 = arith.addi %mul3A_116, %add3A_414 : i32
      %get3A_416 = arith.index_cast %add3A_415 : i32 to index
      %get3A_417 = arith.constant 64 : index
      %get3A_418 = tpu.vector_load %arg14[%get3A_416, %get3A_417] {strides = array<i32>} : memref<320x128xf32, #tpu.memory_space<vmem>>, vector<1x16xf32>,
      %get3A_419 = vector.shape_cast %get3A_418 : vector<1x16xf32> to vector<16xf32>
      %add3A_420 = arith.addf %add3A_413, %get3A_419 : vector<16xf32>
      %add3A_421 = arith.constant 3 : i32
      %add3A_422 = arith.addi %mul3A_116, %add3A_421 : i32
      %get3A_423 = arith.index_cast %add3A_422 : i32 to index
      %get3A_424 = arith.constant 64 : index
      %get3A_425 = tpu.vector_load %arg14[%get3A_423, %get3A_424] {strides = array<i32>} : memref<320x128xf32, #tpu.memory_space<vmem>>, vector<1x16xf32>,
      %get3A_426 = vector.shape_cast %get3A_425 : vector<1x16xf32> to vector<16xf32>
      %add3A_427 = arith.addf %add3A_420, %get3A_426 : vector<16xf32>
      %add3A_428 = arith.constant 4 : i32
      %add3A_429 = arith.addi %mul3A_116, %add3A_428 : i32
      %get3A_430 = arith.index_cast %add3A_429 : i32 to index
      %get3A_431 = arith.constant 64 : index
      %get3A_432 = tpu.vector_load %arg14[%get3A_430, %get3A_431] {strides = array<i32>} : memref<320x128xf32, #tpu.memory_space<vmem>>, vector<1x16xf32>,
      %get3A_433 = vector.shape_cast %get3A_432 : vector<1x16xf32> to vector<16xf32>
      %add3A_434 = arith.addf %add3A_427, %get3A_433 : vector<16xf32>
      %add3A_435 = arith.constant 5 : i32
      %add3A_436 = arith.addi %mul3A_116, %add3A_435 : i32
      %get3A_437 = arith.index_cast %add3A_436 : i32 to index
      %get3A_438 = arith.constant 64 : index
      %get3A_439 = tpu.vector_load %arg14[%get3A_437, %get3A_438] {strides = array<i32>} : memref<320x128xf32, #tpu.memory_space<vmem>>, vector<1x16xf32>,
      %get3A_440 = vector.shape_cast %get3A_439 : vector<1x16xf32> to vector<16xf32>
      %add3A_441 = arith.addf %add3A_434, %get3A_440 : vector<16xf32>
      %add3A_442 = arith.constant 6 : i32
      %add3A_443 = arith.addi %mul3A_116, %add3A_442 : i32
      %get3A_444 = arith.index_cast %add3A_443 : i32 to index
      %get3A_445 = arith.constant 64 : index
      %get3A_446 = tpu.vector_load %arg14[%get3A_444, %get3A_445] {strides = array<i32>} : memref<320x128xf32, #tpu.memory_space<vmem>>, vector<1x16xf32>,
      %get3A_447 = vector.shape_cast %get3A_446 : vector<1x16xf32> to vector<16xf32>
      %add3A_448 = arith.addf %add3A_441, %get3A_447 : vector<16xf32>
      %add3A_449 = arith.constant 7 : i32
      %add3A_450 = arith.addi %mul3A_116, %add3A_449 : i32
      %get3A_451 = arith.index_cast %add3A_450 : i32 to index
      %get3A_452 = arith.constant 64 : index
      %get3A_453 = tpu.vector_load %arg14[%get3A_451, %get3A_452] {strides = array<i32>} : memref<320x128xf32, #tpu.memory_space<vmem>>, vector<1x16xf32>,
      %get3A_454 = vector.shape_cast %get3A_453 : vector<1x16xf32> to vector<16xf32>
      %add3A_455 = arith.addf %add3A_448, %get3A_454 : vector<16xf32>
      %add3A_456 = arith.constant 8 : i32
      %add3A_457 = arith.addi %mul3A_116, %add3A_456 : i32
      %get3A_458 = arith.index_cast %add3A_457 : i32 to index
      %get3A_459 = arith.constant 64 : index
      %get3A_460 = tpu.vector_load %arg14[%get3A_458, %get3A_459] {strides = array<i32>} : memref<320x128xf32, #tpu.memory_space<vmem>>, vector<1x16xf32>,
      %get3A_461 = vector.shape_cast %get3A_460 : vector<1x16xf32> to vector<16xf32>
      %add3A_462 = arith.addf %add3A_455, %get3A_461 : vector<16xf32>
      %add3A_463 = arith.constant 9 : i32
      %add3A_464 = arith.addi %mul3A_116, %add3A_463 : i32
      %get3A_465 = arith.index_cast %add3A_464 : i32 to index
      %get3A_466 = arith.constant 64 : index
      %get3A_467 = tpu.vector_load %arg14[%get3A_465, %get3A_466] {strides = array<i32>} : memref<320x128xf32, #tpu.memory_space<vmem>>, vector<1x16xf32>,
      %get3A_468 = vector.shape_cast %get3A_467 : vector<1x16xf32> to vector<16xf32>
      %add3A_469 = arith.addf %add3A_462, %get3A_468 : vector<16xf32>
      %swap3A_470 = arith.index_cast %add3A_114 : i32 to index
      %swap3A_471 = arith.constant 64 : index
      %swap3A_472 = tpu.vector_load %arg15[%swap3A_470, %swap3A_471] {strides = array<i32>} : memref<32x128xf32, #tpu.memory_space<vmem>>, vector<1x16xf32>,
      %swap3A_473 = vector.shape_cast %swap3A_472 : vector<1x16xf32> to vector<16xf32>
      %swap3A_474 = vector.shape_cast %add3A_469 : vector<16xf32> to vector<1x16xf32>
      tpu.vector_store %arg15[%swap3A_470, %swap3A_471], %swap3A_474 {strides = array<i32>} : memref<32x128xf32, #tpu.memory_space<vmem>>, vector<1x16xf32>,
      %get3A_475 = arith.index_cast %mul3A_116 : i32 to index
      %get3A_476 = arith.constant 80 : index
      %get3A_477 = tpu.vector_load %arg14[%get3A_475, %get3A_476] {strides = array<i32>} : memref<320x128xf32, #tpu.memory_space<vmem>>, vector<1x16xf32>,
      %get3A_478 = vector.shape_cast %get3A_477 : vector<1x16xf32> to vector<16xf32>
      %add3A_479 = arith.constant 1 : i32
      %add3A_480 = arith.addi %mul3A_116, %add3A_479 : i32
      %get3A_481 = arith.index_cast %add3A_480 : i32 to index
      %get3A_482 = arith.constant 80 : index
      %get3A_483 = tpu.vector_load %arg14[%get3A_481, %get3A_482] {strides = array<i32>} : memref<320x128xf32, #tpu.memory_space<vmem>>, vector<1x16xf32>,
      %get3A_484 = vector.shape_cast %get3A_483 : vector<1x16xf32> to vector<16xf32>
      %add3A_485 = arith.addf %get3A_478, %get3A_484 : vector<16xf32>
      %add3A_486 = arith.constant 2 : i32
      %add3A_487 = arith.addi %mul3A_116, %add3A_486 : i32
      %get3A_488 = arith.index_cast %add3A_487 : i32 to index
      %get3A_489 = arith.constant 80 : index
      %get3A_490 = tpu.vector_load %arg14[%get3A_488, %get3A_489] {strides = array<i32>} : memref<320x128xf32, #tpu.memory_space<vmem>>, vector<1x16xf32>,
      %get3A_491 = vector.shape_cast %get3A_490 : vector<1x16xf32> to vector<16xf32>
      %add3A_492 = arith.addf %add3A_485, %get3A_491 : vector<16xf32>
      %add3A_493 = arith.constant 3 : i32
      %add3A_494 = arith.addi %mul3A_116, %add3A_493 : i32
      %get3A_495 = arith.index_cast %add3A_494 : i32 to index
      %get3A_496 = arith.constant 80 : index
      %get3A_497 = tpu.vector_load %arg14[%get3A_495, %get3A_496] {strides = array<i32>} : memref<320x128xf32, #tpu.memory_space<vmem>>, vector<1x16xf32>,
      %get3A_498 = vector.shape_cast %get3A_497 : vector<1x16xf32> to vector<16xf32>
      %add3A_499 = arith.addf %add3A_492, %get3A_498 : vector<16xf32>
      %add3A_500 = arith.constant 4 : i32
      %add3A_501 = arith.addi %mul3A_116, %add3A_500 : i32
      %get3A_502 = arith.index_cast %add3A_501 : i32 to index
      %get3A_503 = arith.constant 80 : index
      %get3A_504 = tpu.vector_load %arg14[%get3A_502, %get3A_503] {strides = array<i32>} : memref<320x128xf32, #tpu.memory_space<vmem>>, vector<1x16xf32>,
      %get3A_505 = vector.shape_cast %get3A_504 : vector<1x16xf32> to vector<16xf32>
      %add3A_506 = arith.addf %add3A_499, %get3A_505 : vector<16xf32>
      %add3A_507 = arith.constant 5 : i32
      %add3A_508 = arith.addi %mul3A_116, %add3A_507 : i32
      %get3A_509 = arith.index_cast %add3A_508 : i32 to index
      %get3A_510 = arith.constant 80 : index
      %get3A_511 = tpu.vector_load %arg14[%get3A_509, %get3A_510] {strides = array<i32>} : memref<320x128xf32, #tpu.memory_space<vmem>>, vector<1x16xf32>,
      %get3A_512 = vector.shape_cast %get3A_511 : vector<1x16xf32> to vector<16xf32>
      %add3A_513 = arith.addf %add3A_506, %get3A_512 : vector<16xf32>
      %add3A_514 = arith.constant 6 : i32
      %add3A_515 = arith.addi %mul3A_116, %add3A_514 : i32
      %get3A_516 = arith.index_cast %add3A_515 : i32 to index
      %get3A_517 = arith.constant 80 : index
      %get3A_518 = tpu.vector_load %arg14[%get3A_516, %get3A_517] {strides = array<i32>} : memref<320x128xf32, #tpu.memory_space<vmem>>, vector<1x16xf32>,
      %get3A_519 = vector.shape_cast %get3A_518 : vector<1x16xf32> to vector<16xf32>
      %add3A_520 = arith.addf %add3A_513, %get3A_519 : vector<16xf32>
      %add3A_521 = arith.constant 7 : i32
      %add3A_522 = arith.addi %mul3A_116, %add3A_521 : i32
      %get3A_523 = arith.index_cast %add3A_522 : i32 to index
      %get3A_524 = arith.constant 80 : index
      %get3A_525 = tpu.vector_load %arg14[%get3A_523, %get3A_524] {strides = array<i32>} : memref<320x128xf32, #tpu.memory_space<vmem>>, vector<1x16xf32>,
      %get3A_526 = vector.shape_cast %get3A_525 : vector<1x16xf32> to vector<16xf32>
      %add3A_527 = arith.addf %add3A_520, %get3A_526 : vector<16xf32>
      %add3A_528 = arith.constant 8 : i32
      %add3A_529 = arith.addi %mul3A_116, %add3A_528 : i32
      %get3A_530 = arith.index_cast %add3A_529 : i32 to index
      %get3A_531 = arith.constant 80 : index
      %get3A_532 = tpu.vector_load %arg14[%get3A_530, %get3A_531] {strides = array<i32>} : memref<320x128xf32, #tpu.memory_space<vmem>>, vector<1x16xf32>,
      %get3A_533 = vector.shape_cast %get3A_532 : vector<1x16xf32> to vector<16xf32>
      %add3A_534 = arith.addf %add3A_527, %get3A_533 : vector<16xf32>
      %add3A_535 = arith.constant 9 : i32
      %add3A_536 = arith.addi %mul3A_116, %add3A_535 : i32
      %get3A_537 = arith.index_cast %add3A_536 : i32 to index
      %get3A_538 = arith.constant 80 : index
      %get3A_539 = tpu.vector_load %arg14[%get3A_537, %get3A_538] {strides = array<i32>} : memref<320x128xf32, #tpu.memory_space<vmem>>, vector<1x16xf32>,
      %get3A_540 = vector.shape_cast %get3A_539 : vector<1x16xf32> to vector<16xf32>
      %add3A_541 = arith.addf %add3A_534, %get3A_540 : vector<16xf32>
      %swap3A_542 = arith.index_cast %add3A_114 : i32 to index
      %swap3A_543 = arith.constant 80 : index
      %swap3A_544 = tpu.vector_load %arg15[%swap3A_542, %swap3A_543] {strides = array<i32>} : memref<32x128xf32, #tpu.memory_space<vmem>>, vector<1x16xf32>,
      %swap3A_545 = vector.shape_cast %swap3A_544 : vector<1x16xf32> to vector<16xf32>
      %swap3A_546 = vector.shape_cast %add3A_541 : vector<16xf32> to vector<1x16xf32>
      tpu.vector_store %arg15[%swap3A_542, %swap3A_543], %swap3A_546 {strides = array<i32>} : memref<32x128xf32, #tpu.memory_space<vmem>>, vector<1x16xf32>,
      %get3A_547 = arith.index_cast %mul3A_116 : i32 to index
      %get3A_548 = arith.constant 96 : index
      %get3A_549 = tpu.vector_load %arg14[%get3A_547, %get3A_548] {strides = array<i32>} : memref<320x128xf32, #tpu.memory_space<vmem>>, vector<1x16xf32>,
      %get3A_550 = vector.shape_cast %get3A_549 : vector<1x16xf32> to vector<16xf32>
      %add3A_551 = arith.constant 1 : i32
      %add3A_552 = arith.addi %mul3A_116, %add3A_551 : i32
      %get3A_553 = arith.index_cast %add3A_552 : i32 to index
      %get3A_554 = arith.constant 96 : index
      %get3A_555 = tpu.vector_load %arg14[%get3A_553, %get3A_554] {strides = array<i32>} : memref<320x128xf32, #tpu.memory_space<vmem>>, vector<1x16xf32>,
      %get3A_556 = vector.shape_cast %get3A_555 : vector<1x16xf32> to vector<16xf32>
      %add3A_557 = arith.addf %get3A_550, %get3A_556 : vector<16xf32>
      %add3A_558 = arith.constant 2 : i32
      %add3A_559 = arith.addi %mul3A_116, %add3A_558 : i32
      %get3A_560 = arith.index_cast %add3A_559 : i32 to index
      %get3A_561 = arith.constant 96 : index
      %get3A_562 = tpu.vector_load %arg14[%get3A_560, %get3A_561] {strides = array<i32>} : memref<320x128xf32, #tpu.memory_space<vmem>>, vector<1x16xf32>,
      %get3A_563 = vector.shape_cast %get3A_562 : vector<1x16xf32> to vector<16xf32>
      %add3A_564 = arith.addf %add3A_557, %get3A_563 : vector<16xf32>
      %add3A_565 = arith.constant 3 : i32
      %add3A_566 = arith.addi %mul3A_116, %add3A_565 : i32
      %get3A_567 = arith.index_cast %add3A_566 : i32 to index
      %get3A_568 = arith.constant 96 : index
      %get3A_569 = tpu.vector_load %arg14[%get3A_567, %get3A_568] {strides = array<i32>} : memref<320x128xf32, #tpu.memory_space<vmem>>, vector<1x16xf32>,
      %get3A_570 = vector.shape_cast %get3A_569 : vector<1x16xf32> to vector<16xf32>
      %add3A_571 = arith.addf %add3A_564, %get3A_570 : vector<16xf32>
      %add3A_572 = arith.constant 4 : i32
      %add3A_573 = arith.addi %mul3A_116, %add3A_572 : i32
      %get3A_574 = arith.index_cast %add3A_573 : i32 to index
      %get3A_575 = arith.constant 96 : index
      %get3A_576 = tpu.vector_load %arg14[%get3A_574, %get3A_575] {strides = array<i32>} : memref<320x128xf32, #tpu.memory_space<vmem>>, vector<1x16xf32>,
      %get3A_577 = vector.shape_cast %get3A_576 : vector<1x16xf32> to vector<16xf32>
      %add3A_578 = arith.addf %add3A_571, %get3A_577 : vector<16xf32>
      %add3A_579 = arith.constant 5 : i32
      %add3A_580 = arith.addi %mul3A_116, %add3A_579 : i32
      %get3A_581 = arith.index_cast %add3A_580 : i32 to index
      %get3A_582 = arith.constant 96 : index
      %get3A_583 = tpu.vector_load %arg14[%get3A_581, %get3A_582] {strides = array<i32>} : memref<320x128xf32, #tpu.memory_space<vmem>>, vector<1x16xf32>,
      %get3A_584 = vector.shape_cast %get3A_583 : vector<1x16xf32> to vector<16xf32>
      %add3A_585 = arith.addf %add3A_578, %get3A_584 : vector<16xf32>
      %add3A_586 = arith.constant 6 : i32
      %add3A_587 = arith.addi %mul3A_116, %add3A_586 : i32
      %get3A_588 = arith.index_cast %add3A_587 : i32 to index
      %get3A_589 = arith.constant 96 : index
      %get3A_590 = tpu.vector_load %arg14[%get3A_588, %get3A_589] {strides = array<i32>} : memref<320x128xf32, #tpu.memory_space<vmem>>, vector<1x16xf32>,
      %get3A_591 = vector.shape_cast %get3A_590 : vector<1x16xf32> to vector<16xf32>
      %add3A_592 = arith.addf %add3A_585, %get3A_591 : vector<16xf32>
      %add3A_593 = arith.constant 7 : i32
      %add3A_594 = arith.addi %mul3A_116, %add3A_593 : i32
      %get3A_595 = arith.index_cast %add3A_594 : i32 to index
      %get3A_596 = arith.constant 96 : index
      %get3A_597 = tpu.vector_load %arg14[%get3A_595, %get3A_596] {strides = array<i32>} : memref<320x128xf32, #tpu.memory_space<vmem>>, vector<1x16xf32>,
      %get3A_598 = vector.shape_cast %get3A_597 : vector<1x16xf32> to vector<16xf32>
      %add3A_599 = arith.addf %add3A_592, %get3A_598 : vector<16xf32>
      %add3A_600 = arith.constant 8 : i32
      %add3A_601 = arith.addi %mul3A_116, %add3A_600 : i32
      %get3A_602 = arith.index_cast %add3A_601 : i32 to index
      %get3A_603 = arith.constant 96 : index
      %get3A_604 = tpu.vector_load %arg14[%get3A_602, %get3A_603] {strides = array<i32>} : memref<320x128xf32, #tpu.memory_space<vmem>>, vector<1x16xf32>,
      %get3A_605 = vector.shape_cast %get3A_604 : vector<1x16xf32> to vector<16xf32>
      %add3A_606 = arith.addf %add3A_599, %get3A_605 : vector<16xf32>
      %add3A_607 = arith.constant 9 : i32
      %add3A_608 = arith.addi %mul3A_116, %add3A_607 : i32
      %get3A_609 = arith.index_cast %add3A_608 : i32 to index
      %get3A_610 = arith.constant 96 : index
      %get3A_611 = tpu.vector_load %arg14[%get3A_609, %get3A_610] {strides = array<i32>} : memref<320x128xf32, #tpu.memory_space<vmem>>, vector<1x16xf32>,
      %get3A_612 = vector.shape_cast %get3A_611 : vector<1x16xf32> to vector<16xf32>
      %add3A_613 = arith.addf %add3A_606, %get3A_612 : vector<16xf32>
      %swap3A_614 = arith.index_cast %add3A_114 : i32 to index
      %swap3A_615 = arith.constant 96 : index
      %swap3A_616 = tpu.vector_load %arg15[%swap3A_614, %swap3A_615] {strides = array<i32>} : memref<32x128xf32, #tpu.memory_space<vmem>>, vector<1x16xf32>,
      %swap3A_617 = vector.shape_cast %swap3A_616 : vector<1x16xf32> to vector<16xf32>
      %swap3A_618 = vector.shape_cast %add3A_613 : vector<16xf32> to vector<1x16xf32>
      tpu.vector_store %arg15[%swap3A_614, %swap3A_615], %swap3A_618 {strides = array<i32>} : memref<32x128xf32, #tpu.memory_space<vmem>>, vector<1x16xf32>,
      %get3A_619 = arith.index_cast %mul3A_116 : i32 to index
      %get3A_620 = arith.constant 112 : index
      %get3A_621 = tpu.vector_load %arg14[%get3A_619, %get3A_620] {strides = array<i32>} : memref<320x128xf32, #tpu.memory_space<vmem>>, vector<1x16xf32>,
      %get3A_622 = vector.shape_cast %get3A_621 : vector<1x16xf32> to vector<16xf32>
      %add3A_623 = arith.constant 1 : i32
      %add3A_624 = arith.addi %mul3A_116, %add3A_623 : i32
      %get3A_625 = arith.index_cast %add3A_624 : i32 to index
      %get3A_626 = arith.constant 112 : index
      %get3A_627 = tpu.vector_load %arg14[%get3A_625, %get3A_626] {strides = array<i32>} : memref<320x128xf32, #tpu.memory_space<vmem>>, vector<1x16xf32>,
      %get3A_628 = vector.shape_cast %get3A_627 : vector<1x16xf32> to vector<16xf32>
      %add3A_629 = arith.addf %get3A_622, %get3A_628 : vector<16xf32>
      %add3A_630 = arith.constant 2 : i32
      %add3A_631 = arith.addi %mul3A_116, %add3A_630 : i32
      %get3A_632 = arith.index_cast %add3A_631 : i32 to index
      %get3A_633 = arith.constant 112 : index
      %get3A_634 = tpu.vector_load %arg14[%get3A_632, %get3A_633] {strides = array<i32>} : memref<320x128xf32, #tpu.memory_space<vmem>>, vector<1x16xf32>,
      %get3A_635 = vector.shape_cast %get3A_634 : vector<1x16xf32> to vector<16xf32>
      %add3A_636 = arith.addf %add3A_629, %get3A_635 : vector<16xf32>
      %add3A_637 = arith.constant 3 : i32
      %add3A_638 = arith.addi %mul3A_116, %add3A_637 : i32
      %get3A_639 = arith.index_cast %add3A_638 : i32 to index
      %get3A_640 = arith.constant 112 : index
      %get3A_641 = tpu.vector_load %arg14[%get3A_639, %get3A_640] {strides = array<i32>} : memref<320x128xf32, #tpu.memory_space<vmem>>, vector<1x16xf32>,
      %get3A_642 = vector.shape_cast %get3A_641 : vector<1x16xf32> to vector<16xf32>
      %add3A_643 = arith.addf %add3A_636, %get3A_642 : vector<16xf32>
      %add3A_644 = arith.constant 4 : i32
      %add3A_645 = arith.addi %mul3A_116, %add3A_644 : i32
      %get3A_646 = arith.index_cast %add3A_645 : i32 to index
      %get3A_647 = arith.constant 112 : index
      %get3A_648 = tpu.vector_load %arg14[%get3A_646, %get3A_647] {strides = array<i32>} : memref<320x128xf32, #tpu.memory_space<vmem>>, vector<1x16xf32>,
      %get3A_649 = vector.shape_cast %get3A_648 : vector<1x16xf32> to vector<16xf32>
      %add3A_650 = arith.addf %add3A_643, %get3A_649 : vector<16xf32>
      %add3A_651 = arith.constant 5 : i32
      %add3A_652 = arith.addi %mul3A_116, %add3A_651 : i32
      %get3A_653 = arith.index_cast %add3A_652 : i32 to index
      %get3A_654 = arith.constant 112 : index
      %get3A_655 = tpu.vector_load %arg14[%get3A_653, %get3A_654] {strides = array<i32>} : memref<320x128xf32, #tpu.memory_space<vmem>>, vector<1x16xf32>,
      %get3A_656 = vector.shape_cast %get3A_655 : vector<1x16xf32> to vector<16xf32>
      %add3A_657 = arith.addf %add3A_650, %get3A_656 : vector<16xf32>
      %add3A_658 = arith.constant 6 : i32
      %add3A_659 = arith.addi %mul3A_116, %add3A_658 : i32
      %get3A_660 = arith.index_cast %add3A_659 : i32 to index
      %get3A_661 = arith.constant 112 : index
      %get3A_662 = tpu.vector_load %arg14[%get3A_660, %get3A_661] {strides = array<i32>} : memref<320x128xf32, #tpu.memory_space<vmem>>, vector<1x16xf32>,
      %get3A_663 = vector.shape_cast %get3A_662 : vector<1x16xf32> to vector<16xf32>
      %add3A_664 = arith.addf %add3A_657, %get3A_663 : vector<16xf32>
      %add3A_665 = arith.constant 7 : i32
      %add3A_666 = arith.addi %mul3A_116, %add3A_665 : i32
      %get3A_667 = arith.index_cast %add3A_666 : i32 to index
      %get3A_668 = arith.constant 112 : index
      %get3A_669 = tpu.vector_load %arg14[%get3A_667, %get3A_668] {strides = array<i32>} : memref<320x128xf32, #tpu.memory_space<vmem>>, vector<1x16xf32>,
      %get3A_670 = vector.shape_cast %get3A_669 : vector<1x16xf32> to vector<16xf32>
      %add3A_671 = arith.addf %add3A_664, %get3A_670 : vector<16xf32>
      %add3A_672 = arith.constant 8 : i32
      %add3A_673 = arith.addi %mul3A_116, %add3A_672 : i32
      %get3A_674 = arith.index_cast %add3A_673 : i32 to index
      %get3A_675 = arith.constant 112 : index
      %get3A_676 = tpu.vector_load %arg14[%get3A_674, %get3A_675] {strides = array<i32>} : memref<320x128xf32, #tpu.memory_space<vmem>>, vector<1x16xf32>,
      %get3A_677 = vector.shape_cast %get3A_676 : vector<1x16xf32> to vector<16xf32>
      %add3A_678 = arith.addf %add3A_671, %get3A_677 : vector<16xf32>
      %add3A_679 = arith.constant 9 : i32
      %add3A_680 = arith.addi %mul3A_116, %add3A_679 : i32
      %get3A_681 = arith.index_cast %add3A_680 : i32 to index
      %get3A_682 = arith.constant 112 : index
      %get3A_683 = tpu.vector_load %arg14[%get3A_681, %get3A_682] {strides = array<i32>} : memref<320x128xf32, #tpu.memory_space<vmem>>, vector<1x16xf32>,
      %get3A_684 = vector.shape_cast %get3A_683 : vector<1x16xf32> to vector<16xf32>
      %add3A_685 = arith.addf %add3A_678, %get3A_684 : vector<16xf32>
      %swap3A_686 = arith.index_cast %add3A_114 : i32 to index
      %swap3A_687 = arith.constant 112 : index
      %swap3A_688 = tpu.vector_load %arg15[%swap3A_686, %swap3A_687] {strides = array<i32>} : memref<32x128xf32, #tpu.memory_space<vmem>>, vector<1x16xf32>,
      %swap3A_689 = vector.shape_cast %swap3A_688 : vector<1x16xf32> to vector<16xf32>
      %swap3A_690 = vector.shape_cast %add3A_685 : vector<16xf32> to vector<1x16xf32>
      tpu.vector_store %arg15[%swap3A_686, %swap3A_687], %swap3A_690 {strides = array<i32>} : memref<32x128xf32, #tpu.memory_space<vmem>>, vector<1x16xf32>,
    }
    %scan3A_109 = arith.constant 32 : i32
    "tpu.region"() ({
      %run_scoped3A = tpu.sem_alloc : memref<!tpu.dma_semaphore, #tpu.memory_space<semaphore_mem>>
      %dma_start3A_110 = arith.constant 0 : i32
      %dma_start3A_111 = tpu.memref_slice %arg6[%multiple_of3A_104, %dma_start3A_110] : memref<50000x128xf32, #tpu.memory_space<hbm>> -> memref<32x128xf32, #tpu.memory_space<hbm>>
      %dma_start3A_112 = arith.constant 0 : i32
      %dma_start3A_113 = tpu.memref_slice %arg6[%multiple_of3A_104, %dma_start3A_112] : memref<50000x128xf32, #tpu.memory_space<hbm>> -> memref<32x128xf32, #tpu.memory_space<hbm>>
      tpu.enqueue_dma source(%arg15 : memref<32x128xf32, #tpu.memory_space<vmem>>) target(%dma_start3A_113 : memref<32x128xf32, #tpu.memory_space<hbm>>) target_semaphore(%run_scoped3A : memref<!tpu.dma_semaphore, #tpu.memory_space<semaphore_mem>>)
      %dma_wait3A_114 = arith.constant 0 : i32
      %dma_wait3A_115 = tpu.memref_slice %arg6[%multiple_of3A_104, %dma_wait3A_114] : memref<50000x128xf32, #tpu.memory_space<hbm>> -> memref<32x128xf32, #tpu.memory_space<hbm>>
      %dma_wait3A_116 = arith.constant 0 : i32
      %dma_wait3A_117 = tpu.memref_slice %arg6[%multiple_of3A_104, %dma_wait3A_116] : memref<50000x128xf32, #tpu.memory_space<hbm>> -> memref<32x128xf32, #tpu.memory_space<hbm>>
      tpu.wait_dma2 semaphore(%run_scoped3A : memref<!tpu.dma_semaphore, #tpu.memory_space<semaphore_mem>>) src(%arg15 : memref<32x128xf32, #tpu.memory_space<vmem>>) dst(%dma_wait3A_117 : memref<32x128xf32, #tpu.memory_space<hbm>>)
      tpu.yield
    }) : () -> ()
    return
  }
}

module attributes {stable_mosaic.version = 14 : i64} {
  func.func @_tc_matmul_body(%arg0: i32, %arg1: memref<2000x128xf32, #tpu.memory_space<vmem>>, %arg2: memref<2000x128xf32, #tpu.memory_space<vmem>>, %arg3: memref<256x128xf32, #tpu.memory_space<vmem>>, %arg4: memref<2000x128xf32, #tpu.memory_space<vmem>>) attributes {dimension_semantics = [#tpu.dimension_semantics<arbitrary>], iteration_bounds = array<i64: 25>, scalar_prefetch = 0 : i64, scratch_operands = 0 : i64, tpu.core_type = #tpu.core_type<tc>, window_params = [{transform_indices = @transform_0, window_bounds = array<i64: 2000, 128>}, {transform_indices = @transform_1, window_bounds = array<i64: 2000, 128>}, {pipeline_mode = #tpu.pipeline_mode<synchronous>, transform_indices = @transform_2, window_bounds = array<i64: 256, 128>}, {transform_indices = @transform_3, window_bounds = array<i64: 2000, 128>}]} {
    %get3A = arith.constant 0 : index
    %get3A_0 = arith.constant 0 : index
    %get3A_1 = vector.load %arg1[%get3A, %get3A_0] : memref<2000x128xf32, #tpu.memory_space<vmem>>, vector<2000x128xf32>
    %get3A_2 = arith.constant 0 : index
    %get3A_3 = arith.constant 0 : index
    %get3A_4 = vector.load %arg2[%get3A_2, %get3A_3] : memref<2000x128xf32, #tpu.memory_space<vmem>>, vector<2000x128xf32>
    %mul3A = arith.constant 1.000000e-01 : f32
    %mul3A_5 = vector.broadcast %mul3A : f32 to vector<2000x128xf32>
    %mul3A_6 = arith.mulf %get3A_4, %mul3A_5 : vector<2000x128xf32>
    %get3A_7 = arith.constant 0 : index
    %get3A_8 = arith.constant 0 : index
    %get3A_9 = vector.load %arg3[%get3A_7, %get3A_8] : memref<256x128xf32, #tpu.memory_space<vmem>>, vector<128x128xf32>
    %dot_general3A = arith.constant dense<0.000000e+00> : vector<2000x128xf32>
    %dot_general3A_10 = tpu.matmul %get3A_1, %get3A_9, %dot_general3A {dimension_numbers = #tpu.dot_dimension_numbers<[1], [0], [0], [1], [0, 0, 1, 1], [], []>, transpose_lhs_hint = false} : vector<2000x128xf32>, vector<128x128xf32>, vector<2000x128xf32> -> vector<2000x128xf32>
    %get3A_11 = arith.constant 128 : index
    %get3A_12 = arith.constant 0 : index
    %get3A_13 = vector.load %arg3[%get3A_11, %get3A_12] : memref<256x128xf32, #tpu.memory_space<vmem>>, vector<128x128xf32>
    %dot_general3A_14 = arith.constant dense<0.000000e+00> : vector<2000x128xf32>
    %dot_general3A_15 = tpu.matmul %mul3A_6, %get3A_13, %dot_general3A_14 {dimension_numbers = #tpu.dot_dimension_numbers<[1], [0], [0], [1], [0, 0, 1, 1], [], []>, transpose_lhs_hint = false} : vector<2000x128xf32>, vector<128x128xf32>, vector<2000x128xf32> -> vector<2000x128xf32>
    %add3A = arith.addf %dot_general3A_10, %dot_general3A_15 : vector<2000x128xf32>
    %max3A = arith.constant 0.000000e+00 : f32
    %max3A_16 = vector.broadcast %max3A : f32 to vector<2000x128xf32>
    %max3A_17 = arith.maximumf %add3A, %max3A_16 : vector<2000x128xf32>
    %swap3A = arith.constant 0 : index
    %swap3A_18 = arith.constant 0 : index
    %swap3A_19 = vector.load %arg4[%swap3A, %swap3A_18] : memref<2000x128xf32, #tpu.memory_space<vmem>>, vector<2000x128xf32>
    tpu.vector_store %arg4[%swap3A, %swap3A_18], %max3A_17 {strides = array<i32>} : memref<2000x128xf32, #tpu.memory_space<vmem>>, vector<2000x128xf32>,
    return
  }
  func.func @transform_0(%arg0: i32) -> (i32, i32) {
    %c0_i32 = arith.constant 0 : i32
    %c0_i32_0 = arith.constant 0 : i32
    return %arg0, %c0_i32 : i32, i32
  }
  func.func @transform_1(%arg0: i32) -> (i32, i32) {
    %c0_i32 = arith.constant 0 : i32
    %c0_i32_0 = arith.constant 0 : i32
    return %arg0, %c0_i32 : i32, i32
  }
  func.func @transform_2(%arg0: i32) -> (i32, i32) {
    %c0_i32 = arith.constant 0 : i32
    %c0_i32_0 = arith.constant 0 : i32
    %c0_i32_1 = arith.constant 0 : i32
    return %c0_i32, %c0_i32_0 : i32, i32
  }
  func.func @transform_3(%arg0: i32) -> (i32, i32) {
    %c0_i32 = arith.constant 0 : i32
    %c0_i32_0 = arith.constant 0 : i32
    return %arg0, %c0_i32 : i32, i32
  }
}

</mosaic_0001>

<sc_bundles>
// kernel: kernel.4.cloned.1.call-start
scs
__scs_entry_jumppad:
0x0: {  	(pc) =	sbr.rel $0x88, $3  }
0x1: {  	(tag) =	ssettag $0x0;
	lr =	simm.s32 $0x1  }
0x2: {  	[smem:$0x3F9D] =	sst lr;
	_ =	strace $0xD0000000  }
0x3: {  	_ = 	snop  }
0x4: {  	_ = 	snop  }
0x5: {  	_ = 	snop  }
0x6: {  	_ = 	snop  }
0x7: {  	_ = 	snop  }
__scs_overlays_trampoline_lowered:
0x8: {  	[smem:$0x3FAC] =	sst s0  }
0x9: {  	[smem:$0x3FAD] =	sst s1  }
0xa: {  	[smem:$0x3FAE] =	sst s2  }
0xb: {  	[smem:$0x3FAF] =	sst s3  }
0xc: {  	[smem:$0x3FB0] =	sst s4  }
0xd: {  	[smem:$0x3FB1] =	sst s5  }
0xe: {  	[smem:$0x3FB2] =	sst s6  }
0xf: {  	[smem:$0x3FB3] =	sst s7  }
0x10: {  	[smem:$0x3FB4] =	sst s8  }
0x11: {  	[smem:$0x3FB5] =	sst s9;
	s0 =	simm.s32 @!p0 $0x0  }
0x12: {  	s1 =	sld [smem:$0x3F9B];
	s0 =	simm.s32 @p0 $0x1  }
0x13: {  	[smem:$0x3FB6] =	sst s0;
	s0 =	simm.s32 @!p1 $0x0  }
0x14: {  	s2 =	sld [smem:$0x3F9A];
	s0 =	simm.s32 @p1 $0x1  }
0x15: {  	[smem:$0x3FB7] =	sst s0;
	s0 =	simm.s32 @!p2 $0x0  }
0x16: {  	s3 =	sld [smem:$0x3FDB];
	s0 =	simm.s32 @p2 $0x1  }
0x17: {  	s4 =	simm.s32 $0x1BF5;
	[smem:$0x3FB9] =	sst s0  }
0x18: {  	s0 =	sld [smem:$0x3F9C];
	_ =	swait.ge [sflag:s4], $0x0  }
0x19: {  	s7 =	sld [smem:$0x3F9D]  }
0x1a: {  	s8 =	sadd.s32 $0xFFFFE003, lr  }
0x1b: {  	s9 =	sadd.s32 $0xFFFFFEF7, lr;
	s5 =	simm.s32 $0xFFFFFFFF;
	p2 =	slt.u32 s8, $0xFFFFF086  }
0x1c: {  	p1 =	slt.u32 s9, $0xF7A;
	s5 =	simm.s32 @!p2 $0x0  }
0x1d: {  	s5 =	simm.s32 @p1 $0x1;
	p0 =	seq.s32 s7, s2  }
0x1e: {  	s7 =	smul.u32 @!p0 $0xF7A, s2;
	p2 =	seq.s32 @!p0 s5, $0x0  }
0x1f: {  	s9 =	smul.u32 $0xF7A, s1;
	s8 =	simm.s32 @!p0 $0x1BF5;
	p2 =	por !p2, p0  }
0x20: {  	[sflag:s8] =	ssyncset.s32 @!p0 $0xFFFFF086;
	s6 =	sadd.s32 @!p0 s3, s7;
	s7 =	simm.s32 @!p0 $0x108  }
0x21: {  	s3 =	sadd.s32 s3, s9;
	s6 =	sadd.s32 @!p0 $0x88, s6;
	s7 =	simm.s32 @p2 $0x1082  }
0x22: {  	[simem:s7], [sflag:s8] =	dma.local @!p0 [hbm:s6], $0xF7A  }
0x23: {  	s9 =	sor.u32 $0xD0000000, s2;
	s6 =	simm.s32 $0x108;
	_ =	swait.ge @!p0 [sflag:s8], $0x0  }
0x24: {  	s3 =	sadd.s32 $0x88, s3;
	s6 =	simm.s32 @!p1 $0x1082;
	[sflag:s4] =	ssyncset.s32 $0xFFFFF086  }
0x25: {  	[simem:s6], [sflag:s4] =	dma.local [hbm:s3], $0xF7A  }
0x26: {  	[smem:$0x3F9D] =	sst s1;
	(tag) =	ssettag s2;
	_ =	strace s9  }
0x27: {  	s1 =	sld [smem:$0x3FAD]  }
0x28: {  	s2 =	sld [smem:$0x3FAE]  }
0x29: {  	s4 =	sld [smem:$0x3FB0]  }
0x2a: {  	p0 =	seq.s32 s5, $0x0;
	s5 =	sld [smem:$0x3FB1]  }
0x2b: {  	s6 =	sld [smem:$0x3FB2]  }
0x2c: {  	s7 =	sld [smem:$0x3FB3]  }
0x2d: {  	s3 =	simm.s32 $0x108;
	s8 =	sld [smem:$0x3FB4]  }
0x2e: {  	s3 =	simm.s32 @!p0 $0x1082;
	s9 =	sld [smem:$0x3FB5]  }
0x2f: {  	lr =	sadd.s32 s0, s3;
	s0 =	sld [smem:$0x3FAC]  }
0x30: {  	s3 =	sld [smem:$0x3FAF]  }
0x31: {  	[smem:$0x3FB8] =	sst s10  }
0x32: {  	s10 =	sld [smem:$0x3FB6];
	_ =	sdelay $0x3  }
0x33: {  	p0 =	seq.s32 s10, $0x1;
	s10 =	sld [smem:$0x3FB8];
	_ =	sdelay $0x3  }
0x34: {  	[smem:$0x3FB8] =	sst s10  }
0x35: {  	s10 =	sld [smem:$0x3FB7];
	_ =	sdelay $0x3  }
0x36: {  	p1 =	seq.s32 s10, $0x1;
	s10 =	sld [smem:$0x3FB8];
	_ =	sdelay $0x3  }
0x37: {  	[smem:$0x3FB8] =	sst s10  }
0x38: {  	s10 =	sld [smem:$0x3FB9]  }
0x39: {  	_ = 	snop;
	(pc) =	sbr.ind lr, $3  }
0x3a: {  	_ = 	snop  }
0x3b: {  	_ = 	snop  }
0x3c: {  	p2 =	seq.s32 s10, $0x1;
	s10 =	sld [smem:$0x3FB8]  }
0x3d: {  	_ =	shalt  }
0x3e: {  	_ =	shalt  }
0x3f: {  	_ =	shalt  }
0x40: {  	_ =	shalt  }
0x41: {  	_ =	shalt  }
0x42: {  	_ =	shalt  }
0x43: {  	_ =	shalt  }
0x44: {  	_ =	shalt  }
0x45: {  	_ =	shalt  }
0x46: {  	_ =	shalt  }
0x47: {  	_ =	shalt  }
0x48: {  	_ =	shalt  }
0x49: {  	_ =	shalt  }
0x4a: {  	_ =	shalt  }
0x4b: {  	_ =	shalt  }
0x4c: {  	_ =	shalt  }
0x4d: {  	_ =	shalt  }
0x4e: {  	_ =	shalt  }
0x4f: {  	_ =	shalt  }
0x50: {  	_ =	shalt  }
0x51: {  	_ =	shalt  }
0x52: {  	_ =	shalt  }
0x53: {  	_ =	shalt  }
0x54: {  	_ =	shalt  }
0x55: {  	_ =	shalt  }
0x56: {  	_ =	shalt  }
0x57: {  	_ =	shalt  }
0x58: {  	_ =	shalt  }
0x59: {  	_ =	shalt  }
0x5a: {  	_ =	shalt  }
0x5b: {  	_ =	shalt  }
0x5c: {  	_ =	shalt  }
0x5d: {  	_ =	shalt  }
0x5e: {  	_ =	shalt  }
0x5f: {  	_ =	shalt  }
0x60: {  	_ =	shalt  }
0x61: {  	_ =	shalt  }
0x62: {  	_ =	shalt  }
0x63: {  	_ =	shalt  }
0x64: {  	_ =	shalt  }
0x65: {  	_ =	shalt  }
0x66: {  	_ =	shalt  }
0x67: {  	_ =	shalt  }
0x68: {  	_ =	shalt  }
0x69: {  	_ =	shalt  }
0x6a: {  	_ =	shalt  }
0x6b: {  	_ =	shalt  }
0x6c: {  	_ =	shalt  }
0x6d: {  	_ =	shalt  }
0x6e: {  	_ =	shalt  }
0x6f: {  	_ =	shalt  }
0x70: {  	_ =	shalt  }
0x71: {  	_ =	shalt  }
0x72: {  	_ =	shalt  }
0x73: {  	_ =	shalt  }
0x74: {  	_ =	shalt  }
0x75: {  	_ =	shalt  }
0x76: {  	_ =	shalt  }
0x77: {  	_ =	shalt  }
0x78: {  	_ =	shalt  }
0x79: {  	_ =	shalt  }
0x7a: {  	_ =	shalt  }
0x7b: {  	_ =	shalt  }
0x7c: {  	_ =	shalt  }
0x7d: {  	_ =	shalt  }
0x7e: {  	_ =	shalt  }
0x7f: {  	_ =	shalt  }
0x80: {  	_ =	shalt  }
0x81: {  	_ =	shalt  }
0x82: {  	_ =	shalt  }
0x83: {  	_ =	shalt  }
0x84: {  	_ =	shalt  }
0x85: {  	_ =	shalt  }
0x86: {  	_ =	shalt  }
0x87: {  	_ =	shalt  }
.Lfunc_end0:
.L_simem_size_0:
called_computation_lowered:
.L_overlay_start_0:
0x88: {  	s2 =	sld [smem:$0x3FD9]  }
0x89: {  	s3 =	sld [smem:$0x3FFE];
	_ =	sdelay $0x1  }
0x8a: {  	s1 =	srdreg.scid  }
0x8b: {  	s0 =	sand.u32 $0x1, s1  }
0x8c: {  	s17 =	sshll.u32 s0, $0xA;
	s2 =	sadd.s32 s3, s2  }
0x8d: {  	s2 =	sadd.s32 s2, s17  }
0x8e: {  	[smem:$0x3FC4] =	sst s2  }
0x8f: {  	_ = 	snop  }
0x90: {  	s2 =	sld [smem:$0x3FC9]  }
0x91: {  	s18 =	sld [smem:$0x3FC7]  }
0x92: {  	s4 =	sld [smem:$0x3FD0];
	(tm) =	ssettm $0x1  }
0x93: {  	s5 =	sld [smem:$0x3FFB];
	_ =	sdelay $0x3  }
0x94: {  	_ =	strace s5  }
0x95: {  	s5 =	sld [smem:$0x3FFC];
	_ =	sdelay $0x3  }
0x96: {  	_ =	strace s5  }
0x97: {  	s5 =	sld [smem:$0x3FFD];
	_ =	sdelay $0x3  }
0x98: {  	_ =	strace s5  }
0x99: {  	_ =	strace $0x8FFFFFFF  }
0x9a: {  	s19 =	sld [smem:$0x3FDB];
	_ =	sdelay $0x1  }
0x9b: {  	s6 =	simm.s32 $_scs_section_size  }
0x9c: {  	s7 =	simm.s32 $_size__tile_overlayer_lowered;
	s8 =	simm.s32 $_tile_overlayer_lowered  }
0x9d: {  	s22 =	simm.s32 $0x1BFF;
	s21 =	sshll.u32 s8, $0x1;
	s5 =	sadd.s32 s6, s19  }
0x9e: {  	s9 =	simm.s32 $0x0;
	s20 =	sshll.u32 s7, $0x1;
	s7 =	sadd.s32 s21, s5  }
0x9f: {  	[timem:s9], [sflag:s22] =	dma.local [hbm:s7], s20  }
0xa0: {  	_ =	swait.ge [sflag:s22], s20  }
0xa1: {  	s6 =	ssub.s32 $0x0, s20;
	[sflag:s22] =	ssyncset.done $0x0  }
0xa2: {  	[sflag:s22] =	ssyncadd.s32 s6;
	_ =	sdelay $0x1  }
0xa3: {  	s23 =	simm.s32 $0x1B8B  }
0xa4: {  	_ =	swait.ge [sflag:s23], $0x1  }
0xa5: {  	[sflag:s23] =	ssyncset.done $0x0  }
0xa6: {  	s25 =	simm.s32 $0x1B8E;
	s24 =	sld [smem:$0x3FFE];
	[sflag:s23] =	ssyncadd.s32 $0xFFFFFFFF  }
0xa7: {  	s26 =	simm.s32 $execute0_lowered;
	[smem:$0x3FD2] =	sst s25  }
0xa8: {  	s7 =	sshll.u32 s26, $0x1;
	_ =	strace $0x80000046;
	[dreg:$0x1] =	wrdreg $0xFFFFFFFF  }
0xa9: {  	s28 =	simm.s32 $_size_execute0_lowered;
	s5 =	sadd.s32 s5, s7;
	[dreg:$0x0] =	wrdreg $0x0  }
0xaa: {  	s7 =	sshll.u32 s28, $0x1;
	[dreg:$0x2] =	wrdreg s5  }
0xab: {  	[dreg:$0x3] =	wrdreg s7  }
0xac: {  	[dreg:$0x4] =	wrdreg $0xC0  }
0xad: {  	_ =	task [dreg:s9], $0x5FFFF  }
0xae: {  	[dreg:$0x1] =	wrdreg $0xFFFFFFFF  }
0xaf: {  	[dreg:$0x0] =	wrdreg $0x60  }
0xb0: {  	[dreg:$0x2] =	wrdreg s2  }
0xb1: {  	[dreg:$0x3] =	wrdreg s4  }
0xb2: {  	[dreg:$0x4] =	wrdreg s18  }
0xb3: {  	[dreg:$0x5] =	wrdreg s24  }
0xb4: {  	[dreg:$0x6] =	wrdreg $0x9  }
0xb5: {  	_ =	task.clear_ibuf [dreg:s9], $0x7FFFF;
	_ =	strace $0x90000046  }
0xb6: {  	s29 =	simm.s32 $0x9;
	_ =	strace $0x80000048  }
0xb7: {  	_ =	swait.ge [sflag:s29], $0x1  }
0xb8: {  	[sflag:s29] =	ssyncadd.s32 $0xFFFFFFFF  }
0xb9: {  	_ =	strace $0x90000048  }
0xba: {  	_ =	sfence  }
0xbb: {  	s30 =	sld [smem:$0x0];
	_ =	sdelay $0x2  }
0xbc: {  	s31 =	sshll.u32 s1, $0xD;
	s1 =	sshrl.u32 s1, $0x2  }
0xbd: {  	s3 =	sand.u32 $0x4000, s31;
	s1 =	sadd.s32 s1, s30  }
0xbe: {  	s0 =	sor.u32 s3, s0;
	s1 =	sshll.u32 s1, $0x11  }
0xbf: {  	s0 =	sor.u32 s1, s0  }
0xc0: {  	s0 =	sadd.s32 $0x8F2B, s0  }
0xc1: {  	[sflag:s0] =	ssyncadd.remote.s32 $0x1  }
0xc2: {  	_ =	sfence.sel $0xFFFF  }
0xc3: {  	[dreg:$0x0] =	wrdreg $0xFFFFFFFF;
	(pc) =	sbr.abs _section_cstart, $3  }
0xc4: {  	[dreg:$0x1] =	wrdreg $0xFFFFFFFF  }
0xc5: {  	_ =	task.clear_ibuf [dreg:s9], $0x2FFFF;
	_ =	strace $0x9FFFFFFF  }
0xc6: {  	(tm) =	ssettm $0x7FFFFFFF  }
0xc7: {  	_ =	shalt  }
tec
execute0_lowered:
.L_overlay_start_1:
0x0: {  	(tag) =	ssettag $0x1  }
0x1: {  	s30 =	rddreg [dreg:$0x0]  }
0x2: {  	s1 =	rddreg [dreg:$0x1]  }
0x3: {  	s3 =	rddreg [dreg:$0x2]  }
0x4: {  	s0 =	rddreg [dreg:$0x3]  }
0x5: {  	s21 =	simm.s32 $0x0;
	s4 =	srdreg.scid;
	s2 =	stileid.u32  }
0x6: {  	s28 =	simm.s32 $0x400;
	s29 =	simm.s32 $0x140;
	s31 =	simm.s32 $0x2  }
0x7: {  	[smem:$0x7FF] =	sst s21;
	s4 =	sand.u32 $0x1, s4;
	s5 =	smul.u32 $0x5C0, s2  }
0x8: {  	s6 =	sadd.s32 $0xA00, s0;
	s10 =	smul.u32 $0x680, s2;
	s8 =	sadd.s32 $0xC4000, s0  }
0x9: {  	s2 =	simm.s32 $0x0;
	_ =	strace $0x80000047;
	s9 =	ssub.s32 $0x2, s4  }
0xa: {  	p0 =	seq.s32 s4, $0x0;
	s4 =	simm.s32 $0x34;
	s11 =	sshrl.u32 s9, $0x1  }
0xb: {  	s12 =	sadd.s32 $0x6800, s5;
	s4 =	simm.s32 @!p0 $0x2E;
	s0 =	ssub.s32 s9, s11  }
0xc: {  	s12 =	smov.u32 @p0 s10;
	s17 =	sshll.u32 s4, $0x5;
	s4 =	sadd.s32 $0xFFFFFFFE, s4  }
0xd: {  	s9 =	simm.s32 $0x3;
	s25 =	sshrl.u32 s12, $0x3;
	s26 =	smul.u32 $0xA, s12  }
0xe: {  	s10 =	sor.u32 $0x20, s12;
	s5 =	sadd.s32 s12, s17;
	s19 =	sshrl.u32 s4, $0x1  }
0xf: {  	s0 =	smax.u32 s0, $0x1;
	s17 =	simm.s32 $0x4;
	s7 =	sadd.s32 s30, s25  }
0x10: {  	s13 =	sshrl.u32 s10, $0x3;
	s14 =	smul.u32 $0xA, s10;
	[dreg:$0x9] =	wrdreg s19  }
0x11: {  	s20 =	sadd.s32 $0xFFFFFFC0, s5;
	s5 =	sadd.s32 $0xFFFFFFE0, s5;
	[dreg:$0xe] =	wrdreg s0  }
0x12: {  	s0 =	simm.s32 $0x1400;
	[dreg:$0x5] =	wrdreg s7;
	s11 =	sshrl.u32 s26, $0x3  }
0x13: {  	s7 =	smov.u32 s10;
	s16 =	sadd.s32 s30, s13;
	s10 =	smov.u32 s1  }
0x14: {  	s4 =	smin.u32 s20, $0xC330;
	s5 =	smin.u32 s5, $0xC330;
	s13 =	simm.s32 $0x16400  }
0x15: {  	s15 =	sadd.s32 s1, s11;
	[dreg:$0x7] =	wrdreg s16;
	s18 =	sshrl.u32 s14, $0x3  }
0x16: {  	s14 =	smov.u32 s12;
	s16 =	sadd.s32 $0x60, s12;
	s4 =	sshll.u32 s4, $0x4  }
0x17: {  	s24 =	sshll.u32 s5, $0x4;
	[dreg:$0x6] =	wrdreg s15;
	s1 =	sadd.s32 s1, s18  }
0x18: {  	s11 =	simm.s32 $0x5;
	s22 =	sadd.s32 s6, s4;
	[dreg:$0x8] =	wrdreg s1  }
0x19: {  	s15 =	sadd.s32 $0x40, s12;
	s23 =	sadd.s32 s8, s4;
	[dreg:$0xa] =	wrdreg s22  }
0x1a: {  	s25 =	sadd.s32 s6, s24;
	s26 =	sadd.s32 s8, s24;
	[dreg:$0xb] =	wrdreg s23  }
0x1b: {  	s24 =	simm.s32 $0x280;
	s12 =	simm.s32 $0x7;
	[dreg:$0xc] =	wrdreg s25  }
0x1c: {  	s18 =	simm.s32 $0x6;
	[dreg:$0xd] =	wrdreg s26;
	s22 =	simm.s32 $0x100  }
0x1d: {  	s23 =	simm.s32 $0x80;
	s25 =	simm.s32 $0x1;
	s26 =	simm.s32 $0x20  }
.LBB2_1:
0x1e: {  	[dreg:$0xf] =	wrdreg s2  }
0x1f: {  	s1 =	rddreg [dreg:$0x5]  }
0x20: {  	[tilespmem:s21], [sflag:$0x1] =	stream.linear.gather [hbm4b:s1+s21], $0x20, $0x38;
	[tilespmem:$0x17400] =	vst v63  }
0x21: {  	s5 =	rddreg [dreg:$0x6]  }
0x22: {  	[tilespmem:s22], [sflag:$0x1] =	stream.linear.gather [hbm4b:s5+s21], $0x140, $0x38;
	[tilespmem:$0x17400] =	vst v63  }
0x23: {  	s19 =	rddreg [dreg:$0x7]  }
0x24: {  	[tilespmem:s23], [sflag:$0x2] =	stream.linear.gather [hbm4b:s19+s21], $0x20, $0x38;
	[tilespmem:$0x17400] =	vst v63  }
0x25: {  	s20 =	rddreg [dreg:$0x8]  }
0x26: {  	[tilespmem:s24], [sflag:$0x2] =	stream.linear.gather [hbm4b:s20+s21], $0x140, $0x38;
	[tilespmem:$0x17400] =	vst v63  }
0x27: {  	_ =	swait.ge [sflag:s25], $0x20  }
0x28: {  	[sflag:s25] =	ssyncset.done $0x0  }
0x29: {  	[sflag:s25] =	ssyncadd.s32 $0xFFFFFFE0  }
0x2a: {  	_ =	swait.ge [sflag:s25], $0x140  }
0x2b: {  	[sflag:s25] =	ssyncset.done $0x0  }
0x2c: {  	[sflag:s25] =	ssyncadd.s32 $0xFFFFFEC0  }
0x2d: {  	[tilespmem:s28], [sflag:$0x3] =	stream.indirect.gather [hbm4b:s3+s26], $0x80, s21, s26, $0xb8;
	[tilespmem:$0x17400] =	vst v63  }
0x2e: {  	s20 =	simm.s32 $0x0;
	s21 =	simm.s32 $0x2400  }
0x2f: {  	[tilespmem:s21], [sflag:$0x5] =	stream.indirect.gather [hbm4b:s3+s29], $0x80, s22, s29, $0xb8;
	[tilespmem:$0x17400] =	vst v63  }
.LBB2_2:
0x30: {  	_ =	swait.ge [sflag:s31], $0x20  }
0x31: {  	[sflag:s31] =	ssyncset.done $0x0  }
0x32: {  	[sflag:s31] =	ssyncadd.s32 $0xFFFFFFE0  }
0x33: {  	_ =	swait.ge [sflag:s31], $0x140  }
0x34: {  	[sflag:s31] =	ssyncset.done $0x0  }
0x35: {  	[sflag:s31] =	ssyncadd.s32 $0xFFFFFEC0  }
0x36: {  	[tilespmem:s0], [sflag:$0x4] =	stream.indirect.gather [hbm4b:s3+s26], $0x80, s23, s26, $0xb8;
	[tilespmem:$0x17400] =	vst v63  }
0x37: {  	s1 =	simm.s32 $0xC400;
	s21 =	sshll.u32 s20, $0x6  }
0x38: {  	[tilespmem:s1], [sflag:$0x6] =	stream.indirect.gather [hbm4b:s3+s29], $0x80, s24, s29, $0xb8;
	[tilespmem:$0x17400] =	vst v63  }
0x39: {  	s4 =	sadd.s32 s21, s15;
	_ =	swait.ge [sflag:s9], $0x1000  }
0x3a: {  	p0 =	slt.s32 s4, $0xC330;
	[sflag:s9] =	ssyncset.done $0x0  }
0x3b: {  	s4 =	simm.s32 @!p0 $0xC330;
	[sflag:s9] =	ssyncadd.s32 $0xFFFFF000  }
0x3c: {  	s5 =	sshrl.u32 s4, $0x3;
	s4 =	smul.u32 $0xA, s4;
	_ =	swait.ge [sflag:s11], $0xA000  }
0x3d: {  	s2 =	smov.u32 s30;
	s5 =	sadd.s32 s30, s5;
	[sflag:s11] =	ssyncset.done $0x0  }
0x3e: {  	s30 =	simm.s32 $0x0;
	s4 =	sshrl.u32 s4, $0x3;
	[sflag:s11] =	ssyncadd.s32 $0xFFFF6000  }
0x3f: {  	[tilespmem:s30], [sflag:$0x1] =	stream.linear.gather [hbm4b:s5+s30], $0x20, $0x38;
	[tilespmem:$0x17400] =	vst v63  }
0x40: {  	s4 =	sadd.s32 s10, s4  }
0x41: {  	[tilespmem:s22], [sflag:$0x1] =	stream.linear.gather [hbm4b:s4+s30], $0x140, $0x38;
	[tilespmem:$0x17400] =	vst v63  }
0x42: {  	s4 =	sadd.s32 s14, s21  }
0x43: {  	p0 =	slt.s32 s4, $0xC330  }
0x44: {  	s4 =	simm.s32 @!p0 $0xC330  }
0x45: {  	s19 =	sshll.u32 s4, $0x4  }
0x46: {  	s4 =	sadd.s32 s6, s19  }
0x47: {  	[hbm4b:s4+s30] =	stream.linear.scatter [tilespmem:s28], [sflag:$0x7], $0x1000, $0x38;
	[tilespmem:$0x17400] =	vst v63  }
0x48: {  	_ =	swait.ge [sflag:s12], $0x1000  }
0x49: {  	[sflag:s12] =	ssyncset.done $0x0  }
0x4a: {  	s30 =	simm.s32 $0x2680;
	[sflag:s12] =	ssyncadd.s32 $0xFFFFF000  }
0x4b: {  	v0 =	vld [tilespmem:s30+$0xFFFFFE00]  }
0x4c: {  	v1 =	vld [tilespmem:s30+$0xFFFFFD80];
	_ =	sdelay $0x1  }
0x4d: {  	v2 =	vld [tilespmem:s30+$0xFFFFFE80];
	_ =	sdelay $0x1  }
0x4e: {  	v3 =	vld [tilespmem:s30+$0xFFFFFF00]  }
0x4f: {  	v0 =	vadd.f32 v0, v1  }
0x50: {  	v1 =	vld [tilespmem:s30+$0xFFFFFF80]  }
0x51: {  	v0 =	vadd.f32 v2, v0  }
0x52: {  	v2 =	vld [tilespmem:s30+$0x0]  }
0x53: {  	v0 =	vadd.f32 v3, v0  }
0x54: {  	v3 =	vld [tilespmem:s30+$0x80]  }
0x55: {  	v0 =	vadd.f32 v1, v0  }
0x56: {  	v1 =	vld [tilespmem:s30+$0x100]  }
0x57: {  	v0 =	vadd.f32 v2, v0  }
0x58: {  	v2 =	vld [tilespmem:s30+$0x180]  }
0x59: {  	v0 =	vadd.f32 v3, v0  }
0x5a: {  	v3 =	vld [tilespmem:s30+$0x200]  }
0x5b: {  	v0 =	vadd.f32 v1, v0;
	_ =	sdelay $0x1  }
0x5c: {  	v0 =	vadd.f32 v2, v0;
	_ =	sdelay $0x1  }
0x5d: {  	v0 =	vadd.f32 v3, v0  }
0x5e: {  	s4 =	simm.s32 $0x0  }
0x5f: {  	[tilespmem:s4+$0x16400] =	vst v0  }
0x60: {  	v0 =	vld [tilespmem:s30+$0xFFFFFD90]  }
0x61: {  	v1 =	vld [tilespmem:s30+$0xFFFFFE10];
	_ =	sdelay $0x1  }
0x62: {  	v2 =	vld [tilespmem:s30+$0xFFFFFE90];
	_ =	sdelay $0x1  }
0x63: {  	v3 =	vld [tilespmem:s30+$0xFFFFFF10]  }
0x64: {  	v0 =	vadd.f32 v1, v0  }
0x65: {  	v1 =	vld [tilespmem:s30+$0xFFFFFF90]  }
0x66: {  	v0 =	vadd.f32 v2, v0  }
0x67: {  	v2 =	vld [tilespmem:s30+$0x10]  }
0x68: {  	v0 =	vadd.f32 v3, v0  }
0x69: {  	v3 =	vld [tilespmem:s30+$0x90]  }
0x6a: {  	v0 =	vadd.f32 v1, v0  }
0x6b: {  	v1 =	vld [tilespmem:s30+$0x110]  }
0x6c: {  	v0 =	vadd.f32 v2, v0  }
0x6d: {  	v2 =	vld [tilespmem:s30+$0x190]  }
0x6e: {  	v0 =	vadd.f32 v3, v0  }
0x6f: {  	v3 =	vld [tilespmem:s30+$0x210]  }
0x70: {  	v0 =	vadd.f32 v1, v0;
	_ =	sdelay $0x1  }
0x71: {  	v0 =	vadd.f32 v2, v0;
	_ =	sdelay $0x1  }
0x72: {  	v0 =	vadd.f32 v3, v0;
	_ =	sdelay $0x1  }
0x73: {  	[tilespmem:s4+$0x16410] =	vst v0  }
0x74: {  	v0 =	vld [tilespmem:s30+$0xFFFFFDA0]  }
0x75: {  	v1 =	vld [tilespmem:s30+$0xFFFFFE20];
	_ =	sdelay $0x1  }
0x76: {  	v2 =	vld [tilespmem:s30+$0xFFFFFEA0];
	_ =	sdelay $0x1  }
0x77: {  	v3 =	vld [tilespmem:s30+$0xFFFFFF20]  }
0x78: {  	v0 =	vadd.f32 v1, v0  }
0x79: {  	v1 =	vld [tilespmem:s30+$0xFFFFFFA0]  }
0x7a: {  	v0 =	vadd.f32 v2, v0  }
0x7b: {  	v2 =	vld [tilespmem:s30+$0x20]  }
0x7c: {  	v0 =	vadd.f32 v3, v0  }
0x7d: {  	v3 =	vld [tilespmem:s30+$0xA0]  }
0x7e: {  	v0 =	vadd.f32 v1, v0  }
0x7f: {  	v1 =	vld [tilespmem:s30+$0x120]  }
0x80: {  	v0 =	vadd.f32 v2, v0  }
0x81: {  	v2 =	vld [tilespmem:s30+$0x1A0]  }
0x82: {  	v0 =	vadd.f32 v3, v0  }
0x83: {  	v3 =	vld [tilespmem:s30+$0x220]  }
0x84: {  	v0 =	vadd.f32 v1, v0;
	_ =	sdelay $0x1  }
0x85: {  	v0 =	vadd.f32 v2, v0;
	_ =	sdelay $0x1  }
0x86: {  	v0 =	vadd.f32 v3, v0;
	_ =	sdelay $0x1  }
0x87: {  	[tilespmem:s4+$0x16420] =	vst v0  }
0x88: {  	v0 =	vld [tilespmem:s30+$0xFFFFFDB0]  }
0x89: {  	v1 =	vld [tilespmem:s30+$0xFFFFFE30];
	_ =	sdelay $0x1  }
0x8a: {  	v2 =	vld [tilespmem:s30+$0xFFFFFEB0];
	_ =	sdelay $0x1  }
0x8b: {  	v3 =	vld [tilespmem:s30+$0xFFFFFF30]  }
0x8c: {  	v0 =	vadd.f32 v1, v0  }
0x8d: {  	v1 =	vld [tilespmem:s30+$0xFFFFFFB0]  }
0x8e: {  	v0 =	vadd.f32 v2, v0  }
0x8f: {  	v2 =	vld [tilespmem:s30+$0x30]  }
0x90: {  	v0 =	vadd.f32 v3, v0  }
0x91: {  	v3 =	vld [tilespmem:s30+$0xB0]  }
0x92: {  	v0 =	vadd.f32 v1, v0  }
0x93: {  	v1 =	vld [tilespmem:s30+$0x130]  }
0x94: {  	v0 =	vadd.f32 v2, v0  }
0x95: {  	v2 =	vld [tilespmem:s30+$0x1B0]  }
0x96: {  	v0 =	vadd.f32 v3, v0  }
0x97: {  	v3 =	vld [tilespmem:s30+$0x230]  }
0x98: {  	v0 =	vadd.f32 v1, v0;
	_ =	sdelay $0x1  }
0x99: {  	v0 =	vadd.f32 v2, v0;
	_ =	sdelay $0x1  }
0x9a: {  	v0 =	vadd.f32 v3, v0;
	_ =	sdelay $0x1  }
0x9b: {  	[tilespmem:s4+$0x16430] =	vst v0  }
0x9c: {  	v0 =	vld [tilespmem:s30+$0xFFFFFDC0]  }
0x9d: {  	v1 =	vld [tilespmem:s30+$0xFFFFFE40];
	_ =	sdelay $0x1  }
0x9e: {  	v2 =	vld [tilespmem:s30+$0xFFFFFEC0];
	_ =	sdelay $0x1  }
0x9f: {  	v3 =	vld [tilespmem:s30+$0xFFFFFF40]  }
0xa0: {  	v0 =	vadd.f32 v1, v0  }
0xa1: {  	v1 =	vld [tilespmem:s30+$0xFFFFFFC0]  }
0xa2: {  	v0 =	vadd.f32 v2, v0  }
0xa3: {  	v2 =	vld [tilespmem:s30+$0x40]  }
0xa4: {  	v0 =	vadd.f32 v3, v0  }
0xa5: {  	v3 =	vld [tilespmem:s30+$0xC0]  }
0xa6: {  	v0 =	vadd.f32 v1, v0  }
0xa7: {  	v1 =	vld [tilespmem:s30+$0x140]  }
0xa8: {  	v0 =	vadd.f32 v2, v0  }
0xa9: {  	v2 =	vld [tilespmem:s30+$0x1C0]  }
0xaa: {  	v0 =	vadd.f32 v3, v0  }
0xab: {  	v3 =	vld [tilespmem:s30+$0x240]  }
0xac: {  	v0 =	vadd.f32 v1, v0;
	_ =	sdelay $0x1  }
0xad: {  	v0 =	vadd.f32 v2, v0;
	_ =	sdelay $0x1  }
0xae: {  	v0 =	vadd.f32 v3, v0;
	_ =	sdelay $0x1  }
0xaf: {  	[tilespmem:s4+$0x16440] =	vst v0  }
0xb0: {  	v0 =	vld [tilespmem:s30+$0xFFFFFDD0]  }
0xb1: {  	v1 =	vld [tilespmem:s30+$0xFFFFFE50];
	_ =	sdelay $0x1  }
0xb2: {  	v2 =	vld [tilespmem:s30+$0xFFFFFED0];
	_ =	sdelay $0x1  }
0xb3: {  	v3 =	vld [tilespmem:s30+$0xFFFFFF50]  }
0xb4: {  	v0 =	vadd.f32 v1, v0  }
0xb5: {  	v1 =	vld [tilespmem:s30+$0xFFFFFFD0]  }
0xb6: {  	v0 =	vadd.f32 v2, v0  }
0xb7: {  	v2 =	vld [tilespmem:s30+$0x50]  }
0xb8: {  	v0 =	vadd.f32 v3, v0  }
0xb9: {  	v3 =	vld [tilespmem:s30+$0xD0]  }
0xba: {  	v0 =	vadd.f32 v1, v0  }
0xbb: {  	v1 =	vld [tilespmem:s30+$0x150]  }
0xbc: {  	v0 =	vadd.f32 v2, v0  }
0xbd: {  	v2 =	vld [tilespmem:s30+$0x1D0]  }
0xbe: {  	v0 =	vadd.f32 v3, v0  }
0xbf: {  	v3 =	vld [tilespmem:s30+$0x250]  }
0xc0: {  	v0 =	vadd.f32 v1, v0;
	_ =	sdelay $0x1  }
0xc1: {  	v0 =	vadd.f32 v2, v0;
	_ =	sdelay $0x1  }
0xc2: {  	v0 =	vadd.f32 v3, v0;
	_ =	sdelay $0x1  }
0xc3: {  	[tilespmem:s4+$0x16450] =	vst v0  }
0xc4: {  	v0 =	vld [tilespmem:s30+$0xFFFFFDE0]  }
0xc5: {  	v1 =	vld [tilespmem:s30+$0xFFFFFE60];
	_ =	sdelay $0x1  }
0xc6: {  	v2 =	vld [tilespmem:s30+$0xFFFFFEE0];
	_ =	sdelay $0x1  }
0xc7: {  	v3 =	vld [tilespmem:s30+$0xFFFFFF60]  }
0xc8: {  	v0 =	vadd.f32 v1, v0  }
0xc9: {  	v1 =	vld [tilespmem:s30+$0xFFFFFFE0]  }
0xca: {  	v0 =	vadd.f32 v2, v0  }
0xcb: {  	v2 =	vld [tilespmem:s30+$0x60]  }
0xcc: {  	v0 =	vadd.f32 v3, v0  }
0xcd: {  	v3 =	vld [tilespmem:s30+$0xE0]  }
0xce: {  	v0 =	vadd.f32 v1, v0  }
0xcf: {  	v1 =	vld [tilespmem:s30+$0x160]  }
0xd0: {  	v0 =	vadd.f32 v2, v0  }
0xd1: {  	v2 =	vld [tilespmem:s30+$0x1E0]  }
0xd2: {  	v0 =	vadd.f32 v3, v0  }
0xd3: {  	v3 =	vld [tilespmem:s30+$0x260]  }
0xd4: {  	v0 =	vadd.f32 v1, v0;
	_ =	sdelay $0x1  }
0xd5: {  	v0 =	vadd.f32 v2, v0;
	_ =	sdelay $0x1  }
0xd6: {  	v0 =	vadd.f32 v3, v0;
	_ =	sdelay $0x1  }
0xd7: {  	[tilespmem:s4+$0x16460] =	vst v0  }
0xd8: {  	v0 =	vld [tilespmem:s30+$0xFFFFFDF0]  }
0xd9: {  	v1 =	vld [tilespmem:s30+$0xFFFFFE70];
	_ =	sdelay $0x1  }
0xda: {  	v2 =	vld [tilespmem:s30+$0xFFFFFEF0];
	_ =	sdelay $0x1  }
0xdb: {  	v3 =	vld [tilespmem:s30+$0xFFFFFF70]  }
0xdc: {  	v0 =	vadd.f32 v1, v0  }
0xdd: {  	v1 =	vld [tilespmem:s30+$0xFFFFFFF0]  }
0xde: {  	v0 =	vadd.f32 v2, v0  }
0xdf: {  	v4 =	vld [tilespmem:s30+$0x70]  }
0xe0: {  	v2 =	vadd.f32 v3, v0  }
0xe1: {  	v3 =	vld [tilespmem:s30+$0xF0]  }
0xe2: {  	v0 =	vld [tilespmem:s30+$0x170];
	v5 =	vadd.f32 v1, v2  }
0xe3: {  	v1 =	vld [tilespmem:s30+$0x1F0]  }
0xe4: {  	s5 =	simm.s32 $0x200;
	v2 =	vld [tilespmem:s30+$0x270];
	v4 =	vadd.f32 v4, v5  }
.LBB2_3:
0xe5: {  	p0 =	sne.s32 s5, $0x3E00  }
0xe6: {  	s30 =	sadd.s32 $0x500, s30;
	s1 =	smov.u32 s5;
	s5 =	sadd.s32 $0x200, s5;
	v3 =	vadd.f32 v3, v4  }
0xe7: {  	_ = 	snop  }
0xe8: {  	v0 =	vadd.f32 v0, v3;
	_ =	sdelay $0x1  }
0xe9: {  	v0 =	vadd.f32 v1, v0;
	_ =	sdelay $0x1  }
0xea: {  	v0 =	vadd.f32 v2, v0;
	_ =	sdelay $0x1  }
0xeb: {  	[tilespmem:s4+$0x16470] =	vst v0  }
0xec: {  	v0 =	vld [tilespmem:s30+$0xFFFFFE00]  }
0xed: {  	v1 =	vld [tilespmem:s30+$0xFFFFFD80]  }
0xee: {  	v2 =	vld [tilespmem:s30+$0xFFFFFE80];
	_ =	sdelay $0x2  }
0xef: {  	v3 =	vld [tilespmem:s30+$0xFFFFFF00]  }
0xf0: {  	v0 =	vadd.f32 v0, v1  }
0xf1: {  	v1 =	vld [tilespmem:s30+$0xFFFFFF80]  }
0xf2: {  	v0 =	vadd.f32 v2, v0  }
0xf3: {  	v2 =	vld [tilespmem:s30+$0x0]  }
0xf4: {  	v0 =	vadd.f32 v3, v0  }
0xf5: {  	v3 =	vld [tilespmem:s30+$0x80]  }
0xf6: {  	v0 =	vadd.f32 v1, v0  }
0xf7: {  	v1 =	vld [tilespmem:s30+$0x100]  }
0xf8: {  	v0 =	vadd.f32 v2, v0  }
0xf9: {  	v2 =	vld [tilespmem:s30+$0x180]  }
0xfa: {  	v0 =	vadd.f32 v3, v0  }
0xfb: {  	v3 =	vld [tilespmem:s30+$0x200]  }
0xfc: {  	v0 =	vadd.f32 v1, v0;
	_ =	sdelay $0x1  }
0xfd: {  	v0 =	vadd.f32 v2, v0;
	_ =	sdelay $0x1  }
0xfe: {  	v0 =	vadd.f32 v3, v0  }
0xff: {  	s4 =	sshra.s32 s1, $0x2  }
0x100: {  	[tilespmem:s4+$0x16400] =	vst v0  }
0x101: {  	v0 =	vld [tilespmem:s30+$0xFFFFFD90]  }
0x102: {  	v1 =	vld [tilespmem:s30+$0xFFFFFE10];
	_ =	sdelay $0x1  }
0x103: {  	v2 =	vld [tilespmem:s30+$0xFFFFFE90];
	_ =	sdelay $0x1  }
0x104: {  	v3 =	vld [tilespmem:s30+$0xFFFFFF10]  }
0x105: {  	v0 =	vadd.f32 v1, v0  }
0x106: {  	v1 =	vld [tilespmem:s30+$0xFFFFFF90]  }
0x107: {  	v0 =	vadd.f32 v2, v0  }
0x108: {  	v2 =	vld [tilespmem:s30+$0x10]  }
0x109: {  	v0 =	vadd.f32 v3, v0  }
0x10a: {  	v3 =	vld [tilespmem:s30+$0x90]  }
0x10b: {  	v0 =	vadd.f32 v1, v0  }
0x10c: {  	v1 =	vld [tilespmem:s30+$0x110]  }
0x10d: {  	v0 =	vadd.f32 v2, v0  }
0x10e: {  	v2 =	vld [tilespmem:s30+$0x190]  }
0x10f: {  	v0 =	vadd.f32 v3, v0  }
0x110: {  	v3 =	vld [tilespmem:s30+$0x210]  }
0x111: {  	v0 =	vadd.f32 v1, v0;
	_ =	sdelay $0x1  }
0x112: {  	v0 =	vadd.f32 v2, v0;
	_ =	sdelay $0x1  }
0x113: {  	v0 =	vadd.f32 v3, v0;
	_ =	sdelay $0x1  }
0x114: {  	[tilespmem:s4+$0x16410] =	vst v0  }
0x115: {  	v0 =	vld [tilespmem:s30+$0xFFFFFDA0]  }
0x116: {  	v1 =	vld [tilespmem:s30+$0xFFFFFE20];
	_ =	sdelay $0x1  }
0x117: {  	v2 =	vld [tilespmem:s30+$0xFFFFFEA0];
	_ =	sdelay $0x1  }
0x118: {  	v3 =	vld [tilespmem:s30+$0xFFFFFF20]  }
0x119: {  	v0 =	vadd.f32 v1, v0  }
0x11a: {  	v1 =	vld [tilespmem:s30+$0xFFFFFFA0]  }
0x11b: {  	v0 =	vadd.f32 v2, v0  }
0x11c: {  	v2 =	vld [tilespmem:s30+$0x20]  }
0x11d: {  	v0 =	vadd.f32 v3, v0  }
0x11e: {  	v3 =	vld [tilespmem:s30+$0xA0]  }
0x11f: {  	v0 =	vadd.f32 v1, v0  }
0x120: {  	v1 =	vld [tilespmem:s30+$0x120]  }
0x121: {  	v0 =	vadd.f32 v2, v0  }
0x122: {  	v2 =	vld [tilespmem:s30+$0x1A0]  }
0x123: {  	v0 =	vadd.f32 v3, v0  }
0x124: {  	v3 =	vld [tilespmem:s30+$0x220]  }
0x125: {  	v0 =	vadd.f32 v1, v0;
	_ =	sdelay $0x1  }
0x126: {  	v0 =	vadd.f32 v2, v0;
	_ =	sdelay $0x1  }
0x127: {  	v0 =	vadd.f32 v3, v0;
	_ =	sdelay $0x1  }
0x128: {  	[tilespmem:s4+$0x16420] =	vst v0  }
0x129: {  	v0 =	vld [tilespmem:s30+$0xFFFFFDB0]  }
0x12a: {  	v1 =	vld [tilespmem:s30+$0xFFFFFE30];
	_ =	sdelay $0x1  }
0x12b: {  	v2 =	vld [tilespmem:s30+$0xFFFFFEB0];
	_ =	sdelay $0x1  }
0x12c: {  	v3 =	vld [tilespmem:s30+$0xFFFFFF30]  }
0x12d: {  	v0 =	vadd.f32 v1, v0  }
0x12e: {  	v1 =	vld [tilespmem:s30+$0xFFFFFFB0]  }
0x12f: {  	v0 =	vadd.f32 v2, v0  }
0x130: {  	v2 =	vld [tilespmem:s30+$0x30]  }
0x131: {  	v0 =	vadd.f32 v3, v0  }
0x132: {  	v3 =	vld [tilespmem:s30+$0xB0]  }
0x133: {  	v0 =	vadd.f32 v1, v0  }
0x134: {  	v1 =	vld [tilespmem:s30+$0x130]  }
0x135: {  	v0 =	vadd.f32 v2, v0  }
0x136: {  	v2 =	vld [tilespmem:s30+$0x1B0]  }
0x137: {  	v0 =	vadd.f32 v3, v0  }
0x138: {  	v3 =	vld [tilespmem:s30+$0x230]  }
0x139: {  	v0 =	vadd.f32 v1, v0;
	_ =	sdelay $0x1  }
0x13a: {  	v0 =	vadd.f32 v2, v0;
	_ =	sdelay $0x1  }
0x13b: {  	v0 =	vadd.f32 v3, v0;
	_ =	sdelay $0x1  }
0x13c: {  	[tilespmem:s4+$0x16430] =	vst v0  }
0x13d: {  	v0 =	vld [tilespmem:s30+$0xFFFFFDC0]  }
0x13e: {  	v1 =	vld [tilespmem:s30+$0xFFFFFE40];
	_ =	sdelay $0x1  }
0x13f: {  	v2 =	vld [tilespmem:s30+$0xFFFFFEC0];
	_ =	sdelay $0x1  }
0x140: {  	v3 =	vld [tilespmem:s30+$0xFFFFFF40]  }
0x141: {  	v0 =	vadd.f32 v1, v0  }
0x142: {  	v1 =	vld [tilespmem:s30+$0xFFFFFFC0]  }
0x143: {  	v0 =	vadd.f32 v2, v0  }
0x144: {  	v2 =	vld [tilespmem:s30+$0x40]  }
0x145: {  	v0 =	vadd.f32 v3, v0  }
0x146: {  	v3 =	vld [tilespmem:s30+$0xC0]  }
0x147: {  	v0 =	vadd.f32 v1, v0  }
0x148: {  	v1 =	vld [tilespmem:s30+$0x140]  }
0x149: {  	v0 =	vadd.f32 v2, v0  }
0x14a: {  	v2 =	vld [tilespmem:s30+$0x1C0]  }
0x14b: {  	v0 =	vadd.f32 v3, v0  }
0x14c: {  	v3 =	vld [tilespmem:s30+$0x240]  }
0x14d: {  	v0 =	vadd.f32 v1, v0;
	_ =	sdelay $0x1  }
0x14e: {  	v0 =	vadd.f32 v2, v0;
	_ =	sdelay $0x1  }
0x14f: {  	v0 =	vadd.f32 v3, v0;
	_ =	sdelay $0x1  }
0x150: {  	[tilespmem:s4+$0x16440] =	vst v0  }
0x151: {  	v0 =	vld [tilespmem:s30+$0xFFFFFDD0]  }
0x152: {  	v1 =	vld [tilespmem:s30+$0xFFFFFE50]  }
0x153: {  	v2 =	vld [tilespmem:s30+$0xFFFFFED0]  }
0x154: {  	v3 =	vld [tilespmem:s30+$0xFFFFFF50]  }
0x155: {  	v4 =	vld [tilespmem:s30+$0xFFFFFFD0]  }
0x156: {  	v5 =	vld [tilespmem:s30+$0x50]  }
0x157: {  	v0 =	vadd.f32 v1, v0;
	v1 =	vld [tilespmem:s30+$0xD0]  }
0x158: {  	v6 =	vld [tilespmem:s30+$0x150]  }
0x159: {  	v0 =	vadd.f32 v2, v0;
	v2 =	vld [tilespmem:s30+$0x1D0]  }
0x15a: {  	v7 =	vld [tilespmem:s30+$0x250]  }
0x15b: {  	v0 =	vadd.f32 v3, v0;
	_ =	sdelay $0x1  }
0x15c: {  	v0 =	vadd.f32 v4, v0;
	_ =	sdelay $0x1  }
0x15d: {  	v0 =	vadd.f32 v5, v0;
	_ =	sdelay $0x1  }
0x15e: {  	v0 =	vadd.f32 v1, v0;
	_ =	sdelay $0x1  }
0x15f: {  	v0 =	vadd.f32 v6, v0;
	_ =	sdelay $0x1  }
0x160: {  	v0 =	vadd.f32 v2, v0;
	_ =	sdelay $0x1  }
0x161: {  	v0 =	vadd.f32 v7, v0;
	_ =	sdelay $0x1  }
0x162: {  	[tilespmem:s4+$0x16450] =	vst v0  }
0x163: {  	v0 =	vld [tilespmem:s30+$0xFFFFFDE0]  }
0x164: {  	v1 =	vld [tilespmem:s30+$0xFFFFFE60]  }
0x165: {  	v2 =	vld [tilespmem:s30+$0xFFFFFEE0]  }
0x166: {  	v3 =	vld [tilespmem:s30+$0xFFFFFF60]  }
0x167: {  	v4 =	vld [tilespmem:s30+$0xFFFFFFE0]  }
0x168: {  	v5 =	vld [tilespmem:s30+$0x60]  }
0x169: {  	v0 =	vadd.f32 v1, v0;
	v1 =	vld [tilespmem:s30+$0xE0]  }
0x16a: {  	v6 =	vld [tilespmem:s30+$0x160]  }
0x16b: {  	v0 =	vadd.f32 v2, v0;
	v2 =	vld [tilespmem:s30+$0x1E0]  }
0x16c: {  	v7 =	vld [tilespmem:s30+$0x260]  }
0x16d: {  	v0 =	vadd.f32 v3, v0;
	_ =	sdelay $0x1  }
0x16e: {  	v0 =	vadd.f32 v4, v0;
	_ =	sdelay $0x1  }
0x16f: {  	v0 =	vadd.f32 v5, v0;
	_ =	sdelay $0x1  }
0x170: {  	v0 =	vadd.f32 v1, v0;
	_ =	sdelay $0x1  }
0x171: {  	v0 =	vadd.f32 v6, v0;
	_ =	sdelay $0x1  }
0x172: {  	v0 =	vadd.f32 v2, v0;
	_ =	sdelay $0x1  }
0x173: {  	v0 =	vadd.f32 v7, v0;
	_ =	sdelay $0x1  }
0x174: {  	[tilespmem:s4+$0x16460] =	vst v0  }
0x175: {  	v0 =	vld [tilespmem:s30+$0xFFFFFDF0]  }
0x176: {  	v1 =	vld [tilespmem:s30+$0xFFFFFE70]  }
0x177: {  	v2 =	vld [tilespmem:s30+$0xFFFFFEF0]  }
0x178: {  	v4 =	vld [tilespmem:s30+$0xFFFFFF70]  }
0x179: {  	v5 =	vld [tilespmem:s30+$0xFFFFFFF0]  }
0x17a: {  	v6 =	vld [tilespmem:s30+$0x70]  }
0x17b: {  	v1 =	vadd.f32 v1, v0;
	v3 =	vld [tilespmem:s30+$0xF0]  }
0x17c: {  	v0 =	vld [tilespmem:s30+$0x170]  }
0x17d: {  	v7 =	vadd.f32 v2, v1;
	v1 =	vld [tilespmem:s30+$0x1F0]  }
0x17e: {  	v2 =	vld [tilespmem:s30+$0x270]  }
.Ltmp0:
0x17f: {  	v4 =	vadd.f32 v4, v7;
	(pc) =	sbr.rel @p0 .LBB2_3-.Ltmp0, $3  }
0x180: {  	_ = 	snop  }
0x181: {  	v4 =	vadd.f32 v5, v4;
	_ =	sdelay $0x1  }
0x182: {  	v4 =	vadd.f32 v6, v4  }
0x183: {  	_ = 	snop  }
0x184: {  	v3 =	vadd.f32 v3, v4;
	_ =	sdelay $0x1  }
0x185: {  	v0 =	vadd.f32 v0, v3;
	_ =	sdelay $0x1  }
0x186: {  	v0 =	vadd.f32 v1, v0;
	_ =	sdelay $0x1  }
0x187: {  	v0 =	vadd.f32 v2, v0;
	_ =	sdelay $0x1  }
0x188: {  	s1 =	sadd.s32 s8, s19;
	[tilespmem:s4+$0x16470] =	vst v0;
	s4 =	simm.s32 $0x0  }
0x189: {  	[hbm4b:s1+s4] =	stream.linear.scatter [tilespmem:s13], [sflag:$0x7], $0x1000, $0x38;
	[tilespmem:$0x17400] =	vst v63  }
0x18a: {  	_ =	swait.ge [sflag:s12], $0x1000  }
0x18b: {  	[sflag:s12] =	ssyncset.done $0x0  }
0x18c: {  	[sflag:s12] =	ssyncadd.s32 $0xFFFFF000  }
0x18d: {  	_ =	swait.ge [sflag:s25], $0x20  }
0x18e: {  	[sflag:s25] =	ssyncset.done $0x0  }
0x18f: {  	[sflag:s25] =	ssyncadd.s32 $0xFFFFFFE0  }
0x190: {  	_ =	swait.ge [sflag:s25], $0x140  }
0x191: {  	[sflag:s25] =	ssyncset.done $0x0  }
0x192: {  	[sflag:s25] =	ssyncadd.s32 $0xFFFFFEC0  }
0x193: {  	[tilespmem:s28], [sflag:$0x3] =	stream.indirect.gather [hbm4b:s3+s26], $0x80, s4, s26, $0xb8;
	[tilespmem:$0x17400] =	vst v63  }
0x194: {  	s19 =	simm.s32 $0x2400  }
0x195: {  	[tilespmem:s19], [sflag:$0x5] =	stream.indirect.gather [hbm4b:s3+s29], $0x80, s22, s29, $0xb8;
	[tilespmem:$0x17400] =	vst v63  }
0x196: {  	s1 =	sadd.s32 s21, s16;
	_ =	swait.ge [sflag:s17], $0x1000  }
0x197: {  	p0 =	slt.s32 s1, $0xC330;
	[sflag:s17] =	ssyncset.done $0x0  }
0x198: {  	s1 =	simm.s32 @!p0 $0xC330;
	[sflag:s17] =	ssyncadd.s32 $0xFFFFF000  }
0x199: {  	s5 =	sshrl.u32 s1, $0x3;
	s1 =	smul.u32 $0xA, s1;
	_ =	swait.ge [sflag:s18], $0xA000  }
0x19a: {  	[sflag:s18] =	ssyncset.done $0x0  }
0x19b: {  	s5 =	sadd.s32 s2, s5;
	s1 =	sshrl.u32 s1, $0x3;
	[sflag:s18] =	ssyncadd.s32 $0xFFFF6000  }
0x19c: {  	[tilespmem:s23], [sflag:$0x2] =	stream.linear.gather [hbm4b:s5+s4], $0x20, $0x38;
	[tilespmem:$0x17400] =	vst v63  }
0x19d: {  	s1 =	sadd.s32 s10, s1  }
0x19e: {  	[tilespmem:s24], [sflag:$0x2] =	stream.linear.gather [hbm4b:s1+s4], $0x140, $0x38;
	[tilespmem:$0x17400] =	vst v63  }
0x19f: {  	s1 =	sadd.s32 s21, s7  }
0x1a0: {  	p0 =	slt.s32 s1, $0xC330  }
0x1a1: {  	s1 =	simm.s32 @!p0 $0xC330  }
0x1a2: {  	s19 =	sshll.u32 s1, $0x4  }
0x1a3: {  	s1 =	sadd.s32 s6, s19  }
0x1a4: {  	[hbm4b:s1+s4] =	stream.linear.scatter [tilespmem:s0], [sflag:$0x7], $0x1000, $0x38;
	[tilespmem:$0x17400] =	vst v63  }
0x1a5: {  	_ =	swait.ge [sflag:s12], $0x1000  }
0x1a6: {  	[sflag:s12] =	ssyncset.done $0x0  }
0x1a7: {  	s21 =	simm.s32 $0xC680;
	[sflag:s12] =	ssyncadd.s32 $0xFFFFF000  }
0x1a8: {  	v0 =	vld [tilespmem:s21+$0xFFFFFE00]  }
0x1a9: {  	v1 =	vld [tilespmem:s21+$0xFFFFFD80];
	_ =	sdelay $0x1  }
0x1aa: {  	v2 =	vld [tilespmem:s21+$0xFFFFFE80];
	_ =	sdelay $0x1  }
0x1ab: {  	v3 =	vld [tilespmem:s21+$0xFFFFFF00]  }
0x1ac: {  	v0 =	vadd.f32 v0, v1  }
0x1ad: {  	v1 =	vld [tilespmem:s21+$0xFFFFFF80]  }
0x1ae: {  	v0 =	vadd.f32 v2, v0  }
0x1af: {  	v2 =	vld [tilespmem:s21+$0x0]  }
0x1b0: {  	v0 =	vadd.f32 v3, v0  }
0x1b1: {  	v3 =	vld [tilespmem:s21+$0x80]  }
0x1b2: {  	v0 =	vadd.f32 v1, v0  }
0x1b3: {  	v1 =	vld [tilespmem:s21+$0x100]  }
0x1b4: {  	v0 =	vadd.f32 v2, v0  }
0x1b5: {  	v2 =	vld [tilespmem:s21+$0x180]  }
0x1b6: {  	v0 =	vadd.f32 v3, v0  }
0x1b7: {  	v3 =	vld [tilespmem:s21+$0x200]  }
0x1b8: {  	v0 =	vadd.f32 v1, v0;
	_ =	sdelay $0x1  }
0x1b9: {  	v0 =	vadd.f32 v2, v0;
	_ =	sdelay $0x1  }
0x1ba: {  	v0 =	vadd.f32 v3, v0  }
0x1bb: {  	s4 =	simm.s32 $0x0  }
0x1bc: {  	[tilespmem:s4+$0x16400] =	vst v0  }
0x1bd: {  	v0 =	vld [tilespmem:s21+$0xFFFFFD90]  }
0x1be: {  	v1 =	vld [tilespmem:s21+$0xFFFFFE10];
	_ =	sdelay $0x1  }
0x1bf: {  	v2 =	vld [tilespmem:s21+$0xFFFFFE90];
	_ =	sdelay $0x1  }
0x1c0: {  	v3 =	vld [tilespmem:s21+$0xFFFFFF10]  }
0x1c1: {  	v0 =	vadd.f32 v1, v0  }
0x1c2: {  	v1 =	vld [tilespmem:s21+$0xFFFFFF90]  }
0x1c3: {  	v0 =	vadd.f32 v2, v0  }
0x1c4: {  	v2 =	vld [tilespmem:s21+$0x10]  }
0x1c5: {  	v0 =	vadd.f32 v3, v0  }
0x1c6: {  	v3 =	vld [tilespmem:s21+$0x90]  }
0x1c7: {  	v0 =	vadd.f32 v1, v0  }
0x1c8: {  	v1 =	vld [tilespmem:s21+$0x110]  }
0x1c9: {  	v0 =	vadd.f32 v2, v0  }
0x1ca: {  	v2 =	vld [tilespmem:s21+$0x190]  }
0x1cb: {  	v0 =	vadd.f32 v3, v0  }
0x1cc: {  	v3 =	vld [tilespmem:s21+$0x210]  }
0x1cd: {  	v0 =	vadd.f32 v1, v0;
	_ =	sdelay $0x1  }
0x1ce: {  	v0 =	vadd.f32 v2, v0;
	_ =	sdelay $0x1  }
0x1cf: {  	v0 =	vadd.f32 v3, v0;
	_ =	sdelay $0x1  }
0x1d0: {  	[tilespmem:s4+$0x16410] =	vst v0  }
0x1d1: {  	v0 =	vld [tilespmem:s21+$0xFFFFFDA0]  }
0x1d2: {  	v1 =	vld [tilespmem:s21+$0xFFFFFE20];
	_ =	sdelay $0x1  }
0x1d3: {  	v2 =	vld [tilespmem:s21+$0xFFFFFEA0];
	_ =	sdelay $0x1  }
0x1d4: {  	v3 =	vld [tilespmem:s21+$0xFFFFFF20]  }
0x1d5: {  	v0 =	vadd.f32 v1, v0  }
0x1d6: {  	v1 =	vld [tilespmem:s21+$0xFFFFFFA0]  }
0x1d7: {  	v0 =	vadd.f32 v2, v0  }
0x1d8: {  	v2 =	vld [tilespmem:s21+$0x20]  }
0x1d9: {  	v0 =	vadd.f32 v3, v0  }
0x1da: {  	v3 =	vld [tilespmem:s21+$0xA0]  }
0x1db: {  	v0 =	vadd.f32 v1, v0  }
0x1dc: {  	v1 =	vld [tilespmem:s21+$0x120]  }
0x1dd: {  	v0 =	vadd.f32 v2, v0  }
0x1de: {  	v2 =	vld [tilespmem:s21+$0x1A0]  }
0x1df: {  	v0 =	vadd.f32 v3, v0  }
0x1e0: {  	v3 =	vld [tilespmem:s21+$0x220]  }
0x1e1: {  	v0 =	vadd.f32 v1, v0;
	_ =	sdelay $0x1  }
0x1e2: {  	v0 =	vadd.f32 v2, v0;
	_ =	sdelay $0x1  }
0x1e3: {  	v0 =	vadd.f32 v3, v0;
	_ =	sdelay $0x1  }
0x1e4: {  	[tilespmem:s4+$0x16420] =	vst v0  }
0x1e5: {  	v0 =	vld [tilespmem:s21+$0xFFFFFDB0]  }
0x1e6: {  	v1 =	vld [tilespmem:s21+$0xFFFFFE30];
	_ =	sdelay $0x1  }
0x1e7: {  	v2 =	vld [tilespmem:s21+$0xFFFFFEB0];
	_ =	sdelay $0x1  }
0x1e8: {  	v3 =	vld [tilespmem:s21+$0xFFFFFF30]  }
0x1e9: {  	v0 =	vadd.f32 v1, v0  }
0x1ea: {  	v1 =	vld [tilespmem:s21+$0xFFFFFFB0]  }
0x1eb: {  	v0 =	vadd.f32 v2, v0  }
0x1ec: {  	v2 =	vld [tilespmem:s21+$0x30]  }
0x1ed: {  	v0 =	vadd.f32 v3, v0  }
0x1ee: {  	v3 =	vld [tilespmem:s21+$0xB0]  }
0x1ef: {  	v0 =	vadd.f32 v1, v0  }
0x1f0: {  	v1 =	vld [tilespmem:s21+$0x130]  }
0x1f1: {  	v0 =	vadd.f32 v2, v0  }
0x1f2: {  	v2 =	vld [tilespmem:s21+$0x1B0]  }
0x1f3: {  	v0 =	vadd.f32 v3, v0  }
0x1f4: {  	v3 =	vld [tilespmem:s21+$0x230]  }
0x1f5: {  	v0 =	vadd.f32 v1, v0;
	_ =	sdelay $0x1  }
0x1f6: {  	v0 =	vadd.f32 v2, v0;
	_ =	sdelay $0x1  }
0x1f7: {  	v0 =	vadd.f32 v3, v0;
	_ =	sdelay $0x1  }
0x1f8: {  	[tilespmem:s4+$0x16430] =	vst v0  }
0x1f9: {  	v0 =	vld [tilespmem:s21+$0xFFFFFDC0]  }
0x1fa: {  	v1 =	vld [tilespmem:s21+$0xFFFFFE40];
	_ =	sdelay $0x1  }
0x1fb: {  	v2 =	vld [tilespmem:s21+$0xFFFFFEC0];
	_ =	sdelay $0x1  }
0x1fc: {  	v3 =	vld [tilespmem:s21+$0xFFFFFF40]  }
0x1fd: {  	v0 =	vadd.f32 v1, v0  }
0x1fe: {  	v1 =	vld [tilespmem:s21+$0xFFFFFFC0]  }
0x1ff: {  	v0 =	vadd.f32 v2, v0  }
0x200: {  	v2 =	vld [tilespmem:s21+$0x40]  }
0x201: {  	v0 =	vadd.f32 v3, v0  }
0x202: {  	v3 =	vld [tilespmem:s21+$0xC0]  }
0x203: {  	v0 =	vadd.f32 v1, v0  }
0x204: {  	v1 =	vld [tilespmem:s21+$0x140]  }
0x205: {  	v0 =	vadd.f32 v2, v0  }
0x206: {  	v2 =	vld [tilespmem:s21+$0x1C0]  }
0x207: {  	v0 =	vadd.f32 v3, v0  }
0x208: {  	v3 =	vld [tilespmem:s21+$0x240]  }
0x209: {  	v0 =	vadd.f32 v1, v0;
	_ =	sdelay $0x1  }
0x20a: {  	v0 =	vadd.f32 v2, v0;
	_ =	sdelay $0x1  }
0x20b: {  	v0 =	vadd.f32 v3, v0;
	_ =	sdelay $0x1  }
0x20c: {  	[tilespmem:s4+$0x16440] =	vst v0  }
0x20d: {  	v0 =	vld [tilespmem:s21+$0xFFFFFDD0]  }
0x20e: {  	v1 =	vld [tilespmem:s21+$0xFFFFFE50];
	_ =	sdelay $0x1  }
0x20f: {  	v2 =	vld [tilespmem:s21+$0xFFFFFED0];
	_ =	sdelay $0x1  }
0x210: {  	v3 =	vld [tilespmem:s21+$0xFFFFFF50]  }
0x211: {  	v0 =	vadd.f32 v1, v0  }
0x212: {  	v1 =	vld [tilespmem:s21+$0xFFFFFFD0]  }
0x213: {  	v0 =	vadd.f32 v2, v0  }
0x214: {  	v2 =	vld [tilespmem:s21+$0x50]  }
0x215: {  	v0 =	vadd.f32 v3, v0  }
0x216: {  	v3 =	vld [tilespmem:s21+$0xD0]  }
0x217: {  	v0 =	vadd.f32 v1, v0  }
0x218: {  	v1 =	vld [tilespmem:s21+$0x150]  }
0x219: {  	v0 =	vadd.f32 v2, v0  }
0x21a: {  	v2 =	vld [tilespmem:s21+$0x1D0]  }
0x21b: {  	v0 =	vadd.f32 v3, v0  }
0x21c: {  	v3 =	vld [tilespmem:s21+$0x250]  }
0x21d: {  	v0 =	vadd.f32 v1, v0;
	_ =	sdelay $0x1  }
0x21e: {  	v0 =	vadd.f32 v2, v0;
	_ =	sdelay $0x1  }
0x21f: {  	v0 =	vadd.f32 v3, v0;
	_ =	sdelay $0x1  }
0x220: {  	[tilespmem:s4+$0x16450] =	vst v0  }
0x221: {  	v0 =	vld [tilespmem:s21+$0xFFFFFDE0]  }
0x222: {  	v1 =	vld [tilespmem:s21+$0xFFFFFE60];
	_ =	sdelay $0x1  }
0x223: {  	v2 =	vld [tilespmem:s21+$0xFFFFFEE0];
	_ =	sdelay $0x1  }
0x224: {  	v3 =	vld [tilespmem:s21+$0xFFFFFF60]  }
0x225: {  	v0 =	vadd.f32 v1, v0  }
0x226: {  	v1 =	vld [tilespmem:s21+$0xFFFFFFE0]  }
0x227: {  	v0 =	vadd.f32 v2, v0  }
0x228: {  	v2 =	vld [tilespmem:s21+$0x60]  }
0x229: {  	v0 =	vadd.f32 v3, v0  }
0x22a: {  	v3 =	vld [tilespmem:s21+$0xE0]  }
0x22b: {  	v0 =	vadd.f32 v1, v0  }
0x22c: {  	v1 =	vld [tilespmem:s21+$0x160]  }
0x22d: {  	v0 =	vadd.f32 v2, v0  }
0x22e: {  	v2 =	vld [tilespmem:s21+$0x1E0]  }
0x22f: {  	v0 =	vadd.f32 v3, v0  }
0x230: {  	v3 =	vld [tilespmem:s21+$0x260]  }
0x231: {  	v0 =	vadd.f32 v1, v0;
	_ =	sdelay $0x1  }
0x232: {  	v0 =	vadd.f32 v2, v0;
	_ =	sdelay $0x1  }
0x233: {  	v0 =	vadd.f32 v3, v0;
	_ =	sdelay $0x1  }
0x234: {  	[tilespmem:s4+$0x16460] =	vst v0  }
0x235: {  	v0 =	vld [tilespmem:s21+$0xFFFFFDF0]  }
0x236: {  	v1 =	vld [tilespmem:s21+$0xFFFFFE70];
	_ =	sdelay $0x1  }
0x237: {  	v2 =	vld [tilespmem:s21+$0xFFFFFEF0];
	_ =	sdelay $0x1  }
0x238: {  	v3 =	vld [tilespmem:s21+$0xFFFFFF70]  }
0x239: {  	v0 =	vadd.f32 v1, v0  }
0x23a: {  	v1 =	vld [tilespmem:s21+$0xFFFFFFF0]  }
0x23b: {  	v0 =	vadd.f32 v2, v0  }
0x23c: {  	v4 =	vld [tilespmem:s21+$0x70]  }
0x23d: {  	v2 =	vadd.f32 v3, v0  }
0x23e: {  	v3 =	vld [tilespmem:s21+$0xF0]  }
0x23f: {  	v0 =	vld [tilespmem:s21+$0x170];
	v5 =	vadd.f32 v1, v2  }
0x240: {  	v1 =	vld [tilespmem:s21+$0x1F0]  }
0x241: {  	s30 =	smov.u32 s2;
	s5 =	simm.s32 $0x200;
	v2 =	vld [tilespmem:s21+$0x270];
	v4 =	vadd.f32 v4, v5  }
.LBB2_5:
0x242: {  	p0 =	sne.s32 s5, $0x3E00  }
0x243: {  	s21 =	sadd.s32 $0x500, s21;
	s1 =	smov.u32 s5;
	s5 =	sadd.s32 $0x200, s5;
	v3 =	vadd.f32 v3, v4  }
0x244: {  	_ = 	snop  }
0x245: {  	v0 =	vadd.f32 v0, v3;
	_ =	sdelay $0x1  }
0x246: {  	v0 =	vadd.f32 v1, v0;
	_ =	sdelay $0x1  }
0x247: {  	v0 =	vadd.f32 v2, v0;
	_ =	sdelay $0x1  }
0x248: {  	[tilespmem:s4+$0x16470] =	vst v0  }
0x249: {  	v0 =	vld [tilespmem:s21+$0xFFFFFE00]  }
0x24a: {  	v1 =	vld [tilespmem:s21+$0xFFFFFD80]  }
0x24b: {  	v2 =	vld [tilespmem:s21+$0xFFFFFE80];
	_ =	sdelay $0x2  }
0x24c: {  	v3 =	vld [tilespmem:s21+$0xFFFFFF00]  }
0x24d: {  	v0 =	vadd.f32 v0, v1  }
0x24e: {  	v1 =	vld [tilespmem:s21+$0xFFFFFF80]  }
0x24f: {  	v0 =	vadd.f32 v2, v0  }
0x250: {  	v2 =	vld [tilespmem:s21+$0x0]  }
0x251: {  	v0 =	vadd.f32 v3, v0  }
0x252: {  	v3 =	vld [tilespmem:s21+$0x80]  }
0x253: {  	v0 =	vadd.f32 v1, v0  }
0x254: {  	v1 =	vld [tilespmem:s21+$0x100]  }
0x255: {  	v0 =	vadd.f32 v2, v0  }
0x256: {  	v2 =	vld [tilespmem:s21+$0x180]  }
0x257: {  	v0 =	vadd.f32 v3, v0  }
0x258: {  	v3 =	vld [tilespmem:s21+$0x200]  }
0x259: {  	v0 =	vadd.f32 v1, v0;
	_ =	sdelay $0x1  }
0x25a: {  	v0 =	vadd.f32 v2, v0;
	_ =	sdelay $0x1  }
0x25b: {  	v0 =	vadd.f32 v3, v0  }
0x25c: {  	s4 =	sshra.s32 s1, $0x2  }
0x25d: {  	[tilespmem:s4+$0x16400] =	vst v0  }
0x25e: {  	v0 =	vld [tilespmem:s21+$0xFFFFFD90]  }
0x25f: {  	v1 =	vld [tilespmem:s21+$0xFFFFFE10];
	_ =	sdelay $0x1  }
0x260: {  	v2 =	vld [tilespmem:s21+$0xFFFFFE90];
	_ =	sdelay $0x1  }
0x261: {  	v3 =	vld [tilespmem:s21+$0xFFFFFF10]  }
0x262: {  	v0 =	vadd.f32 v1, v0  }
0x263: {  	v1 =	vld [tilespmem:s21+$0xFFFFFF90]  }
0x264: {  	v0 =	vadd.f32 v2, v0  }
0x265: {  	v2 =	vld [tilespmem:s21+$0x10]  }
0x266: {  	v0 =	vadd.f32 v3, v0  }
0x267: {  	v3 =	vld [tilespmem:s21+$0x90]  }
0x268: {  	v0 =	vadd.f32 v1, v0  }
0x269: {  	v1 =	vld [tilespmem:s21+$0x110]  }
0x26a: {  	v0 =	vadd.f32 v2, v0  }
0x26b: {  	v2 =	vld [tilespmem:s21+$0x190]  }
0x26c: {  	v0 =	vadd.f32 v3, v0  }
0x26d: {  	v3 =	vld [tilespmem:s21+$0x210]  }
0x26e: {  	v0 =	vadd.f32 v1, v0;
	_ =	sdelay $0x1  }
0x26f: {  	v0 =	vadd.f32 v2, v0;
	_ =	sdelay $0x1  }
0x270: {  	v0 =	vadd.f32 v3, v0;
	_ =	sdelay $0x1  }
0x271: {  	[tilespmem:s4+$0x16410] =	vst v0  }
0x272: {  	v0 =	vld [tilespmem:s21+$0xFFFFFDA0]  }
0x273: {  	v1 =	vld [tilespmem:s21+$0xFFFFFE20];
	_ =	sdelay $0x1  }
0x274: {  	v2 =	vld [tilespmem:s21+$0xFFFFFEA0];
	_ =	sdelay $0x1  }
0x275: {  	v3 =	vld [tilespmem:s21+$0xFFFFFF20]  }
0x276: {  	v0 =	vadd.f32 v1, v0  }
0x277: {  	v1 =	vld [tilespmem:s21+$0xFFFFFFA0]  }
0x278: {  	v0 =	vadd.f32 v2, v0  }
0x279: {  	v2 =	vld [tilespmem:s21+$0x20]  }
0x27a: {  	v0 =	vadd.f32 v3, v0  }
0x27b: {  	v3 =	vld [tilespmem:s21+$0xA0]  }
0x27c: {  	v0 =	vadd.f32 v1, v0  }
0x27d: {  	v1 =	vld [tilespmem:s21+$0x120]  }
0x27e: {  	v0 =	vadd.f32 v2, v0  }
0x27f: {  	v2 =	vld [tilespmem:s21+$0x1A0]  }
0x280: {  	v0 =	vadd.f32 v3, v0  }
0x281: {  	v3 =	vld [tilespmem:s21+$0x220]  }
0x282: {  	v0 =	vadd.f32 v1, v0;
	_ =	sdelay $0x1  }
0x283: {  	v0 =	vadd.f32 v2, v0;
	_ =	sdelay $0x1  }
0x284: {  	v0 =	vadd.f32 v3, v0;
	_ =	sdelay $0x1  }
0x285: {  	[tilespmem:s4+$0x16420] =	vst v0  }
0x286: {  	v0 =	vld [tilespmem:s21+$0xFFFFFDB0]  }
0x287: {  	v1 =	vld [tilespmem:s21+$0xFFFFFE30];
	_ =	sdelay $0x1  }
0x288: {  	v2 =	vld [tilespmem:s21+$0xFFFFFEB0];
	_ =	sdelay $0x1  }
0x289: {  	v3 =	vld [tilespmem:s21+$0xFFFFFF30]  }
0x28a: {  	v0 =	vadd.f32 v1, v0  }
0x28b: {  	v1 =	vld [tilespmem:s21+$0xFFFFFFB0]  }
0x28c: {  	v0 =	vadd.f32 v2, v0  }
0x28d: {  	v2 =	vld [tilespmem:s21+$0x30]  }
0x28e: {  	v0 =	vadd.f32 v3, v0  }
0x28f: {  	v3 =	vld [tilespmem:s21+$0xB0]  }
0x290: {  	v0 =	vadd.f32 v1, v0  }
0x291: {  	v1 =	vld [tilespmem:s21+$0x130]  }
0x292: {  	v0 =	vadd.f32 v2, v0  }
0x293: {  	v2 =	vld [tilespmem:s21+$0x1B0]  }
0x294: {  	v0 =	vadd.f32 v3, v0  }
0x295: {  	v3 =	vld [tilespmem:s21+$0x230]  }
0x296: {  	v0 =	vadd.f32 v1, v0;
	_ =	sdelay $0x1  }
0x297: {  	v0 =	vadd.f32 v2, v0;
	_ =	sdelay $0x1  }
0x298: {  	v0 =	vadd.f32 v3, v0;
	_ =	sdelay $0x1  }
0x299: {  	[tilespmem:s4+$0x16430] =	vst v0  }
0x29a: {  	v0 =	vld [tilespmem:s21+$0xFFFFFDC0]  }
0x29b: {  	v1 =	vld [tilespmem:s21+$0xFFFFFE40];
	_ =	sdelay $0x1  }
0x29c: {  	v2 =	vld [tilespmem:s21+$0xFFFFFEC0];
	_ =	sdelay $0x1  }
0x29d: {  	v3 =	vld [tilespmem:s21+$0xFFFFFF40]  }
0x29e: {  	v0 =	vadd.f32 v1, v0  }
0x29f: {  	v1 =	vld [tilespmem:s21+$0xFFFFFFC0]  }
0x2a0: {  	v0 =	vadd.f32 v2, v0  }
0x2a1: {  	v2 =	vld [tilespmem:s21+$0x40]  }
0x2a2: {  	v0 =	vadd.f32 v3, v0  }
0x2a3: {  	v3 =	vld [tilespmem:s21+$0xC0]  }
0x2a4: {  	v0 =	vadd.f32 v1, v0  }
0x2a5: {  	v1 =	vld [tilespmem:s21+$0x140]  }
0x2a6: {  	v0 =	vadd.f32 v2, v0  }
0x2a7: {  	v2 =	vld [tilespmem:s21+$0x1C0]  }
0x2a8: {  	v0 =	vadd.f32 v3, v0  }
0x2a9: {  	v3 =	vld [tilespmem:s21+$0x240]  }
0x2aa: {  	v0 =	vadd.f32 v1, v0;
	_ =	sdelay $0x1  }
0x2ab: {  	v0 =	vadd.f32 v2, v0;
	_ =	sdelay $0x1  }
0x2ac: {  	v0 =	vadd.f32 v3, v0;
	_ =	sdelay $0x1  }
0x2ad: {  	[tilespmem:s4+$0x16440] =	vst v0  }
0x2ae: {  	v0 =	vld [tilespmem:s21+$0xFFFFFDD0]  }
0x2af: {  	v1 =	vld [tilespmem:s21+$0xFFFFFE50]  }
0x2b0: {  	v2 =	vld [tilespmem:s21+$0xFFFFFED0]  }
0x2b1: {  	v3 =	vld [tilespmem:s21+$0xFFFFFF50]  }
0x2b2: {  	v4 =	vld [tilespmem:s21+$0xFFFFFFD0]  }
0x2b3: {  	v5 =	vld [tilespmem:s21+$0x50]  }
0x2b4: {  	v0 =	vadd.f32 v1, v0;
	v1 =	vld [tilespmem:s21+$0xD0]  }
0x2b5: {  	v6 =	vld [tilespmem:s21+$0x150]  }
0x2b6: {  	v0 =	vadd.f32 v2, v0;
	v2 =	vld [tilespmem:s21+$0x1D0]  }
0x2b7: {  	v7 =	vld [tilespmem:s21+$0x250]  }
0x2b8: {  	v0 =	vadd.f32 v3, v0;
	_ =	sdelay $0x1  }
0x2b9: {  	v0 =	vadd.f32 v4, v0;
	_ =	sdelay $0x1  }
0x2ba: {  	v0 =	vadd.f32 v5, v0;
	_ =	sdelay $0x1  }
0x2bb: {  	v0 =	vadd.f32 v1, v0;
	_ =	sdelay $0x1  }
0x2bc: {  	v0 =	vadd.f32 v6, v0;
	_ =	sdelay $0x1  }
0x2bd: {  	v0 =	vadd.f32 v2, v0;
	_ =	sdelay $0x1  }
0x2be: {  	v0 =	vadd.f32 v7, v0;
	_ =	sdelay $0x1  }
0x2bf: {  	[tilespmem:s4+$0x16450] =	vst v0  }
0x2c0: {  	v0 =	vld [tilespmem:s21+$0xFFFFFDE0]  }
0x2c1: {  	v1 =	vld [tilespmem:s21+$0xFFFFFE60]  }
0x2c2: {  	v2 =	vld [tilespmem:s21+$0xFFFFFEE0]  }
0x2c3: {  	v3 =	vld [tilespmem:s21+$0xFFFFFF60]  }
0x2c4: {  	v4 =	vld [tilespmem:s21+$0xFFFFFFE0]  }
0x2c5: {  	v5 =	vld [tilespmem:s21+$0x60]  }
0x2c6: {  	v0 =	vadd.f32 v1, v0;
	v1 =	vld [tilespmem:s21+$0xE0]  }
0x2c7: {  	v6 =	vld [tilespmem:s21+$0x160]  }
0x2c8: {  	v0 =	vadd.f32 v2, v0;
	v2 =	vld [tilespmem:s21+$0x1E0]  }
0x2c9: {  	v7 =	vld [tilespmem:s21+$0x260]  }
0x2ca: {  	v0 =	vadd.f32 v3, v0;
	_ =	sdelay $0x1  }
0x2cb: {  	v0 =	vadd.f32 v4, v0;
	_ =	sdelay $0x1  }
0x2cc: {  	v0 =	vadd.f32 v5, v0;
	_ =	sdelay $0x1  }
0x2cd: {  	v0 =	vadd.f32 v1, v0;
	_ =	sdelay $0x1  }
0x2ce: {  	v0 =	vadd.f32 v6, v0;
	_ =	sdelay $0x1  }
0x2cf: {  	v0 =	vadd.f32 v2, v0;
	_ =	sdelay $0x1  }
0x2d0: {  	v0 =	vadd.f32 v7, v0;
	_ =	sdelay $0x1  }
0x2d1: {  	[tilespmem:s4+$0x16460] =	vst v0  }
0x2d2: {  	v0 =	vld [tilespmem:s21+$0xFFFFFDF0]  }
0x2d3: {  	v1 =	vld [tilespmem:s21+$0xFFFFFE70]  }
0x2d4: {  	v2 =	vld [tilespmem:s21+$0xFFFFFEF0]  }
0x2d5: {  	v4 =	vld [tilespmem:s21+$0xFFFFFF70]  }
0x2d6: {  	v5 =	vld [tilespmem:s21+$0xFFFFFFF0]  }
0x2d7: {  	v6 =	vld [tilespmem:s21+$0x70]  }
0x2d8: {  	v1 =	vadd.f32 v1, v0;
	v3 =	vld [tilespmem:s21+$0xF0]  }
0x2d9: {  	v0 =	vld [tilespmem:s21+$0x170]  }
0x2da: {  	v7 =	vadd.f32 v2, v1;
	v1 =	vld [tilespmem:s21+$0x1F0]  }
0x2db: {  	v2 =	vld [tilespmem:s21+$0x270]  }
.Ltmp1:
0x2dc: {  	v4 =	vadd.f32 v4, v7;
	(pc) =	sbr.rel @p0 .LBB2_5-.Ltmp1, $3  }
0x2dd: {  	_ = 	snop  }
0x2de: {  	v4 =	vadd.f32 v5, v4;
	_ =	sdelay $0x1  }
0x2df: {  	v4 =	vadd.f32 v6, v4  }
0x2e0: {  	_ = 	snop  }
0x2e1: {  	v3 =	vadd.f32 v3, v4;
	_ =	sdelay $0x1  }
0x2e2: {  	v0 =	vadd.f32 v0, v3;
	_ =	sdelay $0x1  }
0x2e3: {  	v0 =	vadd.f32 v1, v0;
	_ =	sdelay $0x1  }
0x2e4: {  	v0 =	vadd.f32 v2, v0;
	_ =	sdelay $0x1  }
0x2e5: {  	s1 =	sadd.s32 s8, s19;
	s21 =	simm.s32 $0x0;
	[tilespmem:s4+$0x16470] =	vst v0  }
0x2e6: {  	[hbm4b:s1+s21] =	stream.linear.scatter [tilespmem:s13], [sflag:$0x7], $0x1000, $0x38;
	[tilespmem:$0x17400] =	vst v63  }
0x2e7: {  	_ =	swait.ge [sflag:s12], $0x1000  }
0x2e8: {  	s20 =	sadd.s32 $0x1, s20;
	s19 =	rddreg [dreg:$0x9]  }
0x2e9: {  	p0 =	sne.s32 s20, s19  }
.Ltmp2:
0x2ea: {  	_ = 	snop;
	(pc) =	sbr.rel @p0 .LBB2_2-.Ltmp2, $3  }
0x2eb: {  	_ =	sdelay $0x1  }
0x2ec: {  	[sflag:s12] =	ssyncset.done $0x0  }
0x2ed: {  	[sflag:s12] =	ssyncadd.s32 $0xFFFFF000  }
0x2ee: {  	_ =	swait.ge [sflag:s31], $0x20  }
0x2ef: {  	[sflag:s31] =	ssyncset.done $0x0  }
0x2f0: {  	[sflag:s31] =	ssyncadd.s32 $0xFFFFFFE0  }
0x2f1: {  	_ =	swait.ge [sflag:s31], $0x140  }
0x2f2: {  	[sflag:s31] =	ssyncset.done $0x0  }
0x2f3: {  	[sflag:s31] =	ssyncadd.s32 $0xFFFFFEC0  }
0x2f4: {  	[tilespmem:s0], [sflag:$0x4] =	stream.indirect.gather [hbm4b:s3+s26], $0x80, s23, s26, $0xb8;
	[tilespmem:$0x17400] =	vst v63  }
0x2f5: {  	s1 =	simm.s32 $0xC400  }
0x2f6: {  	[tilespmem:s1], [sflag:$0x6] =	stream.indirect.gather [hbm4b:s3+s29], $0x80, s24, s29, $0xb8;
	[tilespmem:$0x17400] =	vst v63  }
0x2f7: {  	_ =	swait.ge [sflag:s9], $0x1000  }
0x2f8: {  	[sflag:s9] =	ssyncset.done $0x0  }
0x2f9: {  	[sflag:s9] =	ssyncadd.s32 $0xFFFFF000  }
0x2fa: {  	_ =	swait.ge [sflag:s11], $0xA000  }
0x2fb: {  	[sflag:s11] =	ssyncset.done $0x0  }
0x2fc: {  	s20 =	simm.s32 $0x0;
	s2 =	rddreg [dreg:$0xa];
	[sflag:s11] =	ssyncadd.s32 $0xFFFF6000  }
0x2fd: {  	[hbm4b:s2+s20] =	stream.linear.scatter [tilespmem:s28], [sflag:$0x7], $0x1000, $0x38;
	[tilespmem:$0x17400] =	vst v63  }
0x2fe: {  	_ =	swait.ge [sflag:s12], $0x1000  }
0x2ff: {  	[sflag:s12] =	ssyncset.done $0x0  }
0x300: {  	s19 =	simm.s32 $0x2680;
	[sflag:s12] =	ssyncadd.s32 $0xFFFFF000  }
0x301: {  	v0 =	vld [tilespmem:s19+$0xFFFFFE00]  }
0x302: {  	v1 =	vld [tilespmem:s19+$0xFFFFFD80];
	_ =	sdelay $0x1  }
0x303: {  	v2 =	vld [tilespmem:s19+$0xFFFFFE80];
	_ =	sdelay $0x1  }
0x304: {  	v3 =	vld [tilespmem:s19+$0xFFFFFF00]  }
0x305: {  	v0 =	vadd.f32 v0, v1  }
0x306: {  	v1 =	vld [tilespmem:s19+$0xFFFFFF80]  }
0x307: {  	v0 =	vadd.f32 v2, v0  }
0x308: {  	v2 =	vld [tilespmem:s19+$0x0]  }
0x309: {  	v0 =	vadd.f32 v3, v0  }
0x30a: {  	v3 =	vld [tilespmem:s19+$0x80]  }
0x30b: {  	v0 =	vadd.f32 v1, v0  }
0x30c: {  	v1 =	vld [tilespmem:s19+$0x100]  }
0x30d: {  	v0 =	vadd.f32 v2, v0  }
0x30e: {  	v2 =	vld [tilespmem:s19+$0x180]  }
0x30f: {  	v0 =	vadd.f32 v3, v0  }
0x310: {  	v3 =	vld [tilespmem:s19+$0x200]  }
0x311: {  	v0 =	vadd.f32 v1, v0;
	_ =	sdelay $0x1  }
0x312: {  	v0 =	vadd.f32 v2, v0;
	_ =	sdelay $0x1  }
0x313: {  	v0 =	vadd.f32 v3, v0  }
0x314: {  	s4 =	simm.s32 $0x0  }
0x315: {  	[tilespmem:s4+$0x16400] =	vst v0  }
0x316: {  	v0 =	vld [tilespmem:s19+$0xFFFFFD90]  }
0x317: {  	v1 =	vld [tilespmem:s19+$0xFFFFFE10];
	_ =	sdelay $0x1  }
0x318: {  	v2 =	vld [tilespmem:s19+$0xFFFFFE90];
	_ =	sdelay $0x1  }
0x319: {  	v3 =	vld [tilespmem:s19+$0xFFFFFF10]  }
0x31a: {  	v0 =	vadd.f32 v1, v0  }
0x31b: {  	v1 =	vld [tilespmem:s19+$0xFFFFFF90]  }
0x31c: {  	v0 =	vadd.f32 v2, v0  }
0x31d: {  	v2 =	vld [tilespmem:s19+$0x10]  }
0x31e: {  	v0 =	vadd.f32 v3, v0  }
0x31f: {  	v3 =	vld [tilespmem:s19+$0x90]  }
0x320: {  	v0 =	vadd.f32 v1, v0  }
0x321: {  	v1 =	vld [tilespmem:s19+$0x110]  }
0x322: {  	v0 =	vadd.f32 v2, v0  }
0x323: {  	v2 =	vld [tilespmem:s19+$0x190]  }
0x324: {  	v0 =	vadd.f32 v3, v0  }
0x325: {  	v3 =	vld [tilespmem:s19+$0x210]  }
0x326: {  	v0 =	vadd.f32 v1, v0;
	_ =	sdelay $0x1  }
0x327: {  	v0 =	vadd.f32 v2, v0;
	_ =	sdelay $0x1  }
0x328: {  	v0 =	vadd.f32 v3, v0;
	_ =	sdelay $0x1  }
0x329: {  	[tilespmem:s4+$0x16410] =	vst v0  }
0x32a: {  	v0 =	vld [tilespmem:s19+$0xFFFFFDA0]  }
0x32b: {  	v1 =	vld [tilespmem:s19+$0xFFFFFE20];
	_ =	sdelay $0x1  }
0x32c: {  	v2 =	vld [tilespmem:s19+$0xFFFFFEA0];
	_ =	sdelay $0x1  }
0x32d: {  	v3 =	vld [tilespmem:s19+$0xFFFFFF20]  }
0x32e: {  	v0 =	vadd.f32 v1, v0  }
0x32f: {  	v1 =	vld [tilespmem:s19+$0xFFFFFFA0]  }
0x330: {  	v0 =	vadd.f32 v2, v0  }
0x331: {  	v2 =	vld [tilespmem:s19+$0x20]  }
0x332: {  	v0 =	vadd.f32 v3, v0  }
0x333: {  	v3 =	vld [tilespmem:s19+$0xA0]  }
0x334: {  	v0 =	vadd.f32 v1, v0  }
0x335: {  	v1 =	vld [tilespmem:s19+$0x120]  }
0x336: {  	v0 =	vadd.f32 v2, v0  }
0x337: {  	v2 =	vld [tilespmem:s19+$0x1A0]  }
0x338: {  	v0 =	vadd.f32 v3, v0  }
0x339: {  	v3 =	vld [tilespmem:s19+$0x220]  }
0x33a: {  	v0 =	vadd.f32 v1, v0;
	_ =	sdelay $0x1  }
0x33b: {  	v0 =	vadd.f32 v2, v0;
	_ =	sdelay $0x1  }
0x33c: {  	v0 =	vadd.f32 v3, v0;
	_ =	sdelay $0x1  }
0x33d: {  	[tilespmem:s4+$0x16420] =	vst v0  }
0x33e: {  	v0 =	vld [tilespmem:s19+$0xFFFFFDB0]  }
0x33f: {  	v1 =	vld [tilespmem:s19+$0xFFFFFE30];
	_ =	sdelay $0x1  }
0x340: {  	v2 =	vld [tilespmem:s19+$0xFFFFFEB0];
	_ =	sdelay $0x1  }
0x341: {  	v3 =	vld [tilespmem:s19+$0xFFFFFF30]  }
0x342: {  	v0 =	vadd.f32 v1, v0  }
0x343: {  	v1 =	vld [tilespmem:s19+$0xFFFFFFB0]  }
0x344: {  	v0 =	vadd.f32 v2, v0  }
0x345: {  	v2 =	vld [tilespmem:s19+$0x30]  }
0x346: {  	v0 =	vadd.f32 v3, v0  }
0x347: {  	v3 =	vld [tilespmem:s19+$0xB0]  }
0x348: {  	v0 =	vadd.f32 v1, v0  }
0x349: {  	v1 =	vld [tilespmem:s19+$0x130]  }
0x34a: {  	v0 =	vadd.f32 v2, v0  }
0x34b: {  	v2 =	vld [tilespmem:s19+$0x1B0]  }
0x34c: {  	v0 =	vadd.f32 v3, v0  }
0x34d: {  	v3 =	vld [tilespmem:s19+$0x230]  }
0x34e: {  	v0 =	vadd.f32 v1, v0;
	_ =	sdelay $0x1  }
0x34f: {  	v0 =	vadd.f32 v2, v0;
	_ =	sdelay $0x1  }
0x350: {  	v0 =	vadd.f32 v3, v0;
	_ =	sdelay $0x1  }
0x351: {  	[tilespmem:s4+$0x16430] =	vst v0  }
0x352: {  	v0 =	vld [tilespmem:s19+$0xFFFFFDC0]  }
0x353: {  	v1 =	vld [tilespmem:s19+$0xFFFFFE40];
	_ =	sdelay $0x1  }
0x354: {  	v2 =	vld [tilespmem:s19+$0xFFFFFEC0];
	_ =	sdelay $0x1  }
0x355: {  	v3 =	vld [tilespmem:s19+$0xFFFFFF40]  }
0x356: {  	v0 =	vadd.f32 v1, v0  }
0x357: {  	v1 =	vld [tilespmem:s19+$0xFFFFFFC0]  }
0x358: {  	v0 =	vadd.f32 v2, v0  }
0x359: {  	v2 =	vld [tilespmem:s19+$0x40]  }
0x35a: {  	v0 =	vadd.f32 v3, v0  }
0x35b: {  	v3 =	vld [tilespmem:s19+$0xC0]  }
0x35c: {  	v0 =	vadd.f32 v1, v0  }
0x35d: {  	v1 =	vld [tilespmem:s19+$0x140]  }
0x35e: {  	v0 =	vadd.f32 v2, v0  }
0x35f: {  	v2 =	vld [tilespmem:s19+$0x1C0]  }
0x360: {  	v0 =	vadd.f32 v3, v0  }
0x361: {  	v3 =	vld [tilespmem:s19+$0x240]  }
0x362: {  	v0 =	vadd.f32 v1, v0;
	_ =	sdelay $0x1  }
0x363: {  	v0 =	vadd.f32 v2, v0;
	_ =	sdelay $0x1  }
0x364: {  	v0 =	vadd.f32 v3, v0;
	_ =	sdelay $0x1  }
0x365: {  	[tilespmem:s4+$0x16440] =	vst v0  }
0x366: {  	v0 =	vld [tilespmem:s19+$0xFFFFFDD0]  }
0x367: {  	v1 =	vld [tilespmem:s19+$0xFFFFFE50];
	_ =	sdelay $0x1  }
0x368: {  	v2 =	vld [tilespmem:s19+$0xFFFFFED0];
	_ =	sdelay $0x1  }
0x369: {  	v3 =	vld [tilespmem:s19+$0xFFFFFF50]  }
0x36a: {  	v0 =	vadd.f32 v1, v0  }
0x36b: {  	v1 =	vld [tilespmem:s19+$0xFFFFFFD0]  }
0x36c: {  	v0 =	vadd.f32 v2, v0  }
0x36d: {  	v2 =	vld [tilespmem:s19+$0x50]  }
0x36e: {  	v0 =	vadd.f32 v3, v0  }
0x36f: {  	v3 =	vld [tilespmem:s19+$0xD0]  }
0x370: {  	v0 =	vadd.f32 v1, v0  }
0x371: {  	v1 =	vld [tilespmem:s19+$0x150]  }
0x372: {  	v0 =	vadd.f32 v2, v0  }
0x373: {  	v2 =	vld [tilespmem:s19+$0x1D0]  }
0x374: {  	v0 =	vadd.f32 v3, v0  }
0x375: {  	v3 =	vld [tilespmem:s19+$0x250]  }
0x376: {  	v0 =	vadd.f32 v1, v0;
	_ =	sdelay $0x1  }
0x377: {  	v0 =	vadd.f32 v2, v0;
	_ =	sdelay $0x1  }
0x378: {  	v0 =	vadd.f32 v3, v0;
	_ =	sdelay $0x1  }
0x379: {  	[tilespmem:s4+$0x16450] =	vst v0  }
0x37a: {  	v0 =	vld [tilespmem:s19+$0xFFFFFDE0]  }
0x37b: {  	v1 =	vld [tilespmem:s19+$0xFFFFFE60];
	_ =	sdelay $0x1  }
0x37c: {  	v2 =	vld [tilespmem:s19+$0xFFFFFEE0];
	_ =	sdelay $0x1  }
0x37d: {  	v3 =	vld [tilespmem:s19+$0xFFFFFF60]  }
0x37e: {  	v0 =	vadd.f32 v1, v0  }
0x37f: {  	v1 =	vld [tilespmem:s19+$0xFFFFFFE0]  }
0x380: {  	v0 =	vadd.f32 v2, v0  }
0x381: {  	v2 =	vld [tilespmem:s19+$0x60]  }
0x382: {  	v0 =	vadd.f32 v3, v0  }
0x383: {  	v3 =	vld [tilespmem:s19+$0xE0]  }
0x384: {  	v0 =	vadd.f32 v1, v0  }
0x385: {  	v1 =	vld [tilespmem:s19+$0x160]  }
0x386: {  	v0 =	vadd.f32 v2, v0  }
0x387: {  	v2 =	vld [tilespmem:s19+$0x1E0]  }
0x388: {  	v0 =	vadd.f32 v3, v0  }
0x389: {  	v3 =	vld [tilespmem:s19+$0x260]  }
0x38a: {  	v0 =	vadd.f32 v1, v0;
	_ =	sdelay $0x1  }
0x38b: {  	v0 =	vadd.f32 v2, v0;
	_ =	sdelay $0x1  }
0x38c: {  	v0 =	vadd.f32 v3, v0;
	_ =	sdelay $0x1  }
0x38d: {  	[tilespmem:s4+$0x16460] =	vst v0  }
0x38e: {  	v0 =	vld [tilespmem:s19+$0xFFFFFDF0]  }
0x38f: {  	v1 =	vld [tilespmem:s19+$0xFFFFFE70];
	_ =	sdelay $0x1  }
0x390: {  	v2 =	vld [tilespmem:s19+$0xFFFFFEF0];
	_ =	sdelay $0x1  }
0x391: {  	v3 =	vld [tilespmem:s19+$0xFFFFFF70]  }
0x392: {  	v0 =	vadd.f32 v1, v0  }
0x393: {  	v1 =	vld [tilespmem:s19+$0xFFFFFFF0]  }
0x394: {  	v0 =	vadd.f32 v2, v0  }
0x395: {  	v4 =	vld [tilespmem:s19+$0x70]  }
0x396: {  	v2 =	vadd.f32 v3, v0  }
0x397: {  	v3 =	vld [tilespmem:s19+$0xF0]  }
0x398: {  	v0 =	vld [tilespmem:s19+$0x170];
	v5 =	vadd.f32 v1, v2  }
0x399: {  	v1 =	vld [tilespmem:s19+$0x1F0]  }
0x39a: {  	s5 =	simm.s32 $0x200;
	v2 =	vld [tilespmem:s19+$0x270];
	v4 =	vadd.f32 v4, v5  }
.LBB2_8:
0x39b: {  	p0 =	sne.s32 s5, $0x3E00  }
0x39c: {  	s19 =	sadd.s32 $0x500, s19;
	s1 =	smov.u32 s5;
	s5 =	sadd.s32 $0x200, s5;
	v3 =	vadd.f32 v3, v4  }
0x39d: {  	_ = 	snop  }
0x39e: {  	v0 =	vadd.f32 v0, v3;
	_ =	sdelay $0x1  }
0x39f: {  	v0 =	vadd.f32 v1, v0;
	_ =	sdelay $0x1  }
0x3a0: {  	v0 =	vadd.f32 v2, v0;
	_ =	sdelay $0x1  }
0x3a1: {  	[tilespmem:s4+$0x16470] =	vst v0  }
0x3a2: {  	v0 =	vld [tilespmem:s19+$0xFFFFFE00]  }
0x3a3: {  	v1 =	vld [tilespmem:s19+$0xFFFFFD80]  }
0x3a4: {  	v2 =	vld [tilespmem:s19+$0xFFFFFE80];
	_ =	sdelay $0x2  }
0x3a5: {  	v3 =	vld [tilespmem:s19+$0xFFFFFF00]  }
0x3a6: {  	v0 =	vadd.f32 v0, v1  }
0x3a7: {  	v1 =	vld [tilespmem:s19+$0xFFFFFF80]  }
0x3a8: {  	v0 =	vadd.f32 v2, v0  }
0x3a9: {  	v2 =	vld [tilespmem:s19+$0x0]  }
0x3aa: {  	v0 =	vadd.f32 v3, v0  }
0x3ab: {  	v3 =	vld [tilespmem:s19+$0x80]  }
0x3ac: {  	v0 =	vadd.f32 v1, v0  }
0x3ad: {  	v1 =	vld [tilespmem:s19+$0x100]  }
0x3ae: {  	v0 =	vadd.f32 v2, v0  }
0x3af: {  	v2 =	vld [tilespmem:s19+$0x180]  }
0x3b0: {  	v0 =	vadd.f32 v3, v0  }
0x3b1: {  	v3 =	vld [tilespmem:s19+$0x200]  }
0x3b2: {  	v0 =	vadd.f32 v1, v0;
	_ =	sdelay $0x1  }
0x3b3: {  	v0 =	vadd.f32 v2, v0;
	_ =	sdelay $0x1  }
0x3b4: {  	v0 =	vadd.f32 v3, v0  }
0x3b5: {  	s4 =	sshra.s32 s1, $0x2  }
0x3b6: {  	[tilespmem:s4+$0x16400] =	vst v0  }
0x3b7: {  	v0 =	vld [tilespmem:s19+$0xFFFFFD90]  }
0x3b8: {  	v1 =	vld [tilespmem:s19+$0xFFFFFE10];
	_ =	sdelay $0x1  }
0x3b9: {  	v2 =	vld [tilespmem:s19+$0xFFFFFE90];
	_ =	sdelay $0x1  }
0x3ba: {  	v3 =	vld [tilespmem:s19+$0xFFFFFF10]  }
0x3bb: {  	v0 =	vadd.f32 v1, v0  }
0x3bc: {  	v1 =	vld [tilespmem:s19+$0xFFFFFF90]  }
0x3bd: {  	v0 =	vadd.f32 v2, v0  }
0x3be: {  	v2 =	vld [tilespmem:s19+$0x10]  }
0x3bf: {  	v0 =	vadd.f32 v3, v0  }
0x3c0: {  	v3 =	vld [tilespmem:s19+$0x90]  }
0x3c1: {  	v0 =	vadd.f32 v1, v0  }
0x3c2: {  	v1 =	vld [tilespmem:s19+$0x110]  }
0x3c3: {  	v0 =	vadd.f32 v2, v0  }
0x3c4: {  	v2 =	vld [tilespmem:s19+$0x190]  }
0x3c5: {  	v0 =	vadd.f32 v3, v0  }
0x3c6: {  	v3 =	vld [tilespmem:s19+$0x210]  }
0x3c7: {  	v0 =	vadd.f32 v1, v0;
	_ =	sdelay $0x1  }
0x3c8: {  	v0 =	vadd.f32 v2, v0;
	_ =	sdelay $0x1  }
0x3c9: {  	v0 =	vadd.f32 v3, v0;
	_ =	sdelay $0x1  }
0x3ca: {  	[tilespmem:s4+$0x16410] =	vst v0  }
0x3cb: {  	v0 =	vld [tilespmem:s19+$0xFFFFFDA0]  }
0x3cc: {  	v1 =	vld [tilespmem:s19+$0xFFFFFE20];
	_ =	sdelay $0x1  }
0x3cd: {  	v2 =	vld [tilespmem:s19+$0xFFFFFEA0];
	_ =	sdelay $0x1  }
0x3ce: {  	v3 =	vld [tilespmem:s19+$0xFFFFFF20]  }
0x3cf: {  	v0 =	vadd.f32 v1, v0  }
0x3d0: {  	v1 =	vld [tilespmem:s19+$0xFFFFFFA0]  }
0x3d1: {  	v0 =	vadd.f32 v2, v0  }
0x3d2: {  	v2 =	vld [tilespmem:s19+$0x20]  }
0x3d3: {  	v0 =	vadd.f32 v3, v0  }
0x3d4: {  	v3 =	vld [tilespmem:s19+$0xA0]  }
0x3d5: {  	v0 =	vadd.f32 v1, v0  }
0x3d6: {  	v1 =	vld [tilespmem:s19+$0x120]  }
0x3d7: {  	v0 =	vadd.f32 v2, v0  }
0x3d8: {  	v2 =	vld [tilespmem:s19+$0x1A0]  }
0x3d9: {  	v0 =	vadd.f32 v3, v0  }
0x3da: {  	v3 =	vld [tilespmem:s19+$0x220]  }
0x3db: {  	v0 =	vadd.f32 v1, v0;
	_ =	sdelay $0x1  }
0x3dc: {  	v0 =	vadd.f32 v2, v0;
	_ =	sdelay $0x1  }
0x3dd: {  	v0 =	vadd.f32 v3, v0;
	_ =	sdelay $0x1  }
0x3de: {  	[tilespmem:s4+$0x16420] =	vst v0  }
0x3df: {  	v0 =	vld [tilespmem:s19+$0xFFFFFDB0]  }
0x3e0: {  	v1 =	vld [tilespmem:s19+$0xFFFFFE30];
	_ =	sdelay $0x1  }
0x3e1: {  	v2 =	vld [tilespmem:s19+$0xFFFFFEB0];
	_ =	sdelay $0x1  }
0x3e2: {  	v3 =	vld [tilespmem:s19+$0xFFFFFF30]  }
0x3e3: {  	v0 =	vadd.f32 v1, v0  }
0x3e4: {  	v1 =	vld [tilespmem:s19+$0xFFFFFFB0]  }
0x3e5: {  	v0 =	vadd.f32 v2, v0  }
0x3e6: {  	v2 =	vld [tilespmem:s19+$0x30]  }
0x3e7: {  	v0 =	vadd.f32 v3, v0  }
0x3e8: {  	v3 =	vld [tilespmem:s19+$0xB0]  }
0x3e9: {  	v0 =	vadd.f32 v1, v0  }
0x3ea: {  	v1 =	vld [tilespmem:s19+$0x130]  }
0x3eb: {  	v0 =	vadd.f32 v2, v0  }
0x3ec: {  	v2 =	vld [tilespmem:s19+$0x1B0]  }
0x3ed: {  	v0 =	vadd.f32 v3, v0  }
0x3ee: {  	v3 =	vld [tilespmem:s19+$0x230]  }
0x3ef: {  	v0 =	vadd.f32 v1, v0;
	_ =	sdelay $0x1  }
0x3f0: {  	v0 =	vadd.f32 v2, v0;
	_ =	sdelay $0x1  }
0x3f1: {  	v0 =	vadd.f32 v3, v0;
	_ =	sdelay $0x1  }
0x3f2: {  	[tilespmem:s4+$0x16430] =	vst v0  }
0x3f3: {  	v0 =	vld [tilespmem:s19+$0xFFFFFDC0]  }
0x3f4: {  	v1 =	vld [tilespmem:s19+$0xFFFFFE40];
	_ =	sdelay $0x1  }
0x3f5: {  	v2 =	vld [tilespmem:s19+$0xFFFFFEC0];
	_ =	sdelay $0x1  }
0x3f6: {  	v3 =	vld [tilespmem:s19+$0xFFFFFF40]  }
0x3f7: {  	v0 =	vadd.f32 v1, v0  }
0x3f8: {  	v1 =	vld [tilespmem:s19+$0xFFFFFFC0]  }
0x3f9: {  	v0 =	vadd.f32 v2, v0  }
0x3fa: {  	v2 =	vld [tilespmem:s19+$0x40]  }
0x3fb: {  	v0 =	vadd.f32 v3, v0  }
0x3fc: {  	v3 =	vld [tilespmem:s19+$0xC0]  }
0x3fd: {  	v0 =	vadd.f32 v1, v0  }
0x3fe: {  	v1 =	vld [tilespmem:s19+$0x140]  }
0x3ff: {  	v0 =	vadd.f32 v2, v0  }
0x400: {  	v2 =	vld [tilespmem:s19+$0x1C0]  }
0x401: {  	v0 =	vadd.f32 v3, v0  }
0x402: {  	v3 =	vld [tilespmem:s19+$0x240]  }
0x403: {  	v0 =	vadd.f32 v1, v0;
	_ =	sdelay $0x1  }
0x404: {  	v0 =	vadd.f32 v2, v0;
	_ =	sdelay $0x1  }
0x405: {  	v0 =	vadd.f32 v3, v0;
	_ =	sdelay $0x1  }
0x406: {  	[tilespmem:s4+$0x16440] =	vst v0  }
0x407: {  	v0 =	vld [tilespmem:s19+$0xFFFFFDD0]  }
0x408: {  	v1 =	vld [tilespmem:s19+$0xFFFFFE50]  }
0x409: {  	v2 =	vld [tilespmem:s19+$0xFFFFFED0]  }
0x40a: {  	v3 =	vld [tilespmem:s19+$0xFFFFFF50]  }
0x40b: {  	v4 =	vld [tilespmem:s19+$0xFFFFFFD0]  }
0x40c: {  	v5 =	vld [tilespmem:s19+$0x50]  }
0x40d: {  	v0 =	vadd.f32 v1, v0;
	v1 =	vld [tilespmem:s19+$0xD0]  }
0x40e: {  	v6 =	vld [tilespmem:s19+$0x150]  }
0x40f: {  	v0 =	vadd.f32 v2, v0;
	v2 =	vld [tilespmem:s19+$0x1D0]  }
0x410: {  	v7 =	vld [tilespmem:s19+$0x250]  }
0x411: {  	v0 =	vadd.f32 v3, v0;
	_ =	sdelay $0x1  }
0x412: {  	v0 =	vadd.f32 v4, v0;
	_ =	sdelay $0x1  }
0x413: {  	v0 =	vadd.f32 v5, v0;
	_ =	sdelay $0x1  }
0x414: {  	v0 =	vadd.f32 v1, v0;
	_ =	sdelay $0x1  }
0x415: {  	v0 =	vadd.f32 v6, v0;
	_ =	sdelay $0x1  }
0x416: {  	v0 =	vadd.f32 v2, v0;
	_ =	sdelay $0x1  }
0x417: {  	v0 =	vadd.f32 v7, v0;
	_ =	sdelay $0x1  }
0x418: {  	[tilespmem:s4+$0x16450] =	vst v0  }
0x419: {  	v0 =	vld [tilespmem:s19+$0xFFFFFDE0]  }
0x41a: {  	v1 =	vld [tilespmem:s19+$0xFFFFFE60]  }
0x41b: {  	v2 =	vld [tilespmem:s19+$0xFFFFFEE0]  }
0x41c: {  	v3 =	vld [tilespmem:s19+$0xFFFFFF60]  }
0x41d: {  	v4 =	vld [tilespmem:s19+$0xFFFFFFE0]  }
0x41e: {  	v5 =	vld [tilespmem:s19+$0x60]  }
0x41f: {  	v0 =	vadd.f32 v1, v0;
	v1 =	vld [tilespmem:s19+$0xE0]  }
0x420: {  	v6 =	vld [tilespmem:s19+$0x160]  }
0x421: {  	v0 =	vadd.f32 v2, v0;
	v2 =	vld [tilespmem:s19+$0x1E0]  }
0x422: {  	v7 =	vld [tilespmem:s19+$0x260]  }
0x423: {  	v0 =	vadd.f32 v3, v0;
	_ =	sdelay $0x1  }
0x424: {  	v0 =	vadd.f32 v4, v0;
	_ =	sdelay $0x1  }
0x425: {  	v0 =	vadd.f32 v5, v0;
	_ =	sdelay $0x1  }
0x426: {  	v0 =	vadd.f32 v1, v0;
	_ =	sdelay $0x1  }
0x427: {  	v0 =	vadd.f32 v6, v0;
	_ =	sdelay $0x1  }
0x428: {  	v0 =	vadd.f32 v2, v0;
	_ =	sdelay $0x1  }
0x429: {  	v0 =	vadd.f32 v7, v0;
	_ =	sdelay $0x1  }
0x42a: {  	[tilespmem:s4+$0x16460] =	vst v0  }
0x42b: {  	v0 =	vld [tilespmem:s19+$0xFFFFFDF0]  }
0x42c: {  	v1 =	vld [tilespmem:s19+$0xFFFFFE70]  }
0x42d: {  	v2 =	vld [tilespmem:s19+$0xFFFFFEF0]  }
0x42e: {  	v4 =	vld [tilespmem:s19+$0xFFFFFF70]  }
0x42f: {  	v5 =	vld [tilespmem:s19+$0xFFFFFFF0]  }
0x430: {  	v6 =	vld [tilespmem:s19+$0x70]  }
0x431: {  	v1 =	vadd.f32 v1, v0;
	v3 =	vld [tilespmem:s19+$0xF0]  }
0x432: {  	v0 =	vld [tilespmem:s19+$0x170]  }
0x433: {  	v7 =	vadd.f32 v2, v1;
	v1 =	vld [tilespmem:s19+$0x1F0]  }
0x434: {  	v2 =	vld [tilespmem:s19+$0x270]  }
.Ltmp3:
0x435: {  	v4 =	vadd.f32 v4, v7;
	(pc) =	sbr.rel @p0 .LBB2_8-.Ltmp3, $3  }
0x436: {  	_ = 	snop  }
0x437: {  	v4 =	vadd.f32 v5, v4;
	_ =	sdelay $0x1  }
0x438: {  	v4 =	vadd.f32 v6, v4  }
0x439: {  	_ = 	snop  }
0x43a: {  	v3 =	vadd.f32 v3, v4;
	_ =	sdelay $0x1  }
0x43b: {  	v0 =	vadd.f32 v0, v3;
	_ =	sdelay $0x1  }
0x43c: {  	v0 =	vadd.f32 v1, v0;
	_ =	sdelay $0x1  }
0x43d: {  	v0 =	vadd.f32 v2, v0;
	_ =	sdelay $0x1  }
0x43e: {  	s1 =	simm.s32 $0x0;
	s2 =	rddreg [dreg:$0xb];
	[tilespmem:s4+$0x16470] =	vst v0  }
0x43f: {  	[hbm4b:s2+s1] =	stream.linear.scatter [tilespmem:s13], [sflag:$0x7], $0x1000, $0x38;
	[tilespmem:$0x17400] =	vst v63  }
0x440: {  	_ =	swait.ge [sflag:s12], $0x1000  }
0x441: {  	[sflag:s12] =	ssyncset.done $0x0  }
0x442: {  	[sflag:s12] =	ssyncadd.s32 $0xFFFFF000  }
0x443: {  	_ =	swait.ge [sflag:s17], $0x1000  }
0x444: {  	[sflag:s17] =	ssyncset.done $0x0  }
0x445: {  	[sflag:s17] =	ssyncadd.s32 $0xFFFFF000  }
0x446: {  	_ =	swait.ge [sflag:s18], $0xA000  }
0x447: {  	[sflag:s18] =	ssyncset.done $0x0  }
0x448: {  	s20 =	rddreg [dreg:$0xc];
	[sflag:s18] =	ssyncadd.s32 $0xFFFF6000  }
0x449: {  	[hbm4b:s20+s1] =	stream.linear.scatter [tilespmem:s0], [sflag:$0x7], $0x1000, $0x38;
	[tilespmem:$0x17400] =	vst v63  }
0x44a: {  	_ =	swait.ge [sflag:s12], $0x1000  }
0x44b: {  	[sflag:s12] =	ssyncset.done $0x0  }
0x44c: {  	s19 =	simm.s32 $0xC680;
	[sflag:s12] =	ssyncadd.s32 $0xFFFFF000  }
0x44d: {  	v0 =	vld [tilespmem:s19+$0xFFFFFE00]  }
0x44e: {  	v1 =	vld [tilespmem:s19+$0xFFFFFD80];
	_ =	sdelay $0x1  }
0x44f: {  	v2 =	vld [tilespmem:s19+$0xFFFFFE80];
	_ =	sdelay $0x1  }
0x450: {  	v3 =	vld [tilespmem:s19+$0xFFFFFF00]  }
0x451: {  	v0 =	vadd.f32 v0, v1  }
0x452: {  	v1 =	vld [tilespmem:s19+$0xFFFFFF80]  }
0x453: {  	v0 =	vadd.f32 v2, v0  }
0x454: {  	v2 =	vld [tilespmem:s19+$0x0]  }
0x455: {  	v0 =	vadd.f32 v3, v0  }
0x456: {  	v3 =	vld [tilespmem:s19+$0x80]  }
0x457: {  	v0 =	vadd.f32 v1, v0  }
0x458: {  	v1 =	vld [tilespmem:s19+$0x100]  }
0x459: {  	v0 =	vadd.f32 v2, v0  }
0x45a: {  	v2 =	vld [tilespmem:s19+$0x180]  }
0x45b: {  	v0 =	vadd.f32 v3, v0  }
0x45c: {  	v3 =	vld [tilespmem:s19+$0x200]  }
0x45d: {  	v0 =	vadd.f32 v1, v0;
	_ =	sdelay $0x1  }
0x45e: {  	v0 =	vadd.f32 v2, v0;
	_ =	sdelay $0x1  }
0x45f: {  	v0 =	vadd.f32 v3, v0  }
0x460: {  	s4 =	simm.s32 $0x0  }
0x461: {  	[tilespmem:s4+$0x16400] =	vst v0  }
0x462: {  	v0 =	vld [tilespmem:s19+$0xFFFFFD90]  }
0x463: {  	v1 =	vld [tilespmem:s19+$0xFFFFFE10];
	_ =	sdelay $0x1  }
0x464: {  	v2 =	vld [tilespmem:s19+$0xFFFFFE90];
	_ =	sdelay $0x1  }
0x465: {  	v3 =	vld [tilespmem:s19+$0xFFFFFF10]  }
0x466: {  	v0 =	vadd.f32 v1, v0  }
0x467: {  	v1 =	vld [tilespmem:s19+$0xFFFFFF90]  }
0x468: {  	v0 =	vadd.f32 v2, v0  }
0x469: {  	v2 =	vld [tilespmem:s19+$0x10]  }
0x46a: {  	v0 =	vadd.f32 v3, v0  }
0x46b: {  	v3 =	vld [tilespmem:s19+$0x90]  }
0x46c: {  	v0 =	vadd.f32 v1, v0  }
0x46d: {  	v1 =	vld [tilespmem:s19+$0x110]  }
0x46e: {  	v0 =	vadd.f32 v2, v0  }
0x46f: {  	v2 =	vld [tilespmem:s19+$0x190]  }
0x470: {  	v0 =	vadd.f32 v3, v0  }
0x471: {  	v3 =	vld [tilespmem:s19+$0x210]  }
0x472: {  	v0 =	vadd.f32 v1, v0;
	_ =	sdelay $0x1  }
0x473: {  	v0 =	vadd.f32 v2, v0;
	_ =	sdelay $0x1  }
0x474: {  	v0 =	vadd.f32 v3, v0;
	_ =	sdelay $0x1  }
0x475: {  	[tilespmem:s4+$0x16410] =	vst v0  }
0x476: {  	v0 =	vld [tilespmem:s19+$0xFFFFFDA0]  }
0x477: {  	v1 =	vld [tilespmem:s19+$0xFFFFFE20];
	_ =	sdelay $0x1  }
0x478: {  	v2 =	vld [tilespmem:s19+$0xFFFFFEA0];
	_ =	sdelay $0x1  }
0x479: {  	v3 =	vld [tilespmem:s19+$0xFFFFFF20]  }
0x47a: {  	v0 =	vadd.f32 v1, v0  }
0x47b: {  	v1 =	vld [tilespmem:s19+$0xFFFFFFA0]  }
0x47c: {  	v0 =	vadd.f32 v2, v0  }
0x47d: {  	v2 =	vld [tilespmem:s19+$0x20]  }
0x47e: {  	v0 =	vadd.f32 v3, v0  }
0x47f: {  	v3 =	vld [tilespmem:s19+$0xA0]  }
0x480: {  	v0 =	vadd.f32 v1, v0  }
0x481: {  	v1 =	vld [tilespmem:s19+$0x120]  }
0x482: {  	v0 =	vadd.f32 v2, v0  }
0x483: {  	v2 =	vld [tilespmem:s19+$0x1A0]  }
0x484: {  	v0 =	vadd.f32 v3, v0  }
0x485: {  	v3 =	vld [tilespmem:s19+$0x220]  }
0x486: {  	v0 =	vadd.f32 v1, v0;
	_ =	sdelay $0x1  }
0x487: {  	v0 =	vadd.f32 v2, v0;
	_ =	sdelay $0x1  }
0x488: {  	v0 =	vadd.f32 v3, v0;
	_ =	sdelay $0x1  }
0x489: {  	[tilespmem:s4+$0x16420] =	vst v0  }
0x48a: {  	v0 =	vld [tilespmem:s19+$0xFFFFFDB0]  }
0x48b: {  	v1 =	vld [tilespmem:s19+$0xFFFFFE30];
	_ =	sdelay $0x1  }
0x48c: {  	v2 =	vld [tilespmem:s19+$0xFFFFFEB0];
	_ =	sdelay $0x1  }
0x48d: {  	v3 =	vld [tilespmem:s19+$0xFFFFFF30]  }
0x48e: {  	v0 =	vadd.f32 v1, v0  }
0x48f: {  	v1 =	vld [tilespmem:s19+$0xFFFFFFB0]  }
0x490: {  	v0 =	vadd.f32 v2, v0  }
0x491: {  	v2 =	vld [tilespmem:s19+$0x30]  }
0x492: {  	v0 =	vadd.f32 v3, v0  }
0x493: {  	v3 =	vld [tilespmem:s19+$0xB0]  }
0x494: {  	v0 =	vadd.f32 v1, v0  }
0x495: {  	v1 =	vld [tilespmem:s19+$0x130]  }
0x496: {  	v0 =	vadd.f32 v2, v0  }
0x497: {  	v2 =	vld [tilespmem:s19+$0x1B0]  }
0x498: {  	v0 =	vadd.f32 v3, v0  }
0x499: {  	v3 =	vld [tilespmem:s19+$0x230]  }
0x49a: {  	v0 =	vadd.f32 v1, v0;
	_ =	sdelay $0x1  }
0x49b: {  	v0 =	vadd.f32 v2, v0;
	_ =	sdelay $0x1  }
0x49c: {  	v0 =	vadd.f32 v3, v0;
	_ =	sdelay $0x1  }
0x49d: {  	[tilespmem:s4+$0x16430] =	vst v0  }
0x49e: {  	v0 =	vld [tilespmem:s19+$0xFFFFFDC0]  }
0x49f: {  	v1 =	vld [tilespmem:s19+$0xFFFFFE40];
	_ =	sdelay $0x1  }
0x4a0: {  	v2 =	vld [tilespmem:s19+$0xFFFFFEC0];
	_ =	sdelay $0x1  }
0x4a1: {  	v3 =	vld [tilespmem:s19+$0xFFFFFF40]  }
0x4a2: {  	v0 =	vadd.f32 v1, v0  }
0x4a3: {  	v1 =	vld [tilespmem:s19+$0xFFFFFFC0]  }
0x4a4: {  	v0 =	vadd.f32 v2, v0  }
0x4a5: {  	v2 =	vld [tilespmem:s19+$0x40]  }
0x4a6: {  	v0 =	vadd.f32 v3, v0  }
0x4a7: {  	v3 =	vld [tilespmem:s19+$0xC0]  }
0x4a8: {  	v0 =	vadd.f32 v1, v0  }
0x4a9: {  	v1 =	vld [tilespmem:s19+$0x140]  }
0x4aa: {  	v0 =	vadd.f32 v2, v0  }
0x4ab: {  	v2 =	vld [tilespmem:s19+$0x1C0]  }
0x4ac: {  	v0 =	vadd.f32 v3, v0  }
0x4ad: {  	v3 =	vld [tilespmem:s19+$0x240]  }
0x4ae: {  	v0 =	vadd.f32 v1, v0;
	_ =	sdelay $0x1  }
0x4af: {  	v0 =	vadd.f32 v2, v0;
	_ =	sdelay $0x1  }
0x4b0: {  	v0 =	vadd.f32 v3, v0;
	_ =	sdelay $0x1  }
0x4b1: {  	[tilespmem:s4+$0x16440] =	vst v0  }
0x4b2: {  	v0 =	vld [tilespmem:s19+$0xFFFFFDD0]  }
0x4b3: {  	v1 =	vld [tilespmem:s19+$0xFFFFFE50];
	_ =	sdelay $0x1  }
0x4b4: {  	v2 =	vld [tilespmem:s19+$0xFFFFFED0];
	_ =	sdelay $0x1  }
0x4b5: {  	v3 =	vld [tilespmem:s19+$0xFFFFFF50]  }
0x4b6: {  	v0 =	vadd.f32 v1, v0  }
0x4b7: {  	v1 =	vld [tilespmem:s19+$0xFFFFFFD0]  }
0x4b8: {  	v0 =	vadd.f32 v2, v0  }
0x4b9: {  	v2 =	vld [tilespmem:s19+$0x50]  }
0x4ba: {  	v0 =	vadd.f32 v3, v0  }
0x4bb: {  	v3 =	vld [tilespmem:s19+$0xD0]  }
0x4bc: {  	v0 =	vadd.f32 v1, v0  }
0x4bd: {  	v1 =	vld [tilespmem:s19+$0x150]  }
0x4be: {  	v0 =	vadd.f32 v2, v0  }
0x4bf: {  	v2 =	vld [tilespmem:s19+$0x1D0]  }
0x4c0: {  	v0 =	vadd.f32 v3, v0  }
0x4c1: {  	v3 =	vld [tilespmem:s19+$0x250]  }
0x4c2: {  	v0 =	vadd.f32 v1, v0;
	_ =	sdelay $0x1  }
0x4c3: {  	v0 =	vadd.f32 v2, v0;
	_ =	sdelay $0x1  }
0x4c4: {  	v0 =	vadd.f32 v3, v0;
	_ =	sdelay $0x1  }
0x4c5: {  	[tilespmem:s4+$0x16450] =	vst v0  }
0x4c6: {  	v0 =	vld [tilespmem:s19+$0xFFFFFDE0]  }
0x4c7: {  	v1 =	vld [tilespmem:s19+$0xFFFFFE60];
	_ =	sdelay $0x1  }
0x4c8: {  	v2 =	vld [tilespmem:s19+$0xFFFFFEE0];
	_ =	sdelay $0x1  }
0x4c9: {  	v3 =	vld [tilespmem:s19+$0xFFFFFF60]  }
0x4ca: {  	v0 =	vadd.f32 v1, v0  }
0x4cb: {  	v1 =	vld [tilespmem:s19+$0xFFFFFFE0]  }
0x4cc: {  	v0 =	vadd.f32 v2, v0  }
0x4cd: {  	v2 =	vld [tilespmem:s19+$0x60]  }
0x4ce: {  	v0 =	vadd.f32 v3, v0  }
0x4cf: {  	v3 =	vld [tilespmem:s19+$0xE0]  }
0x4d0: {  	v0 =	vadd.f32 v1, v0  }
0x4d1: {  	v1 =	vld [tilespmem:s19+$0x160]  }
0x4d2: {  	v0 =	vadd.f32 v2, v0  }
0x4d3: {  	v2 =	vld [tilespmem:s19+$0x1E0]  }
0x4d4: {  	v0 =	vadd.f32 v3, v0  }
0x4d5: {  	v3 =	vld [tilespmem:s19+$0x260]  }
0x4d6: {  	v0 =	vadd.f32 v1, v0;
	_ =	sdelay $0x1  }
0x4d7: {  	v0 =	vadd.f32 v2, v0;
	_ =	sdelay $0x1  }
0x4d8: {  	v0 =	vadd.f32 v3, v0;
	_ =	sdelay $0x1  }
0x4d9: {  	[tilespmem:s4+$0x16460] =	vst v0  }
0x4da: {  	v0 =	vld [tilespmem:s19+$0xFFFFFDF0]  }
0x4db: {  	v1 =	vld [tilespmem:s19+$0xFFFFFE70];
	_ =	sdelay $0x1  }
0x4dc: {  	v2 =	vld [tilespmem:s19+$0xFFFFFEF0];
	_ =	sdelay $0x1  }
0x4dd: {  	v3 =	vld [tilespmem:s19+$0xFFFFFF70]  }
0x4de: {  	v0 =	vadd.f32 v1, v0  }
0x4df: {  	v1 =	vld [tilespmem:s19+$0xFFFFFFF0]  }
0x4e0: {  	v0 =	vadd.f32 v2, v0  }
0x4e1: {  	v4 =	vld [tilespmem:s19+$0x70]  }
0x4e2: {  	v2 =	vadd.f32 v3, v0  }
0x4e3: {  	v3 =	vld [tilespmem:s19+$0xF0]  }
0x4e4: {  	v0 =	vld [tilespmem:s19+$0x170];
	v5 =	vadd.f32 v1, v2  }
0x4e5: {  	v1 =	vld [tilespmem:s19+$0x1F0]  }
0x4e6: {  	s5 =	simm.s32 $0x200;
	v2 =	vld [tilespmem:s19+$0x270];
	v4 =	vadd.f32 v4, v5  }
.LBB2_10:
0x4e7: {  	p0 =	sne.s32 s5, $0x3E00  }
0x4e8: {  	s19 =	sadd.s32 $0x500, s19;
	s1 =	smov.u32 s5;
	s5 =	sadd.s32 $0x200, s5;
	v3 =	vadd.f32 v3, v4  }
0x4e9: {  	_ = 	snop  }
0x4ea: {  	v0 =	vadd.f32 v0, v3;
	_ =	sdelay $0x1  }
0x4eb: {  	v0 =	vadd.f32 v1, v0;
	_ =	sdelay $0x1  }
0x4ec: {  	v0 =	vadd.f32 v2, v0;
	_ =	sdelay $0x1  }
0x4ed: {  	[tilespmem:s4+$0x16470] =	vst v0  }
0x4ee: {  	v0 =	vld [tilespmem:s19+$0xFFFFFE00]  }
0x4ef: {  	v1 =	vld [tilespmem:s19+$0xFFFFFD80]  }
0x4f0: {  	v2 =	vld [tilespmem:s19+$0xFFFFFE80];
	_ =	sdelay $0x2  }
0x4f1: {  	v3 =	vld [tilespmem:s19+$0xFFFFFF00]  }
0x4f2: {  	v0 =	vadd.f32 v0, v1  }
0x4f3: {  	v1 =	vld [tilespmem:s19+$0xFFFFFF80]  }
0x4f4: {  	v0 =	vadd.f32 v2, v0  }
0x4f5: {  	v2 =	vld [tilespmem:s19+$0x0]  }
0x4f6: {  	v0 =	vadd.f32 v3, v0  }
0x4f7: {  	v3 =	vld [tilespmem:s19+$0x80]  }
0x4f8: {  	v0 =	vadd.f32 v1, v0  }
0x4f9: {  	v1 =	vld [tilespmem:s19+$0x100]  }
0x4fa: {  	v0 =	vadd.f32 v2, v0  }
0x4fb: {  	v2 =	vld [tilespmem:s19+$0x180]  }
0x4fc: {  	v0 =	vadd.f32 v3, v0  }
0x4fd: {  	v3 =	vld [tilespmem:s19+$0x200]  }
0x4fe: {  	v0 =	vadd.f32 v1, v0;
	_ =	sdelay $0x1  }
0x4ff: {  	v0 =	vadd.f32 v2, v0;
	_ =	sdelay $0x1  }
0x500: {  	v0 =	vadd.f32 v3, v0  }
0x501: {  	s4 =	sshra.s32 s1, $0x2  }
0x502: {  	[tilespmem:s4+$0x16400] =	vst v0  }
0x503: {  	v0 =	vld [tilespmem:s19+$0xFFFFFD90]  }
0x504: {  	v1 =	vld [tilespmem:s19+$0xFFFFFE10];
	_ =	sdelay $0x1  }
0x505: {  	v2 =	vld [tilespmem:s19+$0xFFFFFE90];
	_ =	sdelay $0x1  }
0x506: {  	v3 =	vld [tilespmem:s19+$0xFFFFFF10]  }
0x507: {  	v0 =	vadd.f32 v1, v0  }
0x508: {  	v1 =	vld [tilespmem:s19+$0xFFFFFF90]  }
0x509: {  	v0 =	vadd.f32 v2, v0  }
0x50a: {  	v2 =	vld [tilespmem:s19+$0x10]  }
0x50b: {  	v0 =	vadd.f32 v3, v0  }
0x50c: {  	v3 =	vld [tilespmem:s19+$0x90]  }
0x50d: {  	v0 =	vadd.f32 v1, v0  }
0x50e: {  	v1 =	vld [tilespmem:s19+$0x110]  }
0x50f: {  	v0 =	vadd.f32 v2, v0  }
0x510: {  	v2 =	vld [tilespmem:s19+$0x190]  }
0x511: {  	v0 =	vadd.f32 v3, v0  }
0x512: {  	v3 =	vld [tilespmem:s19+$0x210]  }
0x513: {  	v0 =	vadd.f32 v1, v0;
	_ =	sdelay $0x1  }
0x514: {  	v0 =	vadd.f32 v2, v0;
	_ =	sdelay $0x1  }
0x515: {  	v0 =	vadd.f32 v3, v0;
	_ =	sdelay $0x1  }
0x516: {  	[tilespmem:s4+$0x16410] =	vst v0  }
0x517: {  	v0 =	vld [tilespmem:s19+$0xFFFFFDA0]  }
0x518: {  	v1 =	vld [tilespmem:s19+$0xFFFFFE20];
	_ =	sdelay $0x1  }
0x519: {  	v2 =	vld [tilespmem:s19+$0xFFFFFEA0];
	_ =	sdelay $0x1  }
0x51a: {  	v3 =	vld [tilespmem:s19+$0xFFFFFF20]  }
0x51b: {  	v0 =	vadd.f32 v1, v0  }
0x51c: {  	v1 =	vld [tilespmem:s19+$0xFFFFFFA0]  }
0x51d: {  	v0 =	vadd.f32 v2, v0  }
0x51e: {  	v2 =	vld [tilespmem:s19+$0x20]  }
0x51f: {  	v0 =	vadd.f32 v3, v0  }
0x520: {  	v3 =	vld [tilespmem:s19+$0xA0]  }
0x521: {  	v0 =	vadd.f32 v1, v0  }
0x522: {  	v1 =	vld [tilespmem:s19+$0x120]  }
0x523: {  	v0 =	vadd.f32 v2, v0  }
0x524: {  	v2 =	vld [tilespmem:s19+$0x1A0]  }
0x525: {  	v0 =	vadd.f32 v3, v0  }
0x526: {  	v3 =	vld [tilespmem:s19+$0x220]  }
0x527: {  	v0 =	vadd.f32 v1, v0;
	_ =	sdelay $0x1  }
0x528: {  	v0 =	vadd.f32 v2, v0;
	_ =	sdelay $0x1  }
0x529: {  	v0 =	vadd.f32 v3, v0;
	_ =	sdelay $0x1  }
0x52a: {  	[tilespmem:s4+$0x16420] =	vst v0  }
0x52b: {  	v0 =	vld [tilespmem:s19+$0xFFFFFDB0]  }
0x52c: {  	v1 =	vld [tilespmem:s19+$0xFFFFFE30];
	_ =	sdelay $0x1  }
0x52d: {  	v2 =	vld [tilespmem:s19+$0xFFFFFEB0];
	_ =	sdelay $0x1  }
0x52e: {  	v3 =	vld [tilespmem:s19+$0xFFFFFF30]  }
0x52f: {  	v0 =	vadd.f32 v1, v0  }
0x530: {  	v1 =	vld [tilespmem:s19+$0xFFFFFFB0]  }
0x531: {  	v0 =	vadd.f32 v2, v0  }
0x532: {  	v2 =	vld [tilespmem:s19+$0x30]  }
0x533: {  	v0 =	vadd.f32 v3, v0  }
0x534: {  	v3 =	vld [tilespmem:s19+$0xB0]  }
0x535: {  	v0 =	vadd.f32 v1, v0  }
0x536: {  	v1 =	vld [tilespmem:s19+$0x130]  }
0x537: {  	v0 =	vadd.f32 v2, v0  }
0x538: {  	v2 =	vld [tilespmem:s19+$0x1B0]  }
0x539: {  	v0 =	vadd.f32 v3, v0  }
0x53a: {  	v3 =	vld [tilespmem:s19+$0x230]  }
0x53b: {  	v0 =	vadd.f32 v1, v0;
	_ =	sdelay $0x1  }
0x53c: {  	v0 =	vadd.f32 v2, v0;
	_ =	sdelay $0x1  }
0x53d: {  	v0 =	vadd.f32 v3, v0;
	_ =	sdelay $0x1  }
0x53e: {  	[tilespmem:s4+$0x16430] =	vst v0  }
0x53f: {  	v0 =	vld [tilespmem:s19+$0xFFFFFDC0]  }
0x540: {  	v1 =	vld [tilespmem:s19+$0xFFFFFE40];
	_ =	sdelay $0x1  }
0x541: {  	v2 =	vld [tilespmem:s19+$0xFFFFFEC0];
	_ =	sdelay $0x1  }
0x542: {  	v3 =	vld [tilespmem:s19+$0xFFFFFF40]  }
0x543: {  	v0 =	vadd.f32 v1, v0  }
0x544: {  	v1 =	vld [tilespmem:s19+$0xFFFFFFC0]  }
0x545: {  	v0 =	vadd.f32 v2, v0  }
0x546: {  	v2 =	vld [tilespmem:s19+$0x40]  }
0x547: {  	v0 =	vadd.f32 v3, v0  }
0x548: {  	v3 =	vld [tilespmem:s19+$0xC0]  }
0x549: {  	v0 =	vadd.f32 v1, v0  }
0x54a: {  	v1 =	vld [tilespmem:s19+$0x140]  }
0x54b: {  	v0 =	vadd.f32 v2, v0  }
0x54c: {  	v2 =	vld [tilespmem:s19+$0x1C0]  }
0x54d: {  	v0 =	vadd.f32 v3, v0  }
0x54e: {  	v3 =	vld [tilespmem:s19+$0x240]  }
0x54f: {  	v0 =	vadd.f32 v1, v0;
	_ =	sdelay $0x1  }
0x550: {  	v0 =	vadd.f32 v2, v0;
	_ =	sdelay $0x1  }
0x551: {  	v0 =	vadd.f32 v3, v0;
	_ =	sdelay $0x1  }
0x552: {  	[tilespmem:s4+$0x16440] =	vst v0  }
0x553: {  	v0 =	vld [tilespmem:s19+$0xFFFFFDD0]  }
0x554: {  	v1 =	vld [tilespmem:s19+$0xFFFFFE50]  }
0x555: {  	v2 =	vld [tilespmem:s19+$0xFFFFFED0]  }
0x556: {  	v3 =	vld [tilespmem:s19+$0xFFFFFF50]  }
0x557: {  	v4 =	vld [tilespmem:s19+$0xFFFFFFD0]  }
0x558: {  	v5 =	vld [tilespmem:s19+$0x50]  }
0x559: {  	v0 =	vadd.f32 v1, v0;
	v1 =	vld [tilespmem:s19+$0xD0]  }
0x55a: {  	v6 =	vld [tilespmem:s19+$0x150]  }
0x55b: {  	v0 =	vadd.f32 v2, v0;
	v2 =	vld [tilespmem:s19+$0x1D0]  }
0x55c: {  	v7 =	vld [tilespmem:s19+$0x250]  }
0x55d: {  	v0 =	vadd.f32 v3, v0;
	_ =	sdelay $0x1  }
0x55e: {  	v0 =	vadd.f32 v4, v0;
	_ =	sdelay $0x1  }
0x55f: {  	v0 =	vadd.f32 v5, v0;
	_ =	sdelay $0x1  }
0x560: {  	v0 =	vadd.f32 v1, v0;
	_ =	sdelay $0x1  }
0x561: {  	v0 =	vadd.f32 v6, v0;
	_ =	sdelay $0x1  }
0x562: {  	v0 =	vadd.f32 v2, v0;
	_ =	sdelay $0x1  }
0x563: {  	v0 =	vadd.f32 v7, v0;
	_ =	sdelay $0x1  }
0x564: {  	[tilespmem:s4+$0x16450] =	vst v0  }
0x565: {  	v0 =	vld [tilespmem:s19+$0xFFFFFDE0]  }
0x566: {  	v1 =	vld [tilespmem:s19+$0xFFFFFE60]  }
0x567: {  	v2 =	vld [tilespmem:s19+$0xFFFFFEE0]  }
0x568: {  	v3 =	vld [tilespmem:s19+$0xFFFFFF60]  }
0x569: {  	v4 =	vld [tilespmem:s19+$0xFFFFFFE0]  }
0x56a: {  	v5 =	vld [tilespmem:s19+$0x60]  }
0x56b: {  	v0 =	vadd.f32 v1, v0;
	v1 =	vld [tilespmem:s19+$0xE0]  }
0x56c: {  	v6 =	vld [tilespmem:s19+$0x160]  }
0x56d: {  	v0 =	vadd.f32 v2, v0;
	v2 =	vld [tilespmem:s19+$0x1E0]  }
0x56e: {  	v7 =	vld [tilespmem:s19+$0x260]  }
0x56f: {  	v0 =	vadd.f32 v3, v0;
	_ =	sdelay $0x1  }
0x570: {  	v0 =	vadd.f32 v4, v0;
	_ =	sdelay $0x1  }
0x571: {  	v0 =	vadd.f32 v5, v0;
	_ =	sdelay $0x1  }
0x572: {  	v0 =	vadd.f32 v1, v0;
	_ =	sdelay $0x1  }
0x573: {  	v0 =	vadd.f32 v6, v0;
	_ =	sdelay $0x1  }
0x574: {  	v0 =	vadd.f32 v2, v0;
	_ =	sdelay $0x1  }
0x575: {  	v0 =	vadd.f32 v7, v0;
	_ =	sdelay $0x1  }
0x576: {  	[tilespmem:s4+$0x16460] =	vst v0  }
0x577: {  	v0 =	vld [tilespmem:s19+$0xFFFFFDF0]  }
0x578: {  	v1 =	vld [tilespmem:s19+$0xFFFFFE70]  }
0x579: {  	v2 =	vld [tilespmem:s19+$0xFFFFFEF0]  }
0x57a: {  	v4 =	vld [tilespmem:s19+$0xFFFFFF70]  }
0x57b: {  	v5 =	vld [tilespmem:s19+$0xFFFFFFF0]  }
0x57c: {  	v6 =	vld [tilespmem:s19+$0x70]  }
0x57d: {  	v1 =	vadd.f32 v1, v0;
	v3 =	vld [tilespmem:s19+$0xF0]  }
0x57e: {  	v0 =	vld [tilespmem:s19+$0x170]  }
0x57f: {  	v7 =	vadd.f32 v2, v1;
	v1 =	vld [tilespmem:s19+$0x1F0]  }
0x580: {  	v2 =	vld [tilespmem:s19+$0x270]  }
.Ltmp4:
0x581: {  	v4 =	vadd.f32 v4, v7;
	(pc) =	sbr.rel @p0 .LBB2_10-.Ltmp4, $3  }
0x582: {  	_ = 	snop  }
0x583: {  	v4 =	vadd.f32 v5, v4;
	_ =	sdelay $0x1  }
0x584: {  	v4 =	vadd.f32 v6, v4  }
0x585: {  	_ = 	snop  }
0x586: {  	v3 =	vadd.f32 v3, v4;
	_ =	sdelay $0x1  }
0x587: {  	v0 =	vadd.f32 v0, v3;
	_ =	sdelay $0x1  }
0x588: {  	v0 =	vadd.f32 v1, v0;
	_ =	sdelay $0x1  }
0x589: {  	v0 =	vadd.f32 v2, v0;
	_ =	sdelay $0x1  }
0x58a: {  	s1 =	rddreg [dreg:$0xd];
	[tilespmem:s4+$0x16470] =	vst v0  }
0x58b: {  	[hbm4b:s1+s21] =	stream.linear.scatter [tilespmem:s13], [sflag:$0x7], $0x1000, $0x38;
	[tilespmem:$0x17400] =	vst v63  }
0x58c: {  	_ =	swait.ge [sflag:s12], $0x1000  }
0x58d: {  	s2 =	rddreg [dreg:$0xf]  }
0x58e: {  	s20 =	rddreg [dreg:$0xe];
	s2 =	sadd.s32 $0x1, s2  }
0x58f: {  	p0 =	sne.s32 s2, s20  }
.Ltmp5:
0x590: {  	_ = 	snop;
	(pc) =	sbr.rel @p0 .LBB2_1-.Ltmp5, $3  }
0x591: {  	_ =	sdelay $0x1  }
0x592: {  	[sflag:s12] =	ssyncset.done $0x0  }
0x593: {  	[sflag:s12] =	ssyncadd.s32 $0xFFFFF000  }
0x594: {  	_ =	sfence.sel $0x180000  }
0x595: {  	[bflag:$0x0] =	sbarrier.arrive $0xFFFF  }
0x596: {  	_ =	strace $0x90000047  }
0x597: {  	s0 =	stileid.u32;
	[bflag:$0x2] =	sbarrier.arrive $0xFFFF  }
0x598: {  	p0 =	sne.s32 s0, $0x0;
	s0 =	rddreg [dreg:$0x4]  }
0x599: {  	s0 =	sadd.s32 @!p0 $0x100000, s0  }
0x59a: {  	[sflag:s0] =	ssyncadd.tile.s32 @!p0 $0x1;
	_ =	shalt  }
.Lfunc_end2:
_tile_overlayer_lowered:
.L_overlay_start_2:
0x59b: {  	(tag) =	ssettag $0x2  }
0x59c: {  	s0 =	rddreg [dreg:$0x0];
	s2 =	stileid.u32  }
0x59d: {  	s1 =	rddreg [dreg:$0x1];
	p0 =	sne.s32 s2, $0x0  }
0x59e: {  	s3 =	rddreg [dreg:$0x2];
	[bflag:$0x3] =	sbarrier.arrive $0xFFFF;
	s2 =	simm.s32 @!p0 $0x1C07  }
0x59f: {  	[timem:s3], [sflag:s2] =	dma.local @!p0 [hbm:s0], s1  }
0x5a0: {  	s0 =	simm.s32 @!p0 $0x7  }
0x5a1: {  	_ =	swait.ge @!p0 [sflag:s0], s1  }
0x5a2: {  	s1 =	ssub.s32 @!p0 $0x0, s1;
	[sflag:s0] =	ssyncset.done @!p0 $0x0  }
0x5a3: {  	[sflag:s0] =	ssyncadd.s32 @!p0 s1  }
0x5a4: {  	[bflag:$0x3] =	sbarrier.arrive $0xFFFF  }
0x5a5: {  	_ =	shalt  }

</sc_bundles>
